<compile_context>
chip_gen: v7x
topology: tpu7x:2x2x1
jax: 0.10.2.dev20260603
libtpu: 0.0.44.dev20260713+nightly
codegen_flags: <defaults>
</compile_context>

<pallas_src>
import functools
import jax
import jax.numpy as jnp
from jax import lax
from jax.experimental import pallas as pl
from jax.experimental.pallas import tpu as pltpu
from jax.experimental.pallas import tpu_sc as plsc

B, L, D = 4096, 200, 128
NC, NS = 2, 16
NW = NC * NS
NCH = 4
CB = B // NCH
BPW = CB // NW
C0, C1 = 104, 96
NBUF = 4
TCR = 64


def _gather_body(x_hbm, tab_hbm, out_hbm, idx_v, rows, g, o):
    wid = lax.axis_index("s") * NC + lax.axis_index("c")
    row0 = pl.multiple_of(wid * BPW, 8)

    xoff = pl.multiple_of(row0 * L, 8)
    pltpu.sync_copy(x_hbm.at[pl.ds(xoff, BPW * L)], idx_v)

    def fire_gather(i, dst, sem):
        off = pl.multiple_of(i * L, 8)
        pltpu.async_copy(tab_hbm.at[idx_v.at[pl.ds(off, C0)]],
                         dst.at[pl.ds(0, C0)], sem)
        pltpu.async_copy(tab_hbm.at[idx_v.at[pl.ds(off + C0, C1)]],
                         dst.at[pl.ds(C0, C1)], sem)

    def wait_gather(dst, sem):
        pltpu.make_async_copy(tab_hbm.at[idx_v.at[pl.ds(0, C0)]],
                              dst.at[pl.ds(0, C0)], sem).wait()
        pltpu.make_async_copy(tab_hbm.at[idx_v.at[pl.ds(0, C1)]],
                              dst.at[pl.ds(C0, C1)], sem).wait()

    def out_ref(i):
        ooff = pl.multiple_of((row0 + i) * L, 8)
        return out_hbm.at[pl.ds(ooff, L)]

    for q in range(NBUF):
        fire_gather(q, rows[q], g[q])

    def step(p, carry):
        for s in range(NBUF):
            j = p * NBUF + s
            wait_gather(rows[s], g[s])
            pltpu.async_copy(rows[s], out_ref(j), o[s])

            @pl.when(p < BPW // NBUF - 1)
            def _():
                pltpu.make_async_copy(rows[s], out_ref(0), o[s]).wait()
                fire_gather(j + NBUF, rows[s], g[s])
        return carry

    lax.fori_loop(0, BPW // NBUF, step, 0)
    for q in range(NBUF):
        pltpu.make_async_copy(rows[q], out_ref(0), o[q]).wait()


def _tr_body(in_ref, out_ref):
    for r in range(TCR):
        out_ref[r] = in_ref[pl.ds(r * L, L), :].T


def _tr_body_chained(in_ref, prev_ref, out_ref):
    del prev_ref
    for r in range(TCR):
        out_ref[r] = in_ref[pl.ds(r * L, L), :].T


def kernel(x, table):
    xf = x.astype(jnp.int32).reshape(B * L)
    mesh = plsc.VectorSubcoreMesh(core_axis_name="c", subcore_axis_name="s")
    sc_gather = pl.kernel(
        _gather_body,
        mesh=mesh,
        out_type=jax.ShapeDtypeStruct((CB * L, D), jnp.float32),
        compiler_params=pltpu.CompilerParams(needs_layout_passes=False),
        scratch_types=[
            pltpu.VMEM((BPW * L,), jnp.int32),
            [pltpu.VMEM((L, D), jnp.float32) for _ in range(NBUF)],
            [pltpu.SemaphoreType.DMA for _ in range(NBUF)],
            [pltpu.SemaphoreType.DMA for _ in range(NBUF)],
        ],
    )
    embs = [sc_gather(xf[c * CB * L:(c + 1) * CB * L], table)
            for c in range(NCH)]

    out_shape = jax.ShapeDtypeStruct((B, D, L), jnp.float32)
    emb_spec = pl.BlockSpec((TCR * L, D), lambda b: (b, 0))

    def out_spec(c):
        return pl.BlockSpec((TCR, D, L),
                            lambda b, c=c: (c * (CB // TCR) + b, 0, 0))

    out = pl.pallas_call(
        _tr_body,
        grid=(CB // TCR,),
        in_specs=[emb_spec],
        out_specs=out_spec(0),
        out_shape=out_shape,
    )(embs[0])
    for c in range(1, NCH):
        out = pl.pallas_call(
            _tr_body_chained,
            grid=(CB // TCR,),
            in_specs=[emb_spec, pl.BlockSpec(memory_space=pl.ANY)],
            out_specs=out_spec(c),
            out_shape=out_shape,
            input_output_aliases={1: 0},
        )(embs[c], out)
    return out

# --- scband reference (transcript-rebuilt; emitter-appended) ---
"""Pipeline reference for scband-look-up-table-39058432589826 (READ-ONLY COPY).

The authoritative reference and input builder live on the scoring server;
editing this copy changes nothing except your own understanding.
"""

import jax, jax.numpy as jnp
import numpy as np

NUM_EMBEDDING = 100000
EMBEDDING_DIM = 128
BATCH = 4096
HIST_LEN = 200


def setup_inputs(seed: int = 0) -> dict:
    key = jax.random.key(seed)
    k_idx, k_tab = jax.random.split(key)
    x = jax.random.randint(k_idx, (BATCH, HIST_LEN), 0, NUM_EMBEDDING, dtype=jnp.int64 if jax.config.jax_enable_x64 else jnp.int32)
    table = jax.random.normal(k_tab, (NUM_EMBEDDING, EMBEDDING_DIM), dtype=jnp.float32)
    return {"x": x, "table": table}


def reference(x, table):
    # nn.Embedding lookup: [B, L] -> [B, L, D]
    emb = jnp.take(table, x, axis=0)
    # .transpose(1, 2): [B, L, D] -> [B, D, L]
    return jnp.swapaxes(emb, 1, 2)

if __name__ == "__main__":
    import jax
    _d = setup_inputs()
    print(jax.jit(kernel)(*tuple(_d.values())))

</pallas_src>

<mosaic_0001>
#map = affine_map<(d0, d1) -> (0)>
#map1 = affine_map<(d0, d1) -> (0, 0)>
module attributes {stable_mosaic.version = 14 : i64} {
  func.func @_gather_body(%arg0: i32, %arg1: i32, %arg2: memref<204800xi32, #tpu.memory_space<hbm>>, %arg3: memref<100000x128xf32, #tpu.memory_space<hbm>>, %arg4: memref<204800x128xf32, #tpu.memory_space<hbm>>, %arg5: memref<6400xi32, #tpu.memory_space<vmem>>, %arg6: memref<200x128xf32, #tpu.memory_space<vmem>>, %arg7: memref<200x128xf32, #tpu.memory_space<vmem>>, %arg8: memref<200x128xf32, #tpu.memory_space<vmem>>, %arg9: memref<200x128xf32, #tpu.memory_space<vmem>>, %arg10: memref<!tpu.dma_semaphore, #tpu.memory_space<semaphore_mem>>, %arg11: memref<!tpu.dma_semaphore, #tpu.memory_space<semaphore_mem>>, %arg12: memref<!tpu.dma_semaphore, #tpu.memory_space<semaphore_mem>>, %arg13: memref<!tpu.dma_semaphore, #tpu.memory_space<semaphore_mem>>, %arg14: memref<!tpu.dma_semaphore, #tpu.memory_space<semaphore_mem>>, %arg15: memref<!tpu.dma_semaphore, #tpu.memory_space<semaphore_mem>>, %arg16: memref<!tpu.dma_semaphore, #tpu.memory_space<semaphore_mem>>, %arg17: memref<!tpu.dma_semaphore, #tpu.memory_space<semaphore_mem>>) attributes {dimension_semantics = [#tpu.dimension_semantics<core_parallel>, #tpu.dimension_semantics<subcore_parallel>], iteration_bounds = array<i64: 2, 16>, scalar_prefetch = 0 : i64, scratch_operands = 13 : i64, tpu.core_type = #tpu.core_type<sc_vector_subcore>, window_params = [{transform_indices = #map}, {transform_indices = #map1}, {transform_indices = #map1}]} {
    %mul3A = arith.constant 2 : i32
    %mul3A_0 = arith.muli %arg1, %mul3A : i32
    %add3A = arith.addi %mul3A_0, %arg0 : i32
    %mul3A_1 = arith.constant 32 : i32
    %mul3A_2 = arith.muli %add3A, %mul3A_1 : i32
    %multiple_of3A = tpu.assume_multiple %mul3A_2, 8 : i32
    %mul3A_3 = arith.constant 200 : i32
    %mul3A_4 = arith.muli %multiple_of3A, %mul3A_3 : i32
    %multiple_of3A_5 = tpu.assume_multiple %mul3A_4, 8 : i32
    "tpu.region"() ({
      %run_scoped3A = tpu.sem_alloc : memref<!tpu.dma_semaphore, #tpu.memory_space<semaphore_mem>>
      %dma_start3A_117 = tpu.memref_slice %arg2[%multiple_of3A_5] : memref<204800xi32, #tpu.memory_space<hbm>> -> memref<6400xi32, #tpu.memory_space<hbm>>
      %dma_start3A_118 = tpu.memref_slice %arg2[%multiple_of3A_5] : memref<204800xi32, #tpu.memory_space<hbm>> -> memref<6400xi32, #tpu.memory_space<hbm>>
      tpu.enqueue_dma source(%dma_start3A_118 : memref<6400xi32, #tpu.memory_space<hbm>>) target(%arg5 : memref<6400xi32, #tpu.memory_space<vmem>>) target_semaphore(%run_scoped3A : memref<!tpu.dma_semaphore, #tpu.memory_space<semaphore_mem>>)
      %dma_wait3A_119 = tpu.memref_slice %arg2[%multiple_of3A_5] : memref<204800xi32, #tpu.memory_space<hbm>> -> memref<6400xi32, #tpu.memory_space<hbm>>
      %dma_wait3A_120 = tpu.memref_slice %arg2[%multiple_of3A_5] : memref<204800xi32, #tpu.memory_space<hbm>> -> memref<6400xi32, #tpu.memory_space<hbm>>
      tpu.wait_dma2 semaphore(%run_scoped3A : memref<!tpu.dma_semaphore, #tpu.memory_space<semaphore_mem>>) src(%dma_wait3A_120 : memref<6400xi32, #tpu.memory_space<hbm>>) dst(%arg5 : memref<6400xi32, #tpu.memory_space<vmem>>)
      tpu.yield
    }) : () -> ()
    %multiple_of3A_6 = arith.constant 0 : i32
    %multiple_of3A_7 = tpu.assume_multiple %multiple_of3A_6, 8 : i32
    %dma_start3A = arith.constant 0 : i32
    %dma_start3A_8 = arith.constant 0 : i32
    %dma_start3A_9 = tpu.memref_slice %arg6[%dma_start3A, %dma_start3A_8] : memref<200x128xf32, #tpu.memory_space<vmem>> -> memref<104x128xf32, #tpu.memory_space<vmem>>
    %dma_start3A_10 = tpu.memref_slice %arg5[%multiple_of3A_7] : memref<6400xi32, #tpu.memory_space<vmem>> -> memref<104xi32, #tpu.memory_space<vmem>>
    %dma_start3A_11 = arith.constant 0 : i32
    %dma_start3A_12 = arith.constant 0 : i32
    %dma_start3A_13 = tpu.memref_slice %arg3[%dma_start3A_11, %dma_start3A_12] : memref<100000x128xf32, #tpu.memory_space<hbm>> -> memref<100000x128xf32, #tpu.memory_space<hbm>>
    tpu.enqueue_indirect_dma source(%dma_start3A_13 : memref<100000x128xf32, #tpu.memory_space<hbm>>) target(%dma_start3A_9 : memref<104x128xf32, #tpu.memory_space<vmem>>) offsets(%dma_start3A_10 : memref<104xi32, #tpu.memory_space<vmem>>) semaphore(%arg10 : memref<!tpu.dma_semaphore, #tpu.memory_space<semaphore_mem>>)
    %add3A_14 = arith.constant 104 : i32
    %add3A_15 = arith.addi %multiple_of3A_7, %add3A_14 : i32
    %dma_start3A_16 = arith.constant 104 : i32
    %dma_start3A_17 = arith.constant 0 : i32
    %dma_start3A_18 = tpu.memref_slice %arg6[%dma_start3A_16, %dma_start3A_17] : memref<200x128xf32, #tpu.memory_space<vmem>> -> memref<96x128xf32, #tpu.memory_space<vmem>>
    %dma_start3A_19 = tpu.memref_slice %arg5[%add3A_15] : memref<6400xi32, #tpu.memory_space<vmem>> -> memref<96xi32, #tpu.memory_space<vmem>>
    %dma_start3A_20 = arith.constant 0 : i32
    %dma_start3A_21 = arith.constant 0 : i32
    %dma_start3A_22 = tpu.memref_slice %arg3[%dma_start3A_20, %dma_start3A_21] : memref<100000x128xf32, #tpu.memory_space<hbm>> -> memref<100000x128xf32, #tpu.memory_space<hbm>>
    tpu.enqueue_indirect_dma source(%dma_start3A_22 : memref<100000x128xf32, #tpu.memory_space<hbm>>) target(%dma_start3A_18 : memref<96x128xf32, #tpu.memory_space<vmem>>) offsets(%dma_start3A_19 : memref<96xi32, #tpu.memory_space<vmem>>) semaphore(%arg10 : memref<!tpu.dma_semaphore, #tpu.memory_space<semaphore_mem>>)
    %multiple_of3A_23 = arith.constant 200 : i32
    %multiple_of3A_24 = tpu.assume_multiple %multiple_of3A_23, 8 : i32
    %dma_start3A_25 = arith.constant 0 : i32
    %dma_start3A_26 = arith.constant 0 : i32
    %dma_start3A_27 = tpu.memref_slice %arg7[%dma_start3A_25, %dma_start3A_26] : memref<200x128xf32, #tpu.memory_space<vmem>> -> memref<104x128xf32, #tpu.memory_space<vmem>>
    %dma_start3A_28 = tpu.memref_slice %arg5[%multiple_of3A_24] : memref<6400xi32, #tpu.memory_space<vmem>> -> memref<104xi32, #tpu.memory_space<vmem>>
    %dma_start3A_29 = arith.constant 0 : i32
    %dma_start3A_30 = arith.constant 0 : i32
    %dma_start3A_31 = tpu.memref_slice %arg3[%dma_start3A_29, %dma_start3A_30] : memref<100000x128xf32, #tpu.memory_space<hbm>> -> memref<100000x128xf32, #tpu.memory_space<hbm>>
    tpu.enqueue_indirect_dma source(%dma_start3A_31 : memref<100000x128xf32, #tpu.memory_space<hbm>>) target(%dma_start3A_27 : memref<104x128xf32, #tpu.memory_space<vmem>>) offsets(%dma_start3A_28 : memref<104xi32, #tpu.memory_space<vmem>>) semaphore(%arg11 : memref<!tpu.dma_semaphore, #tpu.memory_space<semaphore_mem>>)
    %add3A_32 = arith.constant 104 : i32
    %add3A_33 = arith.addi %multiple_of3A_24, %add3A_32 : i32
    %dma_start3A_34 = arith.constant 104 : i32
    %dma_start3A_35 = arith.constant 0 : i32
    %dma_start3A_36 = tpu.memref_slice %arg7[%dma_start3A_34, %dma_start3A_35] : memref<200x128xf32, #tpu.memory_space<vmem>> -> memref<96x128xf32, #tpu.memory_space<vmem>>
    %dma_start3A_37 = tpu.memref_slice %arg5[%add3A_33] : memref<6400xi32, #tpu.memory_space<vmem>> -> memref<96xi32, #tpu.memory_space<vmem>>
    %dma_start3A_38 = arith.constant 0 : i32
    %dma_start3A_39 = arith.constant 0 : i32
    %dma_start3A_40 = tpu.memref_slice %arg3[%dma_start3A_38, %dma_start3A_39] : memref<100000x128xf32, #tpu.memory_space<hbm>> -> memref<100000x128xf32, #tpu.memory_space<hbm>>
    tpu.enqueue_indirect_dma source(%dma_start3A_40 : memref<100000x128xf32, #tpu.memory_space<hbm>>) target(%dma_start3A_36 : memref<96x128xf32, #tpu.memory_space<vmem>>) offsets(%dma_start3A_37 : memref<96xi32, #tpu.memory_space<vmem>>) semaphore(%arg11 : memref<!tpu.dma_semaphore, #tpu.memory_space<semaphore_mem>>)
    %multiple_of3A_41 = arith.constant 400 : i32
    %multiple_of3A_42 = tpu.assume_multiple %multiple_of3A_41, 8 : i32
    %dma_start3A_43 = arith.constant 0 : i32
    %dma_start3A_44 = arith.constant 0 : i32
    %dma_start3A_45 = tpu.memref_slice %arg8[%dma_start3A_43, %dma_start3A_44] : memref<200x128xf32, #tpu.memory_space<vmem>> -> memref<104x128xf32, #tpu.memory_space<vmem>>
    %dma_start3A_46 = tpu.memref_slice %arg5[%multiple_of3A_42] : memref<6400xi32, #tpu.memory_space<vmem>> -> memref<104xi32, #tpu.memory_space<vmem>>
    %dma_start3A_47 = arith.constant 0 : i32
    %dma_start3A_48 = arith.constant 0 : i32
    %dma_start3A_49 = tpu.memref_slice %arg3[%dma_start3A_47, %dma_start3A_48] : memref<100000x128xf32, #tpu.memory_space<hbm>> -> memref<100000x128xf32, #tpu.memory_space<hbm>>
    tpu.enqueue_indirect_dma source(%dma_start3A_49 : memref<100000x128xf32, #tpu.memory_space<hbm>>) target(%dma_start3A_45 : memref<104x128xf32, #tpu.memory_space<vmem>>) offsets(%dma_start3A_46 : memref<104xi32, #tpu.memory_space<vmem>>) semaphore(%arg12 : memref<!tpu.dma_semaphore, #tpu.memory_space<semaphore_mem>>)
    %add3A_50 = arith.constant 104 : i32
    %add3A_51 = arith.addi %multiple_of3A_42, %add3A_50 : i32
    %dma_start3A_52 = arith.constant 104 : i32
    %dma_start3A_53 = arith.constant 0 : i32
    %dma_start3A_54 = tpu.memref_slice %arg8[%dma_start3A_52, %dma_start3A_53] : memref<200x128xf32, #tpu.memory_space<vmem>> -> memref<96x128xf32, #tpu.memory_space<vmem>>
    %dma_start3A_55 = tpu.memref_slice %arg5[%add3A_51] : memref<6400xi32, #tpu.memory_space<vmem>> -> memref<96xi32, #tpu.memory_space<vmem>>
    %dma_start3A_56 = arith.constant 0 : i32
    %dma_start3A_57 = arith.constant 0 : i32
    %dma_start3A_58 = tpu.memref_slice %arg3[%dma_start3A_56, %dma_start3A_57] : memref<100000x128xf32, #tpu.memory_space<hbm>> -> memref<100000x128xf32, #tpu.memory_space<hbm>>
    tpu.enqueue_indirect_dma source(%dma_start3A_58 : memref<100000x128xf32, #tpu.memory_space<hbm>>) target(%dma_start3A_54 : memref<96x128xf32, #tpu.memory_space<vmem>>) offsets(%dma_start3A_55 : memref<96xi32, #tpu.memory_space<vmem>>) semaphore(%arg12 : memref<!tpu.dma_semaphore, #tpu.memory_space<semaphore_mem>>)
    %multiple_of3A_59 = arith.constant 600 : i32
    %multiple_of3A_60 = tpu.assume_multiple %multiple_of3A_59, 8 : i32
    %dma_start3A_61 = arith.constant 0 : i32
    %dma_start3A_62 = arith.constant 0 : i32
    %dma_start3A_63 = tpu.memref_slice %arg9[%dma_start3A_61, %dma_start3A_62] : memref<200x128xf32, #tpu.memory_space<vmem>> -> memref<104x128xf32, #tpu.memory_space<vmem>>
    %dma_start3A_64 = tpu.memref_slice %arg5[%multiple_of3A_60] : memref<6400xi32, #tpu.memory_space<vmem>> -> memref<104xi32, #tpu.memory_space<vmem>>
    %dma_start3A_65 = arith.constant 0 : i32
    %dma_start3A_66 = arith.constant 0 : i32
    %dma_start3A_67 = tpu.memref_slice %arg3[%dma_start3A_65, %dma_start3A_66] : memref<100000x128xf32, #tpu.memory_space<hbm>> -> memref<100000x128xf32, #tpu.memory_space<hbm>>
    tpu.enqueue_indirect_dma source(%dma_start3A_67 : memref<100000x128xf32, #tpu.memory_space<hbm>>) target(%dma_start3A_63 : memref<104x128xf32, #tpu.memory_space<vmem>>) offsets(%dma_start3A_64 : memref<104xi32, #tpu.memory_space<vmem>>) semaphore(%arg13 : memref<!tpu.dma_semaphore, #tpu.memory_space<semaphore_mem>>)
    %add3A_68 = arith.constant 104 : i32
    %add3A_69 = arith.addi %multiple_of3A_60, %add3A_68 : i32
    %dma_start3A_70 = arith.constant 104 : i32
    %dma_start3A_71 = arith.constant 0 : i32
    %dma_start3A_72 = tpu.memref_slice %arg9[%dma_start3A_70, %dma_start3A_71] : memref<200x128xf32, #tpu.memory_space<vmem>> -> memref<96x128xf32, #tpu.memory_space<vmem>>
    %dma_start3A_73 = tpu.memref_slice %arg5[%add3A_69] : memref<6400xi32, #tpu.memory_space<vmem>> -> memref<96xi32, #tpu.memory_space<vmem>>
    %dma_start3A_74 = arith.constant 0 : i32
    %dma_start3A_75 = arith.constant 0 : i32
    %dma_start3A_76 = tpu.memref_slice %arg3[%dma_start3A_74, %dma_start3A_75] : memref<100000x128xf32, #tpu.memory_space<hbm>> -> memref<100000x128xf32, #tpu.memory_space<hbm>>
    tpu.enqueue_indirect_dma source(%dma_start3A_76 : memref<100000x128xf32, #tpu.memory_space<hbm>>) target(%dma_start3A_72 : memref<96x128xf32, #tpu.memory_space<vmem>>) offsets(%dma_start3A_73 : memref<96xi32, #tpu.memory_space<vmem>>) semaphore(%arg13 : memref<!tpu.dma_semaphore, #tpu.memory_space<semaphore_mem>>)
    %scan3A = arith.constant 0 : i32
    %scan3A_77 = arith.constant 0 : i32
    %scan3A_78 = arith.constant 8 : i32
    %scan3A_79 = arith.addi %scan3A_77, %scan3A_78 : i32
    %scan3A_80 = arith.constant 1 : i32
    scf.for %scan3A_117 = %scan3A_77 to %scan3A_79 step %scan3A_80  : i32 {
      %mul3A_118 = arith.constant 4 : i32
      %mul3A_119 = arith.muli %scan3A_117, %mul3A_118 : i32
      %add3A_120 = arith.constant 0 : i32
      %add3A_121 = arith.addi %mul3A_119, %add3A_120 : i32
      %dma_wait3A_122 = arith.constant 0 : i32
      %dma_wait3A_123 = arith.constant 0 : i32
      %dma_wait3A_124 = tpu.memref_slice %arg6[%dma_wait3A_122, %dma_wait3A_123] : memref<200x128xf32, #tpu.memory_space<vmem>> -> memref<104x128xf32, #tpu.memory_space<vmem>>
      %dma_wait3A_125 = arith.constant 0 : i32
      %dma_wait3A_126 = tpu.memref_slice %arg5[%dma_wait3A_125] : memref<6400xi32, #tpu.memory_space<vmem>> -> memref<104xi32, #tpu.memory_space<vmem>>
      %dma_wait3A_127 = arith.constant 0 : i32
      %dma_wait3A_128 = arith.constant 0 : i32
      %dma_wait3A_129 = tpu.memref_slice %arg3[%dma_wait3A_127, %dma_wait3A_128] : memref<100000x128xf32, #tpu.memory_space<hbm>> -> memref<100000x128xf32, #tpu.memory_space<hbm>>
      tpu.wait_indirect_dma semaphore(%arg10 : memref<!tpu.dma_semaphore, #tpu.memory_space<semaphore_mem>>) src(%dma_wait3A_129 : memref<100000x128xf32, #tpu.memory_space<hbm>>) dst(%dma_wait3A_124 : memref<104x128xf32, #tpu.memory_space<vmem>>)
      %dma_wait3A_130 = arith.constant 104 : i32
      %dma_wait3A_131 = arith.constant 0 : i32
      %dma_wait3A_132 = tpu.memref_slice %arg6[%dma_wait3A_130, %dma_wait3A_131] : memref<200x128xf32, #tpu.memory_space<vmem>> -> memref<96x128xf32, #tpu.memory_space<vmem>>
      %dma_wait3A_133 = arith.constant 0 : i32
      %dma_wait3A_134 = tpu.memref_slice %arg5[%dma_wait3A_133] : memref<6400xi32, #tpu.memory_space<vmem>> -> memref<96xi32, #tpu.memory_space<vmem>>
      %dma_wait3A_135 = arith.constant 0 : i32
      %dma_wait3A_136 = arith.constant 0 : i32
      %dma_wait3A_137 = tpu.memref_slice %arg3[%dma_wait3A_135, %dma_wait3A_136] : memref<100000x128xf32, #tpu.memory_space<hbm>> -> memref<100000x128xf32, #tpu.memory_space<hbm>>
      tpu.wait_indirect_dma semaphore(%arg10 : memref<!tpu.dma_semaphore, #tpu.memory_space<semaphore_mem>>) src(%dma_wait3A_137 : memref<100000x128xf32, #tpu.memory_space<hbm>>) dst(%dma_wait3A_132 : memref<96x128xf32, #tpu.memory_space<vmem>>)
      %add3A_138 = arith.addi %multiple_of3A, %add3A_121 : i32
      %mul3A_139 = arith.constant 200 : i32
      %mul3A_140 = arith.muli %add3A_138, %mul3A_139 : i32
      %multiple_of3A_141 = tpu.assume_multiple %mul3A_140, 8 : i32
      %dma_start3A_142 = arith.constant 0 : i32
      %dma_start3A_143 = tpu.memref_slice %arg4[%multiple_of3A_141, %dma_start3A_142] : memref<204800x128xf32, #tpu.memory_space<hbm>> -> memref<200x128xf32, #tpu.memory_space<hbm>>
      %dma_start3A_144 = arith.constant 0 : i32
      %dma_start3A_145 = tpu.memref_slice %arg4[%multiple_of3A_141, %dma_start3A_144] : memref<204800x128xf32, #tpu.memory_space<hbm>> -> memref<200x128xf32, #tpu.memory_space<hbm>>
      tpu.enqueue_dma source(%arg6 : memref<200x128xf32, #tpu.memory_space<vmem>>) target(%dma_start3A_145 : memref<200x128xf32, #tpu.memory_space<hbm>>) target_semaphore(%arg14 : memref<!tpu.dma_semaphore, #tpu.memory_space<semaphore_mem>>)
      %lt3A = arith.constant 7 : i32
      %lt3A_146 = arith.cmpi slt, %scan3A_117, %lt3A : i32
      %convert_element_type3A = arith.extui %lt3A_146 : i1 to i32
      %cond3A = arith.constant 0 : i32
      %cond3A_147 = arith.cmpi ne, %convert_element_type3A, %cond3A : i32
      scf.if %cond3A_147 {
        %add3A_247 = arith.constant 0 : i32
        %add3A_248 = arith.addi %multiple_of3A, %add3A_247 : i32
        %mul3A_249 = arith.constant 200 : i32
        %mul3A_250 = arith.muli %add3A_248, %mul3A_249 : i32
        %multiple_of3A_251 = tpu.assume_multiple %mul3A_250, 8 : i32
        %dma_wait3A_252 = arith.constant 0 : i32
        %dma_wait3A_253 = tpu.memref_slice %arg4[%multiple_of3A_251, %dma_wait3A_252] : memref<204800x128xf32, #tpu.memory_space<hbm>> -> memref<200x128xf32, #tpu.memory_space<hbm>>
        %dma_wait3A_254 = arith.constant 0 : i32
        %dma_wait3A_255 = tpu.memref_slice %arg4[%multiple_of3A_251, %dma_wait3A_254] : memref<204800x128xf32, #tpu.memory_space<hbm>> -> memref<200x128xf32, #tpu.memory_space<hbm>>
        tpu.wait_dma2 semaphore(%arg14 : memref<!tpu.dma_semaphore, #tpu.memory_space<semaphore_mem>>) src(%arg6 : memref<200x128xf32, #tpu.memory_space<vmem>>) dst(%dma_wait3A_255 : memref<200x128xf32, #tpu.memory_space<hbm>>)
        %add3A_256 = arith.constant 4 : i32
        %add3A_257 = arith.addi %add3A_121, %add3A_256 : i32
        %mul3A_258 = arith.constant 200 : i32
        %mul3A_259 = arith.muli %add3A_257, %mul3A_258 : i32
        %multiple_of3A_260 = tpu.assume_multiple %mul3A_259, 8 : i32
        %dma_start3A_261 = arith.constant 0 : i32
        %dma_start3A_262 = arith.constant 0 : i32
        %dma_start3A_263 = tpu.memref_slice %arg6[%dma_start3A_261, %dma_start3A_262] : memref<200x128xf32, #tpu.memory_space<vmem>> -> memref<104x128xf32, #tpu.memory_space<vmem>>
        %dma_start3A_264 = tpu.memref_slice %arg5[%multiple_of3A_260] : memref<6400xi32, #tpu.memory_space<vmem>> -> memref<104xi32, #tpu.memory_space<vmem>>
        %dma_start3A_265 = arith.constant 0 : i32
        %dma_start3A_266 = arith.constant 0 : i32
        %dma_start3A_267 = tpu.memref_slice %arg3[%dma_start3A_265, %dma_start3A_266] : memref<100000x128xf32, #tpu.memory_space<hbm>> -> memref<100000x128xf32, #tpu.memory_space<hbm>>
        tpu.enqueue_indirect_dma source(%dma_start3A_267 : memref<100000x128xf32, #tpu.memory_space<hbm>>) target(%dma_start3A_263 : memref<104x128xf32, #tpu.memory_space<vmem>>) offsets(%dma_start3A_264 : memref<104xi32, #tpu.memory_space<vmem>>) semaphore(%arg10 : memref<!tpu.dma_semaphore, #tpu.memory_space<semaphore_mem>>)
        %add3A_268 = arith.constant 104 : i32
        %add3A_269 = arith.addi %multiple_of3A_260, %add3A_268 : i32
        %dma_start3A_270 = arith.constant 104 : i32
        %dma_start3A_271 = arith.constant 0 : i32
        %dma_start3A_272 = tpu.memref_slice %arg6[%dma_start3A_270, %dma_start3A_271] : memref<200x128xf32, #tpu.memory_space<vmem>> -> memref<96x128xf32, #tpu.memory_space<vmem>>
        %dma_start3A_273 = tpu.memref_slice %arg5[%add3A_269] : memref<6400xi32, #tpu.memory_space<vmem>> -> memref<96xi32, #tpu.memory_space<vmem>>
        %dma_start3A_274 = arith.constant 0 : i32
        %dma_start3A_275 = arith.constant 0 : i32
        %dma_start3A_276 = tpu.memref_slice %arg3[%dma_start3A_274, %dma_start3A_275] : memref<100000x128xf32, #tpu.memory_space<hbm>> -> memref<100000x128xf32, #tpu.memory_space<hbm>>
        tpu.enqueue_indirect_dma source(%dma_start3A_276 : memref<100000x128xf32, #tpu.memory_space<hbm>>) target(%dma_start3A_272 : memref<96x128xf32, #tpu.memory_space<vmem>>) offsets(%dma_start3A_273 : memref<96xi32, #tpu.memory_space<vmem>>) semaphore(%arg10 : memref<!tpu.dma_semaphore, #tpu.memory_space<semaphore_mem>>)
      } else {
      }
      %mul3A_148 = arith.constant 4 : i32
      %mul3A_149 = arith.muli %scan3A_117, %mul3A_148 : i32
      %add3A_150 = arith.constant 1 : i32
      %add3A_151 = arith.addi %mul3A_149, %add3A_150 : i32
      %dma_wait3A_152 = arith.constant 0 : i32
      %dma_wait3A_153 = arith.constant 0 : i32
      %dma_wait3A_154 = tpu.memref_slice %arg7[%dma_wait3A_152, %dma_wait3A_153] : memref<200x128xf32, #tpu.memory_space<vmem>> -> memref<104x128xf32, #tpu.memory_space<vmem>>
      %dma_wait3A_155 = arith.constant 0 : i32
      %dma_wait3A_156 = tpu.memref_slice %arg5[%dma_wait3A_155] : memref<6400xi32, #tpu.memory_space<vmem>> -> memref<104xi32, #tpu.memory_space<vmem>>
      %dma_wait3A_157 = arith.constant 0 : i32
      %dma_wait3A_158 = arith.constant 0 : i32
      %dma_wait3A_159 = tpu.memref_slice %arg3[%dma_wait3A_157, %dma_wait3A_158] : memref<100000x128xf32, #tpu.memory_space<hbm>> -> memref<100000x128xf32, #tpu.memory_space<hbm>>
      tpu.wait_indirect_dma semaphore(%arg11 : memref<!tpu.dma_semaphore, #tpu.memory_space<semaphore_mem>>) src(%dma_wait3A_159 : memref<100000x128xf32, #tpu.memory_space<hbm>>) dst(%dma_wait3A_154 : memref<104x128xf32, #tpu.memory_space<vmem>>)
      %dma_wait3A_160 = arith.constant 104 : i32
      %dma_wait3A_161 = arith.constant 0 : i32
      %dma_wait3A_162 = tpu.memref_slice %arg7[%dma_wait3A_160, %dma_wait3A_161] : memref<200x128xf32, #tpu.memory_space<vmem>> -> memref<96x128xf32, #tpu.memory_space<vmem>>
      %dma_wait3A_163 = arith.constant 0 : i32
      %dma_wait3A_164 = tpu.memref_slice %arg5[%dma_wait3A_163] : memref<6400xi32, #tpu.memory_space<vmem>> -> memref<96xi32, #tpu.memory_space<vmem>>
      %dma_wait3A_165 = arith.constant 0 : i32
      %dma_wait3A_166 = arith.constant 0 : i32
      %dma_wait3A_167 = tpu.memref_slice %arg3[%dma_wait3A_165, %dma_wait3A_166] : memref<100000x128xf32, #tpu.memory_space<hbm>> -> memref<100000x128xf32, #tpu.memory_space<hbm>>
      tpu.wait_indirect_dma semaphore(%arg11 : memref<!tpu.dma_semaphore, #tpu.memory_space<semaphore_mem>>) src(%dma_wait3A_167 : memref<100000x128xf32, #tpu.memory_space<hbm>>) dst(%dma_wait3A_162 : memref<96x128xf32, #tpu.memory_space<vmem>>)
      %add3A_168 = arith.addi %multiple_of3A, %add3A_151 : i32
      %mul3A_169 = arith.constant 200 : i32
      %mul3A_170 = arith.muli %add3A_168, %mul3A_169 : i32
      %multiple_of3A_171 = tpu.assume_multiple %mul3A_170, 8 : i32
      %dma_start3A_172 = arith.constant 0 : i32
      %dma_start3A_173 = tpu.memref_slice %arg4[%multiple_of3A_171, %dma_start3A_172] : memref<204800x128xf32, #tpu.memory_space<hbm>> -> memref<200x128xf32, #tpu.memory_space<hbm>>
      %dma_start3A_174 = arith.constant 0 : i32
      %dma_start3A_175 = tpu.memref_slice %arg4[%multiple_of3A_171, %dma_start3A_174] : memref<204800x128xf32, #tpu.memory_space<hbm>> -> memref<200x128xf32, #tpu.memory_space<hbm>>
      tpu.enqueue_dma source(%arg7 : memref<200x128xf32, #tpu.memory_space<vmem>>) target(%dma_start3A_175 : memref<200x128xf32, #tpu.memory_space<hbm>>) target_semaphore(%arg15 : memref<!tpu.dma_semaphore, #tpu.memory_space<semaphore_mem>>)
      %lt3A_176 = arith.constant 7 : i32
      %lt3A_177 = arith.cmpi slt, %scan3A_117, %lt3A_176 : i32
      %convert_element_type3A_178 = arith.extui %lt3A_177 : i1 to i32
      %cond3A_179 = arith.constant 0 : i32
      %cond3A_180 = arith.cmpi ne, %convert_element_type3A_178, %cond3A_179 : i32
      scf.if %cond3A_180 {
        %add3A_247 = arith.constant 0 : i32
        %add3A_248 = arith.addi %multiple_of3A, %add3A_247 : i32
        %mul3A_249 = arith.constant 200 : i32
        %mul3A_250 = arith.muli %add3A_248, %mul3A_249 : i32
        %multiple_of3A_251 = tpu.assume_multiple %mul3A_250, 8 : i32
        %dma_wait3A_252 = arith.constant 0 : i32
        %dma_wait3A_253 = tpu.memref_slice %arg4[%multiple_of3A_251, %dma_wait3A_252] : memref<204800x128xf32, #tpu.memory_space<hbm>> -> memref<200x128xf32, #tpu.memory_space<hbm>>
        %dma_wait3A_254 = arith.constant 0 : i32
        %dma_wait3A_255 = tpu.memref_slice %arg4[%multiple_of3A_251, %dma_wait3A_254] : memref<204800x128xf32, #tpu.memory_space<hbm>> -> memref<200x128xf32, #tpu.memory_space<hbm>>
        tpu.wait_dma2 semaphore(%arg15 : memref<!tpu.dma_semaphore, #tpu.memory_space<semaphore_mem>>) src(%arg7 : memref<200x128xf32, #tpu.memory_space<vmem>>) dst(%dma_wait3A_255 : memref<200x128xf32, #tpu.memory_space<hbm>>)
        %add3A_256 = arith.constant 4 : i32
        %add3A_257 = arith.addi %add3A_151, %add3A_256 : i32
        %mul3A_258 = arith.constant 200 : i32
        %mul3A_259 = arith.muli %add3A_257, %mul3A_258 : i32
        %multiple_of3A_260 = tpu.assume_multiple %mul3A_259, 8 : i32
        %dma_start3A_261 = arith.constant 0 : i32
        %dma_start3A_262 = arith.constant 0 : i32
        %dma_start3A_263 = tpu.memref_slice %arg7[%dma_start3A_261, %dma_start3A_262] : memref<200x128xf32, #tpu.memory_space<vmem>> -> memref<104x128xf32, #tpu.memory_space<vmem>>
        %dma_start3A_264 = tpu.memref_slice %arg5[%multiple_of3A_260] : memref<6400xi32, #tpu.memory_space<vmem>> -> memref<104xi32, #tpu.memory_space<vmem>>
        %dma_start3A_265 = arith.constant 0 : i32
        %dma_start3A_266 = arith.constant 0 : i32
        %dma_start3A_267 = tpu.memref_slice %arg3[%dma_start3A_265, %dma_start3A_266] : memref<100000x128xf32, #tpu.memory_space<hbm>> -> memref<100000x128xf32, #tpu.memory_space<hbm>>
        tpu.enqueue_indirect_dma source(%dma_start3A_267 : memref<100000x128xf32, #tpu.memory_space<hbm>>) target(%dma_start3A_263 : memref<104x128xf32, #tpu.memory_space<vmem>>) offsets(%dma_start3A_264 : memref<104xi32, #tpu.memory_space<vmem>>) semaphore(%arg11 : memref<!tpu.dma_semaphore, #tpu.memory_space<semaphore_mem>>)
        %add3A_268 = arith.constant 104 : i32
        %add3A_269 = arith.addi %multiple_of3A_260, %add3A_268 : i32
        %dma_start3A_270 = arith.constant 104 : i32
        %dma_start3A_271 = arith.constant 0 : i32
        %dma_start3A_272 = tpu.memref_slice %arg7[%dma_start3A_270, %dma_start3A_271] : memref<200x128xf32, #tpu.memory_space<vmem>> -> memref<96x128xf32, #tpu.memory_space<vmem>>
        %dma_start3A_273 = tpu.memref_slice %arg5[%add3A_269] : memref<6400xi32, #tpu.memory_space<vmem>> -> memref<96xi32, #tpu.memory_space<vmem>>
        %dma_start3A_274 = arith.constant 0 : i32
        %dma_start3A_275 = arith.constant 0 : i32
        %dma_start3A_276 = tpu.memref_slice %arg3[%dma_start3A_274, %dma_start3A_275] : memref<100000x128xf32, #tpu.memory_space<hbm>> -> memref<100000x128xf32, #tpu.memory_space<hbm>>
        tpu.enqueue_indirect_dma source(%dma_start3A_276 : memref<100000x128xf32, #tpu.memory_space<hbm>>) target(%dma_start3A_272 : memref<96x128xf32, #tpu.memory_space<vmem>>) offsets(%dma_start3A_273 : memref<96xi32, #tpu.memory_space<vmem>>) semaphore(%arg11 : memref<!tpu.dma_semaphore, #tpu.memory_space<semaphore_mem>>)
      } else {
      }
      %mul3A_181 = arith.constant 4 : i32
      %mul3A_182 = arith.muli %scan3A_117, %mul3A_181 : i32
      %add3A_183 = arith.constant 2 : i32
      %add3A_184 = arith.addi %mul3A_182, %add3A_183 : i32
      %dma_wait3A_185 = arith.constant 0 : i32
      %dma_wait3A_186 = arith.constant 0 : i32
      %dma_wait3A_187 = tpu.memref_slice %arg8[%dma_wait3A_185, %dma_wait3A_186] : memref<200x128xf32, #tpu.memory_space<vmem>> -> memref<104x128xf32, #tpu.memory_space<vmem>>
      %dma_wait3A_188 = arith.constant 0 : i32
      %dma_wait3A_189 = tpu.memref_slice %arg5[%dma_wait3A_188] : memref<6400xi32, #tpu.memory_space<vmem>> -> memref<104xi32, #tpu.memory_space<vmem>>
      %dma_wait3A_190 = arith.constant 0 : i32
      %dma_wait3A_191 = arith.constant 0 : i32
      %dma_wait3A_192 = tpu.memref_slice %arg3[%dma_wait3A_190, %dma_wait3A_191] : memref<100000x128xf32, #tpu.memory_space<hbm>> -> memref<100000x128xf32, #tpu.memory_space<hbm>>
      tpu.wait_indirect_dma semaphore(%arg12 : memref<!tpu.dma_semaphore, #tpu.memory_space<semaphore_mem>>) src(%dma_wait3A_192 : memref<100000x128xf32, #tpu.memory_space<hbm>>) dst(%dma_wait3A_187 : memref<104x128xf32, #tpu.memory_space<vmem>>)
      %dma_wait3A_193 = arith.constant 104 : i32
      %dma_wait3A_194 = arith.constant 0 : i32
      %dma_wait3A_195 = tpu.memref_slice %arg8[%dma_wait3A_193, %dma_wait3A_194] : memref<200x128xf32, #tpu.memory_space<vmem>> -> memref<96x128xf32, #tpu.memory_space<vmem>>
      %dma_wait3A_196 = arith.constant 0 : i32
      %dma_wait3A_197 = tpu.memref_slice %arg5[%dma_wait3A_196] : memref<6400xi32, #tpu.memory_space<vmem>> -> memref<96xi32, #tpu.memory_space<vmem>>
      %dma_wait3A_198 = arith.constant 0 : i32
      %dma_wait3A_199 = arith.constant 0 : i32
      %dma_wait3A_200 = tpu.memref_slice %arg3[%dma_wait3A_198, %dma_wait3A_199] : memref<100000x128xf32, #tpu.memory_space<hbm>> -> memref<100000x128xf32, #tpu.memory_space<hbm>>
      tpu.wait_indirect_dma semaphore(%arg12 : memref<!tpu.dma_semaphore, #tpu.memory_space<semaphore_mem>>) src(%dma_wait3A_200 : memref<100000x128xf32, #tpu.memory_space<hbm>>) dst(%dma_wait3A_195 : memref<96x128xf32, #tpu.memory_space<vmem>>)
      %add3A_201 = arith.addi %multiple_of3A, %add3A_184 : i32
      %mul3A_202 = arith.constant 200 : i32
      %mul3A_203 = arith.muli %add3A_201, %mul3A_202 : i32
      %multiple_of3A_204 = tpu.assume_multiple %mul3A_203, 8 : i32
      %dma_start3A_205 = arith.constant 0 : i32
      %dma_start3A_206 = tpu.memref_slice %arg4[%multiple_of3A_204, %dma_start3A_205] : memref<204800x128xf32, #tpu.memory_space<hbm>> -> memref<200x128xf32, #tpu.memory_space<hbm>>
      %dma_start3A_207 = arith.constant 0 : i32
      %dma_start3A_208 = tpu.memref_slice %arg4[%multiple_of3A_204, %dma_start3A_207] : memref<204800x128xf32, #tpu.memory_space<hbm>> -> memref<200x128xf32, #tpu.memory_space<hbm>>
      tpu.enqueue_dma source(%arg8 : memref<200x128xf32, #tpu.memory_space<vmem>>) target(%dma_start3A_208 : memref<200x128xf32, #tpu.memory_space<hbm>>) target_semaphore(%arg16 : memref<!tpu.dma_semaphore, #tpu.memory_space<semaphore_mem>>)
      %lt3A_209 = arith.constant 7 : i32
      %lt3A_210 = arith.cmpi slt, %scan3A_117, %lt3A_209 : i32
      %convert_element_type3A_211 = arith.extui %lt3A_210 : i1 to i32
      %cond3A_212 = arith.constant 0 : i32
      %cond3A_213 = arith.cmpi ne, %convert_element_type3A_211, %cond3A_212 : i32
      scf.if %cond3A_213 {
        %add3A_247 = arith.constant 0 : i32
        %add3A_248 = arith.addi %multiple_of3A, %add3A_247 : i32
        %mul3A_249 = arith.constant 200 : i32
        %mul3A_250 = arith.muli %add3A_248, %mul3A_249 : i32
        %multiple_of3A_251 = tpu.assume_multiple %mul3A_250, 8 : i32
        %dma_wait3A_252 = arith.constant 0 : i32
        %dma_wait3A_253 = tpu.memref_slice %arg4[%multiple_of3A_251, %dma_wait3A_252] : memref<204800x128xf32, #tpu.memory_space<hbm>> -> memref<200x128xf32, #tpu.memory_space<hbm>>
        %dma_wait3A_254 = arith.constant 0 : i32
        %dma_wait3A_255 = tpu.memref_slice %arg4[%multiple_of3A_251, %dma_wait3A_254] : memref<204800x128xf32, #tpu.memory_space<hbm>> -> memref<200x128xf32, #tpu.memory_space<hbm>>
        tpu.wait_dma2 semaphore(%arg16 : memref<!tpu.dma_semaphore, #tpu.memory_space<semaphore_mem>>) src(%arg8 : memref<200x128xf32, #tpu.memory_space<vmem>>) dst(%dma_wait3A_255 : memref<200x128xf32, #tpu.memory_space<hbm>>)
        %add3A_256 = arith.constant 4 : i32
        %add3A_257 = arith.addi %add3A_184, %add3A_256 : i32
        %mul3A_258 = arith.constant 200 : i32
        %mul3A_259 = arith.muli %add3A_257, %mul3A_258 : i32
        %multiple_of3A_260 = tpu.assume_multiple %mul3A_259, 8 : i32
        %dma_start3A_261 = arith.constant 0 : i32
        %dma_start3A_262 = arith.constant 0 : i32
        %dma_start3A_263 = tpu.memref_slice %arg8[%dma_start3A_261, %dma_start3A_262] : memref<200x128xf32, #tpu.memory_space<vmem>> -> memref<104x128xf32, #tpu.memory_space<vmem>>
        %dma_start3A_264 = tpu.memref_slice %arg5[%multiple_of3A_260] : memref<6400xi32, #tpu.memory_space<vmem>> -> memref<104xi32, #tpu.memory_space<vmem>>
        %dma_start3A_265 = arith.constant 0 : i32
        %dma_start3A_266 = arith.constant 0 : i32
        %dma_start3A_267 = tpu.memref_slice %arg3[%dma_start3A_265, %dma_start3A_266] : memref<100000x128xf32, #tpu.memory_space<hbm>> -> memref<100000x128xf32, #tpu.memory_space<hbm>>
        tpu.enqueue_indirect_dma source(%dma_start3A_267 : memref<100000x128xf32, #tpu.memory_space<hbm>>) target(%dma_start3A_263 : memref<104x128xf32, #tpu.memory_space<vmem>>) offsets(%dma_start3A_264 : memref<104xi32, #tpu.memory_space<vmem>>) semaphore(%arg12 : memref<!tpu.dma_semaphore, #tpu.memory_space<semaphore_mem>>)
        %add3A_268 = arith.constant 104 : i32
        %add3A_269 = arith.addi %multiple_of3A_260, %add3A_268 : i32
        %dma_start3A_270 = arith.constant 104 : i32
        %dma_start3A_271 = arith.constant 0 : i32
        %dma_start3A_272 = tpu.memref_slice %arg8[%dma_start3A_270, %dma_start3A_271] : memref<200x128xf32, #tpu.memory_space<vmem>> -> memref<96x128xf32, #tpu.memory_space<vmem>>
        %dma_start3A_273 = tpu.memref_slice %arg5[%add3A_269] : memref<6400xi32, #tpu.memory_space<vmem>> -> memref<96xi32, #tpu.memory_space<vmem>>
        %dma_start3A_274 = arith.constant 0 : i32
        %dma_start3A_275 = arith.constant 0 : i32
        %dma_start3A_276 = tpu.memref_slice %arg3[%dma_start3A_274, %dma_start3A_275] : memref<100000x128xf32, #tpu.memory_space<hbm>> -> memref<100000x128xf32, #tpu.memory_space<hbm>>
        tpu.enqueue_indirect_dma source(%dma_start3A_276 : memref<100000x128xf32, #tpu.memory_space<hbm>>) target(%dma_start3A_272 : memref<96x128xf32, #tpu.memory_space<vmem>>) offsets(%dma_start3A_273 : memref<96xi32, #tpu.memory_space<vmem>>) semaphore(%arg12 : memref<!tpu.dma_semaphore, #tpu.memory_space<semaphore_mem>>)
      } else {
      }
      %mul3A_214 = arith.constant 4 : i32
      %mul3A_215 = arith.muli %scan3A_117, %mul3A_214 : i32
      %add3A_216 = arith.constant 3 : i32
      %add3A_217 = arith.addi %mul3A_215, %add3A_216 : i32
      %dma_wait3A_218 = arith.constant 0 : i32
      %dma_wait3A_219 = arith.constant 0 : i32
      %dma_wait3A_220 = tpu.memref_slice %arg9[%dma_wait3A_218, %dma_wait3A_219] : memref<200x128xf32, #tpu.memory_space<vmem>> -> memref<104x128xf32, #tpu.memory_space<vmem>>
      %dma_wait3A_221 = arith.constant 0 : i32
      %dma_wait3A_222 = tpu.memref_slice %arg5[%dma_wait3A_221] : memref<6400xi32, #tpu.memory_space<vmem>> -> memref<104xi32, #tpu.memory_space<vmem>>
      %dma_wait3A_223 = arith.constant 0 : i32
      %dma_wait3A_224 = arith.constant 0 : i32
      %dma_wait3A_225 = tpu.memref_slice %arg3[%dma_wait3A_223, %dma_wait3A_224] : memref<100000x128xf32, #tpu.memory_space<hbm>> -> memref<100000x128xf32, #tpu.memory_space<hbm>>
      tpu.wait_indirect_dma semaphore(%arg13 : memref<!tpu.dma_semaphore, #tpu.memory_space<semaphore_mem>>) src(%dma_wait3A_225 : memref<100000x128xf32, #tpu.memory_space<hbm>>) dst(%dma_wait3A_220 : memref<104x128xf32, #tpu.memory_space<vmem>>)
      %dma_wait3A_226 = arith.constant 104 : i32
      %dma_wait3A_227 = arith.constant 0 : i32
      %dma_wait3A_228 = tpu.memref_slice %arg9[%dma_wait3A_226, %dma_wait3A_227] : memref<200x128xf32, #tpu.memory_space<vmem>> -> memref<96x128xf32, #tpu.memory_space<vmem>>
      %dma_wait3A_229 = arith.constant 0 : i32
      %dma_wait3A_230 = tpu.memref_slice %arg5[%dma_wait3A_229] : memref<6400xi32, #tpu.memory_space<vmem>> -> memref<96xi32, #tpu.memory_space<vmem>>
      %dma_wait3A_231 = arith.constant 0 : i32
      %dma_wait3A_232 = arith.constant 0 : i32
      %dma_wait3A_233 = tpu.memref_slice %arg3[%dma_wait3A_231, %dma_wait3A_232] : memref<100000x128xf32, #tpu.memory_space<hbm>> -> memref<100000x128xf32, #tpu.memory_space<hbm>>
      tpu.wait_indirect_dma semaphore(%arg13 : memref<!tpu.dma_semaphore, #tpu.memory_space<semaphore_mem>>) src(%dma_wait3A_233 : memref<100000x128xf32, #tpu.memory_space<hbm>>) dst(%dma_wait3A_228 : memref<96x128xf32, #tpu.memory_space<vmem>>)
      %add3A_234 = arith.addi %multiple_of3A, %add3A_217 : i32
      %mul3A_235 = arith.constant 200 : i32
      %mul3A_236 = arith.muli %add3A_234, %mul3A_235 : i32
      %multiple_of3A_237 = tpu.assume_multiple %mul3A_236, 8 : i32
      %dma_start3A_238 = arith.constant 0 : i32
      %dma_start3A_239 = tpu.memref_slice %arg4[%multiple_of3A_237, %dma_start3A_238] : memref<204800x128xf32, #tpu.memory_space<hbm>> -> memref<200x128xf32, #tpu.memory_space<hbm>>
      %dma_start3A_240 = arith.constant 0 : i32
      %dma_start3A_241 = tpu.memref_slice %arg4[%multiple_of3A_237, %dma_start3A_240] : memref<204800x128xf32, #tpu.memory_space<hbm>> -> memref<200x128xf32, #tpu.memory_space<hbm>>
      tpu.enqueue_dma source(%arg9 : memref<200x128xf32, #tpu.memory_space<vmem>>) target(%dma_start3A_241 : memref<200x128xf32, #tpu.memory_space<hbm>>) target_semaphore(%arg17 : memref<!tpu.dma_semaphore, #tpu.memory_space<semaphore_mem>>)
      %lt3A_242 = arith.constant 7 : i32
      %lt3A_243 = arith.cmpi slt, %scan3A_117, %lt3A_242 : i32
      %convert_element_type3A_244 = arith.extui %lt3A_243 : i1 to i32
      %cond3A_245 = arith.constant 0 : i32
      %cond3A_246 = arith.cmpi ne, %convert_element_type3A_244, %cond3A_245 : i32
      scf.if %cond3A_246 {
        %add3A_247 = arith.constant 0 : i32
        %add3A_248 = arith.addi %multiple_of3A, %add3A_247 : i32
        %mul3A_249 = arith.constant 200 : i32
        %mul3A_250 = arith.muli %add3A_248, %mul3A_249 : i32
        %multiple_of3A_251 = tpu.assume_multiple %mul3A_250, 8 : i32
        %dma_wait3A_252 = arith.constant 0 : i32
        %dma_wait3A_253 = tpu.memref_slice %arg4[%multiple_of3A_251, %dma_wait3A_252] : memref<204800x128xf32, #tpu.memory_space<hbm>> -> memref<200x128xf32, #tpu.memory_space<hbm>>
        %dma_wait3A_254 = arith.constant 0 : i32
        %dma_wait3A_255 = tpu.memref_slice %arg4[%multiple_of3A_251, %dma_wait3A_254] : memref<204800x128xf32, #tpu.memory_space<hbm>> -> memref<200x128xf32, #tpu.memory_space<hbm>>
        tpu.wait_dma2 semaphore(%arg17 : memref<!tpu.dma_semaphore, #tpu.memory_space<semaphore_mem>>) src(%arg9 : memref<200x128xf32, #tpu.memory_space<vmem>>) dst(%dma_wait3A_255 : memref<200x128xf32, #tpu.memory_space<hbm>>)
        %add3A_256 = arith.constant 4 : i32
        %add3A_257 = arith.addi %add3A_217, %add3A_256 : i32
        %mul3A_258 = arith.constant 200 : i32
        %mul3A_259 = arith.muli %add3A_257, %mul3A_258 : i32
        %multiple_of3A_260 = tpu.assume_multiple %mul3A_259, 8 : i32
        %dma_start3A_261 = arith.constant 0 : i32
        %dma_start3A_262 = arith.constant 0 : i32
        %dma_start3A_263 = tpu.memref_slice %arg9[%dma_start3A_261, %dma_start3A_262] : memref<200x128xf32, #tpu.memory_space<vmem>> -> memref<104x128xf32, #tpu.memory_space<vmem>>
        %dma_start3A_264 = tpu.memref_slice %arg5[%multiple_of3A_260] : memref<6400xi32, #tpu.memory_space<vmem>> -> memref<104xi32, #tpu.memory_space<vmem>>
        %dma_start3A_265 = arith.constant 0 : i32
        %dma_start3A_266 = arith.constant 0 : i32
        %dma_start3A_267 = tpu.memref_slice %arg3[%dma_start3A_265, %dma_start3A_266] : memref<100000x128xf32, #tpu.memory_space<hbm>> -> memref<100000x128xf32, #tpu.memory_space<hbm>>
        tpu.enqueue_indirect_dma source(%dma_start3A_267 : memref<100000x128xf32, #tpu.memory_space<hbm>>) target(%dma_start3A_263 : memref<104x128xf32, #tpu.memory_space<vmem>>) offsets(%dma_start3A_264 : memref<104xi32, #tpu.memory_space<vmem>>) semaphore(%arg13 : memref<!tpu.dma_semaphore, #tpu.memory_space<semaphore_mem>>)
        %add3A_268 = arith.constant 104 : i32
        %add3A_269 = arith.addi %multiple_of3A_260, %add3A_268 : i32
        %dma_start3A_270 = arith.constant 104 : i32
        %dma_start3A_271 = arith.constant 0 : i32
        %dma_start3A_272 = tpu.memref_slice %arg9[%dma_start3A_270, %dma_start3A_271] : memref<200x128xf32, #tpu.memory_space<vmem>> -> memref<96x128xf32, #tpu.memory_space<vmem>>
        %dma_start3A_273 = tpu.memref_slice %arg5[%add3A_269] : memref<6400xi32, #tpu.memory_space<vmem>> -> memref<96xi32, #tpu.memory_space<vmem>>
        %dma_start3A_274 = arith.constant 0 : i32
        %dma_start3A_275 = arith.constant 0 : i32
        %dma_start3A_276 = tpu.memref_slice %arg3[%dma_start3A_274, %dma_start3A_275] : memref<100000x128xf32, #tpu.memory_space<hbm>> -> memref<100000x128xf32, #tpu.memory_space<hbm>>
        tpu.enqueue_indirect_dma source(%dma_start3A_276 : memref<100000x128xf32, #tpu.memory_space<hbm>>) target(%dma_start3A_272 : memref<96x128xf32, #tpu.memory_space<vmem>>) offsets(%dma_start3A_273 : memref<96xi32, #tpu.memory_space<vmem>>) semaphore(%arg13 : memref<!tpu.dma_semaphore, #tpu.memory_space<semaphore_mem>>)
      } else {
      }
    }
    %scan3A_81 = arith.constant 8 : i32
    %add3A_82 = arith.constant 0 : i32
    %add3A_83 = arith.addi %multiple_of3A, %add3A_82 : i32
    %mul3A_84 = arith.constant 200 : i32
    %mul3A_85 = arith.muli %add3A_83, %mul3A_84 : i32
    %multiple_of3A_86 = tpu.assume_multiple %mul3A_85, 8 : i32
    %dma_wait3A = arith.constant 0 : i32
    %dma_wait3A_87 = tpu.memref_slice %arg4[%multiple_of3A_86, %dma_wait3A] : memref<204800x128xf32, #tpu.memory_space<hbm>> -> memref<200x128xf32, #tpu.memory_space<hbm>>
    %dma_wait3A_88 = arith.constant 0 : i32
    %dma_wait3A_89 = tpu.memref_slice %arg4[%multiple_of3A_86, %dma_wait3A_88] : memref<204800x128xf32, #tpu.memory_space<hbm>> -> memref<200x128xf32, #tpu.memory_space<hbm>>
    tpu.wait_dma2 semaphore(%arg14 : memref<!tpu.dma_semaphore, #tpu.memory_space<semaphore_mem>>) src(%arg6 : memref<200x128xf32, #tpu.memory_space<vmem>>) dst(%dma_wait3A_89 : memref<200x128xf32, #tpu.memory_space<hbm>>)
    %add3A_90 = arith.constant 0 : i32
    %add3A_91 = arith.addi %multiple_of3A, %add3A_90 : i32
    %mul3A_92 = arith.constant 200 : i32
    %mul3A_93 = arith.muli %add3A_91, %mul3A_92 : i32
    %multiple_of3A_94 = tpu.assume_multiple %mul3A_93, 8 : i32
    %dma_wait3A_95 = arith.constant 0 : i32
    %dma_wait3A_96 = tpu.memref_slice %arg4[%multiple_of3A_94, %dma_wait3A_95] : memref<204800x128xf32, #tpu.memory_space<hbm>> -> memref<200x128xf32, #tpu.memory_space<hbm>>
    %dma_wait3A_97 = arith.constant 0 : i32
    %dma_wait3A_98 = tpu.memref_slice %arg4[%multiple_of3A_94, %dma_wait3A_97] : memref<204800x128xf32, #tpu.memory_space<hbm>> -> memref<200x128xf32, #tpu.memory_space<hbm>>
    tpu.wait_dma2 semaphore(%arg15 : memref<!tpu.dma_semaphore, #tpu.memory_space<semaphore_mem>>) src(%arg7 : memref<200x128xf32, #tpu.memory_space<vmem>>) dst(%dma_wait3A_98 : memref<200x128xf32, #tpu.memory_space<hbm>>)
    %add3A_99 = arith.constant 0 : i32
    %add3A_100 = arith.addi %multiple_of3A, %add3A_99 : i32
    %mul3A_101 = arith.constant 200 : i32
    %mul3A_102 = arith.muli %add3A_100, %mul3A_101 : i32
    %multiple_of3A_103 = tpu.assume_multiple %mul3A_102, 8 : i32
    %dma_wait3A_104 = arith.constant 0 : i32
    %dma_wait3A_105 = tpu.memref_slice %arg4[%multiple_of3A_103, %dma_wait3A_104] : memref<204800x128xf32, #tpu.memory_space<hbm>> -> memref<200x128xf32, #tpu.memory_space<hbm>>
    %dma_wait3A_106 = arith.constant 0 : i32
    %dma_wait3A_107 = tpu.memref_slice %arg4[%multiple_of3A_103, %dma_wait3A_106] : memref<204800x128xf32, #tpu.memory_space<hbm>> -> memref<200x128xf32, #tpu.memory_space<hbm>>
    tpu.wait_dma2 semaphore(%arg16 : memref<!tpu.dma_semaphore, #tpu.memory_space<semaphore_mem>>) src(%arg8 : memref<200x128xf32, #tpu.memory_space<vmem>>) dst(%dma_wait3A_107 : memref<200x128xf32, #tpu.memory_space<hbm>>)
    %add3A_108 = arith.constant 0 : i32
    %add3A_109 = arith.addi %multiple_of3A, %add3A_108 : i32
    %mul3A_110 = arith.constant 200 : i32
    %mul3A_111 = arith.muli %add3A_109, %mul3A_110 : i32
    %multiple_of3A_112 = tpu.assume_multiple %mul3A_111, 8 : i32
    %dma_wait3A_113 = arith.constant 0 : i32
    %dma_wait3A_114 = tpu.memref_slice %arg4[%multiple_of3A_112, %dma_wait3A_113] : memref<204800x128xf32, #tpu.memory_space<hbm>> -> memref<200x128xf32, #tpu.memory_space<hbm>>
    %dma_wait3A_115 = arith.constant 0 : i32
    %dma_wait3A_116 = tpu.memref_slice %arg4[%multiple_of3A_112, %dma_wait3A_115] : memref<204800x128xf32, #tpu.memory_space<hbm>> -> memref<200x128xf32, #tpu.memory_space<hbm>>
    tpu.wait_dma2 semaphore(%arg17 : memref<!tpu.dma_semaphore, #tpu.memory_space<semaphore_mem>>) src(%arg9 : memref<200x128xf32, #tpu.memory_space<vmem>>) dst(%dma_wait3A_116 : memref<200x128xf32, #tpu.memory_space<hbm>>)
    return
  }
}

#map = affine_map<(d0, d1) -> (0)>
#map1 = affine_map<(d0, d1) -> (0, 0)>
module attributes {stable_mosaic.version = 14 : i64} {
  func.func @_gather_body(%arg0: i32, %arg1: i32, %arg2: memref<204800xi32, #tpu.memory_space<hbm>>, %arg3: memref<100000x128xf32, #tpu.memory_space<hbm>>, %arg4: memref<204800x128xf32, #tpu.memory_space<hbm>>, %arg5: memref<6400xi32, #tpu.memory_space<vmem>>, %arg6: memref<200x128xf32, #tpu.memory_space<vmem>>, %arg7: memref<200x128xf32, #tpu.memory_space<vmem>>, %arg8: memref<200x128xf32, #tpu.memory_space<vmem>>, %arg9: memref<200x128xf32, #tpu.memory_space<vmem>>, %arg10: memref<!tpu.dma_semaphore, #tpu.memory_space<semaphore_mem>>, %arg11: memref<!tpu.dma_semaphore, #tpu.memory_space<semaphore_mem>>, %arg12: memref<!tpu.dma_semaphore, #tpu.memory_space<semaphore_mem>>, %arg13: memref<!tpu.dma_semaphore, #tpu.memory_space<semaphore_mem>>, %arg14: memref<!tpu.dma_semaphore, #tpu.memory_space<semaphore_mem>>, %arg15: memref<!tpu.dma_semaphore, #tpu.memory_space<semaphore_mem>>, %arg16: memref<!tpu.dma_semaphore, #tpu.memory_space<semaphore_mem>>, %arg17: memref<!tpu.dma_semaphore, #tpu.memory_space<semaphore_mem>>) attributes {dimension_semantics = [#tpu.dimension_semantics<core_parallel>, #tpu.dimension_semantics<subcore_parallel>], iteration_bounds = array<i64: 2, 16>, scalar_prefetch = 0 : i64, scratch_operands = 13 : i64, tpu.core_type = #tpu.core_type<sc_vector_subcore>, window_params = [{transform_indices = #map}, {transform_indices = #map1}, {transform_indices = #map1}]} {
    %mul3A = arith.constant 2 : i32
    %mul3A_0 = arith.muli %arg1, %mul3A : i32
    %add3A = arith.addi %mul3A_0, %arg0 : i32
    %mul3A_1 = arith.constant 32 : i32
    %mul3A_2 = arith.muli %add3A, %mul3A_1 : i32
    %multiple_of3A = tpu.assume_multiple %mul3A_2, 8 : i32
    %mul3A_3 = arith.constant 200 : i32
    %mul3A_4 = arith.muli %multiple_of3A, %mul3A_3 : i32
    %multiple_of3A_5 = tpu.assume_multiple %mul3A_4, 8 : i32
    "tpu.region"() ({
      %run_scoped3A = tpu.sem_alloc : memref<!tpu.dma_semaphore, #tpu.memory_space<semaphore_mem>>
      %dma_start3A_117 = tpu.memref_slice %arg2[%multiple_of3A_5] : memref<204800xi32, #tpu.memory_space<hbm>> -> memref<6400xi32, #tpu.memory_space<hbm>>
      %dma_start3A_118 = tpu.memref_slice %arg2[%multiple_of3A_5] : memref<204800xi32, #tpu.memory_space<hbm>> -> memref<6400xi32, #tpu.memory_space<hbm>>
      tpu.enqueue_dma source(%dma_start3A_118 : memref<6400xi32, #tpu.memory_space<hbm>>) target(%arg5 : memref<6400xi32, #tpu.memory_space<vmem>>) target_semaphore(%run_scoped3A : memref<!tpu.dma_semaphore, #tpu.memory_space<semaphore_mem>>)
      %dma_wait3A_119 = tpu.memref_slice %arg2[%multiple_of3A_5] : memref<204800xi32, #tpu.memory_space<hbm>> -> memref<6400xi32, #tpu.memory_space<hbm>>
      %dma_wait3A_120 = tpu.memref_slice %arg2[%multiple_of3A_5] : memref<204800xi32, #tpu.memory_space<hbm>> -> memref<6400xi32, #tpu.memory_space<hbm>>
      tpu.wait_dma2 semaphore(%run_scoped3A : memref<!tpu.dma_semaphore, #tpu.memory_space<semaphore_mem>>) src(%dma_wait3A_120 : memref<6400xi32, #tpu.memory_space<hbm>>) dst(%arg5 : memref<6400xi32, #tpu.memory_space<vmem>>)
      tpu.yield
    }) : () -> ()
    %multiple_of3A_6 = arith.constant 0 : i32
    %multiple_of3A_7 = tpu.assume_multiple %multiple_of3A_6, 8 : i32
    %dma_start3A = arith.constant 0 : i32
    %dma_start3A_8 = arith.constant 0 : i32
    %dma_start3A_9 = tpu.memref_slice %arg6[%dma_start3A, %dma_start3A_8] : memref<200x128xf32, #tpu.memory_space<vmem>> -> memref<104x128xf32, #tpu.memory_space<vmem>>
    %dma_start3A_10 = tpu.memref_slice %arg5[%multiple_of3A_7] : memref<6400xi32, #tpu.memory_space<vmem>> -> memref<104xi32, #tpu.memory_space<vmem>>
    %dma_start3A_11 = arith.constant 0 : i32
    %dma_start3A_12 = arith.constant 0 : i32
    %dma_start3A_13 = tpu.memref_slice %arg3[%dma_start3A_11, %dma_start3A_12] : memref<100000x128xf32, #tpu.memory_space<hbm>> -> memref<100000x128xf32, #tpu.memory_space<hbm>>
    tpu.enqueue_indirect_dma source(%dma_start3A_13 : memref<100000x128xf32, #tpu.memory_space<hbm>>) target(%dma_start3A_9 : memref<104x128xf32, #tpu.memory_space<vmem>>) offsets(%dma_start3A_10 : memref<104xi32, #tpu.memory_space<vmem>>) semaphore(%arg10 : memref<!tpu.dma_semaphore, #tpu.memory_space<semaphore_mem>>)
    %add3A_14 = arith.constant 104 : i32
    %add3A_15 = arith.addi %multiple_of3A_7, %add3A_14 : i32
    %dma_start3A_16 = arith.constant 104 : i32
    %dma_start3A_17 = arith.constant 0 : i32
    %dma_start3A_18 = tpu.memref_slice %arg6[%dma_start3A_16, %dma_start3A_17] : memref<200x128xf32, #tpu.memory_space<vmem>> -> memref<96x128xf32, #tpu.memory_space<vmem>>
    %dma_start3A_19 = tpu.memref_slice %arg5[%add3A_15] : memref<6400xi32, #tpu.memory_space<vmem>> -> memref<96xi32, #tpu.memory_space<vmem>>
    %dma_start3A_20 = arith.constant 0 : i32
    %dma_start3A_21 = arith.constant 0 : i32
    %dma_start3A_22 = tpu.memref_slice %arg3[%dma_start3A_20, %dma_start3A_21] : memref<100000x128xf32, #tpu.memory_space<hbm>> -> memref<100000x128xf32, #tpu.memory_space<hbm>>
    tpu.enqueue_indirect_dma source(%dma_start3A_22 : memref<100000x128xf32, #tpu.memory_space<hbm>>) target(%dma_start3A_18 : memref<96x128xf32, #tpu.memory_space<vmem>>) offsets(%dma_start3A_19 : memref<96xi32, #tpu.memory_space<vmem>>) semaphore(%arg10 : memref<!tpu.dma_semaphore, #tpu.memory_space<semaphore_mem>>)
    %multiple_of3A_23 = arith.constant 200 : i32
    %multiple_of3A_24 = tpu.assume_multiple %multiple_of3A_23, 8 : i32
    %dma_start3A_25 = arith.constant 0 : i32
    %dma_start3A_26 = arith.constant 0 : i32
    %dma_start3A_27 = tpu.memref_slice %arg7[%dma_start3A_25, %dma_start3A_26] : memref<200x128xf32, #tpu.memory_space<vmem>> -> memref<104x128xf32, #tpu.memory_space<vmem>>
    %dma_start3A_28 = tpu.memref_slice %arg5[%multiple_of3A_24] : memref<6400xi32, #tpu.memory_space<vmem>> -> memref<104xi32, #tpu.memory_space<vmem>>
    %dma_start3A_29 = arith.constant 0 : i32
    %dma_start3A_30 = arith.constant 0 : i32
    %dma_start3A_31 = tpu.memref_slice %arg3[%dma_start3A_29, %dma_start3A_30] : memref<100000x128xf32, #tpu.memory_space<hbm>> -> memref<100000x128xf32, #tpu.memory_space<hbm>>
    tpu.enqueue_indirect_dma source(%dma_start3A_31 : memref<100000x128xf32, #tpu.memory_space<hbm>>) target(%dma_start3A_27 : memref<104x128xf32, #tpu.memory_space<vmem>>) offsets(%dma_start3A_28 : memref<104xi32, #tpu.memory_space<vmem>>) semaphore(%arg11 : memref<!tpu.dma_semaphore, #tpu.memory_space<semaphore_mem>>)
    %add3A_32 = arith.constant 104 : i32
    %add3A_33 = arith.addi %multiple_of3A_24, %add3A_32 : i32
    %dma_start3A_34 = arith.constant 104 : i32
    %dma_start3A_35 = arith.constant 0 : i32
    %dma_start3A_36 = tpu.memref_slice %arg7[%dma_start3A_34, %dma_start3A_35] : memref<200x128xf32, #tpu.memory_space<vmem>> -> memref<96x128xf32, #tpu.memory_space<vmem>>
    %dma_start3A_37 = tpu.memref_slice %arg5[%add3A_33] : memref<6400xi32, #tpu.memory_space<vmem>> -> memref<96xi32, #tpu.memory_space<vmem>>
    %dma_start3A_38 = arith.constant 0 : i32
    %dma_start3A_39 = arith.constant 0 : i32
    %dma_start3A_40 = tpu.memref_slice %arg3[%dma_start3A_38, %dma_start3A_39] : memref<100000x128xf32, #tpu.memory_space<hbm>> -> memref<100000x128xf32, #tpu.memory_space<hbm>>
    tpu.enqueue_indirect_dma source(%dma_start3A_40 : memref<100000x128xf32, #tpu.memory_space<hbm>>) target(%dma_start3A_36 : memref<96x128xf32, #tpu.memory_space<vmem>>) offsets(%dma_start3A_37 : memref<96xi32, #tpu.memory_space<vmem>>) semaphore(%arg11 : memref<!tpu.dma_semaphore, #tpu.memory_space<semaphore_mem>>)
    %multiple_of3A_41 = arith.constant 400 : i32
    %multiple_of3A_42 = tpu.assume_multiple %multiple_of3A_41, 8 : i32
    %dma_start3A_43 = arith.constant 0 : i32
    %dma_start3A_44 = arith.constant 0 : i32
    %dma_start3A_45 = tpu.memref_slice %arg8[%dma_start3A_43, %dma_start3A_44] : memref<200x128xf32, #tpu.memory_space<vmem>> -> memref<104x128xf32, #tpu.memory_space<vmem>>
    %dma_start3A_46 = tpu.memref_slice %arg5[%multiple_of3A_42] : memref<6400xi32, #tpu.memory_space<vmem>> -> memref<104xi32, #tpu.memory_space<vmem>>
    %dma_start3A_47 = arith.constant 0 : i32
    %dma_start3A_48 = arith.constant 0 : i32
    %dma_start3A_49 = tpu.memref_slice %arg3[%dma_start3A_47, %dma_start3A_48] : memref<100000x128xf32, #tpu.memory_space<hbm>> -> memref<100000x128xf32, #tpu.memory_space<hbm>>
    tpu.enqueue_indirect_dma source(%dma_start3A_49 : memref<100000x128xf32, #tpu.memory_space<hbm>>) target(%dma_start3A_45 : memref<104x128xf32, #tpu.memory_space<vmem>>) offsets(%dma_start3A_46 : memref<104xi32, #tpu.memory_space<vmem>>) semaphore(%arg12 : memref<!tpu.dma_semaphore, #tpu.memory_space<semaphore_mem>>)
    %add3A_50 = arith.constant 104 : i32
    %add3A_51 = arith.addi %multiple_of3A_42, %add3A_50 : i32
    %dma_start3A_52 = arith.constant 104 : i32
    %dma_start3A_53 = arith.constant 0 : i32
    %dma_start3A_54 = tpu.memref_slice %arg8[%dma_start3A_52, %dma_start3A_53] : memref<200x128xf32, #tpu.memory_space<vmem>> -> memref<96x128xf32, #tpu.memory_space<vmem>>
    %dma_start3A_55 = tpu.memref_slice %arg5[%add3A_51] : memref<6400xi32, #tpu.memory_space<vmem>> -> memref<96xi32, #tpu.memory_space<vmem>>
    %dma_start3A_56 = arith.constant 0 : i32
    %dma_start3A_57 = arith.constant 0 : i32
    %dma_start3A_58 = tpu.memref_slice %arg3[%dma_start3A_56, %dma_start3A_57] : memref<100000x128xf32, #tpu.memory_space<hbm>> -> memref<100000x128xf32, #tpu.memory_space<hbm>>
    tpu.enqueue_indirect_dma source(%dma_start3A_58 : memref<100000x128xf32, #tpu.memory_space<hbm>>) target(%dma_start3A_54 : memref<96x128xf32, #tpu.memory_space<vmem>>) offsets(%dma_start3A_55 : memref<96xi32, #tpu.memory_space<vmem>>) semaphore(%arg12 : memref<!tpu.dma_semaphore, #tpu.memory_space<semaphore_mem>>)
    %multiple_of3A_59 = arith.constant 600 : i32
    %multiple_of3A_60 = tpu.assume_multiple %multiple_of3A_59, 8 : i32
    %dma_start3A_61 = arith.constant 0 : i32
    %dma_start3A_62 = arith.constant 0 : i32
    %dma_start3A_63 = tpu.memref_slice %arg9[%dma_start3A_61, %dma_start3A_62] : memref<200x128xf32, #tpu.memory_space<vmem>> -> memref<104x128xf32, #tpu.memory_space<vmem>>
    %dma_start3A_64 = tpu.memref_slice %arg5[%multiple_of3A_60] : memref<6400xi32, #tpu.memory_space<vmem>> -> memref<104xi32, #tpu.memory_space<vmem>>
    %dma_start3A_65 = arith.constant 0 : i32
    %dma_start3A_66 = arith.constant 0 : i32
    %dma_start3A_67 = tpu.memref_slice %arg3[%dma_start3A_65, %dma_start3A_66] : memref<100000x128xf32, #tpu.memory_space<hbm>> -> memref<100000x128xf32, #tpu.memory_space<hbm>>
    tpu.enqueue_indirect_dma source(%dma_start3A_67 : memref<100000x128xf32, #tpu.memory_space<hbm>>) target(%dma_start3A_63 : memref<104x128xf32, #tpu.memory_space<vmem>>) offsets(%dma_start3A_64 : memref<104xi32, #tpu.memory_space<vmem>>) semaphore(%arg13 : memref<!tpu.dma_semaphore, #tpu.memory_space<semaphore_mem>>)
    %add3A_68 = arith.constant 104 : i32
    %add3A_69 = arith.addi %multiple_of3A_60, %add3A_68 : i32
    %dma_start3A_70 = arith.constant 104 : i32
    %dma_start3A_71 = arith.constant 0 : i32
    %dma_start3A_72 = tpu.memref_slice %arg9[%dma_start3A_70, %dma_start3A_71] : memref<200x128xf32, #tpu.memory_space<vmem>> -> memref<96x128xf32, #tpu.memory_space<vmem>>
    %dma_start3A_73 = tpu.memref_slice %arg5[%add3A_69] : memref<6400xi32, #tpu.memory_space<vmem>> -> memref<96xi32, #tpu.memory_space<vmem>>
    %dma_start3A_74 = arith.constant 0 : i32
    %dma_start3A_75 = arith.constant 0 : i32
    %dma_start3A_76 = tpu.memref_slice %arg3[%dma_start3A_74, %dma_start3A_75] : memref<100000x128xf32, #tpu.memory_space<hbm>> -> memref<100000x128xf32, #tpu.memory_space<hbm>>
    tpu.enqueue_indirect_dma source(%dma_start3A_76 : memref<100000x128xf32, #tpu.memory_space<hbm>>) target(%dma_start3A_72 : memref<96x128xf32, #tpu.memory_space<vmem>>) offsets(%dma_start3A_73 : memref<96xi32, #tpu.memory_space<vmem>>) semaphore(%arg13 : memref<!tpu.dma_semaphore, #tpu.memory_space<semaphore_mem>>)
    %scan3A = arith.constant 0 : i32
    %scan3A_77 = arith.constant 0 : i32
    %scan3A_78 = arith.constant 8 : i32
    %scan3A_79 = arith.addi %scan3A_77, %scan3A_78 : i32
    %scan3A_80 = arith.constant 1 : i32
    scf.for %scan3A_117 = %scan3A_77 to %scan3A_79 step %scan3A_80  : i32 {
      %mul3A_118 = arith.constant 4 : i32
      %mul3A_119 = arith.muli %scan3A_117, %mul3A_118 : i32
      %add3A_120 = arith.constant 0 : i32
      %add3A_121 = arith.addi %mul3A_119, %add3A_120 : i32
      %dma_wait3A_122 = arith.constant 0 : i32
      %dma_wait3A_123 = arith.constant 0 : i32
      %dma_wait3A_124 = tpu.memref_slice %arg6[%dma_wait3A_122, %dma_wait3A_123] : memref<200x128xf32, #tpu.memory_space<vmem>> -> memref<104x128xf32, #tpu.memory_space<vmem>>
      %dma_wait3A_125 = arith.constant 0 : i32
      %dma_wait3A_126 = tpu.memref_slice %arg5[%dma_wait3A_125] : memref<6400xi32, #tpu.memory_space<vmem>> -> memref<104xi32, #tpu.memory_space<vmem>>
      %dma_wait3A_127 = arith.constant 0 : i32
      %dma_wait3A_128 = arith.constant 0 : i32
      %dma_wait3A_129 = tpu.memref_slice %arg3[%dma_wait3A_127, %dma_wait3A_128] : memref<100000x128xf32, #tpu.memory_space<hbm>> -> memref<100000x128xf32, #tpu.memory_space<hbm>>
      tpu.wait_indirect_dma semaphore(%arg10 : memref<!tpu.dma_semaphore, #tpu.memory_space<semaphore_mem>>) src(%dma_wait3A_129 : memref<100000x128xf32, #tpu.memory_space<hbm>>) dst(%dma_wait3A_124 : memref<104x128xf32, #tpu.memory_space<vmem>>)
      %dma_wait3A_130 = arith.constant 104 : i32
      %dma_wait3A_131 = arith.constant 0 : i32
      %dma_wait3A_132 = tpu.memref_slice %arg6[%dma_wait3A_130, %dma_wait3A_131] : memref<200x128xf32, #tpu.memory_space<vmem>> -> memref<96x128xf32, #tpu.memory_space<vmem>>
      %dma_wait3A_133 = arith.constant 0 : i32
      %dma_wait3A_134 = tpu.memref_slice %arg5[%dma_wait3A_133] : memref<6400xi32, #tpu.memory_space<vmem>> -> memref<96xi32, #tpu.memory_space<vmem>>
      %dma_wait3A_135 = arith.constant 0 : i32
      %dma_wait3A_136 = arith.constant 0 : i32
      %dma_wait3A_137 = tpu.memref_slice %arg3[%dma_wait3A_135, %dma_wait3A_136] : memref<100000x128xf32, #tpu.memory_space<hbm>> -> memref<100000x128xf32, #tpu.memory_space<hbm>>
      tpu.wait_indirect_dma semaphore(%arg10 : memref<!tpu.dma_semaphore, #tpu.memory_space<semaphore_mem>>) src(%dma_wait3A_137 : memref<100000x128xf32, #tpu.memory_space<hbm>>) dst(%dma_wait3A_132 : memref<96x128xf32, #tpu.memory_space<vmem>>)
      %add3A_138 = arith.addi %multiple_of3A, %add3A_121 : i32
      %mul3A_139 = arith.constant 200 : i32
      %mul3A_140 = arith.muli %add3A_138, %mul3A_139 : i32
      %multiple_of3A_141 = tpu.assume_multiple %mul3A_140, 8 : i32
      %dma_start3A_142 = arith.constant 0 : i32
      %dma_start3A_143 = tpu.memref_slice %arg4[%multiple_of3A_141, %dma_start3A_142] : memref<204800x128xf32, #tpu.memory_space<hbm>> -> memref<200x128xf32, #tpu.memory_space<hbm>>
      %dma_start3A_144 = arith.constant 0 : i32
      %dma_start3A_145 = tpu.memref_slice %arg4[%multiple_of3A_141, %dma_start3A_144] : memref<204800x128xf32, #tpu.memory_space<hbm>> -> memref<200x128xf32, #tpu.memory_space<hbm>>
      tpu.enqueue_dma source(%arg6 : memref<200x128xf32, #tpu.memory_space<vmem>>) target(%dma_start3A_145 : memref<200x128xf32, #tpu.memory_space<hbm>>) target_semaphore(%arg14 : memref<!tpu.dma_semaphore, #tpu.memory_space<semaphore_mem>>)
      %lt3A = arith.constant 7 : i32
      %lt3A_146 = arith.cmpi slt, %scan3A_117, %lt3A : i32
      %convert_element_type3A = arith.extui %lt3A_146 : i1 to i32
      %cond3A = arith.constant 0 : i32
      %cond3A_147 = arith.cmpi ne, %convert_element_type3A, %cond3A : i32
      scf.if %cond3A_147 {
        %add3A_247 = arith.constant 0 : i32
        %add3A_248 = arith.addi %multiple_of3A, %add3A_247 : i32
        %mul3A_249 = arith.constant 200 : i32
        %mul3A_250 = arith.muli %add3A_248, %mul3A_249 : i32
        %multiple_of3A_251 = tpu.assume_multiple %mul3A_250, 8 : i32
        %dma_wait3A_252 = arith.constant 0 : i32
        %dma_wait3A_253 = tpu.memref_slice %arg4[%multiple_of3A_251, %dma_wait3A_252] : memref<204800x128xf32, #tpu.memory_space<hbm>> -> memref<200x128xf32, #tpu.memory_space<hbm>>
        %dma_wait3A_254 = arith.constant 0 : i32
        %dma_wait3A_255 = tpu.memref_slice %arg4[%multiple_of3A_251, %dma_wait3A_254] : memref<204800x128xf32, #tpu.memory_space<hbm>> -> memref<200x128xf32, #tpu.memory_space<hbm>>
        tpu.wait_dma2 semaphore(%arg14 : memref<!tpu.dma_semaphore, #tpu.memory_space<semaphore_mem>>) src(%arg6 : memref<200x128xf32, #tpu.memory_space<vmem>>) dst(%dma_wait3A_255 : memref<200x128xf32, #tpu.memory_space<hbm>>)
        %add3A_256 = arith.constant 4 : i32
        %add3A_257 = arith.addi %add3A_121, %add3A_256 : i32
        %mul3A_258 = arith.constant 200 : i32
        %mul3A_259 = arith.muli %add3A_257, %mul3A_258 : i32
        %multiple_of3A_260 = tpu.assume_multiple %mul3A_259, 8 : i32
        %dma_start3A_261 = arith.constant 0 : i32
        %dma_start3A_262 = arith.constant 0 : i32
        %dma_start3A_263 = tpu.memref_slice %arg6[%dma_start3A_261, %dma_start3A_262] : memref<200x128xf32, #tpu.memory_space<vmem>> -> memref<104x128xf32, #tpu.memory_space<vmem>>
        %dma_start3A_264 = tpu.memref_slice %arg5[%multiple_of3A_260] : memref<6400xi32, #tpu.memory_space<vmem>> -> memref<104xi32, #tpu.memory_space<vmem>>
        %dma_start3A_265 = arith.constant 0 : i32
        %dma_start3A_266 = arith.constant 0 : i32
        %dma_start3A_267 = tpu.memref_slice %arg3[%dma_start3A_265, %dma_start3A_266] : memref<100000x128xf32, #tpu.memory_space<hbm>> -> memref<100000x128xf32, #tpu.memory_space<hbm>>
        tpu.enqueue_indirect_dma source(%dma_start3A_267 : memref<100000x128xf32, #tpu.memory_space<hbm>>) target(%dma_start3A_263 : memref<104x128xf32, #tpu.memory_space<vmem>>) offsets(%dma_start3A_264 : memref<104xi32, #tpu.memory_space<vmem>>) semaphore(%arg10 : memref<!tpu.dma_semaphore, #tpu.memory_space<semaphore_mem>>)
        %add3A_268 = arith.constant 104 : i32
        %add3A_269 = arith.addi %multiple_of3A_260, %add3A_268 : i32
        %dma_start3A_270 = arith.constant 104 : i32
        %dma_start3A_271 = arith.constant 0 : i32
        %dma_start3A_272 = tpu.memref_slice %arg6[%dma_start3A_270, %dma_start3A_271] : memref<200x128xf32, #tpu.memory_space<vmem>> -> memref<96x128xf32, #tpu.memory_space<vmem>>
        %dma_start3A_273 = tpu.memref_slice %arg5[%add3A_269] : memref<6400xi32, #tpu.memory_space<vmem>> -> memref<96xi32, #tpu.memory_space<vmem>>
        %dma_start3A_274 = arith.constant 0 : i32
        %dma_start3A_275 = arith.constant 0 : i32
        %dma_start3A_276 = tpu.memref_slice %arg3[%dma_start3A_274, %dma_start3A_275] : memref<100000x128xf32, #tpu.memory_space<hbm>> -> memref<100000x128xf32, #tpu.memory_space<hbm>>
        tpu.enqueue_indirect_dma source(%dma_start3A_276 : memref<100000x128xf32, #tpu.memory_space<hbm>>) target(%dma_start3A_272 : memref<96x128xf32, #tpu.memory_space<vmem>>) offsets(%dma_start3A_273 : memref<96xi32, #tpu.memory_space<vmem>>) semaphore(%arg10 : memref<!tpu.dma_semaphore, #tpu.memory_space<semaphore_mem>>)
      } else {
      }
      %mul3A_148 = arith.constant 4 : i32
      %mul3A_149 = arith.muli %scan3A_117, %mul3A_148 : i32
      %add3A_150 = arith.constant 1 : i32
      %add3A_151 = arith.addi %mul3A_149, %add3A_150 : i32
      %dma_wait3A_152 = arith.constant 0 : i32
      %dma_wait3A_153 = arith.constant 0 : i32
      %dma_wait3A_154 = tpu.memref_slice %arg7[%dma_wait3A_152, %dma_wait3A_153] : memref<200x128xf32, #tpu.memory_space<vmem>> -> memref<104x128xf32, #tpu.memory_space<vmem>>
      %dma_wait3A_155 = arith.constant 0 : i32
      %dma_wait3A_156 = tpu.memref_slice %arg5[%dma_wait3A_155] : memref<6400xi32, #tpu.memory_space<vmem>> -> memref<104xi32, #tpu.memory_space<vmem>>
      %dma_wait3A_157 = arith.constant 0 : i32
      %dma_wait3A_158 = arith.constant 0 : i32
      %dma_wait3A_159 = tpu.memref_slice %arg3[%dma_wait3A_157, %dma_wait3A_158] : memref<100000x128xf32, #tpu.memory_space<hbm>> -> memref<100000x128xf32, #tpu.memory_space<hbm>>
      tpu.wait_indirect_dma semaphore(%arg11 : memref<!tpu.dma_semaphore, #tpu.memory_space<semaphore_mem>>) src(%dma_wait3A_159 : memref<100000x128xf32, #tpu.memory_space<hbm>>) dst(%dma_wait3A_154 : memref<104x128xf32, #tpu.memory_space<vmem>>)
      %dma_wait3A_160 = arith.constant 104 : i32
      %dma_wait3A_161 = arith.constant 0 : i32
      %dma_wait3A_162 = tpu.memref_slice %arg7[%dma_wait3A_160, %dma_wait3A_161] : memref<200x128xf32, #tpu.memory_space<vmem>> -> memref<96x128xf32, #tpu.memory_space<vmem>>
      %dma_wait3A_163 = arith.constant 0 : i32
      %dma_wait3A_164 = tpu.memref_slice %arg5[%dma_wait3A_163] : memref<6400xi32, #tpu.memory_space<vmem>> -> memref<96xi32, #tpu.memory_space<vmem>>
      %dma_wait3A_165 = arith.constant 0 : i32
      %dma_wait3A_166 = arith.constant 0 : i32
      %dma_wait3A_167 = tpu.memref_slice %arg3[%dma_wait3A_165, %dma_wait3A_166] : memref<100000x128xf32, #tpu.memory_space<hbm>> -> memref<100000x128xf32, #tpu.memory_space<hbm>>
      tpu.wait_indirect_dma semaphore(%arg11 : memref<!tpu.dma_semaphore, #tpu.memory_space<semaphore_mem>>) src(%dma_wait3A_167 : memref<100000x128xf32, #tpu.memory_space<hbm>>) dst(%dma_wait3A_162 : memref<96x128xf32, #tpu.memory_space<vmem>>)
      %add3A_168 = arith.addi %multiple_of3A, %add3A_151 : i32
      %mul3A_169 = arith.constant 200 : i32
      %mul3A_170 = arith.muli %add3A_168, %mul3A_169 : i32
      %multiple_of3A_171 = tpu.assume_multiple %mul3A_170, 8 : i32
      %dma_start3A_172 = arith.constant 0 : i32
      %dma_start3A_173 = tpu.memref_slice %arg4[%multiple_of3A_171, %dma_start3A_172] : memref<204800x128xf32, #tpu.memory_space<hbm>> -> memref<200x128xf32, #tpu.memory_space<hbm>>
      %dma_start3A_174 = arith.constant 0 : i32
      %dma_start3A_175 = tpu.memref_slice %arg4[%multiple_of3A_171, %dma_start3A_174] : memref<204800x128xf32, #tpu.memory_space<hbm>> -> memref<200x128xf32, #tpu.memory_space<hbm>>
      tpu.enqueue_dma source(%arg7 : memref<200x128xf32, #tpu.memory_space<vmem>>) target(%dma_start3A_175 : memref<200x128xf32, #tpu.memory_space<hbm>>) target_semaphore(%arg15 : memref<!tpu.dma_semaphore, #tpu.memory_space<semaphore_mem>>)
      %lt3A_176 = arith.constant 7 : i32
      %lt3A_177 = arith.cmpi slt, %scan3A_117, %lt3A_176 : i32
      %convert_element_type3A_178 = arith.extui %lt3A_177 : i1 to i32
      %cond3A_179 = arith.constant 0 : i32
      %cond3A_180 = arith.cmpi ne, %convert_element_type3A_178, %cond3A_179 : i32
      scf.if %cond3A_180 {
        %add3A_247 = arith.constant 0 : i32
        %add3A_248 = arith.addi %multiple_of3A, %add3A_247 : i32
        %mul3A_249 = arith.constant 200 : i32
        %mul3A_250 = arith.muli %add3A_248, %mul3A_249 : i32
        %multiple_of3A_251 = tpu.assume_multiple %mul3A_250, 8 : i32
        %dma_wait3A_252 = arith.constant 0 : i32
        %dma_wait3A_253 = tpu.memref_slice %arg4[%multiple_of3A_251, %dma_wait3A_252] : memref<204800x128xf32, #tpu.memory_space<hbm>> -> memref<200x128xf32, #tpu.memory_space<hbm>>
        %dma_wait3A_254 = arith.constant 0 : i32
        %dma_wait3A_255 = tpu.memref_slice %arg4[%multiple_of3A_251, %dma_wait3A_254] : memref<204800x128xf32, #tpu.memory_space<hbm>> -> memref<200x128xf32, #tpu.memory_space<hbm>>
        tpu.wait_dma2 semaphore(%arg15 : memref<!tpu.dma_semaphore, #tpu.memory_space<semaphore_mem>>) src(%arg7 : memref<200x128xf32, #tpu.memory_space<vmem>>) dst(%dma_wait3A_255 : memref<200x128xf32, #tpu.memory_space<hbm>>)
        %add3A_256 = arith.constant 4 : i32
        %add3A_257 = arith.addi %add3A_151, %add3A_256 : i32
        %mul3A_258 = arith.constant 200 : i32
        %mul3A_259 = arith.muli %add3A_257, %mul3A_258 : i32
        %multiple_of3A_260 = tpu.assume_multiple %mul3A_259, 8 : i32
        %dma_start3A_261 = arith.constant 0 : i32
        %dma_start3A_262 = arith.constant 0 : i32
        %dma_start3A_263 = tpu.memref_slice %arg7[%dma_start3A_261, %dma_start3A_262] : memref<200x128xf32, #tpu.memory_space<vmem>> -> memref<104x128xf32, #tpu.memory_space<vmem>>
        %dma_start3A_264 = tpu.memref_slice %arg5[%multiple_of3A_260] : memref<6400xi32, #tpu.memory_space<vmem>> -> memref<104xi32, #tpu.memory_space<vmem>>
        %dma_start3A_265 = arith.constant 0 : i32
        %dma_start3A_266 = arith.constant 0 : i32
        %dma_start3A_267 = tpu.memref_slice %arg3[%dma_start3A_265, %dma_start3A_266] : memref<100000x128xf32, #tpu.memory_space<hbm>> -> memref<100000x128xf32, #tpu.memory_space<hbm>>
        tpu.enqueue_indirect_dma source(%dma_start3A_267 : memref<100000x128xf32, #tpu.memory_space<hbm>>) target(%dma_start3A_263 : memref<104x128xf32, #tpu.memory_space<vmem>>) offsets(%dma_start3A_264 : memref<104xi32, #tpu.memory_space<vmem>>) semaphore(%arg11 : memref<!tpu.dma_semaphore, #tpu.memory_space<semaphore_mem>>)
        %add3A_268 = arith.constant 104 : i32
        %add3A_269 = arith.addi %multiple_of3A_260, %add3A_268 : i32
        %dma_start3A_270 = arith.constant 104 : i32
        %dma_start3A_271 = arith.constant 0 : i32
        %dma_start3A_272 = tpu.memref_slice %arg7[%dma_start3A_270, %dma_start3A_271] : memref<200x128xf32, #tpu.memory_space<vmem>> -> memref<96x128xf32, #tpu.memory_space<vmem>>
        %dma_start3A_273 = tpu.memref_slice %arg5[%add3A_269] : memref<6400xi32, #tpu.memory_space<vmem>> -> memref<96xi32, #tpu.memory_space<vmem>>
        %dma_start3A_274 = arith.constant 0 : i32
        %dma_start3A_275 = arith.constant 0 : i32
        %dma_start3A_276 = tpu.memref_slice %arg3[%dma_start3A_274, %dma_start3A_275] : memref<100000x128xf32, #tpu.memory_space<hbm>> -> memref<100000x128xf32, #tpu.memory_space<hbm>>
        tpu.enqueue_indirect_dma source(%dma_start3A_276 : memref<100000x128xf32, #tpu.memory_space<hbm>>) target(%dma_start3A_272 : memref<96x128xf32, #tpu.memory_space<vmem>>) offsets(%dma_start3A_273 : memref<96xi32, #tpu.memory_space<vmem>>) semaphore(%arg11 : memref<!tpu.dma_semaphore, #tpu.memory_space<semaphore_mem>>)
      } else {
      }
      %mul3A_181 = arith.constant 4 : i32
      %mul3A_182 = arith.muli %scan3A_117, %mul3A_181 : i32
      %add3A_183 = arith.constant 2 : i32
      %add3A_184 = arith.addi %mul3A_182, %add3A_183 : i32
      %dma_wait3A_185 = arith.constant 0 : i32
      %dma_wait3A_186 = arith.constant 0 : i32
      %dma_wait3A_187 = tpu.memref_slice %arg8[%dma_wait3A_185, %dma_wait3A_186] : memref<200x128xf32, #tpu.memory_space<vmem>> -> memref<104x128xf32, #tpu.memory_space<vmem>>
      %dma_wait3A_188 = arith.constant 0 : i32
      %dma_wait3A_189 = tpu.memref_slice %arg5[%dma_wait3A_188] : memref<6400xi32, #tpu.memory_space<vmem>> -> memref<104xi32, #tpu.memory_space<vmem>>
      %dma_wait3A_190 = arith.constant 0 : i32
      %dma_wait3A_191 = arith.constant 0 : i32
      %dma_wait3A_192 = tpu.memref_slice %arg3[%dma_wait3A_190, %dma_wait3A_191] : memref<100000x128xf32, #tpu.memory_space<hbm>> -> memref<100000x128xf32, #tpu.memory_space<hbm>>
      tpu.wait_indirect_dma semaphore(%arg12 : memref<!tpu.dma_semaphore, #tpu.memory_space<semaphore_mem>>) src(%dma_wait3A_192 : memref<100000x128xf32, #tpu.memory_space<hbm>>) dst(%dma_wait3A_187 : memref<104x128xf32, #tpu.memory_space<vmem>>)
      %dma_wait3A_193 = arith.constant 104 : i32
      %dma_wait3A_194 = arith.constant 0 : i32
      %dma_wait3A_195 = tpu.memref_slice %arg8[%dma_wait3A_193, %dma_wait3A_194] : memref<200x128xf32, #tpu.memory_space<vmem>> -> memref<96x128xf32, #tpu.memory_space<vmem>>
      %dma_wait3A_196 = arith.constant 0 : i32
      %dma_wait3A_197 = tpu.memref_slice %arg5[%dma_wait3A_196] : memref<6400xi32, #tpu.memory_space<vmem>> -> memref<96xi32, #tpu.memory_space<vmem>>
      %dma_wait3A_198 = arith.constant 0 : i32
      %dma_wait3A_199 = arith.constant 0 : i32
      %dma_wait3A_200 = tpu.memref_slice %arg3[%dma_wait3A_198, %dma_wait3A_199] : memref<100000x128xf32, #tpu.memory_space<hbm>> -> memref<100000x128xf32, #tpu.memory_space<hbm>>
      tpu.wait_indirect_dma semaphore(%arg12 : memref<!tpu.dma_semaphore, #tpu.memory_space<semaphore_mem>>) src(%dma_wait3A_200 : memref<100000x128xf32, #tpu.memory_space<hbm>>) dst(%dma_wait3A_195 : memref<96x128xf32, #tpu.memory_space<vmem>>)
      %add3A_201 = arith.addi %multiple_of3A, %add3A_184 : i32
      %mul3A_202 = arith.constant 200 : i32
      %mul3A_203 = arith.muli %add3A_201, %mul3A_202 : i32
      %multiple_of3A_204 = tpu.assume_multiple %mul3A_203, 8 : i32
      %dma_start3A_205 = arith.constant 0 : i32
      %dma_start3A_206 = tpu.memref_slice %arg4[%multiple_of3A_204, %dma_start3A_205] : memref<204800x128xf32, #tpu.memory_space<hbm>> -> memref<200x128xf32, #tpu.memory_space<hbm>>
      %dma_start3A_207 = arith.constant 0 : i32
      %dma_start3A_208 = tpu.memref_slice %arg4[%multiple_of3A_204, %dma_start3A_207] : memref<204800x128xf32, #tpu.memory_space<hbm>> -> memref<200x128xf32, #tpu.memory_space<hbm>>
      tpu.enqueue_dma source(%arg8 : memref<200x128xf32, #tpu.memory_space<vmem>>) target(%dma_start3A_208 : memref<200x128xf32, #tpu.memory_space<hbm>>) target_semaphore(%arg16 : memref<!tpu.dma_semaphore, #tpu.memory_space<semaphore_mem>>)
      %lt3A_209 = arith.constant 7 : i32
      %lt3A_210 = arith.cmpi slt, %scan3A_117, %lt3A_209 : i32
      %convert_element_type3A_211 = arith.extui %lt3A_210 : i1 to i32
      %cond3A_212 = arith.constant 0 : i32
      %cond3A_213 = arith.cmpi ne, %convert_element_type3A_211, %cond3A_212 : i32
      scf.if %cond3A_213 {
        %add3A_247 = arith.constant 0 : i32
        %add3A_248 = arith.addi %multiple_of3A, %add3A_247 : i32
        %mul3A_249 = arith.constant 200 : i32
        %mul3A_250 = arith.muli %add3A_248, %mul3A_249 : i32
        %multiple_of3A_251 = tpu.assume_multiple %mul3A_250, 8 : i32
        %dma_wait3A_252 = arith.constant 0 : i32
        %dma_wait3A_253 = tpu.memref_slice %arg4[%multiple_of3A_251, %dma_wait3A_252] : memref<204800x128xf32, #tpu.memory_space<hbm>> -> memref<200x128xf32, #tpu.memory_space<hbm>>
        %dma_wait3A_254 = arith.constant 0 : i32
        %dma_wait3A_255 = tpu.memref_slice %arg4[%multiple_of3A_251, %dma_wait3A_254] : memref<204800x128xf32, #tpu.memory_space<hbm>> -> memref<200x128xf32, #tpu.memory_space<hbm>>
        tpu.wait_dma2 semaphore(%arg16 : memref<!tpu.dma_semaphore, #tpu.memory_space<semaphore_mem>>) src(%arg8 : memref<200x128xf32, #tpu.memory_space<vmem>>) dst(%dma_wait3A_255 : memref<200x128xf32, #tpu.memory_space<hbm>>)
        %add3A_256 = arith.constant 4 : i32
        %add3A_257 = arith.addi %add3A_184, %add3A_256 : i32
        %mul3A_258 = arith.constant 200 : i32
        %mul3A_259 = arith.muli %add3A_257, %mul3A_258 : i32
        %multiple_of3A_260 = tpu.assume_multiple %mul3A_259, 8 : i32
        %dma_start3A_261 = arith.constant 0 : i32
        %dma_start3A_262 = arith.constant 0 : i32
        %dma_start3A_263 = tpu.memref_slice %arg8[%dma_start3A_261, %dma_start3A_262] : memref<200x128xf32, #tpu.memory_space<vmem>> -> memref<104x128xf32, #tpu.memory_space<vmem>>
        %dma_start3A_264 = tpu.memref_slice %arg5[%multiple_of3A_260] : memref<6400xi32, #tpu.memory_space<vmem>> -> memref<104xi32, #tpu.memory_space<vmem>>
        %dma_start3A_265 = arith.constant 0 : i32
        %dma_start3A_266 = arith.constant 0 : i32
        %dma_start3A_267 = tpu.memref_slice %arg3[%dma_start3A_265, %dma_start3A_266] : memref<100000x128xf32, #tpu.memory_space<hbm>> -> memref<100000x128xf32, #tpu.memory_space<hbm>>
        tpu.enqueue_indirect_dma source(%dma_start3A_267 : memref<100000x128xf32, #tpu.memory_space<hbm>>) target(%dma_start3A_263 : memref<104x128xf32, #tpu.memory_space<vmem>>) offsets(%dma_start3A_264 : memref<104xi32, #tpu.memory_space<vmem>>) semaphore(%arg12 : memref<!tpu.dma_semaphore, #tpu.memory_space<semaphore_mem>>)
        %add3A_268 = arith.constant 104 : i32
        %add3A_269 = arith.addi %multiple_of3A_260, %add3A_268 : i32
        %dma_start3A_270 = arith.constant 104 : i32
        %dma_start3A_271 = arith.constant 0 : i32
        %dma_start3A_272 = tpu.memref_slice %arg8[%dma_start3A_270, %dma_start3A_271] : memref<200x128xf32, #tpu.memory_space<vmem>> -> memref<96x128xf32, #tpu.memory_space<vmem>>
        %dma_start3A_273 = tpu.memref_slice %arg5[%add3A_269] : memref<6400xi32, #tpu.memory_space<vmem>> -> memref<96xi32, #tpu.memory_space<vmem>>
        %dma_start3A_274 = arith.constant 0 : i32
        %dma_start3A_275 = arith.constant 0 : i32
        %dma_start3A_276 = tpu.memref_slice %arg3[%dma_start3A_274, %dma_start3A_275] : memref<100000x128xf32, #tpu.memory_space<hbm>> -> memref<100000x128xf32, #tpu.memory_space<hbm>>
        tpu.enqueue_indirect_dma source(%dma_start3A_276 : memref<100000x128xf32, #tpu.memory_space<hbm>>) target(%dma_start3A_272 : memref<96x128xf32, #tpu.memory_space<vmem>>) offsets(%dma_start3A_273 : memref<96xi32, #tpu.memory_space<vmem>>) semaphore(%arg12 : memref<!tpu.dma_semaphore, #tpu.memory_space<semaphore_mem>>)
      } else {
      }
      %mul3A_214 = arith.constant 4 : i32
      %mul3A_215 = arith.muli %scan3A_117, %mul3A_214 : i32
      %add3A_216 = arith.constant 3 : i32
      %add3A_217 = arith.addi %mul3A_215, %add3A_216 : i32
      %dma_wait3A_218 = arith.constant 0 : i32
      %dma_wait3A_219 = arith.constant 0 : i32
      %dma_wait3A_220 = tpu.memref_slice %arg9[%dma_wait3A_218, %dma_wait3A_219] : memref<200x128xf32, #tpu.memory_space<vmem>> -> memref<104x128xf32, #tpu.memory_space<vmem>>
      %dma_wait3A_221 = arith.constant 0 : i32
      %dma_wait3A_222 = tpu.memref_slice %arg5[%dma_wait3A_221] : memref<6400xi32, #tpu.memory_space<vmem>> -> memref<104xi32, #tpu.memory_space<vmem>>
      %dma_wait3A_223 = arith.constant 0 : i32
      %dma_wait3A_224 = arith.constant 0 : i32
      %dma_wait3A_225 = tpu.memref_slice %arg3[%dma_wait3A_223, %dma_wait3A_224] : memref<100000x128xf32, #tpu.memory_space<hbm>> -> memref<100000x128xf32, #tpu.memory_space<hbm>>
      tpu.wait_indirect_dma semaphore(%arg13 : memref<!tpu.dma_semaphore, #tpu.memory_space<semaphore_mem>>) src(%dma_wait3A_225 : memref<100000x128xf32, #tpu.memory_space<hbm>>) dst(%dma_wait3A_220 : memref<104x128xf32, #tpu.memory_space<vmem>>)
      %dma_wait3A_226 = arith.constant 104 : i32
      %dma_wait3A_227 = arith.constant 0 : i32
      %dma_wait3A_228 = tpu.memref_slice %arg9[%dma_wait3A_226, %dma_wait3A_227] : memref<200x128xf32, #tpu.memory_space<vmem>> -> memref<96x128xf32, #tpu.memory_space<vmem>>
      %dma_wait3A_229 = arith.constant 0 : i32
      %dma_wait3A_230 = tpu.memref_slice %arg5[%dma_wait3A_229] : memref<6400xi32, #tpu.memory_space<vmem>> -> memref<96xi32, #tpu.memory_space<vmem>>
      %dma_wait3A_231 = arith.constant 0 : i32
      %dma_wait3A_232 = arith.constant 0 : i32
      %dma_wait3A_233 = tpu.memref_slice %arg3[%dma_wait3A_231, %dma_wait3A_232] : memref<100000x128xf32, #tpu.memory_space<hbm>> -> memref<100000x128xf32, #tpu.memory_space<hbm>>
      tpu.wait_indirect_dma semaphore(%arg13 : memref<!tpu.dma_semaphore, #tpu.memory_space<semaphore_mem>>) src(%dma_wait3A_233 : memref<100000x128xf32, #tpu.memory_space<hbm>>) dst(%dma_wait3A_228 : memref<96x128xf32, #tpu.memory_space<vmem>>)
      %add3A_234 = arith.addi %multiple_of3A, %add3A_217 : i32
      %mul3A_235 = arith.constant 200 : i32
      %mul3A_236 = arith.muli %add3A_234, %mul3A_235 : i32
      %multiple_of3A_237 = tpu.assume_multiple %mul3A_236, 8 : i32
      %dma_start3A_238 = arith.constant 0 : i32
      %dma_start3A_239 = tpu.memref_slice %arg4[%multiple_of3A_237, %dma_start3A_238] : memref<204800x128xf32, #tpu.memory_space<hbm>> -> memref<200x128xf32, #tpu.memory_space<hbm>>
      %dma_start3A_240 = arith.constant 0 : i32
      %dma_start3A_241 = tpu.memref_slice %arg4[%multiple_of3A_237, %dma_start3A_240] : memref<204800x128xf32, #tpu.memory_space<hbm>> -> memref<200x128xf32, #tpu.memory_space<hbm>>
      tpu.enqueue_dma source(%arg9 : memref<200x128xf32, #tpu.memory_space<vmem>>) target(%dma_start3A_241 : memref<200x128xf32, #tpu.memory_space<hbm>>) target_semaphore(%arg17 : memref<!tpu.dma_semaphore, #tpu.memory_space<semaphore_mem>>)
      %lt3A_242 = arith.constant 7 : i32
      %lt3A_243 = arith.cmpi slt, %scan3A_117, %lt3A_242 : i32
      %convert_element_type3A_244 = arith.extui %lt3A_243 : i1 to i32
      %cond3A_245 = arith.constant 0 : i32
      %cond3A_246 = arith.cmpi ne, %convert_element_type3A_244, %cond3A_245 : i32
      scf.if %cond3A_246 {
        %add3A_247 = arith.constant 0 : i32
        %add3A_248 = arith.addi %multiple_of3A, %add3A_247 : i32
        %mul3A_249 = arith.constant 200 : i32
        %mul3A_250 = arith.muli %add3A_248, %mul3A_249 : i32
        %multiple_of3A_251 = tpu.assume_multiple %mul3A_250, 8 : i32
        %dma_wait3A_252 = arith.constant 0 : i32
        %dma_wait3A_253 = tpu.memref_slice %arg4[%multiple_of3A_251, %dma_wait3A_252] : memref<204800x128xf32, #tpu.memory_space<hbm>> -> memref<200x128xf32, #tpu.memory_space<hbm>>
        %dma_wait3A_254 = arith.constant 0 : i32
        %dma_wait3A_255 = tpu.memref_slice %arg4[%multiple_of3A_251, %dma_wait3A_254] : memref<204800x128xf32, #tpu.memory_space<hbm>> -> memref<200x128xf32, #tpu.memory_space<hbm>>
        tpu.wait_dma2 semaphore(%arg17 : memref<!tpu.dma_semaphore, #tpu.memory_space<semaphore_mem>>) src(%arg9 : memref<200x128xf32, #tpu.memory_space<vmem>>) dst(%dma_wait3A_255 : memref<200x128xf32, #tpu.memory_space<hbm>>)
        %add3A_256 = arith.constant 4 : i32
        %add3A_257 = arith.addi %add3A_217, %add3A_256 : i32
        %mul3A_258 = arith.constant 200 : i32
        %mul3A_259 = arith.muli %add3A_257, %mul3A_258 : i32
        %multiple_of3A_260 = tpu.assume_multiple %mul3A_259, 8 : i32
        %dma_start3A_261 = arith.constant 0 : i32
        %dma_start3A_262 = arith.constant 0 : i32
        %dma_start3A_263 = tpu.memref_slice %arg9[%dma_start3A_261, %dma_start3A_262] : memref<200x128xf32, #tpu.memory_space<vmem>> -> memref<104x128xf32, #tpu.memory_space<vmem>>
        %dma_start3A_264 = tpu.memref_slice %arg5[%multiple_of3A_260] : memref<6400xi32, #tpu.memory_space<vmem>> -> memref<104xi32, #tpu.memory_space<vmem>>
        %dma_start3A_265 = arith.constant 0 : i32
        %dma_start3A_266 = arith.constant 0 : i32
        %dma_start3A_267 = tpu.memref_slice %arg3[%dma_start3A_265, %dma_start3A_266] : memref<100000x128xf32, #tpu.memory_space<hbm>> -> memref<100000x128xf32, #tpu.memory_space<hbm>>
        tpu.enqueue_indirect_dma source(%dma_start3A_267 : memref<100000x128xf32, #tpu.memory_space<hbm>>) target(%dma_start3A_263 : memref<104x128xf32, #tpu.memory_space<vmem>>) offsets(%dma_start3A_264 : memref<104xi32, #tpu.memory_space<vmem>>) semaphore(%arg13 : memref<!tpu.dma_semaphore, #tpu.memory_space<semaphore_mem>>)
        %add3A_268 = arith.constant 104 : i32
        %add3A_269 = arith.addi %multiple_of3A_260, %add3A_268 : i32
        %dma_start3A_270 = arith.constant 104 : i32
        %dma_start3A_271 = arith.constant 0 : i32
        %dma_start3A_272 = tpu.memref_slice %arg9[%dma_start3A_270, %dma_start3A_271] : memref<200x128xf32, #tpu.memory_space<vmem>> -> memref<96x128xf32, #tpu.memory_space<vmem>>
        %dma_start3A_273 = tpu.memref_slice %arg5[%add3A_269] : memref<6400xi32, #tpu.memory_space<vmem>> -> memref<96xi32, #tpu.memory_space<vmem>>
        %dma_start3A_274 = arith.constant 0 : i32
        %dma_start3A_275 = arith.constant 0 : i32
        %dma_start3A_276 = tpu.memref_slice %arg3[%dma_start3A_274, %dma_start3A_275] : memref<100000x128xf32, #tpu.memory_space<hbm>> -> memref<100000x128xf32, #tpu.memory_space<hbm>>
        tpu.enqueue_indirect_dma source(%dma_start3A_276 : memref<100000x128xf32, #tpu.memory_space<hbm>>) target(%dma_start3A_272 : memref<96x128xf32, #tpu.memory_space<vmem>>) offsets(%dma_start3A_273 : memref<96xi32, #tpu.memory_space<vmem>>) semaphore(%arg13 : memref<!tpu.dma_semaphore, #tpu.memory_space<semaphore_mem>>)
      } else {
      }
    }
    %scan3A_81 = arith.constant 8 : i32
    %add3A_82 = arith.constant 0 : i32
    %add3A_83 = arith.addi %multiple_of3A, %add3A_82 : i32
    %mul3A_84 = arith.constant 200 : i32
    %mul3A_85 = arith.muli %add3A_83, %mul3A_84 : i32
    %multiple_of3A_86 = tpu.assume_multiple %mul3A_85, 8 : i32
    %dma_wait3A = arith.constant 0 : i32
    %dma_wait3A_87 = tpu.memref_slice %arg4[%multiple_of3A_86, %dma_wait3A] : memref<204800x128xf32, #tpu.memory_space<hbm>> -> memref<200x128xf32, #tpu.memory_space<hbm>>
    %dma_wait3A_88 = arith.constant 0 : i32
    %dma_wait3A_89 = tpu.memref_slice %arg4[%multiple_of3A_86, %dma_wait3A_88] : memref<204800x128xf32, #tpu.memory_space<hbm>> -> memref<200x128xf32, #tpu.memory_space<hbm>>
    tpu.wait_dma2 semaphore(%arg14 : memref<!tpu.dma_semaphore, #tpu.memory_space<semaphore_mem>>) src(%arg6 : memref<200x128xf32, #tpu.memory_space<vmem>>) dst(%dma_wait3A_89 : memref<200x128xf32, #tpu.memory_space<hbm>>)
    %add3A_90 = arith.constant 0 : i32
    %add3A_91 = arith.addi %multiple_of3A, %add3A_90 : i32
    %mul3A_92 = arith.constant 200 : i32
    %mul3A_93 = arith.muli %add3A_91, %mul3A_92 : i32
    %multiple_of3A_94 = tpu.assume_multiple %mul3A_93, 8 : i32
    %dma_wait3A_95 = arith.constant 0 : i32
    %dma_wait3A_96 = tpu.memref_slice %arg4[%multiple_of3A_94, %dma_wait3A_95] : memref<204800x128xf32, #tpu.memory_space<hbm>> -> memref<200x128xf32, #tpu.memory_space<hbm>>
    %dma_wait3A_97 = arith.constant 0 : i32
    %dma_wait3A_98 = tpu.memref_slice %arg4[%multiple_of3A_94, %dma_wait3A_97] : memref<204800x128xf32, #tpu.memory_space<hbm>> -> memref<200x128xf32, #tpu.memory_space<hbm>>
    tpu.wait_dma2 semaphore(%arg15 : memref<!tpu.dma_semaphore, #tpu.memory_space<semaphore_mem>>) src(%arg7 : memref<200x128xf32, #tpu.memory_space<vmem>>) dst(%dma_wait3A_98 : memref<200x128xf32, #tpu.memory_space<hbm>>)
    %add3A_99 = arith.constant 0 : i32
    %add3A_100 = arith.addi %multiple_of3A, %add3A_99 : i32
    %mul3A_101 = arith.constant 200 : i32
    %mul3A_102 = arith.muli %add3A_100, %mul3A_101 : i32
    %multiple_of3A_103 = tpu.assume_multiple %mul3A_102, 8 : i32
    %dma_wait3A_104 = arith.constant 0 : i32
    %dma_wait3A_105 = tpu.memref_slice %arg4[%multiple_of3A_103, %dma_wait3A_104] : memref<204800x128xf32, #tpu.memory_space<hbm>> -> memref<200x128xf32, #tpu.memory_space<hbm>>
    %dma_wait3A_106 = arith.constant 0 : i32
    %dma_wait3A_107 = tpu.memref_slice %arg4[%multiple_of3A_103, %dma_wait3A_106] : memref<204800x128xf32, #tpu.memory_space<hbm>> -> memref<200x128xf32, #tpu.memory_space<hbm>>
    tpu.wait_dma2 semaphore(%arg16 : memref<!tpu.dma_semaphore, #tpu.memory_space<semaphore_mem>>) src(%arg8 : memref<200x128xf32, #tpu.memory_space<vmem>>) dst(%dma_wait3A_107 : memref<200x128xf32, #tpu.memory_space<hbm>>)
    %add3A_108 = arith.constant 0 : i32
    %add3A_109 = arith.addi %multiple_of3A, %add3A_108 : i32
    %mul3A_110 = arith.constant 200 : i32
    %mul3A_111 = arith.muli %add3A_109, %mul3A_110 : i32
    %multiple_of3A_112 = tpu.assume_multiple %mul3A_111, 8 : i32
    %dma_wait3A_113 = arith.constant 0 : i32
    %dma_wait3A_114 = tpu.memref_slice %arg4[%multiple_of3A_112, %dma_wait3A_113] : memref<204800x128xf32, #tpu.memory_space<hbm>> -> memref<200x128xf32, #tpu.memory_space<hbm>>
    %dma_wait3A_115 = arith.constant 0 : i32
    %dma_wait3A_116 = tpu.memref_slice %arg4[%multiple_of3A_112, %dma_wait3A_115] : memref<204800x128xf32, #tpu.memory_space<hbm>> -> memref<200x128xf32, #tpu.memory_space<hbm>>
    tpu.wait_dma2 semaphore(%arg17 : memref<!tpu.dma_semaphore, #tpu.memory_space<semaphore_mem>>) src(%arg9 : memref<200x128xf32, #tpu.memory_space<vmem>>) dst(%dma_wait3A_116 : memref<200x128xf32, #tpu.memory_space<hbm>>)
    return
  }
}

#map = affine_map<(d0, d1) -> (0)>
#map1 = affine_map<(d0, d1) -> (0, 0)>
module attributes {stable_mosaic.version = 14 : i64} {
  func.func @_gather_body(%arg0: i32, %arg1: i32, %arg2: memref<204800xi32, #tpu.memory_space<hbm>>, %arg3: memref<100000x128xf32, #tpu.memory_space<hbm>>, %arg4: memref<204800x128xf32, #tpu.memory_space<hbm>>, %arg5: memref<6400xi32, #tpu.memory_space<vmem>>, %arg6: memref<200x128xf32, #tpu.memory_space<vmem>>, %arg7: memref<200x128xf32, #tpu.memory_space<vmem>>, %arg8: memref<200x128xf32, #tpu.memory_space<vmem>>, %arg9: memref<200x128xf32, #tpu.memory_space<vmem>>, %arg10: memref<!tpu.dma_semaphore, #tpu.memory_space<semaphore_mem>>, %arg11: memref<!tpu.dma_semaphore, #tpu.memory_space<semaphore_mem>>, %arg12: memref<!tpu.dma_semaphore, #tpu.memory_space<semaphore_mem>>, %arg13: memref<!tpu.dma_semaphore, #tpu.memory_space<semaphore_mem>>, %arg14: memref<!tpu.dma_semaphore, #tpu.memory_space<semaphore_mem>>, %arg15: memref<!tpu.dma_semaphore, #tpu.memory_space<semaphore_mem>>, %arg16: memref<!tpu.dma_semaphore, #tpu.memory_space<semaphore_mem>>, %arg17: memref<!tpu.dma_semaphore, #tpu.memory_space<semaphore_mem>>) attributes {dimension_semantics = [#tpu.dimension_semantics<core_parallel>, #tpu.dimension_semantics<subcore_parallel>], iteration_bounds = array<i64: 2, 16>, scalar_prefetch = 0 : i64, scratch_operands = 13 : i64, tpu.core_type = #tpu.core_type<sc_vector_subcore>, window_params = [{transform_indices = #map}, {transform_indices = #map1}, {transform_indices = #map1}]} {
    %mul3A = arith.constant 2 : i32
    %mul3A_0 = arith.muli %arg1, %mul3A : i32
    %add3A = arith.addi %mul3A_0, %arg0 : i32
    %mul3A_1 = arith.constant 32 : i32
    %mul3A_2 = arith.muli %add3A, %mul3A_1 : i32
    %multiple_of3A = tpu.assume_multiple %mul3A_2, 8 : i32
    %mul3A_3 = arith.constant 200 : i32
    %mul3A_4 = arith.muli %multiple_of3A, %mul3A_3 : i32
    %multiple_of3A_5 = tpu.assume_multiple %mul3A_4, 8 : i32
    "tpu.region"() ({
      %run_scoped3A = tpu.sem_alloc : memref<!tpu.dma_semaphore, #tpu.memory_space<semaphore_mem>>
      %dma_start3A_117 = tpu.memref_slice %arg2[%multiple_of3A_5] : memref<204800xi32, #tpu.memory_space<hbm>> -> memref<6400xi32, #tpu.memory_space<hbm>>
      %dma_start3A_118 = tpu.memref_slice %arg2[%multiple_of3A_5] : memref<204800xi32, #tpu.memory_space<hbm>> -> memref<6400xi32, #tpu.memory_space<hbm>>
      tpu.enqueue_dma source(%dma_start3A_118 : memref<6400xi32, #tpu.memory_space<hbm>>) target(%arg5 : memref<6400xi32, #tpu.memory_space<vmem>>) target_semaphore(%run_scoped3A : memref<!tpu.dma_semaphore, #tpu.memory_space<semaphore_mem>>)
      %dma_wait3A_119 = tpu.memref_slice %arg2[%multiple_of3A_5] : memref<204800xi32, #tpu.memory_space<hbm>> -> memref<6400xi32, #tpu.memory_space<hbm>>
      %dma_wait3A_120 = tpu.memref_slice %arg2[%multiple_of3A_5] : memref<204800xi32, #tpu.memory_space<hbm>> -> memref<6400xi32, #tpu.memory_space<hbm>>
      tpu.wait_dma2 semaphore(%run_scoped3A : memref<!tpu.dma_semaphore, #tpu.memory_space<semaphore_mem>>) src(%dma_wait3A_120 : memref<6400xi32, #tpu.memory_space<hbm>>) dst(%arg5 : memref<6400xi32, #tpu.memory_space<vmem>>)
      tpu.yield
    }) : () -> ()
    %multiple_of3A_6 = arith.constant 0 : i32
    %multiple_of3A_7 = tpu.assume_multiple %multiple_of3A_6, 8 : i32
    %dma_start3A = arith.constant 0 : i32
    %dma_start3A_8 = arith.constant 0 : i32
    %dma_start3A_9 = tpu.memref_slice %arg6[%dma_start3A, %dma_start3A_8] : memref<200x128xf32, #tpu.memory_space<vmem>> -> memref<104x128xf32, #tpu.memory_space<vmem>>
    %dma_start3A_10 = tpu.memref_slice %arg5[%multiple_of3A_7] : memref<6400xi32, #tpu.memory_space<vmem>> -> memref<104xi32, #tpu.memory_space<vmem>>
    %dma_start3A_11 = arith.constant 0 : i32
    %dma_start3A_12 = arith.constant 0 : i32
    %dma_start3A_13 = tpu.memref_slice %arg3[%dma_start3A_11, %dma_start3A_12] : memref<100000x128xf32, #tpu.memory_space<hbm>> -> memref<100000x128xf32, #tpu.memory_space<hbm>>
    tpu.enqueue_indirect_dma source(%dma_start3A_13 : memref<100000x128xf32, #tpu.memory_space<hbm>>) target(%dma_start3A_9 : memref<104x128xf32, #tpu.memory_space<vmem>>) offsets(%dma_start3A_10 : memref<104xi32, #tpu.memory_space<vmem>>) semaphore(%arg10 : memref<!tpu.dma_semaphore, #tpu.memory_space<semaphore_mem>>)
    %add3A_14 = arith.constant 104 : i32
    %add3A_15 = arith.addi %multiple_of3A_7, %add3A_14 : i32
    %dma_start3A_16 = arith.constant 104 : i32
    %dma_start3A_17 = arith.constant 0 : i32
    %dma_start3A_18 = tpu.memref_slice %arg6[%dma_start3A_16, %dma_start3A_17] : memref<200x128xf32, #tpu.memory_space<vmem>> -> memref<96x128xf32, #tpu.memory_space<vmem>>
    %dma_start3A_19 = tpu.memref_slice %arg5[%add3A_15] : memref<6400xi32, #tpu.memory_space<vmem>> -> memref<96xi32, #tpu.memory_space<vmem>>
    %dma_start3A_20 = arith.constant 0 : i32
    %dma_start3A_21 = arith.constant 0 : i32
    %dma_start3A_22 = tpu.memref_slice %arg3[%dma_start3A_20, %dma_start3A_21] : memref<100000x128xf32, #tpu.memory_space<hbm>> -> memref<100000x128xf32, #tpu.memory_space<hbm>>
    tpu.enqueue_indirect_dma source(%dma_start3A_22 : memref<100000x128xf32, #tpu.memory_space<hbm>>) target(%dma_start3A_18 : memref<96x128xf32, #tpu.memory_space<vmem>>) offsets(%dma_start3A_19 : memref<96xi32, #tpu.memory_space<vmem>>) semaphore(%arg10 : memref<!tpu.dma_semaphore, #tpu.memory_space<semaphore_mem>>)
    %multiple_of3A_23 = arith.constant 200 : i32
    %multiple_of3A_24 = tpu.assume_multiple %multiple_of3A_23, 8 : i32
    %dma_start3A_25 = arith.constant 0 : i32
    %dma_start3A_26 = arith.constant 0 : i32
    %dma_start3A_27 = tpu.memref_slice %arg7[%dma_start3A_25, %dma_start3A_26] : memref<200x128xf32, #tpu.memory_space<vmem>> -> memref<104x128xf32, #tpu.memory_space<vmem>>
    %dma_start3A_28 = tpu.memref_slice %arg5[%multiple_of3A_24] : memref<6400xi32, #tpu.memory_space<vmem>> -> memref<104xi32, #tpu.memory_space<vmem>>
    %dma_start3A_29 = arith.constant 0 : i32
    %dma_start3A_30 = arith.constant 0 : i32
    %dma_start3A_31 = tpu.memref_slice %arg3[%dma_start3A_29, %dma_start3A_30] : memref<100000x128xf32, #tpu.memory_space<hbm>> -> memref<100000x128xf32, #tpu.memory_space<hbm>>
    tpu.enqueue_indirect_dma source(%dma_start3A_31 : memref<100000x128xf32, #tpu.memory_space<hbm>>) target(%dma_start3A_27 : memref<104x128xf32, #tpu.memory_space<vmem>>) offsets(%dma_start3A_28 : memref<104xi32, #tpu.memory_space<vmem>>) semaphore(%arg11 : memref<!tpu.dma_semaphore, #tpu.memory_space<semaphore_mem>>)
    %add3A_32 = arith.constant 104 : i32
    %add3A_33 = arith.addi %multiple_of3A_24, %add3A_32 : i32
    %dma_start3A_34 = arith.constant 104 : i32
    %dma_start3A_35 = arith.constant 0 : i32
    %dma_start3A_36 = tpu.memref_slice %arg7[%dma_start3A_34, %dma_start3A_35] : memref<200x128xf32, #tpu.memory_space<vmem>> -> memref<96x128xf32, #tpu.memory_space<vmem>>
    %dma_start3A_37 = tpu.memref_slice %arg5[%add3A_33] : memref<6400xi32, #tpu.memory_space<vmem>> -> memref<96xi32, #tpu.memory_space<vmem>>
    %dma_start3A_38 = arith.constant 0 : i32
    %dma_start3A_39 = arith.constant 0 : i32
    %dma_start3A_40 = tpu.memref_slice %arg3[%dma_start3A_38, %dma_start3A_39] : memref<100000x128xf32, #tpu.memory_space<hbm>> -> memref<100000x128xf32, #tpu.memory_space<hbm>>
    tpu.enqueue_indirect_dma source(%dma_start3A_40 : memref<100000x128xf32, #tpu.memory_space<hbm>>) target(%dma_start3A_36 : memref<96x128xf32, #tpu.memory_space<vmem>>) offsets(%dma_start3A_37 : memref<96xi32, #tpu.memory_space<vmem>>) semaphore(%arg11 : memref<!tpu.dma_semaphore, #tpu.memory_space<semaphore_mem>>)
    %multiple_of3A_41 = arith.constant 400 : i32
    %multiple_of3A_42 = tpu.assume_multiple %multiple_of3A_41, 8 : i32
    %dma_start3A_43 = arith.constant 0 : i32
    %dma_start3A_44 = arith.constant 0 : i32
    %dma_start3A_45 = tpu.memref_slice %arg8[%dma_start3A_43, %dma_start3A_44] : memref<200x128xf32, #tpu.memory_space<vmem>> -> memref<104x128xf32, #tpu.memory_space<vmem>>
    %dma_start3A_46 = tpu.memref_slice %arg5[%multiple_of3A_42] : memref<6400xi32, #tpu.memory_space<vmem>> -> memref<104xi32, #tpu.memory_space<vmem>>
    %dma_start3A_47 = arith.constant 0 : i32
    %dma_start3A_48 = arith.constant 0 : i32
    %dma_start3A_49 = tpu.memref_slice %arg3[%dma_start3A_47, %dma_start3A_48] : memref<100000x128xf32, #tpu.memory_space<hbm>> -> memref<100000x128xf32, #tpu.memory_space<hbm>>
    tpu.enqueue_indirect_dma source(%dma_start3A_49 : memref<100000x128xf32, #tpu.memory_space<hbm>>) target(%dma_start3A_45 : memref<104x128xf32, #tpu.memory_space<vmem>>) offsets(%dma_start3A_46 : memref<104xi32, #tpu.memory_space<vmem>>) semaphore(%arg12 : memref<!tpu.dma_semaphore, #tpu.memory_space<semaphore_mem>>)
    %add3A_50 = arith.constant 104 : i32
    %add3A_51 = arith.addi %multiple_of3A_42, %add3A_50 : i32
    %dma_start3A_52 = arith.constant 104 : i32
    %dma_start3A_53 = arith.constant 0 : i32
    %dma_start3A_54 = tpu.memref_slice %arg8[%dma_start3A_52, %dma_start3A_53] : memref<200x128xf32, #tpu.memory_space<vmem>> -> memref<96x128xf32, #tpu.memory_space<vmem>>
    %dma_start3A_55 = tpu.memref_slice %arg5[%add3A_51] : memref<6400xi32, #tpu.memory_space<vmem>> -> memref<96xi32, #tpu.memory_space<vmem>>
    %dma_start3A_56 = arith.constant 0 : i32
    %dma_start3A_57 = arith.constant 0 : i32
    %dma_start3A_58 = tpu.memref_slice %arg3[%dma_start3A_56, %dma_start3A_57] : memref<100000x128xf32, #tpu.memory_space<hbm>> -> memref<100000x128xf32, #tpu.memory_space<hbm>>
    tpu.enqueue_indirect_dma source(%dma_start3A_58 : memref<100000x128xf32, #tpu.memory_space<hbm>>) target(%dma_start3A_54 : memref<96x128xf32, #tpu.memory_space<vmem>>) offsets(%dma_start3A_55 : memref<96xi32, #tpu.memory_space<vmem>>) semaphore(%arg12 : memref<!tpu.dma_semaphore, #tpu.memory_space<semaphore_mem>>)
    %multiple_of3A_59 = arith.constant 600 : i32
    %multiple_of3A_60 = tpu.assume_multiple %multiple_of3A_59, 8 : i32
    %dma_start3A_61 = arith.constant 0 : i32
    %dma_start3A_62 = arith.constant 0 : i32
    %dma_start3A_63 = tpu.memref_slice %arg9[%dma_start3A_61, %dma_start3A_62] : memref<200x128xf32, #tpu.memory_space<vmem>> -> memref<104x128xf32, #tpu.memory_space<vmem>>
    %dma_start3A_64 = tpu.memref_slice %arg5[%multiple_of3A_60] : memref<6400xi32, #tpu.memory_space<vmem>> -> memref<104xi32, #tpu.memory_space<vmem>>
    %dma_start3A_65 = arith.constant 0 : i32
    %dma_start3A_66 = arith.constant 0 : i32
    %dma_start3A_67 = tpu.memref_slice %arg3[%dma_start3A_65, %dma_start3A_66] : memref<100000x128xf32, #tpu.memory_space<hbm>> -> memref<100000x128xf32, #tpu.memory_space<hbm>>
    tpu.enqueue_indirect_dma source(%dma_start3A_67 : memref<100000x128xf32, #tpu.memory_space<hbm>>) target(%dma_start3A_63 : memref<104x128xf32, #tpu.memory_space<vmem>>) offsets(%dma_start3A_64 : memref<104xi32, #tpu.memory_space<vmem>>) semaphore(%arg13 : memref<!tpu.dma_semaphore, #tpu.memory_space<semaphore_mem>>)
    %add3A_68 = arith.constant 104 : i32
    %add3A_69 = arith.addi %multiple_of3A_60, %add3A_68 : i32
    %dma_start3A_70 = arith.constant 104 : i32
    %dma_start3A_71 = arith.constant 0 : i32
    %dma_start3A_72 = tpu.memref_slice %arg9[%dma_start3A_70, %dma_start3A_71] : memref<200x128xf32, #tpu.memory_space<vmem>> -> memref<96x128xf32, #tpu.memory_space<vmem>>
    %dma_start3A_73 = tpu.memref_slice %arg5[%add3A_69] : memref<6400xi32, #tpu.memory_space<vmem>> -> memref<96xi32, #tpu.memory_space<vmem>>
    %dma_start3A_74 = arith.constant 0 : i32
    %dma_start3A_75 = arith.constant 0 : i32
    %dma_start3A_76 = tpu.memref_slice %arg3[%dma_start3A_74, %dma_start3A_75] : memref<100000x128xf32, #tpu.memory_space<hbm>> -> memref<100000x128xf32, #tpu.memory_space<hbm>>
    tpu.enqueue_indirect_dma source(%dma_start3A_76 : memref<100000x128xf32, #tpu.memory_space<hbm>>) target(%dma_start3A_72 : memref<96x128xf32, #tpu.memory_space<vmem>>) offsets(%dma_start3A_73 : memref<96xi32, #tpu.memory_space<vmem>>) semaphore(%arg13 : memref<!tpu.dma_semaphore, #tpu.memory_space<semaphore_mem>>)
    %scan3A = arith.constant 0 : i32
    %scan3A_77 = arith.constant 0 : i32
    %scan3A_78 = arith.constant 8 : i32
    %scan3A_79 = arith.addi %scan3A_77, %scan3A_78 : i32
    %scan3A_80 = arith.constant 1 : i32
    scf.for %scan3A_117 = %scan3A_77 to %scan3A_79 step %scan3A_80  : i32 {
      %mul3A_118 = arith.constant 4 : i32
      %mul3A_119 = arith.muli %scan3A_117, %mul3A_118 : i32
      %add3A_120 = arith.constant 0 : i32
      %add3A_121 = arith.addi %mul3A_119, %add3A_120 : i32
      %dma_wait3A_122 = arith.constant 0 : i32
      %dma_wait3A_123 = arith.constant 0 : i32
      %dma_wait3A_124 = tpu.memref_slice %arg6[%dma_wait3A_122, %dma_wait3A_123] : memref<200x128xf32, #tpu.memory_space<vmem>> -> memref<104x128xf32, #tpu.memory_space<vmem>>
      %dma_wait3A_125 = arith.constant 0 : i32
      %dma_wait3A_126 = tpu.memref_slice %arg5[%dma_wait3A_125] : memref<6400xi32, #tpu.memory_space<vmem>> -> memref<104xi32, #tpu.memory_space<vmem>>
      %dma_wait3A_127 = arith.constant 0 : i32
      %dma_wait3A_128 = arith.constant 0 : i32
      %dma_wait3A_129 = tpu.memref_slice %arg3[%dma_wait3A_127, %dma_wait3A_128] : memref<100000x128xf32, #tpu.memory_space<hbm>> -> memref<100000x128xf32, #tpu.memory_space<hbm>>
      tpu.wait_indirect_dma semaphore(%arg10 : memref<!tpu.dma_semaphore, #tpu.memory_space<semaphore_mem>>) src(%dma_wait3A_129 : memref<100000x128xf32, #tpu.memory_space<hbm>>) dst(%dma_wait3A_124 : memref<104x128xf32, #tpu.memory_space<vmem>>)
      %dma_wait3A_130 = arith.constant 104 : i32
      %dma_wait3A_131 = arith.constant 0 : i32
      %dma_wait3A_132 = tpu.memref_slice %arg6[%dma_wait3A_130, %dma_wait3A_131] : memref<200x128xf32, #tpu.memory_space<vmem>> -> memref<96x128xf32, #tpu.memory_space<vmem>>
      %dma_wait3A_133 = arith.constant 0 : i32
      %dma_wait3A_134 = tpu.memref_slice %arg5[%dma_wait3A_133] : memref<6400xi32, #tpu.memory_space<vmem>> -> memref<96xi32, #tpu.memory_space<vmem>>
      %dma_wait3A_135 = arith.constant 0 : i32
      %dma_wait3A_136 = arith.constant 0 : i32
      %dma_wait3A_137 = tpu.memref_slice %arg3[%dma_wait3A_135, %dma_wait3A_136] : memref<100000x128xf32, #tpu.memory_space<hbm>> -> memref<100000x128xf32, #tpu.memory_space<hbm>>
      tpu.wait_indirect_dma semaphore(%arg10 : memref<!tpu.dma_semaphore, #tpu.memory_space<semaphore_mem>>) src(%dma_wait3A_137 : memref<100000x128xf32, #tpu.memory_space<hbm>>) dst(%dma_wait3A_132 : memref<96x128xf32, #tpu.memory_space<vmem>>)
      %add3A_138 = arith.addi %multiple_of3A, %add3A_121 : i32
      %mul3A_139 = arith.constant 200 : i32
      %mul3A_140 = arith.muli %add3A_138, %mul3A_139 : i32
      %multiple_of3A_141 = tpu.assume_multiple %mul3A_140, 8 : i32
      %dma_start3A_142 = arith.constant 0 : i32
      %dma_start3A_143 = tpu.memref_slice %arg4[%multiple_of3A_141, %dma_start3A_142] : memref<204800x128xf32, #tpu.memory_space<hbm>> -> memref<200x128xf32, #tpu.memory_space<hbm>>
      %dma_start3A_144 = arith.constant 0 : i32
      %dma_start3A_145 = tpu.memref_slice %arg4[%multiple_of3A_141, %dma_start3A_144] : memref<204800x128xf32, #tpu.memory_space<hbm>> -> memref<200x128xf32, #tpu.memory_space<hbm>>
      tpu.enqueue_dma source(%arg6 : memref<200x128xf32, #tpu.memory_space<vmem>>) target(%dma_start3A_145 : memref<200x128xf32, #tpu.memory_space<hbm>>) target_semaphore(%arg14 : memref<!tpu.dma_semaphore, #tpu.memory_space<semaphore_mem>>)
      %lt3A = arith.constant 7 : i32
      %lt3A_146 = arith.cmpi slt, %scan3A_117, %lt3A : i32
      %convert_element_type3A = arith.extui %lt3A_146 : i1 to i32
      %cond3A = arith.constant 0 : i32
      %cond3A_147 = arith.cmpi ne, %convert_element_type3A, %cond3A : i32
      scf.if %cond3A_147 {
        %add3A_247 = arith.constant 0 : i32
        %add3A_248 = arith.addi %multiple_of3A, %add3A_247 : i32
        %mul3A_249 = arith.constant 200 : i32
        %mul3A_250 = arith.muli %add3A_248, %mul3A_249 : i32
        %multiple_of3A_251 = tpu.assume_multiple %mul3A_250, 8 : i32
        %dma_wait3A_252 = arith.constant 0 : i32
        %dma_wait3A_253 = tpu.memref_slice %arg4[%multiple_of3A_251, %dma_wait3A_252] : memref<204800x128xf32, #tpu.memory_space<hbm>> -> memref<200x128xf32, #tpu.memory_space<hbm>>
        %dma_wait3A_254 = arith.constant 0 : i32
        %dma_wait3A_255 = tpu.memref_slice %arg4[%multiple_of3A_251, %dma_wait3A_254] : memref<204800x128xf32, #tpu.memory_space<hbm>> -> memref<200x128xf32, #tpu.memory_space<hbm>>
        tpu.wait_dma2 semaphore(%arg14 : memref<!tpu.dma_semaphore, #tpu.memory_space<semaphore_mem>>) src(%arg6 : memref<200x128xf32, #tpu.memory_space<vmem>>) dst(%dma_wait3A_255 : memref<200x128xf32, #tpu.memory_space<hbm>>)
        %add3A_256 = arith.constant 4 : i32
        %add3A_257 = arith.addi %add3A_121, %add3A_256 : i32
        %mul3A_258 = arith.constant 200 : i32
        %mul3A_259 = arith.muli %add3A_257, %mul3A_258 : i32
        %multiple_of3A_260 = tpu.assume_multiple %mul3A_259, 8 : i32
        %dma_start3A_261 = arith.constant 0 : i32
        %dma_start3A_262 = arith.constant 0 : i32
        %dma_start3A_263 = tpu.memref_slice %arg6[%dma_start3A_261, %dma_start3A_262] : memref<200x128xf32, #tpu.memory_space<vmem>> -> memref<104x128xf32, #tpu.memory_space<vmem>>
        %dma_start3A_264 = tpu.memref_slice %arg5[%multiple_of3A_260] : memref<6400xi32, #tpu.memory_space<vmem>> -> memref<104xi32, #tpu.memory_space<vmem>>
        %dma_start3A_265 = arith.constant 0 : i32
        %dma_start3A_266 = arith.constant 0 : i32
        %dma_start3A_267 = tpu.memref_slice %arg3[%dma_start3A_265, %dma_start3A_266] : memref<100000x128xf32, #tpu.memory_space<hbm>> -> memref<100000x128xf32, #tpu.memory_space<hbm>>
        tpu.enqueue_indirect_dma source(%dma_start3A_267 : memref<100000x128xf32, #tpu.memory_space<hbm>>) target(%dma_start3A_263 : memref<104x128xf32, #tpu.memory_space<vmem>>) offsets(%dma_start3A_264 : memref<104xi32, #tpu.memory_space<vmem>>) semaphore(%arg10 : memref<!tpu.dma_semaphore, #tpu.memory_space<semaphore_mem>>)
        %add3A_268 = arith.constant 104 : i32
        %add3A_269 = arith.addi %multiple_of3A_260, %add3A_268 : i32
        %dma_start3A_270 = arith.constant 104 : i32
        %dma_start3A_271 = arith.constant 0 : i32
        %dma_start3A_272 = tpu.memref_slice %arg6[%dma_start3A_270, %dma_start3A_271] : memref<200x128xf32, #tpu.memory_space<vmem>> -> memref<96x128xf32, #tpu.memory_space<vmem>>
        %dma_start3A_273 = tpu.memref_slice %arg5[%add3A_269] : memref<6400xi32, #tpu.memory_space<vmem>> -> memref<96xi32, #tpu.memory_space<vmem>>
        %dma_start3A_274 = arith.constant 0 : i32
        %dma_start3A_275 = arith.constant 0 : i32
        %dma_start3A_276 = tpu.memref_slice %arg3[%dma_start3A_274, %dma_start3A_275] : memref<100000x128xf32, #tpu.memory_space<hbm>> -> memref<100000x128xf32, #tpu.memory_space<hbm>>
        tpu.enqueue_indirect_dma source(%dma_start3A_276 : memref<100000x128xf32, #tpu.memory_space<hbm>>) target(%dma_start3A_272 : memref<96x128xf32, #tpu.memory_space<vmem>>) offsets(%dma_start3A_273 : memref<96xi32, #tpu.memory_space<vmem>>) semaphore(%arg10 : memref<!tpu.dma_semaphore, #tpu.memory_space<semaphore_mem>>)
      } else {
      }
      %mul3A_148 = arith.constant 4 : i32
      %mul3A_149 = arith.muli %scan3A_117, %mul3A_148 : i32
      %add3A_150 = arith.constant 1 : i32
      %add3A_151 = arith.addi %mul3A_149, %add3A_150 : i32
      %dma_wait3A_152 = arith.constant 0 : i32
      %dma_wait3A_153 = arith.constant 0 : i32
      %dma_wait3A_154 = tpu.memref_slice %arg7[%dma_wait3A_152, %dma_wait3A_153] : memref<200x128xf32, #tpu.memory_space<vmem>> -> memref<104x128xf32, #tpu.memory_space<vmem>>
      %dma_wait3A_155 = arith.constant 0 : i32
      %dma_wait3A_156 = tpu.memref_slice %arg5[%dma_wait3A_155] : memref<6400xi32, #tpu.memory_space<vmem>> -> memref<104xi32, #tpu.memory_space<vmem>>
      %dma_wait3A_157 = arith.constant 0 : i32
      %dma_wait3A_158 = arith.constant 0 : i32
      %dma_wait3A_159 = tpu.memref_slice %arg3[%dma_wait3A_157, %dma_wait3A_158] : memref<100000x128xf32, #tpu.memory_space<hbm>> -> memref<100000x128xf32, #tpu.memory_space<hbm>>
      tpu.wait_indirect_dma semaphore(%arg11 : memref<!tpu.dma_semaphore, #tpu.memory_space<semaphore_mem>>) src(%dma_wait3A_159 : memref<100000x128xf32, #tpu.memory_space<hbm>>) dst(%dma_wait3A_154 : memref<104x128xf32, #tpu.memory_space<vmem>>)
      %dma_wait3A_160 = arith.constant 104 : i32
      %dma_wait3A_161 = arith.constant 0 : i32
      %dma_wait3A_162 = tpu.memref_slice %arg7[%dma_wait3A_160, %dma_wait3A_161] : memref<200x128xf32, #tpu.memory_space<vmem>> -> memref<96x128xf32, #tpu.memory_space<vmem>>
      %dma_wait3A_163 = arith.constant 0 : i32
      %dma_wait3A_164 = tpu.memref_slice %arg5[%dma_wait3A_163] : memref<6400xi32, #tpu.memory_space<vmem>> -> memref<96xi32, #tpu.memory_space<vmem>>
      %dma_wait3A_165 = arith.constant 0 : i32
      %dma_wait3A_166 = arith.constant 0 : i32
      %dma_wait3A_167 = tpu.memref_slice %arg3[%dma_wait3A_165, %dma_wait3A_166] : memref<100000x128xf32, #tpu.memory_space<hbm>> -> memref<100000x128xf32, #tpu.memory_space<hbm>>
      tpu.wait_indirect_dma semaphore(%arg11 : memref<!tpu.dma_semaphore, #tpu.memory_space<semaphore_mem>>) src(%dma_wait3A_167 : memref<100000x128xf32, #tpu.memory_space<hbm>>) dst(%dma_wait3A_162 : memref<96x128xf32, #tpu.memory_space<vmem>>)
      %add3A_168 = arith.addi %multiple_of3A, %add3A_151 : i32
      %mul3A_169 = arith.constant 200 : i32
      %mul3A_170 = arith.muli %add3A_168, %mul3A_169 : i32
      %multiple_of3A_171 = tpu.assume_multiple %mul3A_170, 8 : i32
      %dma_start3A_172 = arith.constant 0 : i32
      %dma_start3A_173 = tpu.memref_slice %arg4[%multiple_of3A_171, %dma_start3A_172] : memref<204800x128xf32, #tpu.memory_space<hbm>> -> memref<200x128xf32, #tpu.memory_space<hbm>>
      %dma_start3A_174 = arith.constant 0 : i32
      %dma_start3A_175 = tpu.memref_slice %arg4[%multiple_of3A_171, %dma_start3A_174] : memref<204800x128xf32, #tpu.memory_space<hbm>> -> memref<200x128xf32, #tpu.memory_space<hbm>>
      tpu.enqueue_dma source(%arg7 : memref<200x128xf32, #tpu.memory_space<vmem>>) target(%dma_start3A_175 : memref<200x128xf32, #tpu.memory_space<hbm>>) target_semaphore(%arg15 : memref<!tpu.dma_semaphore, #tpu.memory_space<semaphore_mem>>)
      %lt3A_176 = arith.constant 7 : i32
      %lt3A_177 = arith.cmpi slt, %scan3A_117, %lt3A_176 : i32
      %convert_element_type3A_178 = arith.extui %lt3A_177 : i1 to i32
      %cond3A_179 = arith.constant 0 : i32
      %cond3A_180 = arith.cmpi ne, %convert_element_type3A_178, %cond3A_179 : i32
      scf.if %cond3A_180 {
        %add3A_247 = arith.constant 0 : i32
        %add3A_248 = arith.addi %multiple_of3A, %add3A_247 : i32
        %mul3A_249 = arith.constant 200 : i32
        %mul3A_250 = arith.muli %add3A_248, %mul3A_249 : i32
        %multiple_of3A_251 = tpu.assume_multiple %mul3A_250, 8 : i32
        %dma_wait3A_252 = arith.constant 0 : i32
        %dma_wait3A_253 = tpu.memref_slice %arg4[%multiple_of3A_251, %dma_wait3A_252] : memref<204800x128xf32, #tpu.memory_space<hbm>> -> memref<200x128xf32, #tpu.memory_space<hbm>>
        %dma_wait3A_254 = arith.constant 0 : i32
        %dma_wait3A_255 = tpu.memref_slice %arg4[%multiple_of3A_251, %dma_wait3A_254] : memref<204800x128xf32, #tpu.memory_space<hbm>> -> memref<200x128xf32, #tpu.memory_space<hbm>>
        tpu.wait_dma2 semaphore(%arg15 : memref<!tpu.dma_semaphore, #tpu.memory_space<semaphore_mem>>) src(%arg7 : memref<200x128xf32, #tpu.memory_space<vmem>>) dst(%dma_wait3A_255 : memref<200x128xf32, #tpu.memory_space<hbm>>)
        %add3A_256 = arith.constant 4 : i32
        %add3A_257 = arith.addi %add3A_151, %add3A_256 : i32
        %mul3A_258 = arith.constant 200 : i32
        %mul3A_259 = arith.muli %add3A_257, %mul3A_258 : i32
        %multiple_of3A_260 = tpu.assume_multiple %mul3A_259, 8 : i32
        %dma_start3A_261 = arith.constant 0 : i32
        %dma_start3A_262 = arith.constant 0 : i32
        %dma_start3A_263 = tpu.memref_slice %arg7[%dma_start3A_261, %dma_start3A_262] : memref<200x128xf32, #tpu.memory_space<vmem>> -> memref<104x128xf32, #tpu.memory_space<vmem>>
        %dma_start3A_264 = tpu.memref_slice %arg5[%multiple_of3A_260] : memref<6400xi32, #tpu.memory_space<vmem>> -> memref<104xi32, #tpu.memory_space<vmem>>
        %dma_start3A_265 = arith.constant 0 : i32
        %dma_start3A_266 = arith.constant 0 : i32
        %dma_start3A_267 = tpu.memref_slice %arg3[%dma_start3A_265, %dma_start3A_266] : memref<100000x128xf32, #tpu.memory_space<hbm>> -> memref<100000x128xf32, #tpu.memory_space<hbm>>
        tpu.enqueue_indirect_dma source(%dma_start3A_267 : memref<100000x128xf32, #tpu.memory_space<hbm>>) target(%dma_start3A_263 : memref<104x128xf32, #tpu.memory_space<vmem>>) offsets(%dma_start3A_264 : memref<104xi32, #tpu.memory_space<vmem>>) semaphore(%arg11 : memref<!tpu.dma_semaphore, #tpu.memory_space<semaphore_mem>>)
        %add3A_268 = arith.constant 104 : i32
        %add3A_269 = arith.addi %multiple_of3A_260, %add3A_268 : i32
        %dma_start3A_270 = arith.constant 104 : i32
        %dma_start3A_271 = arith.constant 0 : i32
        %dma_start3A_272 = tpu.memref_slice %arg7[%dma_start3A_270, %dma_start3A_271] : memref<200x128xf32, #tpu.memory_space<vmem>> -> memref<96x128xf32, #tpu.memory_space<vmem>>
        %dma_start3A_273 = tpu.memref_slice %arg5[%add3A_269] : memref<6400xi32, #tpu.memory_space<vmem>> -> memref<96xi32, #tpu.memory_space<vmem>>
        %dma_start3A_274 = arith.constant 0 : i32
        %dma_start3A_275 = arith.constant 0 : i32
        %dma_start3A_276 = tpu.memref_slice %arg3[%dma_start3A_274, %dma_start3A_275] : memref<100000x128xf32, #tpu.memory_space<hbm>> -> memref<100000x128xf32, #tpu.memory_space<hbm>>
        tpu.enqueue_indirect_dma source(%dma_start3A_276 : memref<100000x128xf32, #tpu.memory_space<hbm>>) target(%dma_start3A_272 : memref<96x128xf32, #tpu.memory_space<vmem>>) offsets(%dma_start3A_273 : memref<96xi32, #tpu.memory_space<vmem>>) semaphore(%arg11 : memref<!tpu.dma_semaphore, #tpu.memory_space<semaphore_mem>>)
      } else {
      }
      %mul3A_181 = arith.constant 4 : i32
      %mul3A_182 = arith.muli %scan3A_117, %mul3A_181 : i32
      %add3A_183 = arith.constant 2 : i32
      %add3A_184 = arith.addi %mul3A_182, %add3A_183 : i32
      %dma_wait3A_185 = arith.constant 0 : i32
      %dma_wait3A_186 = arith.constant 0 : i32
      %dma_wait3A_187 = tpu.memref_slice %arg8[%dma_wait3A_185, %dma_wait3A_186] : memref<200x128xf32, #tpu.memory_space<vmem>> -> memref<104x128xf32, #tpu.memory_space<vmem>>
      %dma_wait3A_188 = arith.constant 0 : i32
      %dma_wait3A_189 = tpu.memref_slice %arg5[%dma_wait3A_188] : memref<6400xi32, #tpu.memory_space<vmem>> -> memref<104xi32, #tpu.memory_space<vmem>>
      %dma_wait3A_190 = arith.constant 0 : i32
      %dma_wait3A_191 = arith.constant 0 : i32
      %dma_wait3A_192 = tpu.memref_slice %arg3[%dma_wait3A_190, %dma_wait3A_191] : memref<100000x128xf32, #tpu.memory_space<hbm>> -> memref<100000x128xf32, #tpu.memory_space<hbm>>
      tpu.wait_indirect_dma semaphore(%arg12 : memref<!tpu.dma_semaphore, #tpu.memory_space<semaphore_mem>>) src(%dma_wait3A_192 : memref<100000x128xf32, #tpu.memory_space<hbm>>) dst(%dma_wait3A_187 : memref<104x128xf32, #tpu.memory_space<vmem>>)
      %dma_wait3A_193 = arith.constant 104 : i32
      %dma_wait3A_194 = arith.constant 0 : i32
      %dma_wait3A_195 = tpu.memref_slice %arg8[%dma_wait3A_193, %dma_wait3A_194] : memref<200x128xf32, #tpu.memory_space<vmem>> -> memref<96x128xf32, #tpu.memory_space<vmem>>
      %dma_wait3A_196 = arith.constant 0 : i32
      %dma_wait3A_197 = tpu.memref_slice %arg5[%dma_wait3A_196] : memref<6400xi32, #tpu.memory_space<vmem>> -> memref<96xi32, #tpu.memory_space<vmem>>
      %dma_wait3A_198 = arith.constant 0 : i32
      %dma_wait3A_199 = arith.constant 0 : i32
      %dma_wait3A_200 = tpu.memref_slice %arg3[%dma_wait3A_198, %dma_wait3A_199] : memref<100000x128xf32, #tpu.memory_space<hbm>> -> memref<100000x128xf32, #tpu.memory_space<hbm>>
      tpu.wait_indirect_dma semaphore(%arg12 : memref<!tpu.dma_semaphore, #tpu.memory_space<semaphore_mem>>) src(%dma_wait3A_200 : memref<100000x128xf32, #tpu.memory_space<hbm>>) dst(%dma_wait3A_195 : memref<96x128xf32, #tpu.memory_space<vmem>>)
      %add3A_201 = arith.addi %multiple_of3A, %add3A_184 : i32
      %mul3A_202 = arith.constant 200 : i32
      %mul3A_203 = arith.muli %add3A_201, %mul3A_202 : i32
      %multiple_of3A_204 = tpu.assume_multiple %mul3A_203, 8 : i32
      %dma_start3A_205 = arith.constant 0 : i32
      %dma_start3A_206 = tpu.memref_slice %arg4[%multiple_of3A_204, %dma_start3A_205] : memref<204800x128xf32, #tpu.memory_space<hbm>> -> memref<200x128xf32, #tpu.memory_space<hbm>>
      %dma_start3A_207 = arith.constant 0 : i32
      %dma_start3A_208 = tpu.memref_slice %arg4[%multiple_of3A_204, %dma_start3A_207] : memref<204800x128xf32, #tpu.memory_space<hbm>> -> memref<200x128xf32, #tpu.memory_space<hbm>>
      tpu.enqueue_dma source(%arg8 : memref<200x128xf32, #tpu.memory_space<vmem>>) target(%dma_start3A_208 : memref<200x128xf32, #tpu.memory_space<hbm>>) target_semaphore(%arg16 : memref<!tpu.dma_semaphore, #tpu.memory_space<semaphore_mem>>)
      %lt3A_209 = arith.constant 7 : i32
      %lt3A_210 = arith.cmpi slt, %scan3A_117, %lt3A_209 : i32
      %convert_element_type3A_211 = arith.extui %lt3A_210 : i1 to i32
      %cond3A_212 = arith.constant 0 : i32
      %cond3A_213 = arith.cmpi ne, %convert_element_type3A_211, %cond3A_212 : i32
      scf.if %cond3A_213 {
        %add3A_247 = arith.constant 0 : i32
        %add3A_248 = arith.addi %multiple_of3A, %add3A_247 : i32
        %mul3A_249 = arith.constant 200 : i32
        %mul3A_250 = arith.muli %add3A_248, %mul3A_249 : i32
        %multiple_of3A_251 = tpu.assume_multiple %mul3A_250, 8 : i32
        %dma_wait3A_252 = arith.constant 0 : i32
        %dma_wait3A_253 = tpu.memref_slice %arg4[%multiple_of3A_251, %dma_wait3A_252] : memref<204800x128xf32, #tpu.memory_space<hbm>> -> memref<200x128xf32, #tpu.memory_space<hbm>>
        %dma_wait3A_254 = arith.constant 0 : i32
        %dma_wait3A_255 = tpu.memref_slice %arg4[%multiple_of3A_251, %dma_wait3A_254] : memref<204800x128xf32, #tpu.memory_space<hbm>> -> memref<200x128xf32, #tpu.memory_space<hbm>>
        tpu.wait_dma2 semaphore(%arg16 : memref<!tpu.dma_semaphore, #tpu.memory_space<semaphore_mem>>) src(%arg8 : memref<200x128xf32, #tpu.memory_space<vmem>>) dst(%dma_wait3A_255 : memref<200x128xf32, #tpu.memory_space<hbm>>)
        %add3A_256 = arith.constant 4 : i32
        %add3A_257 = arith.addi %add3A_184, %add3A_256 : i32
        %mul3A_258 = arith.constant 200 : i32
        %mul3A_259 = arith.muli %add3A_257, %mul3A_258 : i32
        %multiple_of3A_260 = tpu.assume_multiple %mul3A_259, 8 : i32
        %dma_start3A_261 = arith.constant 0 : i32
        %dma_start3A_262 = arith.constant 0 : i32
        %dma_start3A_263 = tpu.memref_slice %arg8[%dma_start3A_261, %dma_start3A_262] : memref<200x128xf32, #tpu.memory_space<vmem>> -> memref<104x128xf32, #tpu.memory_space<vmem>>
        %dma_start3A_264 = tpu.memref_slice %arg5[%multiple_of3A_260] : memref<6400xi32, #tpu.memory_space<vmem>> -> memref<104xi32, #tpu.memory_space<vmem>>
        %dma_start3A_265 = arith.constant 0 : i32
        %dma_start3A_266 = arith.constant 0 : i32
        %dma_start3A_267 = tpu.memref_slice %arg3[%dma_start3A_265, %dma_start3A_266] : memref<100000x128xf32, #tpu.memory_space<hbm>> -> memref<100000x128xf32, #tpu.memory_space<hbm>>
        tpu.enqueue_indirect_dma source(%dma_start3A_267 : memref<100000x128xf32, #tpu.memory_space<hbm>>) target(%dma_start3A_263 : memref<104x128xf32, #tpu.memory_space<vmem>>) offsets(%dma_start3A_264 : memref<104xi32, #tpu.memory_space<vmem>>) semaphore(%arg12 : memref<!tpu.dma_semaphore, #tpu.memory_space<semaphore_mem>>)
        %add3A_268 = arith.constant 104 : i32
        %add3A_269 = arith.addi %multiple_of3A_260, %add3A_268 : i32
        %dma_start3A_270 = arith.constant 104 : i32
        %dma_start3A_271 = arith.constant 0 : i32
        %dma_start3A_272 = tpu.memref_slice %arg8[%dma_start3A_270, %dma_start3A_271] : memref<200x128xf32, #tpu.memory_space<vmem>> -> memref<96x128xf32, #tpu.memory_space<vmem>>
        %dma_start3A_273 = tpu.memref_slice %arg5[%add3A_269] : memref<6400xi32, #tpu.memory_space<vmem>> -> memref<96xi32, #tpu.memory_space<vmem>>
        %dma_start3A_274 = arith.constant 0 : i32
        %dma_start3A_275 = arith.constant 0 : i32
        %dma_start3A_276 = tpu.memref_slice %arg3[%dma_start3A_274, %dma_start3A_275] : memref<100000x128xf32, #tpu.memory_space<hbm>> -> memref<100000x128xf32, #tpu.memory_space<hbm>>
        tpu.enqueue_indirect_dma source(%dma_start3A_276 : memref<100000x128xf32, #tpu.memory_space<hbm>>) target(%dma_start3A_272 : memref<96x128xf32, #tpu.memory_space<vmem>>) offsets(%dma_start3A_273 : memref<96xi32, #tpu.memory_space<vmem>>) semaphore(%arg12 : memref<!tpu.dma_semaphore, #tpu.memory_space<semaphore_mem>>)
      } else {
      }
      %mul3A_214 = arith.constant 4 : i32
      %mul3A_215 = arith.muli %scan3A_117, %mul3A_214 : i32
      %add3A_216 = arith.constant 3 : i32
      %add3A_217 = arith.addi %mul3A_215, %add3A_216 : i32
      %dma_wait3A_218 = arith.constant 0 : i32
      %dma_wait3A_219 = arith.constant 0 : i32
      %dma_wait3A_220 = tpu.memref_slice %arg9[%dma_wait3A_218, %dma_wait3A_219] : memref<200x128xf32, #tpu.memory_space<vmem>> -> memref<104x128xf32, #tpu.memory_space<vmem>>
      %dma_wait3A_221 = arith.constant 0 : i32
      %dma_wait3A_222 = tpu.memref_slice %arg5[%dma_wait3A_221] : memref<6400xi32, #tpu.memory_space<vmem>> -> memref<104xi32, #tpu.memory_space<vmem>>
      %dma_wait3A_223 = arith.constant 0 : i32
      %dma_wait3A_224 = arith.constant 0 : i32
      %dma_wait3A_225 = tpu.memref_slice %arg3[%dma_wait3A_223, %dma_wait3A_224] : memref<100000x128xf32, #tpu.memory_space<hbm>> -> memref<100000x128xf32, #tpu.memory_space<hbm>>
      tpu.wait_indirect_dma semaphore(%arg13 : memref<!tpu.dma_semaphore, #tpu.memory_space<semaphore_mem>>) src(%dma_wait3A_225 : memref<100000x128xf32, #tpu.memory_space<hbm>>) dst(%dma_wait3A_220 : memref<104x128xf32, #tpu.memory_space<vmem>>)
      %dma_wait3A_226 = arith.constant 104 : i32
      %dma_wait3A_227 = arith.constant 0 : i32
      %dma_wait3A_228 = tpu.memref_slice %arg9[%dma_wait3A_226, %dma_wait3A_227] : memref<200x128xf32, #tpu.memory_space<vmem>> -> memref<96x128xf32, #tpu.memory_space<vmem>>
      %dma_wait3A_229 = arith.constant 0 : i32
      %dma_wait3A_230 = tpu.memref_slice %arg5[%dma_wait3A_229] : memref<6400xi32, #tpu.memory_space<vmem>> -> memref<96xi32, #tpu.memory_space<vmem>>
      %dma_wait3A_231 = arith.constant 0 : i32
      %dma_wait3A_232 = arith.constant 0 : i32
      %dma_wait3A_233 = tpu.memref_slice %arg3[%dma_wait3A_231, %dma_wait3A_232] : memref<100000x128xf32, #tpu.memory_space<hbm>> -> memref<100000x128xf32, #tpu.memory_space<hbm>>
      tpu.wait_indirect_dma semaphore(%arg13 : memref<!tpu.dma_semaphore, #tpu.memory_space<semaphore_mem>>) src(%dma_wait3A_233 : memref<100000x128xf32, #tpu.memory_space<hbm>>) dst(%dma_wait3A_228 : memref<96x128xf32, #tpu.memory_space<vmem>>)
      %add3A_234 = arith.addi %multiple_of3A, %add3A_217 : i32
      %mul3A_235 = arith.constant 200 : i32
      %mul3A_236 = arith.muli %add3A_234, %mul3A_235 : i32
      %multiple_of3A_237 = tpu.assume_multiple %mul3A_236, 8 : i32
      %dma_start3A_238 = arith.constant 0 : i32
      %dma_start3A_239 = tpu.memref_slice %arg4[%multiple_of3A_237, %dma_start3A_238] : memref<204800x128xf32, #tpu.memory_space<hbm>> -> memref<200x128xf32, #tpu.memory_space<hbm>>
      %dma_start3A_240 = arith.constant 0 : i32
      %dma_start3A_241 = tpu.memref_slice %arg4[%multiple_of3A_237, %dma_start3A_240] : memref<204800x128xf32, #tpu.memory_space<hbm>> -> memref<200x128xf32, #tpu.memory_space<hbm>>
      tpu.enqueue_dma source(%arg9 : memref<200x128xf32, #tpu.memory_space<vmem>>) target(%dma_start3A_241 : memref<200x128xf32, #tpu.memory_space<hbm>>) target_semaphore(%arg17 : memref<!tpu.dma_semaphore, #tpu.memory_space<semaphore_mem>>)
      %lt3A_242 = arith.constant 7 : i32
      %lt3A_243 = arith.cmpi slt, %scan3A_117, %lt3A_242 : i32
      %convert_element_type3A_244 = arith.extui %lt3A_243 : i1 to i32
      %cond3A_245 = arith.constant 0 : i32
      %cond3A_246 = arith.cmpi ne, %convert_element_type3A_244, %cond3A_245 : i32
      scf.if %cond3A_246 {
        %add3A_247 = arith.constant 0 : i32
        %add3A_248 = arith.addi %multiple_of3A, %add3A_247 : i32
        %mul3A_249 = arith.constant 200 : i32
        %mul3A_250 = arith.muli %add3A_248, %mul3A_249 : i32
        %multiple_of3A_251 = tpu.assume_multiple %mul3A_250, 8 : i32
        %dma_wait3A_252 = arith.constant 0 : i32
        %dma_wait3A_253 = tpu.memref_slice %arg4[%multiple_of3A_251, %dma_wait3A_252] : memref<204800x128xf32, #tpu.memory_space<hbm>> -> memref<200x128xf32, #tpu.memory_space<hbm>>
        %dma_wait3A_254 = arith.constant 0 : i32
        %dma_wait3A_255 = tpu.memref_slice %arg4[%multiple_of3A_251, %dma_wait3A_254] : memref<204800x128xf32, #tpu.memory_space<hbm>> -> memref<200x128xf32, #tpu.memory_space<hbm>>
        tpu.wait_dma2 semaphore(%arg17 : memref<!tpu.dma_semaphore, #tpu.memory_space<semaphore_mem>>) src(%arg9 : memref<200x128xf32, #tpu.memory_space<vmem>>) dst(%dma_wait3A_255 : memref<200x128xf32, #tpu.memory_space<hbm>>)
        %add3A_256 = arith.constant 4 : i32
        %add3A_257 = arith.addi %add3A_217, %add3A_256 : i32
        %mul3A_258 = arith.constant 200 : i32
        %mul3A_259 = arith.muli %add3A_257, %mul3A_258 : i32
        %multiple_of3A_260 = tpu.assume_multiple %mul3A_259, 8 : i32
        %dma_start3A_261 = arith.constant 0 : i32
        %dma_start3A_262 = arith.constant 0 : i32
        %dma_start3A_263 = tpu.memref_slice %arg9[%dma_start3A_261, %dma_start3A_262] : memref<200x128xf32, #tpu.memory_space<vmem>> -> memref<104x128xf32, #tpu.memory_space<vmem>>
        %dma_start3A_264 = tpu.memref_slice %arg5[%multiple_of3A_260] : memref<6400xi32, #tpu.memory_space<vmem>> -> memref<104xi32, #tpu.memory_space<vmem>>
        %dma_start3A_265 = arith.constant 0 : i32
        %dma_start3A_266 = arith.constant 0 : i32
        %dma_start3A_267 = tpu.memref_slice %arg3[%dma_start3A_265, %dma_start3A_266] : memref<100000x128xf32, #tpu.memory_space<hbm>> -> memref<100000x128xf32, #tpu.memory_space<hbm>>
        tpu.enqueue_indirect_dma source(%dma_start3A_267 : memref<100000x128xf32, #tpu.memory_space<hbm>>) target(%dma_start3A_263 : memref<104x128xf32, #tpu.memory_space<vmem>>) offsets(%dma_start3A_264 : memref<104xi32, #tpu.memory_space<vmem>>) semaphore(%arg13 : memref<!tpu.dma_semaphore, #tpu.memory_space<semaphore_mem>>)
        %add3A_268 = arith.constant 104 : i32
        %add3A_269 = arith.addi %multiple_of3A_260, %add3A_268 : i32
        %dma_start3A_270 = arith.constant 104 : i32
        %dma_start3A_271 = arith.constant 0 : i32
        %dma_start3A_272 = tpu.memref_slice %arg9[%dma_start3A_270, %dma_start3A_271] : memref<200x128xf32, #tpu.memory_space<vmem>> -> memref<96x128xf32, #tpu.memory_space<vmem>>
        %dma_start3A_273 = tpu.memref_slice %arg5[%add3A_269] : memref<6400xi32, #tpu.memory_space<vmem>> -> memref<96xi32, #tpu.memory_space<vmem>>
        %dma_start3A_274 = arith.constant 0 : i32
        %dma_start3A_275 = arith.constant 0 : i32
        %dma_start3A_276 = tpu.memref_slice %arg3[%dma_start3A_274, %dma_start3A_275] : memref<100000x128xf32, #tpu.memory_space<hbm>> -> memref<100000x128xf32, #tpu.memory_space<hbm>>
        tpu.enqueue_indirect_dma source(%dma_start3A_276 : memref<100000x128xf32, #tpu.memory_space<hbm>>) target(%dma_start3A_272 : memref<96x128xf32, #tpu.memory_space<vmem>>) offsets(%dma_start3A_273 : memref<96xi32, #tpu.memory_space<vmem>>) semaphore(%arg13 : memref<!tpu.dma_semaphore, #tpu.memory_space<semaphore_mem>>)
      } else {
      }
    }
    %scan3A_81 = arith.constant 8 : i32
    %add3A_82 = arith.constant 0 : i32
    %add3A_83 = arith.addi %multiple_of3A, %add3A_82 : i32
    %mul3A_84 = arith.constant 200 : i32
    %mul3A_85 = arith.muli %add3A_83, %mul3A_84 : i32
    %multiple_of3A_86 = tpu.assume_multiple %mul3A_85, 8 : i32
    %dma_wait3A = arith.constant 0 : i32
    %dma_wait3A_87 = tpu.memref_slice %arg4[%multiple_of3A_86, %dma_wait3A] : memref<204800x128xf32, #tpu.memory_space<hbm>> -> memref<200x128xf32, #tpu.memory_space<hbm>>
    %dma_wait3A_88 = arith.constant 0 : i32
    %dma_wait3A_89 = tpu.memref_slice %arg4[%multiple_of3A_86, %dma_wait3A_88] : memref<204800x128xf32, #tpu.memory_space<hbm>> -> memref<200x128xf32, #tpu.memory_space<hbm>>
    tpu.wait_dma2 semaphore(%arg14 : memref<!tpu.dma_semaphore, #tpu.memory_space<semaphore_mem>>) src(%arg6 : memref<200x128xf32, #tpu.memory_space<vmem>>) dst(%dma_wait3A_89 : memref<200x128xf32, #tpu.memory_space<hbm>>)
    %add3A_90 = arith.constant 0 : i32
    %add3A_91 = arith.addi %multiple_of3A, %add3A_90 : i32
    %mul3A_92 = arith.constant 200 : i32
    %mul3A_93 = arith.muli %add3A_91, %mul3A_92 : i32
    %multiple_of3A_94 = tpu.assume_multiple %mul3A_93, 8 : i32
    %dma_wait3A_95 = arith.constant 0 : i32
    %dma_wait3A_96 = tpu.memref_slice %arg4[%multiple_of3A_94, %dma_wait3A_95] : memref<204800x128xf32, #tpu.memory_space<hbm>> -> memref<200x128xf32, #tpu.memory_space<hbm>>
    %dma_wait3A_97 = arith.constant 0 : i32
    %dma_wait3A_98 = tpu.memref_slice %arg4[%multiple_of3A_94, %dma_wait3A_97] : memref<204800x128xf32, #tpu.memory_space<hbm>> -> memref<200x128xf32, #tpu.memory_space<hbm>>
    tpu.wait_dma2 semaphore(%arg15 : memref<!tpu.dma_semaphore, #tpu.memory_space<semaphore_mem>>) src(%arg7 : memref<200x128xf32, #tpu.memory_space<vmem>>) dst(%dma_wait3A_98 : memref<200x128xf32, #tpu.memory_space<hbm>>)
    %add3A_99 = arith.constant 0 : i32
    %add3A_100 = arith.addi %multiple_of3A, %add3A_99 : i32
    %mul3A_101 = arith.constant 200 : i32
    %mul3A_102 = arith.muli %add3A_100, %mul3A_101 : i32
    %multiple_of3A_103 = tpu.assume_multiple %mul3A_102, 8 : i32
    %dma_wait3A_104 = arith.constant 0 : i32
    %dma_wait3A_105 = tpu.memref_slice %arg4[%multiple_of3A_103, %dma_wait3A_104] : memref<204800x128xf32, #tpu.memory_space<hbm>> -> memref<200x128xf32, #tpu.memory_space<hbm>>
    %dma_wait3A_106 = arith.constant 0 : i32
    %dma_wait3A_107 = tpu.memref_slice %arg4[%multiple_of3A_103, %dma_wait3A_106] : memref<204800x128xf32, #tpu.memory_space<hbm>> -> memref<200x128xf32, #tpu.memory_space<hbm>>
    tpu.wait_dma2 semaphore(%arg16 : memref<!tpu.dma_semaphore, #tpu.memory_space<semaphore_mem>>) src(%arg8 : memref<200x128xf32, #tpu.memory_space<vmem>>) dst(%dma_wait3A_107 : memref<200x128xf32, #tpu.memory_space<hbm>>)
    %add3A_108 = arith.constant 0 : i32
    %add3A_109 = arith.addi %multiple_of3A, %add3A_108 : i32
    %mul3A_110 = arith.constant 200 : i32
    %mul3A_111 = arith.muli %add3A_109, %mul3A_110 : i32
    %multiple_of3A_112 = tpu.assume_multiple %mul3A_111, 8 : i32
    %dma_wait3A_113 = arith.constant 0 : i32
    %dma_wait3A_114 = tpu.memref_slice %arg4[%multiple_of3A_112, %dma_wait3A_113] : memref<204800x128xf32, #tpu.memory_space<hbm>> -> memref<200x128xf32, #tpu.memory_space<hbm>>
    %dma_wait3A_115 = arith.constant 0 : i32
    %dma_wait3A_116 = tpu.memref_slice %arg4[%multiple_of3A_112, %dma_wait3A_115] : memref<204800x128xf32, #tpu.memory_space<hbm>> -> memref<200x128xf32, #tpu.memory_space<hbm>>
    tpu.wait_dma2 semaphore(%arg17 : memref<!tpu.dma_semaphore, #tpu.memory_space<semaphore_mem>>) src(%arg9 : memref<200x128xf32, #tpu.memory_space<vmem>>) dst(%dma_wait3A_116 : memref<200x128xf32, #tpu.memory_space<hbm>>)
    return
  }
}

#map = affine_map<(d0, d1) -> (0)>
#map1 = affine_map<(d0, d1) -> (0, 0)>
module attributes {stable_mosaic.version = 14 : i64} {
  func.func @_gather_body(%arg0: i32, %arg1: i32, %arg2: memref<204800xi32, #tpu.memory_space<hbm>>, %arg3: memref<100000x128xf32, #tpu.memory_space<hbm>>, %arg4: memref<204800x128xf32, #tpu.memory_space<hbm>>, %arg5: memref<6400xi32, #tpu.memory_space<vmem>>, %arg6: memref<200x128xf32, #tpu.memory_space<vmem>>, %arg7: memref<200x128xf32, #tpu.memory_space<vmem>>, %arg8: memref<200x128xf32, #tpu.memory_space<vmem>>, %arg9: memref<200x128xf32, #tpu.memory_space<vmem>>, %arg10: memref<!tpu.dma_semaphore, #tpu.memory_space<semaphore_mem>>, %arg11: memref<!tpu.dma_semaphore, #tpu.memory_space<semaphore_mem>>, %arg12: memref<!tpu.dma_semaphore, #tpu.memory_space<semaphore_mem>>, %arg13: memref<!tpu.dma_semaphore, #tpu.memory_space<semaphore_mem>>, %arg14: memref<!tpu.dma_semaphore, #tpu.memory_space<semaphore_mem>>, %arg15: memref<!tpu.dma_semaphore, #tpu.memory_space<semaphore_mem>>, %arg16: memref<!tpu.dma_semaphore, #tpu.memory_space<semaphore_mem>>, %arg17: memref<!tpu.dma_semaphore, #tpu.memory_space<semaphore_mem>>) attributes {dimension_semantics = [#tpu.dimension_semantics<core_parallel>, #tpu.dimension_semantics<subcore_parallel>], iteration_bounds = array<i64: 2, 16>, scalar_prefetch = 0 : i64, scratch_operands = 13 : i64, tpu.core_type = #tpu.core_type<sc_vector_subcore>, window_params = [{transform_indices = #map}, {transform_indices = #map1}, {transform_indices = #map1}]} {
    %mul3A = arith.constant 2 : i32
    %mul3A_0 = arith.muli %arg1, %mul3A : i32
    %add3A = arith.addi %mul3A_0, %arg0 : i32
    %mul3A_1 = arith.constant 32 : i32
    %mul3A_2 = arith.muli %add3A, %mul3A_1 : i32
    %multiple_of3A = tpu.assume_multiple %mul3A_2, 8 : i32
    %mul3A_3 = arith.constant 200 : i32
    %mul3A_4 = arith.muli %multiple_of3A, %mul3A_3 : i32
    %multiple_of3A_5 = tpu.assume_multiple %mul3A_4, 8 : i32
    "tpu.region"() ({
      %run_scoped3A = tpu.sem_alloc : memref<!tpu.dma_semaphore, #tpu.memory_space<semaphore_mem>>
      %dma_start3A_117 = tpu.memref_slice %arg2[%multiple_of3A_5] : memref<204800xi32, #tpu.memory_space<hbm>> -> memref<6400xi32, #tpu.memory_space<hbm>>
      %dma_start3A_118 = tpu.memref_slice %arg2[%multiple_of3A_5] : memref<204800xi32, #tpu.memory_space<hbm>> -> memref<6400xi32, #tpu.memory_space<hbm>>
      tpu.enqueue_dma source(%dma_start3A_118 : memref<6400xi32, #tpu.memory_space<hbm>>) target(%arg5 : memref<6400xi32, #tpu.memory_space<vmem>>) target_semaphore(%run_scoped3A : memref<!tpu.dma_semaphore, #tpu.memory_space<semaphore_mem>>)
      %dma_wait3A_119 = tpu.memref_slice %arg2[%multiple_of3A_5] : memref<204800xi32, #tpu.memory_space<hbm>> -> memref<6400xi32, #tpu.memory_space<hbm>>
      %dma_wait3A_120 = tpu.memref_slice %arg2[%multiple_of3A_5] : memref<204800xi32, #tpu.memory_space<hbm>> -> memref<6400xi32, #tpu.memory_space<hbm>>
      tpu.wait_dma2 semaphore(%run_scoped3A : memref<!tpu.dma_semaphore, #tpu.memory_space<semaphore_mem>>) src(%dma_wait3A_120 : memref<6400xi32, #tpu.memory_space<hbm>>) dst(%arg5 : memref<6400xi32, #tpu.memory_space<vmem>>)
      tpu.yield
    }) : () -> ()
    %multiple_of3A_6 = arith.constant 0 : i32
    %multiple_of3A_7 = tpu.assume_multiple %multiple_of3A_6, 8 : i32
    %dma_start3A = arith.constant 0 : i32
    %dma_start3A_8 = arith.constant 0 : i32
    %dma_start3A_9 = tpu.memref_slice %arg6[%dma_start3A, %dma_start3A_8] : memref<200x128xf32, #tpu.memory_space<vmem>> -> memref<104x128xf32, #tpu.memory_space<vmem>>
    %dma_start3A_10 = tpu.memref_slice %arg5[%multiple_of3A_7] : memref<6400xi32, #tpu.memory_space<vmem>> -> memref<104xi32, #tpu.memory_space<vmem>>
    %dma_start3A_11 = arith.constant 0 : i32
    %dma_start3A_12 = arith.constant 0 : i32
    %dma_start3A_13 = tpu.memref_slice %arg3[%dma_start3A_11, %dma_start3A_12] : memref<100000x128xf32, #tpu.memory_space<hbm>> -> memref<100000x128xf32, #tpu.memory_space<hbm>>
    tpu.enqueue_indirect_dma source(%dma_start3A_13 : memref<100000x128xf32, #tpu.memory_space<hbm>>) target(%dma_start3A_9 : memref<104x128xf32, #tpu.memory_space<vmem>>) offsets(%dma_start3A_10 : memref<104xi32, #tpu.memory_space<vmem>>) semaphore(%arg10 : memref<!tpu.dma_semaphore, #tpu.memory_space<semaphore_mem>>)
    %add3A_14 = arith.constant 104 : i32
    %add3A_15 = arith.addi %multiple_of3A_7, %add3A_14 : i32
    %dma_start3A_16 = arith.constant 104 : i32
    %dma_start3A_17 = arith.constant 0 : i32
    %dma_start3A_18 = tpu.memref_slice %arg6[%dma_start3A_16, %dma_start3A_17] : memref<200x128xf32, #tpu.memory_space<vmem>> -> memref<96x128xf32, #tpu.memory_space<vmem>>
    %dma_start3A_19 = tpu.memref_slice %arg5[%add3A_15] : memref<6400xi32, #tpu.memory_space<vmem>> -> memref<96xi32, #tpu.memory_space<vmem>>
    %dma_start3A_20 = arith.constant 0 : i32
    %dma_start3A_21 = arith.constant 0 : i32
    %dma_start3A_22 = tpu.memref_slice %arg3[%dma_start3A_20, %dma_start3A_21] : memref<100000x128xf32, #tpu.memory_space<hbm>> -> memref<100000x128xf32, #tpu.memory_space<hbm>>
    tpu.enqueue_indirect_dma source(%dma_start3A_22 : memref<100000x128xf32, #tpu.memory_space<hbm>>) target(%dma_start3A_18 : memref<96x128xf32, #tpu.memory_space<vmem>>) offsets(%dma_start3A_19 : memref<96xi32, #tpu.memory_space<vmem>>) semaphore(%arg10 : memref<!tpu.dma_semaphore, #tpu.memory_space<semaphore_mem>>)
    %multiple_of3A_23 = arith.constant 200 : i32
    %multiple_of3A_24 = tpu.assume_multiple %multiple_of3A_23, 8 : i32
    %dma_start3A_25 = arith.constant 0 : i32
    %dma_start3A_26 = arith.constant 0 : i32
    %dma_start3A_27 = tpu.memref_slice %arg7[%dma_start3A_25, %dma_start3A_26] : memref<200x128xf32, #tpu.memory_space<vmem>> -> memref<104x128xf32, #tpu.memory_space<vmem>>
    %dma_start3A_28 = tpu.memref_slice %arg5[%multiple_of3A_24] : memref<6400xi32, #tpu.memory_space<vmem>> -> memref<104xi32, #tpu.memory_space<vmem>>
    %dma_start3A_29 = arith.constant 0 : i32
    %dma_start3A_30 = arith.constant 0 : i32
    %dma_start3A_31 = tpu.memref_slice %arg3[%dma_start3A_29, %dma_start3A_30] : memref<100000x128xf32, #tpu.memory_space<hbm>> -> memref<100000x128xf32, #tpu.memory_space<hbm>>
    tpu.enqueue_indirect_dma source(%dma_start3A_31 : memref<100000x128xf32, #tpu.memory_space<hbm>>) target(%dma_start3A_27 : memref<104x128xf32, #tpu.memory_space<vmem>>) offsets(%dma_start3A_28 : memref<104xi32, #tpu.memory_space<vmem>>) semaphore(%arg11 : memref<!tpu.dma_semaphore, #tpu.memory_space<semaphore_mem>>)
    %add3A_32 = arith.constant 104 : i32
    %add3A_33 = arith.addi %multiple_of3A_24, %add3A_32 : i32
    %dma_start3A_34 = arith.constant 104 : i32
    %dma_start3A_35 = arith.constant 0 : i32
    %dma_start3A_36 = tpu.memref_slice %arg7[%dma_start3A_34, %dma_start3A_35] : memref<200x128xf32, #tpu.memory_space<vmem>> -> memref<96x128xf32, #tpu.memory_space<vmem>>
    %dma_start3A_37 = tpu.memref_slice %arg5[%add3A_33] : memref<6400xi32, #tpu.memory_space<vmem>> -> memref<96xi32, #tpu.memory_space<vmem>>
    %dma_start3A_38 = arith.constant 0 : i32
    %dma_start3A_39 = arith.constant 0 : i32
    %dma_start3A_40 = tpu.memref_slice %arg3[%dma_start3A_38, %dma_start3A_39] : memref<100000x128xf32, #tpu.memory_space<hbm>> -> memref<100000x128xf32, #tpu.memory_space<hbm>>
    tpu.enqueue_indirect_dma source(%dma_start3A_40 : memref<100000x128xf32, #tpu.memory_space<hbm>>) target(%dma_start3A_36 : memref<96x128xf32, #tpu.memory_space<vmem>>) offsets(%dma_start3A_37 : memref<96xi32, #tpu.memory_space<vmem>>) semaphore(%arg11 : memref<!tpu.dma_semaphore, #tpu.memory_space<semaphore_mem>>)
    %multiple_of3A_41 = arith.constant 400 : i32
    %multiple_of3A_42 = tpu.assume_multiple %multiple_of3A_41, 8 : i32
    %dma_start3A_43 = arith.constant 0 : i32
    %dma_start3A_44 = arith.constant 0 : i32
    %dma_start3A_45 = tpu.memref_slice %arg8[%dma_start3A_43, %dma_start3A_44] : memref<200x128xf32, #tpu.memory_space<vmem>> -> memref<104x128xf32, #tpu.memory_space<vmem>>
    %dma_start3A_46 = tpu.memref_slice %arg5[%multiple_of3A_42] : memref<6400xi32, #tpu.memory_space<vmem>> -> memref<104xi32, #tpu.memory_space<vmem>>
    %dma_start3A_47 = arith.constant 0 : i32
    %dma_start3A_48 = arith.constant 0 : i32
    %dma_start3A_49 = tpu.memref_slice %arg3[%dma_start3A_47, %dma_start3A_48] : memref<100000x128xf32, #tpu.memory_space<hbm>> -> memref<100000x128xf32, #tpu.memory_space<hbm>>
    tpu.enqueue_indirect_dma source(%dma_start3A_49 : memref<100000x128xf32, #tpu.memory_space<hbm>>) target(%dma_start3A_45 : memref<104x128xf32, #tpu.memory_space<vmem>>) offsets(%dma_start3A_46 : memref<104xi32, #tpu.memory_space<vmem>>) semaphore(%arg12 : memref<!tpu.dma_semaphore, #tpu.memory_space<semaphore_mem>>)
    %add3A_50 = arith.constant 104 : i32
    %add3A_51 = arith.addi %multiple_of3A_42, %add3A_50 : i32
    %dma_start3A_52 = arith.constant 104 : i32
    %dma_start3A_53 = arith.constant 0 : i32
    %dma_start3A_54 = tpu.memref_slice %arg8[%dma_start3A_52, %dma_start3A_53] : memref<200x128xf32, #tpu.memory_space<vmem>> -> memref<96x128xf32, #tpu.memory_space<vmem>>
    %dma_start3A_55 = tpu.memref_slice %arg5[%add3A_51] : memref<6400xi32, #tpu.memory_space<vmem>> -> memref<96xi32, #tpu.memory_space<vmem>>
    %dma_start3A_56 = arith.constant 0 : i32
    %dma_start3A_57 = arith.constant 0 : i32
    %dma_start3A_58 = tpu.memref_slice %arg3[%dma_start3A_56, %dma_start3A_57] : memref<100000x128xf32, #tpu.memory_space<hbm>> -> memref<100000x128xf32, #tpu.memory_space<hbm>>
    tpu.enqueue_indirect_dma source(%dma_start3A_58 : memref<100000x128xf32, #tpu.memory_space<hbm>>) target(%dma_start3A_54 : memref<96x128xf32, #tpu.memory_space<vmem>>) offsets(%dma_start3A_55 : memref<96xi32, #tpu.memory_space<vmem>>) semaphore(%arg12 : memref<!tpu.dma_semaphore, #tpu.memory_space<semaphore_mem>>)
    %multiple_of3A_59 = arith.constant 600 : i32
    %multiple_of3A_60 = tpu.assume_multiple %multiple_of3A_59, 8 : i32
    %dma_start3A_61 = arith.constant 0 : i32
    %dma_start3A_62 = arith.constant 0 : i32
    %dma_start3A_63 = tpu.memref_slice %arg9[%dma_start3A_61, %dma_start3A_62] : memref<200x128xf32, #tpu.memory_space<vmem>> -> memref<104x128xf32, #tpu.memory_space<vmem>>
    %dma_start3A_64 = tpu.memref_slice %arg5[%multiple_of3A_60] : memref<6400xi32, #tpu.memory_space<vmem>> -> memref<104xi32, #tpu.memory_space<vmem>>
    %dma_start3A_65 = arith.constant 0 : i32
    %dma_start3A_66 = arith.constant 0 : i32
    %dma_start3A_67 = tpu.memref_slice %arg3[%dma_start3A_65, %dma_start3A_66] : memref<100000x128xf32, #tpu.memory_space<hbm>> -> memref<100000x128xf32, #tpu.memory_space<hbm>>
    tpu.enqueue_indirect_dma source(%dma_start3A_67 : memref<100000x128xf32, #tpu.memory_space<hbm>>) target(%dma_start3A_63 : memref<104x128xf32, #tpu.memory_space<vmem>>) offsets(%dma_start3A_64 : memref<104xi32, #tpu.memory_space<vmem>>) semaphore(%arg13 : memref<!tpu.dma_semaphore, #tpu.memory_space<semaphore_mem>>)
    %add3A_68 = arith.constant 104 : i32
    %add3A_69 = arith.addi %multiple_of3A_60, %add3A_68 : i32
    %dma_start3A_70 = arith.constant 104 : i32
    %dma_start3A_71 = arith.constant 0 : i32
    %dma_start3A_72 = tpu.memref_slice %arg9[%dma_start3A_70, %dma_start3A_71] : memref<200x128xf32, #tpu.memory_space<vmem>> -> memref<96x128xf32, #tpu.memory_space<vmem>>
    %dma_start3A_73 = tpu.memref_slice %arg5[%add3A_69] : memref<6400xi32, #tpu.memory_space<vmem>> -> memref<96xi32, #tpu.memory_space<vmem>>
    %dma_start3A_74 = arith.constant 0 : i32
    %dma_start3A_75 = arith.constant 0 : i32
    %dma_start3A_76 = tpu.memref_slice %arg3[%dma_start3A_74, %dma_start3A_75] : memref<100000x128xf32, #tpu.memory_space<hbm>> -> memref<100000x128xf32, #tpu.memory_space<hbm>>
    tpu.enqueue_indirect_dma source(%dma_start3A_76 : memref<100000x128xf32, #tpu.memory_space<hbm>>) target(%dma_start3A_72 : memref<96x128xf32, #tpu.memory_space<vmem>>) offsets(%dma_start3A_73 : memref<96xi32, #tpu.memory_space<vmem>>) semaphore(%arg13 : memref<!tpu.dma_semaphore, #tpu.memory_space<semaphore_mem>>)
    %scan3A = arith.constant 0 : i32
    %scan3A_77 = arith.constant 0 : i32
    %scan3A_78 = arith.constant 8 : i32
    %scan3A_79 = arith.addi %scan3A_77, %scan3A_78 : i32
    %scan3A_80 = arith.constant 1 : i32
    scf.for %scan3A_117 = %scan3A_77 to %scan3A_79 step %scan3A_80  : i32 {
      %mul3A_118 = arith.constant 4 : i32
      %mul3A_119 = arith.muli %scan3A_117, %mul3A_118 : i32
      %add3A_120 = arith.constant 0 : i32
      %add3A_121 = arith.addi %mul3A_119, %add3A_120 : i32
      %dma_wait3A_122 = arith.constant 0 : i32
      %dma_wait3A_123 = arith.constant 0 : i32
      %dma_wait3A_124 = tpu.memref_slice %arg6[%dma_wait3A_122, %dma_wait3A_123] : memref<200x128xf32, #tpu.memory_space<vmem>> -> memref<104x128xf32, #tpu.memory_space<vmem>>
      %dma_wait3A_125 = arith.constant 0 : i32
      %dma_wait3A_126 = tpu.memref_slice %arg5[%dma_wait3A_125] : memref<6400xi32, #tpu.memory_space<vmem>> -> memref<104xi32, #tpu.memory_space<vmem>>
      %dma_wait3A_127 = arith.constant 0 : i32
      %dma_wait3A_128 = arith.constant 0 : i32
      %dma_wait3A_129 = tpu.memref_slice %arg3[%dma_wait3A_127, %dma_wait3A_128] : memref<100000x128xf32, #tpu.memory_space<hbm>> -> memref<100000x128xf32, #tpu.memory_space<hbm>>
      tpu.wait_indirect_dma semaphore(%arg10 : memref<!tpu.dma_semaphore, #tpu.memory_space<semaphore_mem>>) src(%dma_wait3A_129 : memref<100000x128xf32, #tpu.memory_space<hbm>>) dst(%dma_wait3A_124 : memref<104x128xf32, #tpu.memory_space<vmem>>)
      %dma_wait3A_130 = arith.constant 104 : i32
      %dma_wait3A_131 = arith.constant 0 : i32
      %dma_wait3A_132 = tpu.memref_slice %arg6[%dma_wait3A_130, %dma_wait3A_131] : memref<200x128xf32, #tpu.memory_space<vmem>> -> memref<96x128xf32, #tpu.memory_space<vmem>>
      %dma_wait3A_133 = arith.constant 0 : i32
      %dma_wait3A_134 = tpu.memref_slice %arg5[%dma_wait3A_133] : memref<6400xi32, #tpu.memory_space<vmem>> -> memref<96xi32, #tpu.memory_space<vmem>>
      %dma_wait3A_135 = arith.constant 0 : i32
      %dma_wait3A_136 = arith.constant 0 : i32
      %dma_wait3A_137 = tpu.memref_slice %arg3[%dma_wait3A_135, %dma_wait3A_136] : memref<100000x128xf32, #tpu.memory_space<hbm>> -> memref<100000x128xf32, #tpu.memory_space<hbm>>
      tpu.wait_indirect_dma semaphore(%arg10 : memref<!tpu.dma_semaphore, #tpu.memory_space<semaphore_mem>>) src(%dma_wait3A_137 : memref<100000x128xf32, #tpu.memory_space<hbm>>) dst(%dma_wait3A_132 : memref<96x128xf32, #tpu.memory_space<vmem>>)
      %add3A_138 = arith.addi %multiple_of3A, %add3A_121 : i32
      %mul3A_139 = arith.constant 200 : i32
      %mul3A_140 = arith.muli %add3A_138, %mul3A_139 : i32
      %multiple_of3A_141 = tpu.assume_multiple %mul3A_140, 8 : i32
      %dma_start3A_142 = arith.constant 0 : i32
      %dma_start3A_143 = tpu.memref_slice %arg4[%multiple_of3A_141, %dma_start3A_142] : memref<204800x128xf32, #tpu.memory_space<hbm>> -> memref<200x128xf32, #tpu.memory_space<hbm>>
      %dma_start3A_144 = arith.constant 0 : i32
      %dma_start3A_145 = tpu.memref_slice %arg4[%multiple_of3A_141, %dma_start3A_144] : memref<204800x128xf32, #tpu.memory_space<hbm>> -> memref<200x128xf32, #tpu.memory_space<hbm>>
      tpu.enqueue_dma source(%arg6 : memref<200x128xf32, #tpu.memory_space<vmem>>) target(%dma_start3A_145 : memref<200x128xf32, #tpu.memory_space<hbm>>) target_semaphore(%arg14 : memref<!tpu.dma_semaphore, #tpu.memory_space<semaphore_mem>>)
      %lt3A = arith.constant 7 : i32
      %lt3A_146 = arith.cmpi slt, %scan3A_117, %lt3A : i32
      %convert_element_type3A = arith.extui %lt3A_146 : i1 to i32
      %cond3A = arith.constant 0 : i32
      %cond3A_147 = arith.cmpi ne, %convert_element_type3A, %cond3A : i32
      scf.if %cond3A_147 {
        %add3A_247 = arith.constant 0 : i32
        %add3A_248 = arith.addi %multiple_of3A, %add3A_247 : i32
        %mul3A_249 = arith.constant 200 : i32
        %mul3A_250 = arith.muli %add3A_248, %mul3A_249 : i32
        %multiple_of3A_251 = tpu.assume_multiple %mul3A_250, 8 : i32
        %dma_wait3A_252 = arith.constant 0 : i32
        %dma_wait3A_253 = tpu.memref_slice %arg4[%multiple_of3A_251, %dma_wait3A_252] : memref<204800x128xf32, #tpu.memory_space<hbm>> -> memref<200x128xf32, #tpu.memory_space<hbm>>
        %dma_wait3A_254 = arith.constant 0 : i32
        %dma_wait3A_255 = tpu.memref_slice %arg4[%multiple_of3A_251, %dma_wait3A_254] : memref<204800x128xf32, #tpu.memory_space<hbm>> -> memref<200x128xf32, #tpu.memory_space<hbm>>
        tpu.wait_dma2 semaphore(%arg14 : memref<!tpu.dma_semaphore, #tpu.memory_space<semaphore_mem>>) src(%arg6 : memref<200x128xf32, #tpu.memory_space<vmem>>) dst(%dma_wait3A_255 : memref<200x128xf32, #tpu.memory_space<hbm>>)
        %add3A_256 = arith.constant 4 : i32
        %add3A_257 = arith.addi %add3A_121, %add3A_256 : i32
        %mul3A_258 = arith.constant 200 : i32
        %mul3A_259 = arith.muli %add3A_257, %mul3A_258 : i32
        %multiple_of3A_260 = tpu.assume_multiple %mul3A_259, 8 : i32
        %dma_start3A_261 = arith.constant 0 : i32
        %dma_start3A_262 = arith.constant 0 : i32
        %dma_start3A_263 = tpu.memref_slice %arg6[%dma_start3A_261, %dma_start3A_262] : memref<200x128xf32, #tpu.memory_space<vmem>> -> memref<104x128xf32, #tpu.memory_space<vmem>>
        %dma_start3A_264 = tpu.memref_slice %arg5[%multiple_of3A_260] : memref<6400xi32, #tpu.memory_space<vmem>> -> memref<104xi32, #tpu.memory_space<vmem>>
        %dma_start3A_265 = arith.constant 0 : i32
        %dma_start3A_266 = arith.constant 0 : i32
        %dma_start3A_267 = tpu.memref_slice %arg3[%dma_start3A_265, %dma_start3A_266] : memref<100000x128xf32, #tpu.memory_space<hbm>> -> memref<100000x128xf32, #tpu.memory_space<hbm>>
        tpu.enqueue_indirect_dma source(%dma_start3A_267 : memref<100000x128xf32, #tpu.memory_space<hbm>>) target(%dma_start3A_263 : memref<104x128xf32, #tpu.memory_space<vmem>>) offsets(%dma_start3A_264 : memref<104xi32, #tpu.memory_space<vmem>>) semaphore(%arg10 : memref<!tpu.dma_semaphore, #tpu.memory_space<semaphore_mem>>)
        %add3A_268 = arith.constant 104 : i32
        %add3A_269 = arith.addi %multiple_of3A_260, %add3A_268 : i32
        %dma_start3A_270 = arith.constant 104 : i32
        %dma_start3A_271 = arith.constant 0 : i32
        %dma_start3A_272 = tpu.memref_slice %arg6[%dma_start3A_270, %dma_start3A_271] : memref<200x128xf32, #tpu.memory_space<vmem>> -> memref<96x128xf32, #tpu.memory_space<vmem>>
        %dma_start3A_273 = tpu.memref_slice %arg5[%add3A_269] : memref<6400xi32, #tpu.memory_space<vmem>> -> memref<96xi32, #tpu.memory_space<vmem>>
        %dma_start3A_274 = arith.constant 0 : i32
        %dma_start3A_275 = arith.constant 0 : i32
        %dma_start3A_276 = tpu.memref_slice %arg3[%dma_start3A_274, %dma_start3A_275] : memref<100000x128xf32, #tpu.memory_space<hbm>> -> memref<100000x128xf32, #tpu.memory_space<hbm>>
        tpu.enqueue_indirect_dma source(%dma_start3A_276 : memref<100000x128xf32, #tpu.memory_space<hbm>>) target(%dma_start3A_272 : memref<96x128xf32, #tpu.memory_space<vmem>>) offsets(%dma_start3A_273 : memref<96xi32, #tpu.memory_space<vmem>>) semaphore(%arg10 : memref<!tpu.dma_semaphore, #tpu.memory_space<semaphore_mem>>)
      } else {
      }
      %mul3A_148 = arith.constant 4 : i32
      %mul3A_149 = arith.muli %scan3A_117, %mul3A_148 : i32
      %add3A_150 = arith.constant 1 : i32
      %add3A_151 = arith.addi %mul3A_149, %add3A_150 : i32
      %dma_wait3A_152 = arith.constant 0 : i32
      %dma_wait3A_153 = arith.constant 0 : i32
      %dma_wait3A_154 = tpu.memref_slice %arg7[%dma_wait3A_152, %dma_wait3A_153] : memref<200x128xf32, #tpu.memory_space<vmem>> -> memref<104x128xf32, #tpu.memory_space<vmem>>
      %dma_wait3A_155 = arith.constant 0 : i32
      %dma_wait3A_156 = tpu.memref_slice %arg5[%dma_wait3A_155] : memref<6400xi32, #tpu.memory_space<vmem>> -> memref<104xi32, #tpu.memory_space<vmem>>
      %dma_wait3A_157 = arith.constant 0 : i32
      %dma_wait3A_158 = arith.constant 0 : i32
      %dma_wait3A_159 = tpu.memref_slice %arg3[%dma_wait3A_157, %dma_wait3A_158] : memref<100000x128xf32, #tpu.memory_space<hbm>> -> memref<100000x128xf32, #tpu.memory_space<hbm>>
      tpu.wait_indirect_dma semaphore(%arg11 : memref<!tpu.dma_semaphore, #tpu.memory_space<semaphore_mem>>) src(%dma_wait3A_159 : memref<100000x128xf32, #tpu.memory_space<hbm>>) dst(%dma_wait3A_154 : memref<104x128xf32, #tpu.memory_space<vmem>>)
      %dma_wait3A_160 = arith.constant 104 : i32
      %dma_wait3A_161 = arith.constant 0 : i32
      %dma_wait3A_162 = tpu.memref_slice %arg7[%dma_wait3A_160, %dma_wait3A_161] : memref<200x128xf32, #tpu.memory_space<vmem>> -> memref<96x128xf32, #tpu.memory_space<vmem>>
      %dma_wait3A_163 = arith.constant 0 : i32
      %dma_wait3A_164 = tpu.memref_slice %arg5[%dma_wait3A_163] : memref<6400xi32, #tpu.memory_space<vmem>> -> memref<96xi32, #tpu.memory_space<vmem>>
      %dma_wait3A_165 = arith.constant 0 : i32
      %dma_wait3A_166 = arith.constant 0 : i32
      %dma_wait3A_167 = tpu.memref_slice %arg3[%dma_wait3A_165, %dma_wait3A_166] : memref<100000x128xf32, #tpu.memory_space<hbm>> -> memref<100000x128xf32, #tpu.memory_space<hbm>>
      tpu.wait_indirect_dma semaphore(%arg11 : memref<!tpu.dma_semaphore, #tpu.memory_space<semaphore_mem>>) src(%dma_wait3A_167 : memref<100000x128xf32, #tpu.memory_space<hbm>>) dst(%dma_wait3A_162 : memref<96x128xf32, #tpu.memory_space<vmem>>)
      %add3A_168 = arith.addi %multiple_of3A, %add3A_151 : i32
      %mul3A_169 = arith.constant 200 : i32
      %mul3A_170 = arith.muli %add3A_168, %mul3A_169 : i32
      %multiple_of3A_171 = tpu.assume_multiple %mul3A_170, 8 : i32
      %dma_start3A_172 = arith.constant 0 : i32
      %dma_start3A_173 = tpu.memref_slice %arg4[%multiple_of3A_171, %dma_start3A_172] : memref<204800x128xf32, #tpu.memory_space<hbm>> -> memref<200x128xf32, #tpu.memory_space<hbm>>
      %dma_start3A_174 = arith.constant 0 : i32
      %dma_start3A_175 = tpu.memref_slice %arg4[%multiple_of3A_171, %dma_start3A_174] : memref<204800x128xf32, #tpu.memory_space<hbm>> -> memref<200x128xf32, #tpu.memory_space<hbm>>
      tpu.enqueue_dma source(%arg7 : memref<200x128xf32, #tpu.memory_space<vmem>>) target(%dma_start3A_175 : memref<200x128xf32, #tpu.memory_space<hbm>>) target_semaphore(%arg15 : memref<!tpu.dma_semaphore, #tpu.memory_space<semaphore_mem>>)
      %lt3A_176 = arith.constant 7 : i32
      %lt3A_177 = arith.cmpi slt, %scan3A_117, %lt3A_176 : i32
      %convert_element_type3A_178 = arith.extui %lt3A_177 : i1 to i32
      %cond3A_179 = arith.constant 0 : i32
      %cond3A_180 = arith.cmpi ne, %convert_element_type3A_178, %cond3A_179 : i32
      scf.if %cond3A_180 {
        %add3A_247 = arith.constant 0 : i32
        %add3A_248 = arith.addi %multiple_of3A, %add3A_247 : i32
        %mul3A_249 = arith.constant 200 : i32
        %mul3A_250 = arith.muli %add3A_248, %mul3A_249 : i32
        %multiple_of3A_251 = tpu.assume_multiple %mul3A_250, 8 : i32
        %dma_wait3A_252 = arith.constant 0 : i32
        %dma_wait3A_253 = tpu.memref_slice %arg4[%multiple_of3A_251, %dma_wait3A_252] : memref<204800x128xf32, #tpu.memory_space<hbm>> -> memref<200x128xf32, #tpu.memory_space<hbm>>
        %dma_wait3A_254 = arith.constant 0 : i32
        %dma_wait3A_255 = tpu.memref_slice %arg4[%multiple_of3A_251, %dma_wait3A_254] : memref<204800x128xf32, #tpu.memory_space<hbm>> -> memref<200x128xf32, #tpu.memory_space<hbm>>
        tpu.wait_dma2 semaphore(%arg15 : memref<!tpu.dma_semaphore, #tpu.memory_space<semaphore_mem>>) src(%arg7 : memref<200x128xf32, #tpu.memory_space<vmem>>) dst(%dma_wait3A_255 : memref<200x128xf32, #tpu.memory_space<hbm>>)
        %add3A_256 = arith.constant 4 : i32
        %add3A_257 = arith.addi %add3A_151, %add3A_256 : i32
        %mul3A_258 = arith.constant 200 : i32
        %mul3A_259 = arith.muli %add3A_257, %mul3A_258 : i32
        %multiple_of3A_260 = tpu.assume_multiple %mul3A_259, 8 : i32
        %dma_start3A_261 = arith.constant 0 : i32
        %dma_start3A_262 = arith.constant 0 : i32
        %dma_start3A_263 = tpu.memref_slice %arg7[%dma_start3A_261, %dma_start3A_262] : memref<200x128xf32, #tpu.memory_space<vmem>> -> memref<104x128xf32, #tpu.memory_space<vmem>>
        %dma_start3A_264 = tpu.memref_slice %arg5[%multiple_of3A_260] : memref<6400xi32, #tpu.memory_space<vmem>> -> memref<104xi32, #tpu.memory_space<vmem>>
        %dma_start3A_265 = arith.constant 0 : i32
        %dma_start3A_266 = arith.constant 0 : i32
        %dma_start3A_267 = tpu.memref_slice %arg3[%dma_start3A_265, %dma_start3A_266] : memref<100000x128xf32, #tpu.memory_space<hbm>> -> memref<100000x128xf32, #tpu.memory_space<hbm>>
        tpu.enqueue_indirect_dma source(%dma_start3A_267 : memref<100000x128xf32, #tpu.memory_space<hbm>>) target(%dma_start3A_263 : memref<104x128xf32, #tpu.memory_space<vmem>>) offsets(%dma_start3A_264 : memref<104xi32, #tpu.memory_space<vmem>>) semaphore(%arg11 : memref<!tpu.dma_semaphore, #tpu.memory_space<semaphore_mem>>)
        %add3A_268 = arith.constant 104 : i32
        %add3A_269 = arith.addi %multiple_of3A_260, %add3A_268 : i32
        %dma_start3A_270 = arith.constant 104 : i32
        %dma_start3A_271 = arith.constant 0 : i32
        %dma_start3A_272 = tpu.memref_slice %arg7[%dma_start3A_270, %dma_start3A_271] : memref<200x128xf32, #tpu.memory_space<vmem>> -> memref<96x128xf32, #tpu.memory_space<vmem>>
        %dma_start3A_273 = tpu.memref_slice %arg5[%add3A_269] : memref<6400xi32, #tpu.memory_space<vmem>> -> memref<96xi32, #tpu.memory_space<vmem>>
        %dma_start3A_274 = arith.constant 0 : i32
        %dma_start3A_275 = arith.constant 0 : i32
        %dma_start3A_276 = tpu.memref_slice %arg3[%dma_start3A_274, %dma_start3A_275] : memref<100000x128xf32, #tpu.memory_space<hbm>> -> memref<100000x128xf32, #tpu.memory_space<hbm>>
        tpu.enqueue_indirect_dma source(%dma_start3A_276 : memref<100000x128xf32, #tpu.memory_space<hbm>>) target(%dma_start3A_272 : memref<96x128xf32, #tpu.memory_space<vmem>>) offsets(%dma_start3A_273 : memref<96xi32, #tpu.memory_space<vmem>>) semaphore(%arg11 : memref<!tpu.dma_semaphore, #tpu.memory_space<semaphore_mem>>)
      } else {
      }
      %mul3A_181 = arith.constant 4 : i32
      %mul3A_182 = arith.muli %scan3A_117, %mul3A_181 : i32
      %add3A_183 = arith.constant 2 : i32
      %add3A_184 = arith.addi %mul3A_182, %add3A_183 : i32
      %dma_wait3A_185 = arith.constant 0 : i32
      %dma_wait3A_186 = arith.constant 0 : i32
      %dma_wait3A_187 = tpu.memref_slice %arg8[%dma_wait3A_185, %dma_wait3A_186] : memref<200x128xf32, #tpu.memory_space<vmem>> -> memref<104x128xf32, #tpu.memory_space<vmem>>
      %dma_wait3A_188 = arith.constant 0 : i32
      %dma_wait3A_189 = tpu.memref_slice %arg5[%dma_wait3A_188] : memref<6400xi32, #tpu.memory_space<vmem>> -> memref<104xi32, #tpu.memory_space<vmem>>
      %dma_wait3A_190 = arith.constant 0 : i32
      %dma_wait3A_191 = arith.constant 0 : i32
      %dma_wait3A_192 = tpu.memref_slice %arg3[%dma_wait3A_190, %dma_wait3A_191] : memref<100000x128xf32, #tpu.memory_space<hbm>> -> memref<100000x128xf32, #tpu.memory_space<hbm>>
      tpu.wait_indirect_dma semaphore(%arg12 : memref<!tpu.dma_semaphore, #tpu.memory_space<semaphore_mem>>) src(%dma_wait3A_192 : memref<100000x128xf32, #tpu.memory_space<hbm>>) dst(%dma_wait3A_187 : memref<104x128xf32, #tpu.memory_space<vmem>>)
      %dma_wait3A_193 = arith.constant 104 : i32
      %dma_wait3A_194 = arith.constant 0 : i32
      %dma_wait3A_195 = tpu.memref_slice %arg8[%dma_wait3A_193, %dma_wait3A_194] : memref<200x128xf32, #tpu.memory_space<vmem>> -> memref<96x128xf32, #tpu.memory_space<vmem>>
      %dma_wait3A_196 = arith.constant 0 : i32
      %dma_wait3A_197 = tpu.memref_slice %arg5[%dma_wait3A_196] : memref<6400xi32, #tpu.memory_space<vmem>> -> memref<96xi32, #tpu.memory_space<vmem>>
      %dma_wait3A_198 = arith.constant 0 : i32
      %dma_wait3A_199 = arith.constant 0 : i32
      %dma_wait3A_200 = tpu.memref_slice %arg3[%dma_wait3A_198, %dma_wait3A_199] : memref<100000x128xf32, #tpu.memory_space<hbm>> -> memref<100000x128xf32, #tpu.memory_space<hbm>>
      tpu.wait_indirect_dma semaphore(%arg12 : memref<!tpu.dma_semaphore, #tpu.memory_space<semaphore_mem>>) src(%dma_wait3A_200 : memref<100000x128xf32, #tpu.memory_space<hbm>>) dst(%dma_wait3A_195 : memref<96x128xf32, #tpu.memory_space<vmem>>)
      %add3A_201 = arith.addi %multiple_of3A, %add3A_184 : i32
      %mul3A_202 = arith.constant 200 : i32
      %mul3A_203 = arith.muli %add3A_201, %mul3A_202 : i32
      %multiple_of3A_204 = tpu.assume_multiple %mul3A_203, 8 : i32
      %dma_start3A_205 = arith.constant 0 : i32
      %dma_start3A_206 = tpu.memref_slice %arg4[%multiple_of3A_204, %dma_start3A_205] : memref<204800x128xf32, #tpu.memory_space<hbm>> -> memref<200x128xf32, #tpu.memory_space<hbm>>
      %dma_start3A_207 = arith.constant 0 : i32
      %dma_start3A_208 = tpu.memref_slice %arg4[%multiple_of3A_204, %dma_start3A_207] : memref<204800x128xf32, #tpu.memory_space<hbm>> -> memref<200x128xf32, #tpu.memory_space<hbm>>
      tpu.enqueue_dma source(%arg8 : memref<200x128xf32, #tpu.memory_space<vmem>>) target(%dma_start3A_208 : memref<200x128xf32, #tpu.memory_space<hbm>>) target_semaphore(%arg16 : memref<!tpu.dma_semaphore, #tpu.memory_space<semaphore_mem>>)
      %lt3A_209 = arith.constant 7 : i32
      %lt3A_210 = arith.cmpi slt, %scan3A_117, %lt3A_209 : i32
      %convert_element_type3A_211 = arith.extui %lt3A_210 : i1 to i32
      %cond3A_212 = arith.constant 0 : i32
      %cond3A_213 = arith.cmpi ne, %convert_element_type3A_211, %cond3A_212 : i32
      scf.if %cond3A_213 {
        %add3A_247 = arith.constant 0 : i32
        %add3A_248 = arith.addi %multiple_of3A, %add3A_247 : i32
        %mul3A_249 = arith.constant 200 : i32
        %mul3A_250 = arith.muli %add3A_248, %mul3A_249 : i32
        %multiple_of3A_251 = tpu.assume_multiple %mul3A_250, 8 : i32
        %dma_wait3A_252 = arith.constant 0 : i32
        %dma_wait3A_253 = tpu.memref_slice %arg4[%multiple_of3A_251, %dma_wait3A_252] : memref<204800x128xf32, #tpu.memory_space<hbm>> -> memref<200x128xf32, #tpu.memory_space<hbm>>
        %dma_wait3A_254 = arith.constant 0 : i32
        %dma_wait3A_255 = tpu.memref_slice %arg4[%multiple_of3A_251, %dma_wait3A_254] : memref<204800x128xf32, #tpu.memory_space<hbm>> -> memref<200x128xf32, #tpu.memory_space<hbm>>
        tpu.wait_dma2 semaphore(%arg16 : memref<!tpu.dma_semaphore, #tpu.memory_space<semaphore_mem>>) src(%arg8 : memref<200x128xf32, #tpu.memory_space<vmem>>) dst(%dma_wait3A_255 : memref<200x128xf32, #tpu.memory_space<hbm>>)
        %add3A_256 = arith.constant 4 : i32
        %add3A_257 = arith.addi %add3A_184, %add3A_256 : i32
        %mul3A_258 = arith.constant 200 : i32
        %mul3A_259 = arith.muli %add3A_257, %mul3A_258 : i32
        %multiple_of3A_260 = tpu.assume_multiple %mul3A_259, 8 : i32
        %dma_start3A_261 = arith.constant 0 : i32
        %dma_start3A_262 = arith.constant 0 : i32
        %dma_start3A_263 = tpu.memref_slice %arg8[%dma_start3A_261, %dma_start3A_262] : memref<200x128xf32, #tpu.memory_space<vmem>> -> memref<104x128xf32, #tpu.memory_space<vmem>>
        %dma_start3A_264 = tpu.memref_slice %arg5[%multiple_of3A_260] : memref<6400xi32, #tpu.memory_space<vmem>> -> memref<104xi32, #tpu.memory_space<vmem>>
        %dma_start3A_265 = arith.constant 0 : i32
        %dma_start3A_266 = arith.constant 0 : i32
        %dma_start3A_267 = tpu.memref_slice %arg3[%dma_start3A_265, %dma_start3A_266] : memref<100000x128xf32, #tpu.memory_space<hbm>> -> memref<100000x128xf32, #tpu.memory_space<hbm>>
        tpu.enqueue_indirect_dma source(%dma_start3A_267 : memref<100000x128xf32, #tpu.memory_space<hbm>>) target(%dma_start3A_263 : memref<104x128xf32, #tpu.memory_space<vmem>>) offsets(%dma_start3A_264 : memref<104xi32, #tpu.memory_space<vmem>>) semaphore(%arg12 : memref<!tpu.dma_semaphore, #tpu.memory_space<semaphore_mem>>)
        %add3A_268 = arith.constant 104 : i32
        %add3A_269 = arith.addi %multiple_of3A_260, %add3A_268 : i32
        %dma_start3A_270 = arith.constant 104 : i32
        %dma_start3A_271 = arith.constant 0 : i32
        %dma_start3A_272 = tpu.memref_slice %arg8[%dma_start3A_270, %dma_start3A_271] : memref<200x128xf32, #tpu.memory_space<vmem>> -> memref<96x128xf32, #tpu.memory_space<vmem>>
        %dma_start3A_273 = tpu.memref_slice %arg5[%add3A_269] : memref<6400xi32, #tpu.memory_space<vmem>> -> memref<96xi32, #tpu.memory_space<vmem>>
        %dma_start3A_274 = arith.constant 0 : i32
        %dma_start3A_275 = arith.constant 0 : i32
        %dma_start3A_276 = tpu.memref_slice %arg3[%dma_start3A_274, %dma_start3A_275] : memref<100000x128xf32, #tpu.memory_space<hbm>> -> memref<100000x128xf32, #tpu.memory_space<hbm>>
        tpu.enqueue_indirect_dma source(%dma_start3A_276 : memref<100000x128xf32, #tpu.memory_space<hbm>>) target(%dma_start3A_272 : memref<96x128xf32, #tpu.memory_space<vmem>>) offsets(%dma_start3A_273 : memref<96xi32, #tpu.memory_space<vmem>>) semaphore(%arg12 : memref<!tpu.dma_semaphore, #tpu.memory_space<semaphore_mem>>)
      } else {
      }
      %mul3A_214 = arith.constant 4 : i32
      %mul3A_215 = arith.muli %scan3A_117, %mul3A_214 : i32
      %add3A_216 = arith.constant 3 : i32
      %add3A_217 = arith.addi %mul3A_215, %add3A_216 : i32
      %dma_wait3A_218 = arith.constant 0 : i32
      %dma_wait3A_219 = arith.constant 0 : i32
      %dma_wait3A_220 = tpu.memref_slice %arg9[%dma_wait3A_218, %dma_wait3A_219] : memref<200x128xf32, #tpu.memory_space<vmem>> -> memref<104x128xf32, #tpu.memory_space<vmem>>
      %dma_wait3A_221 = arith.constant 0 : i32
      %dma_wait3A_222 = tpu.memref_slice %arg5[%dma_wait3A_221] : memref<6400xi32, #tpu.memory_space<vmem>> -> memref<104xi32, #tpu.memory_space<vmem>>
      %dma_wait3A_223 = arith.constant 0 : i32
      %dma_wait3A_224 = arith.constant 0 : i32
      %dma_wait3A_225 = tpu.memref_slice %arg3[%dma_wait3A_223, %dma_wait3A_224] : memref<100000x128xf32, #tpu.memory_space<hbm>> -> memref<100000x128xf32, #tpu.memory_space<hbm>>
      tpu.wait_indirect_dma semaphore(%arg13 : memref<!tpu.dma_semaphore, #tpu.memory_space<semaphore_mem>>) src(%dma_wait3A_225 : memref<100000x128xf32, #tpu.memory_space<hbm>>) dst(%dma_wait3A_220 : memref<104x128xf32, #tpu.memory_space<vmem>>)
      %dma_wait3A_226 = arith.constant 104 : i32
      %dma_wait3A_227 = arith.constant 0 : i32
      %dma_wait3A_228 = tpu.memref_slice %arg9[%dma_wait3A_226, %dma_wait3A_227] : memref<200x128xf32, #tpu.memory_space<vmem>> -> memref<96x128xf32, #tpu.memory_space<vmem>>
      %dma_wait3A_229 = arith.constant 0 : i32
      %dma_wait3A_230 = tpu.memref_slice %arg5[%dma_wait3A_229] : memref<6400xi32, #tpu.memory_space<vmem>> -> memref<96xi32, #tpu.memory_space<vmem>>
      %dma_wait3A_231 = arith.constant 0 : i32
      %dma_wait3A_232 = arith.constant 0 : i32
      %dma_wait3A_233 = tpu.memref_slice %arg3[%dma_wait3A_231, %dma_wait3A_232] : memref<100000x128xf32, #tpu.memory_space<hbm>> -> memref<100000x128xf32, #tpu.memory_space<hbm>>
      tpu.wait_indirect_dma semaphore(%arg13 : memref<!tpu.dma_semaphore, #tpu.memory_space<semaphore_mem>>) src(%dma_wait3A_233 : memref<100000x128xf32, #tpu.memory_space<hbm>>) dst(%dma_wait3A_228 : memref<96x128xf32, #tpu.memory_space<vmem>>)
      %add3A_234 = arith.addi %multiple_of3A, %add3A_217 : i32
      %mul3A_235 = arith.constant 200 : i32
      %mul3A_236 = arith.muli %add3A_234, %mul3A_235 : i32
      %multiple_of3A_237 = tpu.assume_multiple %mul3A_236, 8 : i32
      %dma_start3A_238 = arith.constant 0 : i32
      %dma_start3A_239 = tpu.memref_slice %arg4[%multiple_of3A_237, %dma_start3A_238] : memref<204800x128xf32, #tpu.memory_space<hbm>> -> memref<200x128xf32, #tpu.memory_space<hbm>>
      %dma_start3A_240 = arith.constant 0 : i32
      %dma_start3A_241 = tpu.memref_slice %arg4[%multiple_of3A_237, %dma_start3A_240] : memref<204800x128xf32, #tpu.memory_space<hbm>> -> memref<200x128xf32, #tpu.memory_space<hbm>>
      tpu.enqueue_dma source(%arg9 : memref<200x128xf32, #tpu.memory_space<vmem>>) target(%dma_start3A_241 : memref<200x128xf32, #tpu.memory_space<hbm>>) target_semaphore(%arg17 : memref<!tpu.dma_semaphore, #tpu.memory_space<semaphore_mem>>)
      %lt3A_242 = arith.constant 7 : i32
      %lt3A_243 = arith.cmpi slt, %scan3A_117, %lt3A_242 : i32
      %convert_element_type3A_244 = arith.extui %lt3A_243 : i1 to i32
      %cond3A_245 = arith.constant 0 : i32
      %cond3A_246 = arith.cmpi ne, %convert_element_type3A_244, %cond3A_245 : i32
      scf.if %cond3A_246 {
        %add3A_247 = arith.constant 0 : i32
        %add3A_248 = arith.addi %multiple_of3A, %add3A_247 : i32
        %mul3A_249 = arith.constant 200 : i32
        %mul3A_250 = arith.muli %add3A_248, %mul3A_249 : i32
        %multiple_of3A_251 = tpu.assume_multiple %mul3A_250, 8 : i32
        %dma_wait3A_252 = arith.constant 0 : i32
        %dma_wait3A_253 = tpu.memref_slice %arg4[%multiple_of3A_251, %dma_wait3A_252] : memref<204800x128xf32, #tpu.memory_space<hbm>> -> memref<200x128xf32, #tpu.memory_space<hbm>>
        %dma_wait3A_254 = arith.constant 0 : i32
        %dma_wait3A_255 = tpu.memref_slice %arg4[%multiple_of3A_251, %dma_wait3A_254] : memref<204800x128xf32, #tpu.memory_space<hbm>> -> memref<200x128xf32, #tpu.memory_space<hbm>>
        tpu.wait_dma2 semaphore(%arg17 : memref<!tpu.dma_semaphore, #tpu.memory_space<semaphore_mem>>) src(%arg9 : memref<200x128xf32, #tpu.memory_space<vmem>>) dst(%dma_wait3A_255 : memref<200x128xf32, #tpu.memory_space<hbm>>)
        %add3A_256 = arith.constant 4 : i32
        %add3A_257 = arith.addi %add3A_217, %add3A_256 : i32
        %mul3A_258 = arith.constant 200 : i32
        %mul3A_259 = arith.muli %add3A_257, %mul3A_258 : i32
        %multiple_of3A_260 = tpu.assume_multiple %mul3A_259, 8 : i32
        %dma_start3A_261 = arith.constant 0 : i32
        %dma_start3A_262 = arith.constant 0 : i32
        %dma_start3A_263 = tpu.memref_slice %arg9[%dma_start3A_261, %dma_start3A_262] : memref<200x128xf32, #tpu.memory_space<vmem>> -> memref<104x128xf32, #tpu.memory_space<vmem>>
        %dma_start3A_264 = tpu.memref_slice %arg5[%multiple_of3A_260] : memref<6400xi32, #tpu.memory_space<vmem>> -> memref<104xi32, #tpu.memory_space<vmem>>
        %dma_start3A_265 = arith.constant 0 : i32
        %dma_start3A_266 = arith.constant 0 : i32
        %dma_start3A_267 = tpu.memref_slice %arg3[%dma_start3A_265, %dma_start3A_266] : memref<100000x128xf32, #tpu.memory_space<hbm>> -> memref<100000x128xf32, #tpu.memory_space<hbm>>
        tpu.enqueue_indirect_dma source(%dma_start3A_267 : memref<100000x128xf32, #tpu.memory_space<hbm>>) target(%dma_start3A_263 : memref<104x128xf32, #tpu.memory_space<vmem>>) offsets(%dma_start3A_264 : memref<104xi32, #tpu.memory_space<vmem>>) semaphore(%arg13 : memref<!tpu.dma_semaphore, #tpu.memory_space<semaphore_mem>>)
        %add3A_268 = arith.constant 104 : i32
        %add3A_269 = arith.addi %multiple_of3A_260, %add3A_268 : i32
        %dma_start3A_270 = arith.constant 104 : i32
        %dma_start3A_271 = arith.constant 0 : i32
        %dma_start3A_272 = tpu.memref_slice %arg9[%dma_start3A_270, %dma_start3A_271] : memref<200x128xf32, #tpu.memory_space<vmem>> -> memref<96x128xf32, #tpu.memory_space<vmem>>
        %dma_start3A_273 = tpu.memref_slice %arg5[%add3A_269] : memref<6400xi32, #tpu.memory_space<vmem>> -> memref<96xi32, #tpu.memory_space<vmem>>
        %dma_start3A_274 = arith.constant 0 : i32
        %dma_start3A_275 = arith.constant 0 : i32
        %dma_start3A_276 = tpu.memref_slice %arg3[%dma_start3A_274, %dma_start3A_275] : memref<100000x128xf32, #tpu.memory_space<hbm>> -> memref<100000x128xf32, #tpu.memory_space<hbm>>
        tpu.enqueue_indirect_dma source(%dma_start3A_276 : memref<100000x128xf32, #tpu.memory_space<hbm>>) target(%dma_start3A_272 : memref<96x128xf32, #tpu.memory_space<vmem>>) offsets(%dma_start3A_273 : memref<96xi32, #tpu.memory_space<vmem>>) semaphore(%arg13 : memref<!tpu.dma_semaphore, #tpu.memory_space<semaphore_mem>>)
      } else {
      }
    }
    %scan3A_81 = arith.constant 8 : i32
    %add3A_82 = arith.constant 0 : i32
    %add3A_83 = arith.addi %multiple_of3A, %add3A_82 : i32
    %mul3A_84 = arith.constant 200 : i32
    %mul3A_85 = arith.muli %add3A_83, %mul3A_84 : i32
    %multiple_of3A_86 = tpu.assume_multiple %mul3A_85, 8 : i32
    %dma_wait3A = arith.constant 0 : i32
    %dma_wait3A_87 = tpu.memref_slice %arg4[%multiple_of3A_86, %dma_wait3A] : memref<204800x128xf32, #tpu.memory_space<hbm>> -> memref<200x128xf32, #tpu.memory_space<hbm>>
    %dma_wait3A_88 = arith.constant 0 : i32
    %dma_wait3A_89 = tpu.memref_slice %arg4[%multiple_of3A_86, %dma_wait3A_88] : memref<204800x128xf32, #tpu.memory_space<hbm>> -> memref<200x128xf32, #tpu.memory_space<hbm>>
    tpu.wait_dma2 semaphore(%arg14 : memref<!tpu.dma_semaphore, #tpu.memory_space<semaphore_mem>>) src(%arg6 : memref<200x128xf32, #tpu.memory_space<vmem>>) dst(%dma_wait3A_89 : memref<200x128xf32, #tpu.memory_space<hbm>>)
    %add3A_90 = arith.constant 0 : i32
    %add3A_91 = arith.addi %multiple_of3A, %add3A_90 : i32
    %mul3A_92 = arith.constant 200 : i32
    %mul3A_93 = arith.muli %add3A_91, %mul3A_92 : i32
    %multiple_of3A_94 = tpu.assume_multiple %mul3A_93, 8 : i32
    %dma_wait3A_95 = arith.constant 0 : i32
    %dma_wait3A_96 = tpu.memref_slice %arg4[%multiple_of3A_94, %dma_wait3A_95] : memref<204800x128xf32, #tpu.memory_space<hbm>> -> memref<200x128xf32, #tpu.memory_space<hbm>>
    %dma_wait3A_97 = arith.constant 0 : i32
    %dma_wait3A_98 = tpu.memref_slice %arg4[%multiple_of3A_94, %dma_wait3A_97] : memref<204800x128xf32, #tpu.memory_space<hbm>> -> memref<200x128xf32, #tpu.memory_space<hbm>>
    tpu.wait_dma2 semaphore(%arg15 : memref<!tpu.dma_semaphore, #tpu.memory_space<semaphore_mem>>) src(%arg7 : memref<200x128xf32, #tpu.memory_space<vmem>>) dst(%dma_wait3A_98 : memref<200x128xf32, #tpu.memory_space<hbm>>)
    %add3A_99 = arith.constant 0 : i32
    %add3A_100 = arith.addi %multiple_of3A, %add3A_99 : i32
    %mul3A_101 = arith.constant 200 : i32
    %mul3A_102 = arith.muli %add3A_100, %mul3A_101 : i32
    %multiple_of3A_103 = tpu.assume_multiple %mul3A_102, 8 : i32
    %dma_wait3A_104 = arith.constant 0 : i32
    %dma_wait3A_105 = tpu.memref_slice %arg4[%multiple_of3A_103, %dma_wait3A_104] : memref<204800x128xf32, #tpu.memory_space<hbm>> -> memref<200x128xf32, #tpu.memory_space<hbm>>
    %dma_wait3A_106 = arith.constant 0 : i32
    %dma_wait3A_107 = tpu.memref_slice %arg4[%multiple_of3A_103, %dma_wait3A_106] : memref<204800x128xf32, #tpu.memory_space<hbm>> -> memref<200x128xf32, #tpu.memory_space<hbm>>
    tpu.wait_dma2 semaphore(%arg16 : memref<!tpu.dma_semaphore, #tpu.memory_space<semaphore_mem>>) src(%arg8 : memref<200x128xf32, #tpu.memory_space<vmem>>) dst(%dma_wait3A_107 : memref<200x128xf32, #tpu.memory_space<hbm>>)
    %add3A_108 = arith.constant 0 : i32
    %add3A_109 = arith.addi %multiple_of3A, %add3A_108 : i32
    %mul3A_110 = arith.constant 200 : i32
    %mul3A_111 = arith.muli %add3A_109, %mul3A_110 : i32
    %multiple_of3A_112 = tpu.assume_multiple %mul3A_111, 8 : i32
    %dma_wait3A_113 = arith.constant 0 : i32
    %dma_wait3A_114 = tpu.memref_slice %arg4[%multiple_of3A_112, %dma_wait3A_113] : memref<204800x128xf32, #tpu.memory_space<hbm>> -> memref<200x128xf32, #tpu.memory_space<hbm>>
    %dma_wait3A_115 = arith.constant 0 : i32
    %dma_wait3A_116 = tpu.memref_slice %arg4[%multiple_of3A_112, %dma_wait3A_115] : memref<204800x128xf32, #tpu.memory_space<hbm>> -> memref<200x128xf32, #tpu.memory_space<hbm>>
    tpu.wait_dma2 semaphore(%arg17 : memref<!tpu.dma_semaphore, #tpu.memory_space<semaphore_mem>>) src(%arg9 : memref<200x128xf32, #tpu.memory_space<vmem>>) dst(%dma_wait3A_116 : memref<200x128xf32, #tpu.memory_space<hbm>>)
    return
  }
}

module attributes {stable_mosaic.version = 14 : i64} {
  func.func @_tr_body(%arg0: i32, %arg1: memref<12800x128xf32, #tpu.memory_space<vmem>>, %arg2: memref<64x128x200xf32, #tpu.memory_space<vmem>>) attributes {dimension_semantics = [#tpu.dimension_semantics<arbitrary>], iteration_bounds = array<i64: 16>, scalar_prefetch = 0 : i64, scratch_operands = 0 : i64, tpu.core_type = #tpu.core_type<tc>, window_params = [{transform_indices = @transform_0, window_bounds = array<i64: 12800, 128>}, {transform_indices = @transform_1, window_bounds = array<i64: 64, 128, 200>}]} {
    %get3A = arith.constant 0 : index
    %get3A_0 = arith.constant 0 : index
    %get3A_1 = vector.load %arg1[%get3A, %get3A_0] : memref<12800x128xf32, #tpu.memory_space<vmem>>, vector<200x128xf32>
    %transpose3A = tpu.transpose %get3A_1, [1, 0] : vector<200x128xf32> -> vector<128x200xf32>
    %swap3A = arith.constant 0 : index
    %swap3A_2 = arith.constant 0 : index
    %swap3A_3 = arith.constant 0 : index
    %swap3A_4 = vector.load %arg2[%swap3A, %swap3A_2, %swap3A_3] : memref<64x128x200xf32, #tpu.memory_space<vmem>>, vector<1x128x200xf32>
    %swap3A_5 = vector.shape_cast %swap3A_4 : vector<1x128x200xf32> to vector<128x200xf32>
    %swap3A_6 = vector.shape_cast %transpose3A : vector<128x200xf32> to vector<1x128x200xf32>
    tpu.vector_store %arg2[%swap3A, %swap3A_2, %swap3A_3], %swap3A_6 {strides = array<i32>} : memref<64x128x200xf32, #tpu.memory_space<vmem>>, vector<1x128x200xf32>,
    %get3A_7 = arith.constant 200 : index
    %get3A_8 = arith.constant 0 : index
    %get3A_9 = vector.load %arg1[%get3A_7, %get3A_8] : memref<12800x128xf32, #tpu.memory_space<vmem>>, vector<200x128xf32>
    %transpose3A_10 = tpu.transpose %get3A_9, [1, 0] : vector<200x128xf32> -> vector<128x200xf32>
    %swap3A_11 = arith.constant 1 : index
    %swap3A_12 = arith.constant 0 : index
    %swap3A_13 = arith.constant 0 : index
    %swap3A_14 = vector.load %arg2[%swap3A_11, %swap3A_12, %swap3A_13] : memref<64x128x200xf32, #tpu.memory_space<vmem>>, vector<1x128x200xf32>
    %swap3A_15 = vector.shape_cast %swap3A_14 : vector<1x128x200xf32> to vector<128x200xf32>
    %swap3A_16 = vector.shape_cast %transpose3A_10 : vector<128x200xf32> to vector<1x128x200xf32>
    tpu.vector_store %arg2[%swap3A_11, %swap3A_12, %swap3A_13], %swap3A_16 {strides = array<i32>} : memref<64x128x200xf32, #tpu.memory_space<vmem>>, vector<1x128x200xf32>,
    %get3A_17 = arith.constant 400 : index
    %get3A_18 = arith.constant 0 : index
    %get3A_19 = vector.load %arg1[%get3A_17, %get3A_18] : memref<12800x128xf32, #tpu.memory_space<vmem>>, vector<200x128xf32>
    %transpose3A_20 = tpu.transpose %get3A_19, [1, 0] : vector<200x128xf32> -> vector<128x200xf32>
    %swap3A_21 = arith.constant 2 : index
    %swap3A_22 = arith.constant 0 : index
    %swap3A_23 = arith.constant 0 : index
    %swap3A_24 = vector.load %arg2[%swap3A_21, %swap3A_22, %swap3A_23] : memref<64x128x200xf32, #tpu.memory_space<vmem>>, vector<1x128x200xf32>
    %swap3A_25 = vector.shape_cast %swap3A_24 : vector<1x128x200xf32> to vector<128x200xf32>
    %swap3A_26 = vector.shape_cast %transpose3A_20 : vector<128x200xf32> to vector<1x128x200xf32>
    tpu.vector_store %arg2[%swap3A_21, %swap3A_22, %swap3A_23], %swap3A_26 {strides = array<i32>} : memref<64x128x200xf32, #tpu.memory_space<vmem>>, vector<1x128x200xf32>,
    %get3A_27 = arith.constant 600 : index
    %get3A_28 = arith.constant 0 : index
    %get3A_29 = vector.load %arg1[%get3A_27, %get3A_28] : memref<12800x128xf32, #tpu.memory_space<vmem>>, vector<200x128xf32>
    %transpose3A_30 = tpu.transpose %get3A_29, [1, 0] : vector<200x128xf32> -> vector<128x200xf32>
    %swap3A_31 = arith.constant 3 : index
    %swap3A_32 = arith.constant 0 : index
    %swap3A_33 = arith.constant 0 : index
    %swap3A_34 = vector.load %arg2[%swap3A_31, %swap3A_32, %swap3A_33] : memref<64x128x200xf32, #tpu.memory_space<vmem>>, vector<1x128x200xf32>
    %swap3A_35 = vector.shape_cast %swap3A_34 : vector<1x128x200xf32> to vector<128x200xf32>
    %swap3A_36 = vector.shape_cast %transpose3A_30 : vector<128x200xf32> to vector<1x128x200xf32>
    tpu.vector_store %arg2[%swap3A_31, %swap3A_32, %swap3A_33], %swap3A_36 {strides = array<i32>} : memref<64x128x200xf32, #tpu.memory_space<vmem>>, vector<1x128x200xf32>,
    %get3A_37 = arith.constant 800 : index
    %get3A_38 = arith.constant 0 : index
    %get3A_39 = vector.load %arg1[%get3A_37, %get3A_38] : memref<12800x128xf32, #tpu.memory_space<vmem>>, vector<200x128xf32>
    %transpose3A_40 = tpu.transpose %get3A_39, [1, 0] : vector<200x128xf32> -> vector<128x200xf32>
    %swap3A_41 = arith.constant 4 : index
    %swap3A_42 = arith.constant 0 : index
    %swap3A_43 = arith.constant 0 : index
    %swap3A_44 = vector.load %arg2[%swap3A_41, %swap3A_42, %swap3A_43] : memref<64x128x200xf32, #tpu.memory_space<vmem>>, vector<1x128x200xf32>
    %swap3A_45 = vector.shape_cast %swap3A_44 : vector<1x128x200xf32> to vector<128x200xf32>
    %swap3A_46 = vector.shape_cast %transpose3A_40 : vector<128x200xf32> to vector<1x128x200xf32>
    tpu.vector_store %arg2[%swap3A_41, %swap3A_42, %swap3A_43], %swap3A_46 {strides = array<i32>} : memref<64x128x200xf32, #tpu.memory_space<vmem>>, vector<1x128x200xf32>,
    %get3A_47 = arith.constant 1000 : index
    %get3A_48 = arith.constant 0 : index
    %get3A_49 = vector.load %arg1[%get3A_47, %get3A_48] : memref<12800x128xf32, #tpu.memory_space<vmem>>, vector<200x128xf32>
    %transpose3A_50 = tpu.transpose %get3A_49, [1, 0] : vector<200x128xf32> -> vector<128x200xf32>
    %swap3A_51 = arith.constant 5 : index
    %swap3A_52 = arith.constant 0 : index
    %swap3A_53 = arith.constant 0 : index
    %swap3A_54 = vector.load %arg2[%swap3A_51, %swap3A_52, %swap3A_53] : memref<64x128x200xf32, #tpu.memory_space<vmem>>, vector<1x128x200xf32>
    %swap3A_55 = vector.shape_cast %swap3A_54 : vector<1x128x200xf32> to vector<128x200xf32>
    %swap3A_56 = vector.shape_cast %transpose3A_50 : vector<128x200xf32> to vector<1x128x200xf32>
    tpu.vector_store %arg2[%swap3A_51, %swap3A_52, %swap3A_53], %swap3A_56 {strides = array<i32>} : memref<64x128x200xf32, #tpu.memory_space<vmem>>, vector<1x128x200xf32>,
    %get3A_57 = arith.constant 1200 : index
    %get3A_58 = arith.constant 0 : index
    %get3A_59 = vector.load %arg1[%get3A_57, %get3A_58] : memref<12800x128xf32, #tpu.memory_space<vmem>>, vector<200x128xf32>
    %transpose3A_60 = tpu.transpose %get3A_59, [1, 0] : vector<200x128xf32> -> vector<128x200xf32>
    %swap3A_61 = arith.constant 6 : index
    %swap3A_62 = arith.constant 0 : index
    %swap3A_63 = arith.constant 0 : index
    %swap3A_64 = vector.load %arg2[%swap3A_61, %swap3A_62, %swap3A_63] : memref<64x128x200xf32, #tpu.memory_space<vmem>>, vector<1x128x200xf32>
    %swap3A_65 = vector.shape_cast %swap3A_64 : vector<1x128x200xf32> to vector<128x200xf32>
    %swap3A_66 = vector.shape_cast %transpose3A_60 : vector<128x200xf32> to vector<1x128x200xf32>
    tpu.vector_store %arg2[%swap3A_61, %swap3A_62, %swap3A_63], %swap3A_66 {strides = array<i32>} : memref<64x128x200xf32, #tpu.memory_space<vmem>>, vector<1x128x200xf32>,
    %get3A_67 = arith.constant 1400 : index
    %get3A_68 = arith.constant 0 : index
    %get3A_69 = vector.load %arg1[%get3A_67, %get3A_68] : memref<12800x128xf32, #tpu.memory_space<vmem>>, vector<200x128xf32>
    %transpose3A_70 = tpu.transpose %get3A_69, [1, 0] : vector<200x128xf32> -> vector<128x200xf32>
    %swap3A_71 = arith.constant 7 : index
    %swap3A_72 = arith.constant 0 : index
    %swap3A_73 = arith.constant 0 : index
    %swap3A_74 = vector.load %arg2[%swap3A_71, %swap3A_72, %swap3A_73] : memref<64x128x200xf32, #tpu.memory_space<vmem>>, vector<1x128x200xf32>
    %swap3A_75 = vector.shape_cast %swap3A_74 : vector<1x128x200xf32> to vector<128x200xf32>
    %swap3A_76 = vector.shape_cast %transpose3A_70 : vector<128x200xf32> to vector<1x128x200xf32>
    tpu.vector_store %arg2[%swap3A_71, %swap3A_72, %swap3A_73], %swap3A_76 {strides = array<i32>} : memref<64x128x200xf32, #tpu.memory_space<vmem>>, vector<1x128x200xf32>,
    %get3A_77 = arith.constant 1600 : index
    %get3A_78 = arith.constant 0 : index
    %get3A_79 = vector.load %arg1[%get3A_77, %get3A_78] : memref<12800x128xf32, #tpu.memory_space<vmem>>, vector<200x128xf32>
    %transpose3A_80 = tpu.transpose %get3A_79, [1, 0] : vector<200x128xf32> -> vector<128x200xf32>
    %swap3A_81 = arith.constant 8 : index
    %swap3A_82 = arith.constant 0 : index
    %swap3A_83 = arith.constant 0 : index
    %swap3A_84 = vector.load %arg2[%swap3A_81, %swap3A_82, %swap3A_83] : memref<64x128x200xf32, #tpu.memory_space<vmem>>, vector<1x128x200xf32>
    %swap3A_85 = vector.shape_cast %swap3A_84 : vector<1x128x200xf32> to vector<128x200xf32>
    %swap3A_86 = vector.shape_cast %transpose3A_80 : vector<128x200xf32> to vector<1x128x200xf32>
    tpu.vector_store %arg2[%swap3A_81, %swap3A_82, %swap3A_83], %swap3A_86 {strides = array<i32>} : memref<64x128x200xf32, #tpu.memory_space<vmem>>, vector<1x128x200xf32>,
    %get3A_87 = arith.constant 1800 : index
    %get3A_88 = arith.constant 0 : index
    %get3A_89 = vector.load %arg1[%get3A_87, %get3A_88] : memref<12800x128xf32, #tpu.memory_space<vmem>>, vector<200x128xf32>
    %transpose3A_90 = tpu.transpose %get3A_89, [1, 0] : vector<200x128xf32> -> vector<128x200xf32>
    %swap3A_91 = arith.constant 9 : index
    %swap3A_92 = arith.constant 0 : index
    %swap3A_93 = arith.constant 0 : index
    %swap3A_94 = vector.load %arg2[%swap3A_91, %swap3A_92, %swap3A_93] : memref<64x128x200xf32, #tpu.memory_space<vmem>>, vector<1x128x200xf32>
    %swap3A_95 = vector.shape_cast %swap3A_94 : vector<1x128x200xf32> to vector<128x200xf32>
    %swap3A_96 = vector.shape_cast %transpose3A_90 : vector<128x200xf32> to vector<1x128x200xf32>
    tpu.vector_store %arg2[%swap3A_91, %swap3A_92, %swap3A_93], %swap3A_96 {strides = array<i32>} : memref<64x128x200xf32, #tpu.memory_space<vmem>>, vector<1x128x200xf32>,
    %get3A_97 = arith.constant 2000 : index
    %get3A_98 = arith.constant 0 : index
    %get3A_99 = vector.load %arg1[%get3A_97, %get3A_98] : memref<12800x128xf32, #tpu.memory_space<vmem>>, vector<200x128xf32>
    %transpose3A_100 = tpu.transpose %get3A_99, [1, 0] : vector<200x128xf32> -> vector<128x200xf32>
    %swap3A_101 = arith.constant 10 : index
    %swap3A_102 = arith.constant 0 : index
    %swap3A_103 = arith.constant 0 : index
    %swap3A_104 = vector.load %arg2[%swap3A_101, %swap3A_102, %swap3A_103] : memref<64x128x200xf32, #tpu.memory_space<vmem>>, vector<1x128x200xf32>
    %swap3A_105 = vector.shape_cast %swap3A_104 : vector<1x128x200xf32> to vector<128x200xf32>
    %swap3A_106 = vector.shape_cast %transpose3A_100 : vector<128x200xf32> to vector<1x128x200xf32>
    tpu.vector_store %arg2[%swap3A_101, %swap3A_102, %swap3A_103], %swap3A_106 {strides = array<i32>} : memref<64x128x200xf32, #tpu.memory_space<vmem>>, vector<1x128x200xf32>,
    %get3A_107 = arith.constant 2200 : index
    %get3A_108 = arith.constant 0 : index
    %get3A_109 = vector.load %arg1[%get3A_107, %get3A_108] : memref<12800x128xf32, #tpu.memory_space<vmem>>, vector<200x128xf32>
    %transpose3A_110 = tpu.transpose %get3A_109, [1, 0] : vector<200x128xf32> -> vector<128x200xf32>
    %swap3A_111 = arith.constant 11 : index
    %swap3A_112 = arith.constant 0 : index
    %swap3A_113 = arith.constant 0 : index
    %swap3A_114 = vector.load %arg2[%swap3A_111, %swap3A_112, %swap3A_113] : memref<64x128x200xf32, #tpu.memory_space<vmem>>, vector<1x128x200xf32>
    %swap3A_115 = vector.shape_cast %swap3A_114 : vector<1x128x200xf32> to vector<128x200xf32>
    %swap3A_116 = vector.shape_cast %transpose3A_110 : vector<128x200xf32> to vector<1x128x200xf32>
    tpu.vector_store %arg2[%swap3A_111, %swap3A_112, %swap3A_113], %swap3A_116 {strides = array<i32>} : memref<64x128x200xf32, #tpu.memory_space<vmem>>, vector<1x128x200xf32>,
    %get3A_117 = arith.constant 2400 : index
    %get3A_118 = arith.constant 0 : index
    %get3A_119 = vector.load %arg1[%get3A_117, %get3A_118] : memref<12800x128xf32, #tpu.memory_space<vmem>>, vector<200x128xf32>
    %transpose3A_120 = tpu.transpose %get3A_119, [1, 0] : vector<200x128xf32> -> vector<128x200xf32>
    %swap3A_121 = arith.constant 12 : index
    %swap3A_122 = arith.constant 0 : index
    %swap3A_123 = arith.constant 0 : index
    %swap3A_124 = vector.load %arg2[%swap3A_121, %swap3A_122, %swap3A_123] : memref<64x128x200xf32, #tpu.memory_space<vmem>>, vector<1x128x200xf32>
    %swap3A_125 = vector.shape_cast %swap3A_124 : vector<1x128x200xf32> to vector<128x200xf32>
    %swap3A_126 = vector.shape_cast %transpose3A_120 : vector<128x200xf32> to vector<1x128x200xf32>
    tpu.vector_store %arg2[%swap3A_121, %swap3A_122, %swap3A_123], %swap3A_126 {strides = array<i32>} : memref<64x128x200xf32, #tpu.memory_space<vmem>>, vector<1x128x200xf32>,
    %get3A_127 = arith.constant 2600 : index
    %get3A_128 = arith.constant 0 : index
    %get3A_129 = vector.load %arg1[%get3A_127, %get3A_128] : memref<12800x128xf32, #tpu.memory_space<vmem>>, vector<200x128xf32>
    %transpose3A_130 = tpu.transpose %get3A_129, [1, 0] : vector<200x128xf32> -> vector<128x200xf32>
    %swap3A_131 = arith.constant 13 : index
    %swap3A_132 = arith.constant 0 : index
    %swap3A_133 = arith.constant 0 : index
    %swap3A_134 = vector.load %arg2[%swap3A_131, %swap3A_132, %swap3A_133] : memref<64x128x200xf32, #tpu.memory_space<vmem>>, vector<1x128x200xf32>
    %swap3A_135 = vector.shape_cast %swap3A_134 : vector<1x128x200xf32> to vector<128x200xf32>
    %swap3A_136 = vector.shape_cast %transpose3A_130 : vector<128x200xf32> to vector<1x128x200xf32>
    tpu.vector_store %arg2[%swap3A_131, %swap3A_132, %swap3A_133], %swap3A_136 {strides = array<i32>} : memref<64x128x200xf32, #tpu.memory_space<vmem>>, vector<1x128x200xf32>,
    %get3A_137 = arith.constant 2800 : index
    %get3A_138 = arith.constant 0 : index
    %get3A_139 = vector.load %arg1[%get3A_137, %get3A_138] : memref<12800x128xf32, #tpu.memory_space<vmem>>, vector<200x128xf32>
    %transpose3A_140 = tpu.transpose %get3A_139, [1, 0] : vector<200x128xf32> -> vector<128x200xf32>
    %swap3A_141 = arith.constant 14 : index
    %swap3A_142 = arith.constant 0 : index
    %swap3A_143 = arith.constant 0 : index
    %swap3A_144 = vector.load %arg2[%swap3A_141, %swap3A_142, %swap3A_143] : memref<64x128x200xf32, #tpu.memory_space<vmem>>, vector<1x128x200xf32>
    %swap3A_145 = vector.shape_cast %swap3A_144 : vector<1x128x200xf32> to vector<128x200xf32>
    %swap3A_146 = vector.shape_cast %transpose3A_140 : vector<128x200xf32> to vector<1x128x200xf32>
    tpu.vector_store %arg2[%swap3A_141, %swap3A_142, %swap3A_143], %swap3A_146 {strides = array<i32>} : memref<64x128x200xf32, #tpu.memory_space<vmem>>, vector<1x128x200xf32>,
    %get3A_147 = arith.constant 3000 : index
    %get3A_148 = arith.constant 0 : index
    %get3A_149 = vector.load %arg1[%get3A_147, %get3A_148] : memref<12800x128xf32, #tpu.memory_space<vmem>>, vector<200x128xf32>
    %transpose3A_150 = tpu.transpose %get3A_149, [1, 0] : vector<200x128xf32> -> vector<128x200xf32>
    %swap3A_151 = arith.constant 15 : index
    %swap3A_152 = arith.constant 0 : index
    %swap3A_153 = arith.constant 0 : index
    %swap3A_154 = vector.load %arg2[%swap3A_151, %swap3A_152, %swap3A_153] : memref<64x128x200xf32, #tpu.memory_space<vmem>>, vector<1x128x200xf32>
    %swap3A_155 = vector.shape_cast %swap3A_154 : vector<1x128x200xf32> to vector<128x200xf32>
    %swap3A_156 = vector.shape_cast %transpose3A_150 : vector<128x200xf32> to vector<1x128x200xf32>
    tpu.vector_store %arg2[%swap3A_151, %swap3A_152, %swap3A_153], %swap3A_156 {strides = array<i32>} : memref<64x128x200xf32, #tpu.memory_space<vmem>>, vector<1x128x200xf32>,
    %get3A_157 = arith.constant 3200 : index
    %get3A_158 = arith.constant 0 : index
    %get3A_159 = vector.load %arg1[%get3A_157, %get3A_158] : memref<12800x128xf32, #tpu.memory_space<vmem>>, vector<200x128xf32>
    %transpose3A_160 = tpu.transpose %get3A_159, [1, 0] : vector<200x128xf32> -> vector<128x200xf32>
    %swap3A_161 = arith.constant 16 : index
    %swap3A_162 = arith.constant 0 : index
    %swap3A_163 = arith.constant 0 : index
    %swap3A_164 = vector.load %arg2[%swap3A_161, %swap3A_162, %swap3A_163] : memref<64x128x200xf32, #tpu.memory_space<vmem>>, vector<1x128x200xf32>
    %swap3A_165 = vector.shape_cast %swap3A_164 : vector<1x128x200xf32> to vector<128x200xf32>
    %swap3A_166 = vector.shape_cast %transpose3A_160 : vector<128x200xf32> to vector<1x128x200xf32>
    tpu.vector_store %arg2[%swap3A_161, %swap3A_162, %swap3A_163], %swap3A_166 {strides = array<i32>} : memref<64x128x200xf32, #tpu.memory_space<vmem>>, vector<1x128x200xf32>,
    %get3A_167 = arith.constant 3400 : index
    %get3A_168 = arith.constant 0 : index
    %get3A_169 = vector.load %arg1[%get3A_167, %get3A_168] : memref<12800x128xf32, #tpu.memory_space<vmem>>, vector<200x128xf32>
    %transpose3A_170 = tpu.transpose %get3A_169, [1, 0] : vector<200x128xf32> -> vector<128x200xf32>
    %swap3A_171 = arith.constant 17 : index
    %swap3A_172 = arith.constant 0 : index
    %swap3A_173 = arith.constant 0 : index
    %swap3A_174 = vector.load %arg2[%swap3A_171, %swap3A_172, %swap3A_173] : memref<64x128x200xf32, #tpu.memory_space<vmem>>, vector<1x128x200xf32>
    %swap3A_175 = vector.shape_cast %swap3A_174 : vector<1x128x200xf32> to vector<128x200xf32>
    %swap3A_176 = vector.shape_cast %transpose3A_170 : vector<128x200xf32> to vector<1x128x200xf32>
    tpu.vector_store %arg2[%swap3A_171, %swap3A_172, %swap3A_173], %swap3A_176 {strides = array<i32>} : memref<64x128x200xf32, #tpu.memory_space<vmem>>, vector<1x128x200xf32>,
    %get3A_177 = arith.constant 3600 : index
    %get3A_178 = arith.constant 0 : index
    %get3A_179 = vector.load %arg1[%get3A_177, %get3A_178] : memref<12800x128xf32, #tpu.memory_space<vmem>>, vector<200x128xf32>
    %transpose3A_180 = tpu.transpose %get3A_179, [1, 0] : vector<200x128xf32> -> vector<128x200xf32>
    %swap3A_181 = arith.constant 18 : index
    %swap3A_182 = arith.constant 0 : index
    %swap3A_183 = arith.constant 0 : index
    %swap3A_184 = vector.load %arg2[%swap3A_181, %swap3A_182, %swap3A_183] : memref<64x128x200xf32, #tpu.memory_space<vmem>>, vector<1x128x200xf32>
    %swap3A_185 = vector.shape_cast %swap3A_184 : vector<1x128x200xf32> to vector<128x200xf32>
    %swap3A_186 = vector.shape_cast %transpose3A_180 : vector<128x200xf32> to vector<1x128x200xf32>
    tpu.vector_store %arg2[%swap3A_181, %swap3A_182, %swap3A_183], %swap3A_186 {strides = array<i32>} : memref<64x128x200xf32, #tpu.memory_space<vmem>>, vector<1x128x200xf32>,
    %get3A_187 = arith.constant 3800 : index
    %get3A_188 = arith.constant 0 : index
    %get3A_189 = vector.load %arg1[%get3A_187, %get3A_188] : memref<12800x128xf32, #tpu.memory_space<vmem>>, vector<200x128xf32>
    %transpose3A_190 = tpu.transpose %get3A_189, [1, 0] : vector<200x128xf32> -> vector<128x200xf32>
    %swap3A_191 = arith.constant 19 : index
    %swap3A_192 = arith.constant 0 : index
    %swap3A_193 = arith.constant 0 : index
    %swap3A_194 = vector.load %arg2[%swap3A_191, %swap3A_192, %swap3A_193] : memref<64x128x200xf32, #tpu.memory_space<vmem>>, vector<1x128x200xf32>
    %swap3A_195 = vector.shape_cast %swap3A_194 : vector<1x128x200xf32> to vector<128x200xf32>
    %swap3A_196 = vector.shape_cast %transpose3A_190 : vector<128x200xf32> to vector<1x128x200xf32>
    tpu.vector_store %arg2[%swap3A_191, %swap3A_192, %swap3A_193], %swap3A_196 {strides = array<i32>} : memref<64x128x200xf32, #tpu.memory_space<vmem>>, vector<1x128x200xf32>,
    %get3A_197 = arith.constant 4000 : index
    %get3A_198 = arith.constant 0 : index
    %get3A_199 = vector.load %arg1[%get3A_197, %get3A_198] : memref<12800x128xf32, #tpu.memory_space<vmem>>, vector<200x128xf32>
    %transpose3A_200 = tpu.transpose %get3A_199, [1, 0] : vector<200x128xf32> -> vector<128x200xf32>
    %swap3A_201 = arith.constant 20 : index
    %swap3A_202 = arith.constant 0 : index
    %swap3A_203 = arith.constant 0 : index
    %swap3A_204 = vector.load %arg2[%swap3A_201, %swap3A_202, %swap3A_203] : memref<64x128x200xf32, #tpu.memory_space<vmem>>, vector<1x128x200xf32>
    %swap3A_205 = vector.shape_cast %swap3A_204 : vector<1x128x200xf32> to vector<128x200xf32>
    %swap3A_206 = vector.shape_cast %transpose3A_200 : vector<128x200xf32> to vector<1x128x200xf32>
    tpu.vector_store %arg2[%swap3A_201, %swap3A_202, %swap3A_203], %swap3A_206 {strides = array<i32>} : memref<64x128x200xf32, #tpu.memory_space<vmem>>, vector<1x128x200xf32>,
    %get3A_207 = arith.constant 4200 : index
    %get3A_208 = arith.constant 0 : index
    %get3A_209 = vector.load %arg1[%get3A_207, %get3A_208] : memref<12800x128xf32, #tpu.memory_space<vmem>>, vector<200x128xf32>
    %transpose3A_210 = tpu.transpose %get3A_209, [1, 0] : vector<200x128xf32> -> vector<128x200xf32>
    %swap3A_211 = arith.constant 21 : index
    %swap3A_212 = arith.constant 0 : index
    %swap3A_213 = arith.constant 0 : index
    %swap3A_214 = vector.load %arg2[%swap3A_211, %swap3A_212, %swap3A_213] : memref<64x128x200xf32, #tpu.memory_space<vmem>>, vector<1x128x200xf32>
    %swap3A_215 = vector.shape_cast %swap3A_214 : vector<1x128x200xf32> to vector<128x200xf32>
    %swap3A_216 = vector.shape_cast %transpose3A_210 : vector<128x200xf32> to vector<1x128x200xf32>
    tpu.vector_store %arg2[%swap3A_211, %swap3A_212, %swap3A_213], %swap3A_216 {strides = array<i32>} : memref<64x128x200xf32, #tpu.memory_space<vmem>>, vector<1x128x200xf32>,
    %get3A_217 = arith.constant 4400 : index
    %get3A_218 = arith.constant 0 : index
    %get3A_219 = vector.load %arg1[%get3A_217, %get3A_218] : memref<12800x128xf32, #tpu.memory_space<vmem>>, vector<200x128xf32>
    %transpose3A_220 = tpu.transpose %get3A_219, [1, 0] : vector<200x128xf32> -> vector<128x200xf32>
    %swap3A_221 = arith.constant 22 : index
    %swap3A_222 = arith.constant 0 : index
    %swap3A_223 = arith.constant 0 : index
    %swap3A_224 = vector.load %arg2[%swap3A_221, %swap3A_222, %swap3A_223] : memref<64x128x200xf32, #tpu.memory_space<vmem>>, vector<1x128x200xf32>
    %swap3A_225 = vector.shape_cast %swap3A_224 : vector<1x128x200xf32> to vector<128x200xf32>
    %swap3A_226 = vector.shape_cast %transpose3A_220 : vector<128x200xf32> to vector<1x128x200xf32>
    tpu.vector_store %arg2[%swap3A_221, %swap3A_222, %swap3A_223], %swap3A_226 {strides = array<i32>} : memref<64x128x200xf32, #tpu.memory_space<vmem>>, vector<1x128x200xf32>,
    %get3A_227 = arith.constant 4600 : index
    %get3A_228 = arith.constant 0 : index
    %get3A_229 = vector.load %arg1[%get3A_227, %get3A_228] : memref<12800x128xf32, #tpu.memory_space<vmem>>, vector<200x128xf32>
    %transpose3A_230 = tpu.transpose %get3A_229, [1, 0] : vector<200x128xf32> -> vector<128x200xf32>
    %swap3A_231 = arith.constant 23 : index
    %swap3A_232 = arith.constant 0 : index
    %swap3A_233 = arith.constant 0 : index
    %swap3A_234 = vector.load %arg2[%swap3A_231, %swap3A_232, %swap3A_233] : memref<64x128x200xf32, #tpu.memory_space<vmem>>, vector<1x128x200xf32>
    %swap3A_235 = vector.shape_cast %swap3A_234 : vector<1x128x200xf32> to vector<128x200xf32>
    %swap3A_236 = vector.shape_cast %transpose3A_230 : vector<128x200xf32> to vector<1x128x200xf32>
    tpu.vector_store %arg2[%swap3A_231, %swap3A_232, %swap3A_233], %swap3A_236 {strides = array<i32>} : memref<64x128x200xf32, #tpu.memory_space<vmem>>, vector<1x128x200xf32>,
    %get3A_237 = arith.constant 4800 : index
    %get3A_238 = arith.constant 0 : index
    %get3A_239 = vector.load %arg1[%get3A_237, %get3A_238] : memref<12800x128xf32, #tpu.memory_space<vmem>>, vector<200x128xf32>
    %transpose3A_240 = tpu.transpose %get3A_239, [1, 0] : vector<200x128xf32> -> vector<128x200xf32>
    %swap3A_241 = arith.constant 24 : index
    %swap3A_242 = arith.constant 0 : index
    %swap3A_243 = arith.constant 0 : index
    %swap3A_244 = vector.load %arg2[%swap3A_241, %swap3A_242, %swap3A_243] : memref<64x128x200xf32, #tpu.memory_space<vmem>>, vector<1x128x200xf32>
    %swap3A_245 = vector.shape_cast %swap3A_244 : vector<1x128x200xf32> to vector<128x200xf32>
    %swap3A_246 = vector.shape_cast %transpose3A_240 : vector<128x200xf32> to vector<1x128x200xf32>
    tpu.vector_store %arg2[%swap3A_241, %swap3A_242, %swap3A_243], %swap3A_246 {strides = array<i32>} : memref<64x128x200xf32, #tpu.memory_space<vmem>>, vector<1x128x200xf32>,
    %get3A_247 = arith.constant 5000 : index
    %get3A_248 = arith.constant 0 : index
    %get3A_249 = vector.load %arg1[%get3A_247, %get3A_248] : memref<12800x128xf32, #tpu.memory_space<vmem>>, vector<200x128xf32>
    %transpose3A_250 = tpu.transpose %get3A_249, [1, 0] : vector<200x128xf32> -> vector<128x200xf32>
    %swap3A_251 = arith.constant 25 : index
    %swap3A_252 = arith.constant 0 : index
    %swap3A_253 = arith.constant 0 : index
    %swap3A_254 = vector.load %arg2[%swap3A_251, %swap3A_252, %swap3A_253] : memref<64x128x200xf32, #tpu.memory_space<vmem>>, vector<1x128x200xf32>
    %swap3A_255 = vector.shape_cast %swap3A_254 : vector<1x128x200xf32> to vector<128x200xf32>
    %swap3A_256 = vector.shape_cast %transpose3A_250 : vector<128x200xf32> to vector<1x128x200xf32>
    tpu.vector_store %arg2[%swap3A_251, %swap3A_252, %swap3A_253], %swap3A_256 {strides = array<i32>} : memref<64x128x200xf32, #tpu.memory_space<vmem>>, vector<1x128x200xf32>,
    %get3A_257 = arith.constant 5200 : index
    %get3A_258 = arith.constant 0 : index
    %get3A_259 = vector.load %arg1[%get3A_257, %get3A_258] : memref<12800x128xf32, #tpu.memory_space<vmem>>, vector<200x128xf32>
    %transpose3A_260 = tpu.transpose %get3A_259, [1, 0] : vector<200x128xf32> -> vector<128x200xf32>
    %swap3A_261 = arith.constant 26 : index
    %swap3A_262 = arith.constant 0 : index
    %swap3A_263 = arith.constant 0 : index
    %swap3A_264 = vector.load %arg2[%swap3A_261, %swap3A_262, %swap3A_263] : memref<64x128x200xf32, #tpu.memory_space<vmem>>, vector<1x128x200xf32>
    %swap3A_265 = vector.shape_cast %swap3A_264 : vector<1x128x200xf32> to vector<128x200xf32>
    %swap3A_266 = vector.shape_cast %transpose3A_260 : vector<128x200xf32> to vector<1x128x200xf32>
    tpu.vector_store %arg2[%swap3A_261, %swap3A_262, %swap3A_263], %swap3A_266 {strides = array<i32>} : memref<64x128x200xf32, #tpu.memory_space<vmem>>, vector<1x128x200xf32>,
    %get3A_267 = arith.constant 5400 : index
    %get3A_268 = arith.constant 0 : index
    %get3A_269 = vector.load %arg1[%get3A_267, %get3A_268] : memref<12800x128xf32, #tpu.memory_space<vmem>>, vector<200x128xf32>
    %transpose3A_270 = tpu.transpose %get3A_269, [1, 0] : vector<200x128xf32> -> vector<128x200xf32>
    %swap3A_271 = arith.constant 27 : index
    %swap3A_272 = arith.constant 0 : index
    %swap3A_273 = arith.constant 0 : index
    %swap3A_274 = vector.load %arg2[%swap3A_271, %swap3A_272, %swap3A_273] : memref<64x128x200xf32, #tpu.memory_space<vmem>>, vector<1x128x200xf32>
    %swap3A_275 = vector.shape_cast %swap3A_274 : vector<1x128x200xf32> to vector<128x200xf32>
    %swap3A_276 = vector.shape_cast %transpose3A_270 : vector<128x200xf32> to vector<1x128x200xf32>
    tpu.vector_store %arg2[%swap3A_271, %swap3A_272, %swap3A_273], %swap3A_276 {strides = array<i32>} : memref<64x128x200xf32, #tpu.memory_space<vmem>>, vector<1x128x200xf32>,
    %get3A_277 = arith.constant 5600 : index
    %get3A_278 = arith.constant 0 : index
    %get3A_279 = vector.load %arg1[%get3A_277, %get3A_278] : memref<12800x128xf32, #tpu.memory_space<vmem>>, vector<200x128xf32>
    %transpose3A_280 = tpu.transpose %get3A_279, [1, 0] : vector<200x128xf32> -> vector<128x200xf32>
    %swap3A_281 = arith.constant 28 : index
    %swap3A_282 = arith.constant 0 : index
    %swap3A_283 = arith.constant 0 : index
    %swap3A_284 = vector.load %arg2[%swap3A_281, %swap3A_282, %swap3A_283] : memref<64x128x200xf32, #tpu.memory_space<vmem>>, vector<1x128x200xf32>
    %swap3A_285 = vector.shape_cast %swap3A_284 : vector<1x128x200xf32> to vector<128x200xf32>
    %swap3A_286 = vector.shape_cast %transpose3A_280 : vector<128x200xf32> to vector<1x128x200xf32>
    tpu.vector_store %arg2[%swap3A_281, %swap3A_282, %swap3A_283], %swap3A_286 {strides = array<i32>} : memref<64x128x200xf32, #tpu.memory_space<vmem>>, vector<1x128x200xf32>,
    %get3A_287 = arith.constant 5800 : index
    %get3A_288 = arith.constant 0 : index
    %get3A_289 = vector.load %arg1[%get3A_287, %get3A_288] : memref<12800x128xf32, #tpu.memory_space<vmem>>, vector<200x128xf32>
    %transpose3A_290 = tpu.transpose %get3A_289, [1, 0] : vector<200x128xf32> -> vector<128x200xf32>
    %swap3A_291 = arith.constant 29 : index
    %swap3A_292 = arith.constant 0 : index
    %swap3A_293 = arith.constant 0 : index
    %swap3A_294 = vector.load %arg2[%swap3A_291, %swap3A_292, %swap3A_293] : memref<64x128x200xf32, #tpu.memory_space<vmem>>, vector<1x128x200xf32>
    %swap3A_295 = vector.shape_cast %swap3A_294 : vector<1x128x200xf32> to vector<128x200xf32>
    %swap3A_296 = vector.shape_cast %transpose3A_290 : vector<128x200xf32> to vector<1x128x200xf32>
    tpu.vector_store %arg2[%swap3A_291, %swap3A_292, %swap3A_293], %swap3A_296 {strides = array<i32>} : memref<64x128x200xf32, #tpu.memory_space<vmem>>, vector<1x128x200xf32>,
    %get3A_297 = arith.constant 6000 : index
    %get3A_298 = arith.constant 0 : index
    %get3A_299 = vector.load %arg1[%get3A_297, %get3A_298] : memref<12800x128xf32, #tpu.memory_space<vmem>>, vector<200x128xf32>
    %transpose3A_300 = tpu.transpose %get3A_299, [1, 0] : vector<200x128xf32> -> vector<128x200xf32>
    %swap3A_301 = arith.constant 30 : index
    %swap3A_302 = arith.constant 0 : index
    %swap3A_303 = arith.constant 0 : index
    %swap3A_304 = vector.load %arg2[%swap3A_301, %swap3A_302, %swap3A_303] : memref<64x128x200xf32, #tpu.memory_space<vmem>>, vector<1x128x200xf32>
    %swap3A_305 = vector.shape_cast %swap3A_304 : vector<1x128x200xf32> to vector<128x200xf32>
    %swap3A_306 = vector.shape_cast %transpose3A_300 : vector<128x200xf32> to vector<1x128x200xf32>
    tpu.vector_store %arg2[%swap3A_301, %swap3A_302, %swap3A_303], %swap3A_306 {strides = array<i32>} : memref<64x128x200xf32, #tpu.memory_space<vmem>>, vector<1x128x200xf32>,
    %get3A_307 = arith.constant 6200 : index
    %get3A_308 = arith.constant 0 : index
    %get3A_309 = vector.load %arg1[%get3A_307, %get3A_308] : memref<12800x128xf32, #tpu.memory_space<vmem>>, vector<200x128xf32>
    %transpose3A_310 = tpu.transpose %get3A_309, [1, 0] : vector<200x128xf32> -> vector<128x200xf32>
    %swap3A_311 = arith.constant 31 : index
    %swap3A_312 = arith.constant 0 : index
    %swap3A_313 = arith.constant 0 : index
    %swap3A_314 = vector.load %arg2[%swap3A_311, %swap3A_312, %swap3A_313] : memref<64x128x200xf32, #tpu.memory_space<vmem>>, vector<1x128x200xf32>
    %swap3A_315 = vector.shape_cast %swap3A_314 : vector<1x128x200xf32> to vector<128x200xf32>
    %swap3A_316 = vector.shape_cast %transpose3A_310 : vector<128x200xf32> to vector<1x128x200xf32>
    tpu.vector_store %arg2[%swap3A_311, %swap3A_312, %swap3A_313], %swap3A_316 {strides = array<i32>} : memref<64x128x200xf32, #tpu.memory_space<vmem>>, vector<1x128x200xf32>,
    %get3A_317 = arith.constant 6400 : index
    %get3A_318 = arith.constant 0 : index
    %get3A_319 = vector.load %arg1[%get3A_317, %get3A_318] : memref<12800x128xf32, #tpu.memory_space<vmem>>, vector<200x128xf32>
    %transpose3A_320 = tpu.transpose %get3A_319, [1, 0] : vector<200x128xf32> -> vector<128x200xf32>
    %swap3A_321 = arith.constant 32 : index
    %swap3A_322 = arith.constant 0 : index
    %swap3A_323 = arith.constant 0 : index
    %swap3A_324 = vector.load %arg2[%swap3A_321, %swap3A_322, %swap3A_323] : memref<64x128x200xf32, #tpu.memory_space<vmem>>, vector<1x128x200xf32>
    %swap3A_325 = vector.shape_cast %swap3A_324 : vector<1x128x200xf32> to vector<128x200xf32>
    %swap3A_326 = vector.shape_cast %transpose3A_320 : vector<128x200xf32> to vector<1x128x200xf32>
    tpu.vector_store %arg2[%swap3A_321, %swap3A_322, %swap3A_323], %swap3A_326 {strides = array<i32>} : memref<64x128x200xf32, #tpu.memory_space<vmem>>, vector<1x128x200xf32>,
    %get3A_327 = arith.constant 6600 : index
    %get3A_328 = arith.constant 0 : index
    %get3A_329 = vector.load %arg1[%get3A_327, %get3A_328] : memref<12800x128xf32, #tpu.memory_space<vmem>>, vector<200x128xf32>
    %transpose3A_330 = tpu.transpose %get3A_329, [1, 0] : vector<200x128xf32> -> vector<128x200xf32>
    %swap3A_331 = arith.constant 33 : index
    %swap3A_332 = arith.constant 0 : index
    %swap3A_333 = arith.constant 0 : index
    %swap3A_334 = vector.load %arg2[%swap3A_331, %swap3A_332, %swap3A_333] : memref<64x128x200xf32, #tpu.memory_space<vmem>>, vector<1x128x200xf32>
    %swap3A_335 = vector.shape_cast %swap3A_334 : vector<1x128x200xf32> to vector<128x200xf32>
    %swap3A_336 = vector.shape_cast %transpose3A_330 : vector<128x200xf32> to vector<1x128x200xf32>
    tpu.vector_store %arg2[%swap3A_331, %swap3A_332, %swap3A_333], %swap3A_336 {strides = array<i32>} : memref<64x128x200xf32, #tpu.memory_space<vmem>>, vector<1x128x200xf32>,
    %get3A_337 = arith.constant 6800 : index
    %get3A_338 = arith.constant 0 : index
    %get3A_339 = vector.load %arg1[%get3A_337, %get3A_338] : memref<12800x128xf32, #tpu.memory_space<vmem>>, vector<200x128xf32>
    %transpose3A_340 = tpu.transpose %get3A_339, [1, 0] : vector<200x128xf32> -> vector<128x200xf32>
    %swap3A_341 = arith.constant 34 : index
    %swap3A_342 = arith.constant 0 : index
    %swap3A_343 = arith.constant 0 : index
    %swap3A_344 = vector.load %arg2[%swap3A_341, %swap3A_342, %swap3A_343] : memref<64x128x200xf32, #tpu.memory_space<vmem>>, vector<1x128x200xf32>
    %swap3A_345 = vector.shape_cast %swap3A_344 : vector<1x128x200xf32> to vector<128x200xf32>
    %swap3A_346 = vector.shape_cast %transpose3A_340 : vector<128x200xf32> to vector<1x128x200xf32>
    tpu.vector_store %arg2[%swap3A_341, %swap3A_342, %swap3A_343], %swap3A_346 {strides = array<i32>} : memref<64x128x200xf32, #tpu.memory_space<vmem>>, vector<1x128x200xf32>,
    %get3A_347 = arith.constant 7000 : index
    %get3A_348 = arith.constant 0 : index
    %get3A_349 = vector.load %arg1[%get3A_347, %get3A_348] : memref<12800x128xf32, #tpu.memory_space<vmem>>, vector<200x128xf32>
    %transpose3A_350 = tpu.transpose %get3A_349, [1, 0] : vector<200x128xf32> -> vector<128x200xf32>
    %swap3A_351 = arith.constant 35 : index
    %swap3A_352 = arith.constant 0 : index
    %swap3A_353 = arith.constant 0 : index
    %swap3A_354 = vector.load %arg2[%swap3A_351, %swap3A_352, %swap3A_353] : memref<64x128x200xf32, #tpu.memory_space<vmem>>, vector<1x128x200xf32>
    %swap3A_355 = vector.shape_cast %swap3A_354 : vector<1x128x200xf32> to vector<128x200xf32>
    %swap3A_356 = vector.shape_cast %transpose3A_350 : vector<128x200xf32> to vector<1x128x200xf32>
    tpu.vector_store %arg2[%swap3A_351, %swap3A_352, %swap3A_353], %swap3A_356 {strides = array<i32>} : memref<64x128x200xf32, #tpu.memory_space<vmem>>, vector<1x128x200xf32>,
    %get3A_357 = arith.constant 7200 : index
    %get3A_358 = arith.constant 0 : index
    %get3A_359 = vector.load %arg1[%get3A_357, %get3A_358] : memref<12800x128xf32, #tpu.memory_space<vmem>>, vector<200x128xf32>
    %transpose3A_360 = tpu.transpose %get3A_359, [1, 0] : vector<200x128xf32> -> vector<128x200xf32>
    %swap3A_361 = arith.constant 36 : index
    %swap3A_362 = arith.constant 0 : index
    %swap3A_363 = arith.constant 0 : index
    %swap3A_364 = vector.load %arg2[%swap3A_361, %swap3A_362, %swap3A_363] : memref<64x128x200xf32, #tpu.memory_space<vmem>>, vector<1x128x200xf32>
    %swap3A_365 = vector.shape_cast %swap3A_364 : vector<1x128x200xf32> to vector<128x200xf32>
    %swap3A_366 = vector.shape_cast %transpose3A_360 : vector<128x200xf32> to vector<1x128x200xf32>
    tpu.vector_store %arg2[%swap3A_361, %swap3A_362, %swap3A_363], %swap3A_366 {strides = array<i32>} : memref<64x128x200xf32, #tpu.memory_space<vmem>>, vector<1x128x200xf32>,
    %get3A_367 = arith.constant 7400 : index
    %get3A_368 = arith.constant 0 : index
    %get3A_369 = vector.load %arg1[%get3A_367, %get3A_368] : memref<12800x128xf32, #tpu.memory_space<vmem>>, vector<200x128xf32>
    %transpose3A_370 = tpu.transpose %get3A_369, [1, 0] : vector<200x128xf32> -> vector<128x200xf32>
    %swap3A_371 = arith.constant 37 : index
    %swap3A_372 = arith.constant 0 : index
    %swap3A_373 = arith.constant 0 : index
    %swap3A_374 = vector.load %arg2[%swap3A_371, %swap3A_372, %swap3A_373] : memref<64x128x200xf32, #tpu.memory_space<vmem>>, vector<1x128x200xf32>
    %swap3A_375 = vector.shape_cast %swap3A_374 : vector<1x128x200xf32> to vector<128x200xf32>
    %swap3A_376 = vector.shape_cast %transpose3A_370 : vector<128x200xf32> to vector<1x128x200xf32>
    tpu.vector_store %arg2[%swap3A_371, %swap3A_372, %swap3A_373], %swap3A_376 {strides = array<i32>} : memref<64x128x200xf32, #tpu.memory_space<vmem>>, vector<1x128x200xf32>,
    %get3A_377 = arith.constant 7600 : index
    %get3A_378 = arith.constant 0 : index
    %get3A_379 = vector.load %arg1[%get3A_377, %get3A_378] : memref<12800x128xf32, #tpu.memory_space<vmem>>, vector<200x128xf32>
    %transpose3A_380 = tpu.transpose %get3A_379, [1, 0] : vector<200x128xf32> -> vector<128x200xf32>
    %swap3A_381 = arith.constant 38 : index
    %swap3A_382 = arith.constant 0 : index
    %swap3A_383 = arith.constant 0 : index
    %swap3A_384 = vector.load %arg2[%swap3A_381, %swap3A_382, %swap3A_383] : memref<64x128x200xf32, #tpu.memory_space<vmem>>, vector<1x128x200xf32>
    %swap3A_385 = vector.shape_cast %swap3A_384 : vector<1x128x200xf32> to vector<128x200xf32>
    %swap3A_386 = vector.shape_cast %transpose3A_380 : vector<128x200xf32> to vector<1x128x200xf32>
    tpu.vector_store %arg2[%swap3A_381, %swap3A_382, %swap3A_383], %swap3A_386 {strides = array<i32>} : memref<64x128x200xf32, #tpu.memory_space<vmem>>, vector<1x128x200xf32>,
    %get3A_387 = arith.constant 7800 : index
    %get3A_388 = arith.constant 0 : index
    %get3A_389 = vector.load %arg1[%get3A_387, %get3A_388] : memref<12800x128xf32, #tpu.memory_space<vmem>>, vector<200x128xf32>
    %transpose3A_390 = tpu.transpose %get3A_389, [1, 0] : vector<200x128xf32> -> vector<128x200xf32>
    %swap3A_391 = arith.constant 39 : index
    %swap3A_392 = arith.constant 0 : index
    %swap3A_393 = arith.constant 0 : index
    %swap3A_394 = vector.load %arg2[%swap3A_391, %swap3A_392, %swap3A_393] : memref<64x128x200xf32, #tpu.memory_space<vmem>>, vector<1x128x200xf32>
    %swap3A_395 = vector.shape_cast %swap3A_394 : vector<1x128x200xf32> to vector<128x200xf32>
    %swap3A_396 = vector.shape_cast %transpose3A_390 : vector<128x200xf32> to vector<1x128x200xf32>
    tpu.vector_store %arg2[%swap3A_391, %swap3A_392, %swap3A_393], %swap3A_396 {strides = array<i32>} : memref<64x128x200xf32, #tpu.memory_space<vmem>>, vector<1x128x200xf32>,
    %get3A_397 = arith.constant 8000 : index
    %get3A_398 = arith.constant 0 : index
    %get3A_399 = vector.load %arg1[%get3A_397, %get3A_398] : memref<12800x128xf32, #tpu.memory_space<vmem>>, vector<200x128xf32>
    %transpose3A_400 = tpu.transpose %get3A_399, [1, 0] : vector<200x128xf32> -> vector<128x200xf32>
    %swap3A_401 = arith.constant 40 : index
    %swap3A_402 = arith.constant 0 : index
    %swap3A_403 = arith.constant 0 : index
    %swap3A_404 = vector.load %arg2[%swap3A_401, %swap3A_402, %swap3A_403] : memref<64x128x200xf32, #tpu.memory_space<vmem>>, vector<1x128x200xf32>
    %swap3A_405 = vector.shape_cast %swap3A_404 : vector<1x128x200xf32> to vector<128x200xf32>
    %swap3A_406 = vector.shape_cast %transpose3A_400 : vector<128x200xf32> to vector<1x128x200xf32>
    tpu.vector_store %arg2[%swap3A_401, %swap3A_402, %swap3A_403], %swap3A_406 {strides = array<i32>} : memref<64x128x200xf32, #tpu.memory_space<vmem>>, vector<1x128x200xf32>,
    %get3A_407 = arith.constant 8200 : index
    %get3A_408 = arith.constant 0 : index
    %get3A_409 = vector.load %arg1[%get3A_407, %get3A_408] : memref<12800x128xf32, #tpu.memory_space<vmem>>, vector<200x128xf32>
    %transpose3A_410 = tpu.transpose %get3A_409, [1, 0] : vector<200x128xf32> -> vector<128x200xf32>
    %swap3A_411 = arith.constant 41 : index
    %swap3A_412 = arith.constant 0 : index
    %swap3A_413 = arith.constant 0 : index
    %swap3A_414 = vector.load %arg2[%swap3A_411, %swap3A_412, %swap3A_413] : memref<64x128x200xf32, #tpu.memory_space<vmem>>, vector<1x128x200xf32>
    %swap3A_415 = vector.shape_cast %swap3A_414 : vector<1x128x200xf32> to vector<128x200xf32>
    %swap3A_416 = vector.shape_cast %transpose3A_410 : vector<128x200xf32> to vector<1x128x200xf32>
    tpu.vector_store %arg2[%swap3A_411, %swap3A_412, %swap3A_413], %swap3A_416 {strides = array<i32>} : memref<64x128x200xf32, #tpu.memory_space<vmem>>, vector<1x128x200xf32>,
    %get3A_417 = arith.constant 8400 : index
    %get3A_418 = arith.constant 0 : index
    %get3A_419 = vector.load %arg1[%get3A_417, %get3A_418] : memref<12800x128xf32, #tpu.memory_space<vmem>>, vector<200x128xf32>
    %transpose3A_420 = tpu.transpose %get3A_419, [1, 0] : vector<200x128xf32> -> vector<128x200xf32>
    %swap3A_421 = arith.constant 42 : index
    %swap3A_422 = arith.constant 0 : index
    %swap3A_423 = arith.constant 0 : index
    %swap3A_424 = vector.load %arg2[%swap3A_421, %swap3A_422, %swap3A_423] : memref<64x128x200xf32, #tpu.memory_space<vmem>>, vector<1x128x200xf32>
    %swap3A_425 = vector.shape_cast %swap3A_424 : vector<1x128x200xf32> to vector<128x200xf32>
    %swap3A_426 = vector.shape_cast %transpose3A_420 : vector<128x200xf32> to vector<1x128x200xf32>
    tpu.vector_store %arg2[%swap3A_421, %swap3A_422, %swap3A_423], %swap3A_426 {strides = array<i32>} : memref<64x128x200xf32, #tpu.memory_space<vmem>>, vector<1x128x200xf32>,
    %get3A_427 = arith.constant 8600 : index
    %get3A_428 = arith.constant 0 : index
    %get3A_429 = vector.load %arg1[%get3A_427, %get3A_428] : memref<12800x128xf32, #tpu.memory_space<vmem>>, vector<200x128xf32>
    %transpose3A_430 = tpu.transpose %get3A_429, [1, 0] : vector<200x128xf32> -> vector<128x200xf32>
    %swap3A_431 = arith.constant 43 : index
    %swap3A_432 = arith.constant 0 : index
    %swap3A_433 = arith.constant 0 : index
    %swap3A_434 = vector.load %arg2[%swap3A_431, %swap3A_432, %swap3A_433] : memref<64x128x200xf32, #tpu.memory_space<vmem>>, vector<1x128x200xf32>
    %swap3A_435 = vector.shape_cast %swap3A_434 : vector<1x128x200xf32> to vector<128x200xf32>
    %swap3A_436 = vector.shape_cast %transpose3A_430 : vector<128x200xf32> to vector<1x128x200xf32>
    tpu.vector_store %arg2[%swap3A_431, %swap3A_432, %swap3A_433], %swap3A_436 {strides = array<i32>} : memref<64x128x200xf32, #tpu.memory_space<vmem>>, vector<1x128x200xf32>,
    %get3A_437 = arith.constant 8800 : index
    %get3A_438 = arith.constant 0 : index
    %get3A_439 = vector.load %arg1[%get3A_437, %get3A_438] : memref<12800x128xf32, #tpu.memory_space<vmem>>, vector<200x128xf32>
    %transpose3A_440 = tpu.transpose %get3A_439, [1, 0] : vector<200x128xf32> -> vector<128x200xf32>
    %swap3A_441 = arith.constant 44 : index
    %swap3A_442 = arith.constant 0 : index
    %swap3A_443 = arith.constant 0 : index
    %swap3A_444 = vector.load %arg2[%swap3A_441, %swap3A_442, %swap3A_443] : memref<64x128x200xf32, #tpu.memory_space<vmem>>, vector<1x128x200xf32>
    %swap3A_445 = vector.shape_cast %swap3A_444 : vector<1x128x200xf32> to vector<128x200xf32>
    %swap3A_446 = vector.shape_cast %transpose3A_440 : vector<128x200xf32> to vector<1x128x200xf32>
    tpu.vector_store %arg2[%swap3A_441, %swap3A_442, %swap3A_443], %swap3A_446 {strides = array<i32>} : memref<64x128x200xf32, #tpu.memory_space<vmem>>, vector<1x128x200xf32>,
    %get3A_447 = arith.constant 9000 : index
    %get3A_448 = arith.constant 0 : index
    %get3A_449 = vector.load %arg1[%get3A_447, %get3A_448] : memref<12800x128xf32, #tpu.memory_space<vmem>>, vector<200x128xf32>
    %transpose3A_450 = tpu.transpose %get3A_449, [1, 0] : vector<200x128xf32> -> vector<128x200xf32>
    %swap3A_451 = arith.constant 45 : index
    %swap3A_452 = arith.constant 0 : index
    %swap3A_453 = arith.constant 0 : index
    %swap3A_454 = vector.load %arg2[%swap3A_451, %swap3A_452, %swap3A_453] : memref<64x128x200xf32, #tpu.memory_space<vmem>>, vector<1x128x200xf32>
    %swap3A_455 = vector.shape_cast %swap3A_454 : vector<1x128x200xf32> to vector<128x200xf32>
    %swap3A_456 = vector.shape_cast %transpose3A_450 : vector<128x200xf32> to vector<1x128x200xf32>
    tpu.vector_store %arg2[%swap3A_451, %swap3A_452, %swap3A_453], %swap3A_456 {strides = array<i32>} : memref<64x128x200xf32, #tpu.memory_space<vmem>>, vector<1x128x200xf32>,
    %get3A_457 = arith.constant 9200 : index
    %get3A_458 = arith.constant 0 : index
    %get3A_459 = vector.load %arg1[%get3A_457, %get3A_458] : memref<12800x128xf32, #tpu.memory_space<vmem>>, vector<200x128xf32>
    %transpose3A_460 = tpu.transpose %get3A_459, [1, 0] : vector<200x128xf32> -> vector<128x200xf32>
    %swap3A_461 = arith.constant 46 : index
    %swap3A_462 = arith.constant 0 : index
    %swap3A_463 = arith.constant 0 : index
    %swap3A_464 = vector.load %arg2[%swap3A_461, %swap3A_462, %swap3A_463] : memref<64x128x200xf32, #tpu.memory_space<vmem>>, vector<1x128x200xf32>
    %swap3A_465 = vector.shape_cast %swap3A_464 : vector<1x128x200xf32> to vector<128x200xf32>
    %swap3A_466 = vector.shape_cast %transpose3A_460 : vector<128x200xf32> to vector<1x128x200xf32>
    tpu.vector_store %arg2[%swap3A_461, %swap3A_462, %swap3A_463], %swap3A_466 {strides = array<i32>} : memref<64x128x200xf32, #tpu.memory_space<vmem>>, vector<1x128x200xf32>,
    %get3A_467 = arith.constant 9400 : index
    %get3A_468 = arith.constant 0 : index
    %get3A_469 = vector.load %arg1[%get3A_467, %get3A_468] : memref<12800x128xf32, #tpu.memory_space<vmem>>, vector<200x128xf32>
    %transpose3A_470 = tpu.transpose %get3A_469, [1, 0] : vector<200x128xf32> -> vector<128x200xf32>
    %swap3A_471 = arith.constant 47 : index
    %swap3A_472 = arith.constant 0 : index
    %swap3A_473 = arith.constant 0 : index
    %swap3A_474 = vector.load %arg2[%swap3A_471, %swap3A_472, %swap3A_473] : memref<64x128x200xf32, #tpu.memory_space<vmem>>, vector<1x128x200xf32>
    %swap3A_475 = vector.shape_cast %swap3A_474 : vector<1x128x200xf32> to vector<128x200xf32>
    %swap3A_476 = vector.shape_cast %transpose3A_470 : vector<128x200xf32> to vector<1x128x200xf32>
    tpu.vector_store %arg2[%swap3A_471, %swap3A_472, %swap3A_473], %swap3A_476 {strides = array<i32>} : memref<64x128x200xf32, #tpu.memory_space<vmem>>, vector<1x128x200xf32>,
    %get3A_477 = arith.constant 9600 : index
    %get3A_478 = arith.constant 0 : index
    %get3A_479 = vector.load %arg1[%get3A_477, %get3A_478] : memref<12800x128xf32, #tpu.memory_space<vmem>>, vector<200x128xf32>
    %transpose3A_480 = tpu.transpose %get3A_479, [1, 0] : vector<200x128xf32> -> vector<128x200xf32>
    %swap3A_481 = arith.constant 48 : index
    %swap3A_482 = arith.constant 0 : index
    %swap3A_483 = arith.constant 0 : index
    %swap3A_484 = vector.load %arg2[%swap3A_481, %swap3A_482, %swap3A_483] : memref<64x128x200xf32, #tpu.memory_space<vmem>>, vector<1x128x200xf32>
    %swap3A_485 = vector.shape_cast %swap3A_484 : vector<1x128x200xf32> to vector<128x200xf32>
    %swap3A_486 = vector.shape_cast %transpose3A_480 : vector<128x200xf32> to vector<1x128x200xf32>
    tpu.vector_store %arg2[%swap3A_481, %swap3A_482, %swap3A_483], %swap3A_486 {strides = array<i32>} : memref<64x128x200xf32, #tpu.memory_space<vmem>>, vector<1x128x200xf32>,
    %get3A_487 = arith.constant 9800 : index
    %get3A_488 = arith.constant 0 : index
    %get3A_489 = vector.load %arg1[%get3A_487, %get3A_488] : memref<12800x128xf32, #tpu.memory_space<vmem>>, vector<200x128xf32>
    %transpose3A_490 = tpu.transpose %get3A_489, [1, 0] : vector<200x128xf32> -> vector<128x200xf32>
    %swap3A_491 = arith.constant 49 : index
    %swap3A_492 = arith.constant 0 : index
    %swap3A_493 = arith.constant 0 : index
    %swap3A_494 = vector.load %arg2[%swap3A_491, %swap3A_492, %swap3A_493] : memref<64x128x200xf32, #tpu.memory_space<vmem>>, vector<1x128x200xf32>
    %swap3A_495 = vector.shape_cast %swap3A_494 : vector<1x128x200xf32> to vector<128x200xf32>
    %swap3A_496 = vector.shape_cast %transpose3A_490 : vector<128x200xf32> to vector<1x128x200xf32>
    tpu.vector_store %arg2[%swap3A_491, %swap3A_492, %swap3A_493], %swap3A_496 {strides = array<i32>} : memref<64x128x200xf32, #tpu.memory_space<vmem>>, vector<1x128x200xf32>,
    %get3A_497 = arith.constant 10000 : index
    %get3A_498 = arith.constant 0 : index
    %get3A_499 = vector.load %arg1[%get3A_497, %get3A_498] : memref<12800x128xf32, #tpu.memory_space<vmem>>, vector<200x128xf32>
    %transpose3A_500 = tpu.transpose %get3A_499, [1, 0] : vector<200x128xf32> -> vector<128x200xf32>
    %swap3A_501 = arith.constant 50 : index
    %swap3A_502 = arith.constant 0 : index
    %swap3A_503 = arith.constant 0 : index
    %swap3A_504 = vector.load %arg2[%swap3A_501, %swap3A_502, %swap3A_503] : memref<64x128x200xf32, #tpu.memory_space<vmem>>, vector<1x128x200xf32>
    %swap3A_505 = vector.shape_cast %swap3A_504 : vector<1x128x200xf32> to vector<128x200xf32>
    %swap3A_506 = vector.shape_cast %transpose3A_500 : vector<128x200xf32> to vector<1x128x200xf32>
    tpu.vector_store %arg2[%swap3A_501, %swap3A_502, %swap3A_503], %swap3A_506 {strides = array<i32>} : memref<64x128x200xf32, #tpu.memory_space<vmem>>, vector<1x128x200xf32>,
    %get3A_507 = arith.constant 10200 : index
    %get3A_508 = arith.constant 0 : index
    %get3A_509 = vector.load %arg1[%get3A_507, %get3A_508] : memref<12800x128xf32, #tpu.memory_space<vmem>>, vector<200x128xf32>
    %transpose3A_510 = tpu.transpose %get3A_509, [1, 0] : vector<200x128xf32> -> vector<128x200xf32>
    %swap3A_511 = arith.constant 51 : index
    %swap3A_512 = arith.constant 0 : index
    %swap3A_513 = arith.constant 0 : index
    %swap3A_514 = vector.load %arg2[%swap3A_511, %swap3A_512, %swap3A_513] : memref<64x128x200xf32, #tpu.memory_space<vmem>>, vector<1x128x200xf32>
    %swap3A_515 = vector.shape_cast %swap3A_514 : vector<1x128x200xf32> to vector<128x200xf32>
    %swap3A_516 = vector.shape_cast %transpose3A_510 : vector<128x200xf32> to vector<1x128x200xf32>
    tpu.vector_store %arg2[%swap3A_511, %swap3A_512, %swap3A_513], %swap3A_516 {strides = array<i32>} : memref<64x128x200xf32, #tpu.memory_space<vmem>>, vector<1x128x200xf32>,
    %get3A_517 = arith.constant 10400 : index
    %get3A_518 = arith.constant 0 : index
    %get3A_519 = vector.load %arg1[%get3A_517, %get3A_518] : memref<12800x128xf32, #tpu.memory_space<vmem>>, vector<200x128xf32>
    %transpose3A_520 = tpu.transpose %get3A_519, [1, 0] : vector<200x128xf32> -> vector<128x200xf32>
    %swap3A_521 = arith.constant 52 : index
    %swap3A_522 = arith.constant 0 : index
    %swap3A_523 = arith.constant 0 : index
    %swap3A_524 = vector.load %arg2[%swap3A_521, %swap3A_522, %swap3A_523] : memref<64x128x200xf32, #tpu.memory_space<vmem>>, vector<1x128x200xf32>
    %swap3A_525 = vector.shape_cast %swap3A_524 : vector<1x128x200xf32> to vector<128x200xf32>
    %swap3A_526 = vector.shape_cast %transpose3A_520 : vector<128x200xf32> to vector<1x128x200xf32>
    tpu.vector_store %arg2[%swap3A_521, %swap3A_522, %swap3A_523], %swap3A_526 {strides = array<i32>} : memref<64x128x200xf32, #tpu.memory_space<vmem>>, vector<1x128x200xf32>,
    %get3A_527 = arith.constant 10600 : index
    %get3A_528 = arith.constant 0 : index
    %get3A_529 = vector.load %arg1[%get3A_527, %get3A_528] : memref<12800x128xf32, #tpu.memory_space<vmem>>, vector<200x128xf32>
    %transpose3A_530 = tpu.transpose %get3A_529, [1, 0] : vector<200x128xf32> -> vector<128x200xf32>
    %swap3A_531 = arith.constant 53 : index
    %swap3A_532 = arith.constant 0 : index
    %swap3A_533 = arith.constant 0 : index
    %swap3A_534 = vector.load %arg2[%swap3A_531, %swap3A_532, %swap3A_533] : memref<64x128x200xf32, #tpu.memory_space<vmem>>, vector<1x128x200xf32>
    %swap3A_535 = vector.shape_cast %swap3A_534 : vector<1x128x200xf32> to vector<128x200xf32>
    %swap3A_536 = vector.shape_cast %transpose3A_530 : vector<128x200xf32> to vector<1x128x200xf32>
    tpu.vector_store %arg2[%swap3A_531, %swap3A_532, %swap3A_533], %swap3A_536 {strides = array<i32>} : memref<64x128x200xf32, #tpu.memory_space<vmem>>, vector<1x128x200xf32>,
    %get3A_537 = arith.constant 10800 : index
    %get3A_538 = arith.constant 0 : index
    %get3A_539 = vector.load %arg1[%get3A_537, %get3A_538] : memref<12800x128xf32, #tpu.memory_space<vmem>>, vector<200x128xf32>
    %transpose3A_540 = tpu.transpose %get3A_539, [1, 0] : vector<200x128xf32> -> vector<128x200xf32>
    %swap3A_541 = arith.constant 54 : index
    %swap3A_542 = arith.constant 0 : index
    %swap3A_543 = arith.constant 0 : index
    %swap3A_544 = vector.load %arg2[%swap3A_541, %swap3A_542, %swap3A_543] : memref<64x128x200xf32, #tpu.memory_space<vmem>>, vector<1x128x200xf32>
    %swap3A_545 = vector.shape_cast %swap3A_544 : vector<1x128x200xf32> to vector<128x200xf32>
    %swap3A_546 = vector.shape_cast %transpose3A_540 : vector<128x200xf32> to vector<1x128x200xf32>
    tpu.vector_store %arg2[%swap3A_541, %swap3A_542, %swap3A_543], %swap3A_546 {strides = array<i32>} : memref<64x128x200xf32, #tpu.memory_space<vmem>>, vector<1x128x200xf32>,
    %get3A_547 = arith.constant 11000 : index
    %get3A_548 = arith.constant 0 : index
    %get3A_549 = vector.load %arg1[%get3A_547, %get3A_548] : memref<12800x128xf32, #tpu.memory_space<vmem>>, vector<200x128xf32>
    %transpose3A_550 = tpu.transpose %get3A_549, [1, 0] : vector<200x128xf32> -> vector<128x200xf32>
    %swap3A_551 = arith.constant 55 : index
    %swap3A_552 = arith.constant 0 : index
    %swap3A_553 = arith.constant 0 : index
    %swap3A_554 = vector.load %arg2[%swap3A_551, %swap3A_552, %swap3A_553] : memref<64x128x200xf32, #tpu.memory_space<vmem>>, vector<1x128x200xf32>
    %swap3A_555 = vector.shape_cast %swap3A_554 : vector<1x128x200xf32> to vector<128x200xf32>
    %swap3A_556 = vector.shape_cast %transpose3A_550 : vector<128x200xf32> to vector<1x128x200xf32>
    tpu.vector_store %arg2[%swap3A_551, %swap3A_552, %swap3A_553], %swap3A_556 {strides = array<i32>} : memref<64x128x200xf32, #tpu.memory_space<vmem>>, vector<1x128x200xf32>,
    %get3A_557 = arith.constant 11200 : index
    %get3A_558 = arith.constant 0 : index
    %get3A_559 = vector.load %arg1[%get3A_557, %get3A_558] : memref<12800x128xf32, #tpu.memory_space<vmem>>, vector<200x128xf32>
    %transpose3A_560 = tpu.transpose %get3A_559, [1, 0] : vector<200x128xf32> -> vector<128x200xf32>
    %swap3A_561 = arith.constant 56 : index
    %swap3A_562 = arith.constant 0 : index
    %swap3A_563 = arith.constant 0 : index
    %swap3A_564 = vector.load %arg2[%swap3A_561, %swap3A_562, %swap3A_563] : memref<64x128x200xf32, #tpu.memory_space<vmem>>, vector<1x128x200xf32>
    %swap3A_565 = vector.shape_cast %swap3A_564 : vector<1x128x200xf32> to vector<128x200xf32>
    %swap3A_566 = vector.shape_cast %transpose3A_560 : vector<128x200xf32> to vector<1x128x200xf32>
    tpu.vector_store %arg2[%swap3A_561, %swap3A_562, %swap3A_563], %swap3A_566 {strides = array<i32>} : memref<64x128x200xf32, #tpu.memory_space<vmem>>, vector<1x128x200xf32>,
    %get3A_567 = arith.constant 11400 : index
    %get3A_568 = arith.constant 0 : index
    %get3A_569 = vector.load %arg1[%get3A_567, %get3A_568] : memref<12800x128xf32, #tpu.memory_space<vmem>>, vector<200x128xf32>
    %transpose3A_570 = tpu.transpose %get3A_569, [1, 0] : vector<200x128xf32> -> vector<128x200xf32>
    %swap3A_571 = arith.constant 57 : index
    %swap3A_572 = arith.constant 0 : index
    %swap3A_573 = arith.constant 0 : index
    %swap3A_574 = vector.load %arg2[%swap3A_571, %swap3A_572, %swap3A_573] : memref<64x128x200xf32, #tpu.memory_space<vmem>>, vector<1x128x200xf32>
    %swap3A_575 = vector.shape_cast %swap3A_574 : vector<1x128x200xf32> to vector<128x200xf32>
    %swap3A_576 = vector.shape_cast %transpose3A_570 : vector<128x200xf32> to vector<1x128x200xf32>
    tpu.vector_store %arg2[%swap3A_571, %swap3A_572, %swap3A_573], %swap3A_576 {strides = array<i32>} : memref<64x128x200xf32, #tpu.memory_space<vmem>>, vector<1x128x200xf32>,
    %get3A_577 = arith.constant 11600 : index
    %get3A_578 = arith.constant 0 : index
    %get3A_579 = vector.load %arg1[%get3A_577, %get3A_578] : memref<12800x128xf32, #tpu.memory_space<vmem>>, vector<200x128xf32>
    %transpose3A_580 = tpu.transpose %get3A_579, [1, 0] : vector<200x128xf32> -> vector<128x200xf32>
    %swap3A_581 = arith.constant 58 : index
    %swap3A_582 = arith.constant 0 : index
    %swap3A_583 = arith.constant 0 : index
    %swap3A_584 = vector.load %arg2[%swap3A_581, %swap3A_582, %swap3A_583] : memref<64x128x200xf32, #tpu.memory_space<vmem>>, vector<1x128x200xf32>
    %swap3A_585 = vector.shape_cast %swap3A_584 : vector<1x128x200xf32> to vector<128x200xf32>
    %swap3A_586 = vector.shape_cast %transpose3A_580 : vector<128x200xf32> to vector<1x128x200xf32>
    tpu.vector_store %arg2[%swap3A_581, %swap3A_582, %swap3A_583], %swap3A_586 {strides = array<i32>} : memref<64x128x200xf32, #tpu.memory_space<vmem>>, vector<1x128x200xf32>,
    %get3A_587 = arith.constant 11800 : index
    %get3A_588 = arith.constant 0 : index
    %get3A_589 = vector.load %arg1[%get3A_587, %get3A_588] : memref<12800x128xf32, #tpu.memory_space<vmem>>, vector<200x128xf32>
    %transpose3A_590 = tpu.transpose %get3A_589, [1, 0] : vector<200x128xf32> -> vector<128x200xf32>
    %swap3A_591 = arith.constant 59 : index
    %swap3A_592 = arith.constant 0 : index
    %swap3A_593 = arith.constant 0 : index
    %swap3A_594 = vector.load %arg2[%swap3A_591, %swap3A_592, %swap3A_593] : memref<64x128x200xf32, #tpu.memory_space<vmem>>, vector<1x128x200xf32>
    %swap3A_595 = vector.shape_cast %swap3A_594 : vector<1x128x200xf32> to vector<128x200xf32>
    %swap3A_596 = vector.shape_cast %transpose3A_590 : vector<128x200xf32> to vector<1x128x200xf32>
    tpu.vector_store %arg2[%swap3A_591, %swap3A_592, %swap3A_593], %swap3A_596 {strides = array<i32>} : memref<64x128x200xf32, #tpu.memory_space<vmem>>, vector<1x128x200xf32>,
    %get3A_597 = arith.constant 12000 : index
    %get3A_598 = arith.constant 0 : index
    %get3A_599 = vector.load %arg1[%get3A_597, %get3A_598] : memref<12800x128xf32, #tpu.memory_space<vmem>>, vector<200x128xf32>
    %transpose3A_600 = tpu.transpose %get3A_599, [1, 0] : vector<200x128xf32> -> vector<128x200xf32>
    %swap3A_601 = arith.constant 60 : index
    %swap3A_602 = arith.constant 0 : index
    %swap3A_603 = arith.constant 0 : index
    %swap3A_604 = vector.load %arg2[%swap3A_601, %swap3A_602, %swap3A_603] : memref<64x128x200xf32, #tpu.memory_space<vmem>>, vector<1x128x200xf32>
    %swap3A_605 = vector.shape_cast %swap3A_604 : vector<1x128x200xf32> to vector<128x200xf32>
    %swap3A_606 = vector.shape_cast %transpose3A_600 : vector<128x200xf32> to vector<1x128x200xf32>
    tpu.vector_store %arg2[%swap3A_601, %swap3A_602, %swap3A_603], %swap3A_606 {strides = array<i32>} : memref<64x128x200xf32, #tpu.memory_space<vmem>>, vector<1x128x200xf32>,
    %get3A_607 = arith.constant 12200 : index
    %get3A_608 = arith.constant 0 : index
    %get3A_609 = vector.load %arg1[%get3A_607, %get3A_608] : memref<12800x128xf32, #tpu.memory_space<vmem>>, vector<200x128xf32>
    %transpose3A_610 = tpu.transpose %get3A_609, [1, 0] : vector<200x128xf32> -> vector<128x200xf32>
    %swap3A_611 = arith.constant 61 : index
    %swap3A_612 = arith.constant 0 : index
    %swap3A_613 = arith.constant 0 : index
    %swap3A_614 = vector.load %arg2[%swap3A_611, %swap3A_612, %swap3A_613] : memref<64x128x200xf32, #tpu.memory_space<vmem>>, vector<1x128x200xf32>
    %swap3A_615 = vector.shape_cast %swap3A_614 : vector<1x128x200xf32> to vector<128x200xf32>
    %swap3A_616 = vector.shape_cast %transpose3A_610 : vector<128x200xf32> to vector<1x128x200xf32>
    tpu.vector_store %arg2[%swap3A_611, %swap3A_612, %swap3A_613], %swap3A_616 {strides = array<i32>} : memref<64x128x200xf32, #tpu.memory_space<vmem>>, vector<1x128x200xf32>,
    %get3A_617 = arith.constant 12400 : index
    %get3A_618 = arith.constant 0 : index
    %get3A_619 = vector.load %arg1[%get3A_617, %get3A_618] : memref<12800x128xf32, #tpu.memory_space<vmem>>, vector<200x128xf32>
    %transpose3A_620 = tpu.transpose %get3A_619, [1, 0] : vector<200x128xf32> -> vector<128x200xf32>
    %swap3A_621 = arith.constant 62 : index
    %swap3A_622 = arith.constant 0 : index
    %swap3A_623 = arith.constant 0 : index
    %swap3A_624 = vector.load %arg2[%swap3A_621, %swap3A_622, %swap3A_623] : memref<64x128x200xf32, #tpu.memory_space<vmem>>, vector<1x128x200xf32>
    %swap3A_625 = vector.shape_cast %swap3A_624 : vector<1x128x200xf32> to vector<128x200xf32>
    %swap3A_626 = vector.shape_cast %transpose3A_620 : vector<128x200xf32> to vector<1x128x200xf32>
    tpu.vector_store %arg2[%swap3A_621, %swap3A_622, %swap3A_623], %swap3A_626 {strides = array<i32>} : memref<64x128x200xf32, #tpu.memory_space<vmem>>, vector<1x128x200xf32>,
    %get3A_627 = arith.constant 12600 : index
    %get3A_628 = arith.constant 0 : index
    %get3A_629 = vector.load %arg1[%get3A_627, %get3A_628] : memref<12800x128xf32, #tpu.memory_space<vmem>>, vector<200x128xf32>
    %transpose3A_630 = tpu.transpose %get3A_629, [1, 0] : vector<200x128xf32> -> vector<128x200xf32>
    %swap3A_631 = arith.constant 63 : index
    %swap3A_632 = arith.constant 0 : index
    %swap3A_633 = arith.constant 0 : index
    %swap3A_634 = vector.load %arg2[%swap3A_631, %swap3A_632, %swap3A_633] : memref<64x128x200xf32, #tpu.memory_space<vmem>>, vector<1x128x200xf32>
    %swap3A_635 = vector.shape_cast %swap3A_634 : vector<1x128x200xf32> to vector<128x200xf32>
    %swap3A_636 = vector.shape_cast %transpose3A_630 : vector<128x200xf32> to vector<1x128x200xf32>
    tpu.vector_store %arg2[%swap3A_631, %swap3A_632, %swap3A_633], %swap3A_636 {strides = array<i32>} : memref<64x128x200xf32, #tpu.memory_space<vmem>>, vector<1x128x200xf32>,
    return
  }
  func.func @transform_0(%arg0: i32) -> (i32, i32) {
    %c0_i32 = arith.constant 0 : i32
    %c0_i32_0 = arith.constant 0 : i32
    return %arg0, %c0_i32 : i32, i32
  }
  func.func @transform_1(%arg0: i32) -> (i32, i32, i32) {
    %add3A = arith.constant 0 : i32
    %add3A_0 = arith.addi %add3A, %arg0 : i32
    %c0_i32 = arith.constant 0 : i32
    %c0_i32_1 = arith.constant 0 : i32
    %c0_i32_2 = arith.constant 0 : i32
    return %add3A_0, %c0_i32, %c0_i32_1 : i32, i32, i32
  }
}

module attributes {stable_mosaic.version = 14 : i64} {
  func.func @_tr_body_chained(%arg0: i32, %arg1: memref<12800x128xf32, #tpu.memory_space<vmem>>, %arg2: memref<4096x128x200xf32, #tpu.memory_space<any>>, %arg3: memref<64x128x200xf32, #tpu.memory_space<vmem>>) attributes {dimension_semantics = [#tpu.dimension_semantics<arbitrary>], iteration_bounds = array<i64: 16>, scalar_prefetch = 0 : i64, scratch_operands = 0 : i64, tpu.core_type = #tpu.core_type<tc>, window_params = [{transform_indices = @transform_0, window_bounds = array<i64: 12800, 128>}, {}, {transform_indices = @transform_2, window_bounds = array<i64: 64, 128, 200>}]} {
    %get3A = arith.constant 0 : index
    %get3A_0 = arith.constant 0 : index
    %get3A_1 = vector.load %arg1[%get3A, %get3A_0] : memref<12800x128xf32, #tpu.memory_space<vmem>>, vector<200x128xf32>
    %transpose3A = tpu.transpose %get3A_1, [1, 0] : vector<200x128xf32> -> vector<128x200xf32>
    %swap3A = arith.constant 0 : index
    %swap3A_2 = arith.constant 0 : index
    %swap3A_3 = arith.constant 0 : index
    %swap3A_4 = vector.load %arg3[%swap3A, %swap3A_2, %swap3A_3] : memref<64x128x200xf32, #tpu.memory_space<vmem>>, vector<1x128x200xf32>
    %swap3A_5 = vector.shape_cast %swap3A_4 : vector<1x128x200xf32> to vector<128x200xf32>
    %swap3A_6 = vector.shape_cast %transpose3A : vector<128x200xf32> to vector<1x128x200xf32>
    tpu.vector_store %arg3[%swap3A, %swap3A_2, %swap3A_3], %swap3A_6 {strides = array<i32>} : memref<64x128x200xf32, #tpu.memory_space<vmem>>, vector<1x128x200xf32>,
    %get3A_7 = arith.constant 200 : index
    %get3A_8 = arith.constant 0 : index
    %get3A_9 = vector.load %arg1[%get3A_7, %get3A_8] : memref<12800x128xf32, #tpu.memory_space<vmem>>, vector<200x128xf32>
    %transpose3A_10 = tpu.transpose %get3A_9, [1, 0] : vector<200x128xf32> -> vector<128x200xf32>
    %swap3A_11 = arith.constant 1 : index
    %swap3A_12 = arith.constant 0 : index
    %swap3A_13 = arith.constant 0 : index
    %swap3A_14 = vector.load %arg3[%swap3A_11, %swap3A_12, %swap3A_13] : memref<64x128x200xf32, #tpu.memory_space<vmem>>, vector<1x128x200xf32>
    %swap3A_15 = vector.shape_cast %swap3A_14 : vector<1x128x200xf32> to vector<128x200xf32>
    %swap3A_16 = vector.shape_cast %transpose3A_10 : vector<128x200xf32> to vector<1x128x200xf32>
    tpu.vector_store %arg3[%swap3A_11, %swap3A_12, %swap3A_13], %swap3A_16 {strides = array<i32>} : memref<64x128x200xf32, #tpu.memory_space<vmem>>, vector<1x128x200xf32>,
    %get3A_17 = arith.constant 400 : index
    %get3A_18 = arith.constant 0 : index
    %get3A_19 = vector.load %arg1[%get3A_17, %get3A_18] : memref<12800x128xf32, #tpu.memory_space<vmem>>, vector<200x128xf32>
    %transpose3A_20 = tpu.transpose %get3A_19, [1, 0] : vector<200x128xf32> -> vector<128x200xf32>
    %swap3A_21 = arith.constant 2 : index
    %swap3A_22 = arith.constant 0 : index
    %swap3A_23 = arith.constant 0 : index
    %swap3A_24 = vector.load %arg3[%swap3A_21, %swap3A_22, %swap3A_23] : memref<64x128x200xf32, #tpu.memory_space<vmem>>, vector<1x128x200xf32>
    %swap3A_25 = vector.shape_cast %swap3A_24 : vector<1x128x200xf32> to vector<128x200xf32>
    %swap3A_26 = vector.shape_cast %transpose3A_20 : vector<128x200xf32> to vector<1x128x200xf32>
    tpu.vector_store %arg3[%swap3A_21, %swap3A_22, %swap3A_23], %swap3A_26 {strides = array<i32>} : memref<64x128x200xf32, #tpu.memory_space<vmem>>, vector<1x128x200xf32>,
    %get3A_27 = arith.constant 600 : index
    %get3A_28 = arith.constant 0 : index
    %get3A_29 = vector.load %arg1[%get3A_27, %get3A_28] : memref<12800x128xf32, #tpu.memory_space<vmem>>, vector<200x128xf32>
    %transpose3A_30 = tpu.transpose %get3A_29, [1, 0] : vector<200x128xf32> -> vector<128x200xf32>
    %swap3A_31 = arith.constant 3 : index
    %swap3A_32 = arith.constant 0 : index
    %swap3A_33 = arith.constant 0 : index
    %swap3A_34 = vector.load %arg3[%swap3A_31, %swap3A_32, %swap3A_33] : memref<64x128x200xf32, #tpu.memory_space<vmem>>, vector<1x128x200xf32>
    %swap3A_35 = vector.shape_cast %swap3A_34 : vector<1x128x200xf32> to vector<128x200xf32>
    %swap3A_36 = vector.shape_cast %transpose3A_30 : vector<128x200xf32> to vector<1x128x200xf32>
    tpu.vector_store %arg3[%swap3A_31, %swap3A_32, %swap3A_33], %swap3A_36 {strides = array<i32>} : memref<64x128x200xf32, #tpu.memory_space<vmem>>, vector<1x128x200xf32>,
    %get3A_37 = arith.constant 800 : index
    %get3A_38 = arith.constant 0 : index
    %get3A_39 = vector.load %arg1[%get3A_37, %get3A_38] : memref<12800x128xf32, #tpu.memory_space<vmem>>, vector<200x128xf32>
    %transpose3A_40 = tpu.transpose %get3A_39, [1, 0] : vector<200x128xf32> -> vector<128x200xf32>
    %swap3A_41 = arith.constant 4 : index
    %swap3A_42 = arith.constant 0 : index
    %swap3A_43 = arith.constant 0 : index
    %swap3A_44 = vector.load %arg3[%swap3A_41, %swap3A_42, %swap3A_43] : memref<64x128x200xf32, #tpu.memory_space<vmem>>, vector<1x128x200xf32>
    %swap3A_45 = vector.shape_cast %swap3A_44 : vector<1x128x200xf32> to vector<128x200xf32>
    %swap3A_46 = vector.shape_cast %transpose3A_40 : vector<128x200xf32> to vector<1x128x200xf32>
    tpu.vector_store %arg3[%swap3A_41, %swap3A_42, %swap3A_43], %swap3A_46 {strides = array<i32>} : memref<64x128x200xf32, #tpu.memory_space<vmem>>, vector<1x128x200xf32>,
    %get3A_47 = arith.constant 1000 : index
    %get3A_48 = arith.constant 0 : index
    %get3A_49 = vector.load %arg1[%get3A_47, %get3A_48] : memref<12800x128xf32, #tpu.memory_space<vmem>>, vector<200x128xf32>
    %transpose3A_50 = tpu.transpose %get3A_49, [1, 0] : vector<200x128xf32> -> vector<128x200xf32>
    %swap3A_51 = arith.constant 5 : index
    %swap3A_52 = arith.constant 0 : index
    %swap3A_53 = arith.constant 0 : index
    %swap3A_54 = vector.load %arg3[%swap3A_51, %swap3A_52, %swap3A_53] : memref<64x128x200xf32, #tpu.memory_space<vmem>>, vector<1x128x200xf32>
    %swap3A_55 = vector.shape_cast %swap3A_54 : vector<1x128x200xf32> to vector<128x200xf32>
    %swap3A_56 = vector.shape_cast %transpose3A_50 : vector<128x200xf32> to vector<1x128x200xf32>
    tpu.vector_store %arg3[%swap3A_51, %swap3A_52, %swap3A_53], %swap3A_56 {strides = array<i32>} : memref<64x128x200xf32, #tpu.memory_space<vmem>>, vector<1x128x200xf32>,
    %get3A_57 = arith.constant 1200 : index
    %get3A_58 = arith.constant 0 : index
    %get3A_59 = vector.load %arg1[%get3A_57, %get3A_58] : memref<12800x128xf32, #tpu.memory_space<vmem>>, vector<200x128xf32>
    %transpose3A_60 = tpu.transpose %get3A_59, [1, 0] : vector<200x128xf32> -> vector<128x200xf32>
    %swap3A_61 = arith.constant 6 : index
    %swap3A_62 = arith.constant 0 : index
    %swap3A_63 = arith.constant 0 : index
    %swap3A_64 = vector.load %arg3[%swap3A_61, %swap3A_62, %swap3A_63] : memref<64x128x200xf32, #tpu.memory_space<vmem>>, vector<1x128x200xf32>
    %swap3A_65 = vector.shape_cast %swap3A_64 : vector<1x128x200xf32> to vector<128x200xf32>
    %swap3A_66 = vector.shape_cast %transpose3A_60 : vector<128x200xf32> to vector<1x128x200xf32>
    tpu.vector_store %arg3[%swap3A_61, %swap3A_62, %swap3A_63], %swap3A_66 {strides = array<i32>} : memref<64x128x200xf32, #tpu.memory_space<vmem>>, vector<1x128x200xf32>,
    %get3A_67 = arith.constant 1400 : index
    %get3A_68 = arith.constant 0 : index
    %get3A_69 = vector.load %arg1[%get3A_67, %get3A_68] : memref<12800x128xf32, #tpu.memory_space<vmem>>, vector<200x128xf32>
    %transpose3A_70 = tpu.transpose %get3A_69, [1, 0] : vector<200x128xf32> -> vector<128x200xf32>
    %swap3A_71 = arith.constant 7 : index
    %swap3A_72 = arith.constant 0 : index
    %swap3A_73 = arith.constant 0 : index
    %swap3A_74 = vector.load %arg3[%swap3A_71, %swap3A_72, %swap3A_73] : memref<64x128x200xf32, #tpu.memory_space<vmem>>, vector<1x128x200xf32>
    %swap3A_75 = vector.shape_cast %swap3A_74 : vector<1x128x200xf32> to vector<128x200xf32>
    %swap3A_76 = vector.shape_cast %transpose3A_70 : vector<128x200xf32> to vector<1x128x200xf32>
    tpu.vector_store %arg3[%swap3A_71, %swap3A_72, %swap3A_73], %swap3A_76 {strides = array<i32>} : memref<64x128x200xf32, #tpu.memory_space<vmem>>, vector<1x128x200xf32>,
    %get3A_77 = arith.constant 1600 : index
    %get3A_78 = arith.constant 0 : index
    %get3A_79 = vector.load %arg1[%get3A_77, %get3A_78] : memref<12800x128xf32, #tpu.memory_space<vmem>>, vector<200x128xf32>
    %transpose3A_80 = tpu.transpose %get3A_79, [1, 0] : vector<200x128xf32> -> vector<128x200xf32>
    %swap3A_81 = arith.constant 8 : index
    %swap3A_82 = arith.constant 0 : index
    %swap3A_83 = arith.constant 0 : index
    %swap3A_84 = vector.load %arg3[%swap3A_81, %swap3A_82, %swap3A_83] : memref<64x128x200xf32, #tpu.memory_space<vmem>>, vector<1x128x200xf32>
    %swap3A_85 = vector.shape_cast %swap3A_84 : vector<1x128x200xf32> to vector<128x200xf32>
    %swap3A_86 = vector.shape_cast %transpose3A_80 : vector<128x200xf32> to vector<1x128x200xf32>
    tpu.vector_store %arg3[%swap3A_81, %swap3A_82, %swap3A_83], %swap3A_86 {strides = array<i32>} : memref<64x128x200xf32, #tpu.memory_space<vmem>>, vector<1x128x200xf32>,
    %get3A_87 = arith.constant 1800 : index
    %get3A_88 = arith.constant 0 : index
    %get3A_89 = vector.load %arg1[%get3A_87, %get3A_88] : memref<12800x128xf32, #tpu.memory_space<vmem>>, vector<200x128xf32>
    %transpose3A_90 = tpu.transpose %get3A_89, [1, 0] : vector<200x128xf32> -> vector<128x200xf32>
    %swap3A_91 = arith.constant 9 : index
    %swap3A_92 = arith.constant 0 : index
    %swap3A_93 = arith.constant 0 : index
    %swap3A_94 = vector.load %arg3[%swap3A_91, %swap3A_92, %swap3A_93] : memref<64x128x200xf32, #tpu.memory_space<vmem>>, vector<1x128x200xf32>
    %swap3A_95 = vector.shape_cast %swap3A_94 : vector<1x128x200xf32> to vector<128x200xf32>
    %swap3A_96 = vector.shape_cast %transpose3A_90 : vector<128x200xf32> to vector<1x128x200xf32>
    tpu.vector_store %arg3[%swap3A_91, %swap3A_92, %swap3A_93], %swap3A_96 {strides = array<i32>} : memref<64x128x200xf32, #tpu.memory_space<vmem>>, vector<1x128x200xf32>,
    %get3A_97 = arith.constant 2000 : index
    %get3A_98 = arith.constant 0 : index
    %get3A_99 = vector.load %arg1[%get3A_97, %get3A_98] : memref<12800x128xf32, #tpu.memory_space<vmem>>, vector<200x128xf32>
    %transpose3A_100 = tpu.transpose %get3A_99, [1, 0] : vector<200x128xf32> -> vector<128x200xf32>
    %swap3A_101 = arith.constant 10 : index
    %swap3A_102 = arith.constant 0 : index
    %swap3A_103 = arith.constant 0 : index
    %swap3A_104 = vector.load %arg3[%swap3A_101, %swap3A_102, %swap3A_103] : memref<64x128x200xf32, #tpu.memory_space<vmem>>, vector<1x128x200xf32>
    %swap3A_105 = vector.shape_cast %swap3A_104 : vector<1x128x200xf32> to vector<128x200xf32>
    %swap3A_106 = vector.shape_cast %transpose3A_100 : vector<128x200xf32> to vector<1x128x200xf32>
    tpu.vector_store %arg3[%swap3A_101, %swap3A_102, %swap3A_103], %swap3A_106 {strides = array<i32>} : memref<64x128x200xf32, #tpu.memory_space<vmem>>, vector<1x128x200xf32>,
    %get3A_107 = arith.constant 2200 : index
    %get3A_108 = arith.constant 0 : index
    %get3A_109 = vector.load %arg1[%get3A_107, %get3A_108] : memref<12800x128xf32, #tpu.memory_space<vmem>>, vector<200x128xf32>
    %transpose3A_110 = tpu.transpose %get3A_109, [1, 0] : vector<200x128xf32> -> vector<128x200xf32>
    %swap3A_111 = arith.constant 11 : index
    %swap3A_112 = arith.constant 0 : index
    %swap3A_113 = arith.constant 0 : index
    %swap3A_114 = vector.load %arg3[%swap3A_111, %swap3A_112, %swap3A_113] : memref<64x128x200xf32, #tpu.memory_space<vmem>>, vector<1x128x200xf32>
    %swap3A_115 = vector.shape_cast %swap3A_114 : vector<1x128x200xf32> to vector<128x200xf32>
    %swap3A_116 = vector.shape_cast %transpose3A_110 : vector<128x200xf32> to vector<1x128x200xf32>
    tpu.vector_store %arg3[%swap3A_111, %swap3A_112, %swap3A_113], %swap3A_116 {strides = array<i32>} : memref<64x128x200xf32, #tpu.memory_space<vmem>>, vector<1x128x200xf32>,
    %get3A_117 = arith.constant 2400 : index
    %get3A_118 = arith.constant 0 : index
    %get3A_119 = vector.load %arg1[%get3A_117, %get3A_118] : memref<12800x128xf32, #tpu.memory_space<vmem>>, vector<200x128xf32>
    %transpose3A_120 = tpu.transpose %get3A_119, [1, 0] : vector<200x128xf32> -> vector<128x200xf32>
    %swap3A_121 = arith.constant 12 : index
    %swap3A_122 = arith.constant 0 : index
    %swap3A_123 = arith.constant 0 : index
    %swap3A_124 = vector.load %arg3[%swap3A_121, %swap3A_122, %swap3A_123] : memref<64x128x200xf32, #tpu.memory_space<vmem>>, vector<1x128x200xf32>
    %swap3A_125 = vector.shape_cast %swap3A_124 : vector<1x128x200xf32> to vector<128x200xf32>
    %swap3A_126 = vector.shape_cast %transpose3A_120 : vector<128x200xf32> to vector<1x128x200xf32>
    tpu.vector_store %arg3[%swap3A_121, %swap3A_122, %swap3A_123], %swap3A_126 {strides = array<i32>} : memref<64x128x200xf32, #tpu.memory_space<vmem>>, vector<1x128x200xf32>,
    %get3A_127 = arith.constant 2600 : index
    %get3A_128 = arith.constant 0 : index
    %get3A_129 = vector.load %arg1[%get3A_127, %get3A_128] : memref<12800x128xf32, #tpu.memory_space<vmem>>, vector<200x128xf32>
    %transpose3A_130 = tpu.transpose %get3A_129, [1, 0] : vector<200x128xf32> -> vector<128x200xf32>
    %swap3A_131 = arith.constant 13 : index
    %swap3A_132 = arith.constant 0 : index
    %swap3A_133 = arith.constant 0 : index
    %swap3A_134 = vector.load %arg3[%swap3A_131, %swap3A_132, %swap3A_133] : memref<64x128x200xf32, #tpu.memory_space<vmem>>, vector<1x128x200xf32>
    %swap3A_135 = vector.shape_cast %swap3A_134 : vector<1x128x200xf32> to vector<128x200xf32>
    %swap3A_136 = vector.shape_cast %transpose3A_130 : vector<128x200xf32> to vector<1x128x200xf32>
    tpu.vector_store %arg3[%swap3A_131, %swap3A_132, %swap3A_133], %swap3A_136 {strides = array<i32>} : memref<64x128x200xf32, #tpu.memory_space<vmem>>, vector<1x128x200xf32>,
    %get3A_137 = arith.constant 2800 : index
    %get3A_138 = arith.constant 0 : index
    %get3A_139 = vector.load %arg1[%get3A_137, %get3A_138] : memref<12800x128xf32, #tpu.memory_space<vmem>>, vector<200x128xf32>
    %transpose3A_140 = tpu.transpose %get3A_139, [1, 0] : vector<200x128xf32> -> vector<128x200xf32>
    %swap3A_141 = arith.constant 14 : index
    %swap3A_142 = arith.constant 0 : index
    %swap3A_143 = arith.constant 0 : index
    %swap3A_144 = vector.load %arg3[%swap3A_141, %swap3A_142, %swap3A_143] : memref<64x128x200xf32, #tpu.memory_space<vmem>>, vector<1x128x200xf32>
    %swap3A_145 = vector.shape_cast %swap3A_144 : vector<1x128x200xf32> to vector<128x200xf32>
    %swap3A_146 = vector.shape_cast %transpose3A_140 : vector<128x200xf32> to vector<1x128x200xf32>
    tpu.vector_store %arg3[%swap3A_141, %swap3A_142, %swap3A_143], %swap3A_146 {strides = array<i32>} : memref<64x128x200xf32, #tpu.memory_space<vmem>>, vector<1x128x200xf32>,
    %get3A_147 = arith.constant 3000 : index
    %get3A_148 = arith.constant 0 : index
    %get3A_149 = vector.load %arg1[%get3A_147, %get3A_148] : memref<12800x128xf32, #tpu.memory_space<vmem>>, vector<200x128xf32>
    %transpose3A_150 = tpu.transpose %get3A_149, [1, 0] : vector<200x128xf32> -> vector<128x200xf32>
    %swap3A_151 = arith.constant 15 : index
    %swap3A_152 = arith.constant 0 : index
    %swap3A_153 = arith.constant 0 : index
    %swap3A_154 = vector.load %arg3[%swap3A_151, %swap3A_152, %swap3A_153] : memref<64x128x200xf32, #tpu.memory_space<vmem>>, vector<1x128x200xf32>
    %swap3A_155 = vector.shape_cast %swap3A_154 : vector<1x128x200xf32> to vector<128x200xf32>
    %swap3A_156 = vector.shape_cast %transpose3A_150 : vector<128x200xf32> to vector<1x128x200xf32>
    tpu.vector_store %arg3[%swap3A_151, %swap3A_152, %swap3A_153], %swap3A_156 {strides = array<i32>} : memref<64x128x200xf32, #tpu.memory_space<vmem>>, vector<1x128x200xf32>,
    %get3A_157 = arith.constant 3200 : index
    %get3A_158 = arith.constant 0 : index
    %get3A_159 = vector.load %arg1[%get3A_157, %get3A_158] : memref<12800x128xf32, #tpu.memory_space<vmem>>, vector<200x128xf32>
    %transpose3A_160 = tpu.transpose %get3A_159, [1, 0] : vector<200x128xf32> -> vector<128x200xf32>
    %swap3A_161 = arith.constant 16 : index
    %swap3A_162 = arith.constant 0 : index
    %swap3A_163 = arith.constant 0 : index
    %swap3A_164 = vector.load %arg3[%swap3A_161, %swap3A_162, %swap3A_163] : memref<64x128x200xf32, #tpu.memory_space<vmem>>, vector<1x128x200xf32>
    %swap3A_165 = vector.shape_cast %swap3A_164 : vector<1x128x200xf32> to vector<128x200xf32>
    %swap3A_166 = vector.shape_cast %transpose3A_160 : vector<128x200xf32> to vector<1x128x200xf32>
    tpu.vector_store %arg3[%swap3A_161, %swap3A_162, %swap3A_163], %swap3A_166 {strides = array<i32>} : memref<64x128x200xf32, #tpu.memory_space<vmem>>, vector<1x128x200xf32>,
    %get3A_167 = arith.constant 3400 : index
    %get3A_168 = arith.constant 0 : index
    %get3A_169 = vector.load %arg1[%get3A_167, %get3A_168] : memref<12800x128xf32, #tpu.memory_space<vmem>>, vector<200x128xf32>
    %transpose3A_170 = tpu.transpose %get3A_169, [1, 0] : vector<200x128xf32> -> vector<128x200xf32>
    %swap3A_171 = arith.constant 17 : index
    %swap3A_172 = arith.constant 0 : index
    %swap3A_173 = arith.constant 0 : index
    %swap3A_174 = vector.load %arg3[%swap3A_171, %swap3A_172, %swap3A_173] : memref<64x128x200xf32, #tpu.memory_space<vmem>>, vector<1x128x200xf32>
    %swap3A_175 = vector.shape_cast %swap3A_174 : vector<1x128x200xf32> to vector<128x200xf32>
    %swap3A_176 = vector.shape_cast %transpose3A_170 : vector<128x200xf32> to vector<1x128x200xf32>
    tpu.vector_store %arg3[%swap3A_171, %swap3A_172, %swap3A_173], %swap3A_176 {strides = array<i32>} : memref<64x128x200xf32, #tpu.memory_space<vmem>>, vector<1x128x200xf32>,
    %get3A_177 = arith.constant 3600 : index
    %get3A_178 = arith.constant 0 : index
    %get3A_179 = vector.load %arg1[%get3A_177, %get3A_178] : memref<12800x128xf32, #tpu.memory_space<vmem>>, vector<200x128xf32>
    %transpose3A_180 = tpu.transpose %get3A_179, [1, 0] : vector<200x128xf32> -> vector<128x200xf32>
    %swap3A_181 = arith.constant 18 : index
    %swap3A_182 = arith.constant 0 : index
    %swap3A_183 = arith.constant 0 : index
    %swap3A_184 = vector.load %arg3[%swap3A_181, %swap3A_182, %swap3A_183] : memref<64x128x200xf32, #tpu.memory_space<vmem>>, vector<1x128x200xf32>
    %swap3A_185 = vector.shape_cast %swap3A_184 : vector<1x128x200xf32> to vector<128x200xf32>
    %swap3A_186 = vector.shape_cast %transpose3A_180 : vector<128x200xf32> to vector<1x128x200xf32>
    tpu.vector_store %arg3[%swap3A_181, %swap3A_182, %swap3A_183], %swap3A_186 {strides = array<i32>} : memref<64x128x200xf32, #tpu.memory_space<vmem>>, vector<1x128x200xf32>,
    %get3A_187 = arith.constant 3800 : index
    %get3A_188 = arith.constant 0 : index
    %get3A_189 = vector.load %arg1[%get3A_187, %get3A_188] : memref<12800x128xf32, #tpu.memory_space<vmem>>, vector<200x128xf32>
    %transpose3A_190 = tpu.transpose %get3A_189, [1, 0] : vector<200x128xf32> -> vector<128x200xf32>
    %swap3A_191 = arith.constant 19 : index
    %swap3A_192 = arith.constant 0 : index
    %swap3A_193 = arith.constant 0 : index
    %swap3A_194 = vector.load %arg3[%swap3A_191, %swap3A_192, %swap3A_193] : memref<64x128x200xf32, #tpu.memory_space<vmem>>, vector<1x128x200xf32>
    %swap3A_195 = vector.shape_cast %swap3A_194 : vector<1x128x200xf32> to vector<128x200xf32>
    %swap3A_196 = vector.shape_cast %transpose3A_190 : vector<128x200xf32> to vector<1x128x200xf32>
    tpu.vector_store %arg3[%swap3A_191, %swap3A_192, %swap3A_193], %swap3A_196 {strides = array<i32>} : memref<64x128x200xf32, #tpu.memory_space<vmem>>, vector<1x128x200xf32>,
    %get3A_197 = arith.constant 4000 : index
    %get3A_198 = arith.constant 0 : index
    %get3A_199 = vector.load %arg1[%get3A_197, %get3A_198] : memref<12800x128xf32, #tpu.memory_space<vmem>>, vector<200x128xf32>
    %transpose3A_200 = tpu.transpose %get3A_199, [1, 0] : vector<200x128xf32> -> vector<128x200xf32>
    %swap3A_201 = arith.constant 20 : index
    %swap3A_202 = arith.constant 0 : index
    %swap3A_203 = arith.constant 0 : index
    %swap3A_204 = vector.load %arg3[%swap3A_201, %swap3A_202, %swap3A_203] : memref<64x128x200xf32, #tpu.memory_space<vmem>>, vector<1x128x200xf32>
    %swap3A_205 = vector.shape_cast %swap3A_204 : vector<1x128x200xf32> to vector<128x200xf32>
    %swap3A_206 = vector.shape_cast %transpose3A_200 : vector<128x200xf32> to vector<1x128x200xf32>
    tpu.vector_store %arg3[%swap3A_201, %swap3A_202, %swap3A_203], %swap3A_206 {strides = array<i32>} : memref<64x128x200xf32, #tpu.memory_space<vmem>>, vector<1x128x200xf32>,
    %get3A_207 = arith.constant 4200 : index
    %get3A_208 = arith.constant 0 : index
    %get3A_209 = vector.load %arg1[%get3A_207, %get3A_208] : memref<12800x128xf32, #tpu.memory_space<vmem>>, vector<200x128xf32>
    %transpose3A_210 = tpu.transpose %get3A_209, [1, 0] : vector<200x128xf32> -> vector<128x200xf32>
    %swap3A_211 = arith.constant 21 : index
    %swap3A_212 = arith.constant 0 : index
    %swap3A_213 = arith.constant 0 : index
    %swap3A_214 = vector.load %arg3[%swap3A_211, %swap3A_212, %swap3A_213] : memref<64x128x200xf32, #tpu.memory_space<vmem>>, vector<1x128x200xf32>
    %swap3A_215 = vector.shape_cast %swap3A_214 : vector<1x128x200xf32> to vector<128x200xf32>
    %swap3A_216 = vector.shape_cast %transpose3A_210 : vector<128x200xf32> to vector<1x128x200xf32>
    tpu.vector_store %arg3[%swap3A_211, %swap3A_212, %swap3A_213], %swap3A_216 {strides = array<i32>} : memref<64x128x200xf32, #tpu.memory_space<vmem>>, vector<1x128x200xf32>,
    %get3A_217 = arith.constant 4400 : index
    %get3A_218 = arith.constant 0 : index
    %get3A_219 = vector.load %arg1[%get3A_217, %get3A_218] : memref<12800x128xf32, #tpu.memory_space<vmem>>, vector<200x128xf32>
    %transpose3A_220 = tpu.transpose %get3A_219, [1, 0] : vector<200x128xf32> -> vector<128x200xf32>
    %swap3A_221 = arith.constant 22 : index
    %swap3A_222 = arith.constant 0 : index
    %swap3A_223 = arith.constant 0 : index
    %swap3A_224 = vector.load %arg3[%swap3A_221, %swap3A_222, %swap3A_223] : memref<64x128x200xf32, #tpu.memory_space<vmem>>, vector<1x128x200xf32>
    %swap3A_225 = vector.shape_cast %swap3A_224 : vector<1x128x200xf32> to vector<128x200xf32>
    %swap3A_226 = vector.shape_cast %transpose3A_220 : vector<128x200xf32> to vector<1x128x200xf32>
    tpu.vector_store %arg3[%swap3A_221, %swap3A_222, %swap3A_223], %swap3A_226 {strides = array<i32>} : memref<64x128x200xf32, #tpu.memory_space<vmem>>, vector<1x128x200xf32>,
    %get3A_227 = arith.constant 4600 : index
    %get3A_228 = arith.constant 0 : index
    %get3A_229 = vector.load %arg1[%get3A_227, %get3A_228] : memref<12800x128xf32, #tpu.memory_space<vmem>>, vector<200x128xf32>
    %transpose3A_230 = tpu.transpose %get3A_229, [1, 0] : vector<200x128xf32> -> vector<128x200xf32>
    %swap3A_231 = arith.constant 23 : index
    %swap3A_232 = arith.constant 0 : index
    %swap3A_233 = arith.constant 0 : index
    %swap3A_234 = vector.load %arg3[%swap3A_231, %swap3A_232, %swap3A_233] : memref<64x128x200xf32, #tpu.memory_space<vmem>>, vector<1x128x200xf32>
    %swap3A_235 = vector.shape_cast %swap3A_234 : vector<1x128x200xf32> to vector<128x200xf32>
    %swap3A_236 = vector.shape_cast %transpose3A_230 : vector<128x200xf32> to vector<1x128x200xf32>
    tpu.vector_store %arg3[%swap3A_231, %swap3A_232, %swap3A_233], %swap3A_236 {strides = array<i32>} : memref<64x128x200xf32, #tpu.memory_space<vmem>>, vector<1x128x200xf32>,
    %get3A_237 = arith.constant 4800 : index
    %get3A_238 = arith.constant 0 : index
    %get3A_239 = vector.load %arg1[%get3A_237, %get3A_238] : memref<12800x128xf32, #tpu.memory_space<vmem>>, vector<200x128xf32>
    %transpose3A_240 = tpu.transpose %get3A_239, [1, 0] : vector<200x128xf32> -> vector<128x200xf32>
    %swap3A_241 = arith.constant 24 : index
    %swap3A_242 = arith.constant 0 : index
    %swap3A_243 = arith.constant 0 : index
    %swap3A_244 = vector.load %arg3[%swap3A_241, %swap3A_242, %swap3A_243] : memref<64x128x200xf32, #tpu.memory_space<vmem>>, vector<1x128x200xf32>
    %swap3A_245 = vector.shape_cast %swap3A_244 : vector<1x128x200xf32> to vector<128x200xf32>
    %swap3A_246 = vector.shape_cast %transpose3A_240 : vector<128x200xf32> to vector<1x128x200xf32>
    tpu.vector_store %arg3[%swap3A_241, %swap3A_242, %swap3A_243], %swap3A_246 {strides = array<i32>} : memref<64x128x200xf32, #tpu.memory_space<vmem>>, vector<1x128x200xf32>,
    %get3A_247 = arith.constant 5000 : index
    %get3A_248 = arith.constant 0 : index
    %get3A_249 = vector.load %arg1[%get3A_247, %get3A_248] : memref<12800x128xf32, #tpu.memory_space<vmem>>, vector<200x128xf32>
    %transpose3A_250 = tpu.transpose %get3A_249, [1, 0] : vector<200x128xf32> -> vector<128x200xf32>
    %swap3A_251 = arith.constant 25 : index
    %swap3A_252 = arith.constant 0 : index
    %swap3A_253 = arith.constant 0 : index
    %swap3A_254 = vector.load %arg3[%swap3A_251, %swap3A_252, %swap3A_253] : memref<64x128x200xf32, #tpu.memory_space<vmem>>, vector<1x128x200xf32>
    %swap3A_255 = vector.shape_cast %swap3A_254 : vector<1x128x200xf32> to vector<128x200xf32>
    %swap3A_256 = vector.shape_cast %transpose3A_250 : vector<128x200xf32> to vector<1x128x200xf32>
    tpu.vector_store %arg3[%swap3A_251, %swap3A_252, %swap3A_253], %swap3A_256 {strides = array<i32>} : memref<64x128x200xf32, #tpu.memory_space<vmem>>, vector<1x128x200xf32>,
    %get3A_257 = arith.constant 5200 : index
    %get3A_258 = arith.constant 0 : index
    %get3A_259 = vector.load %arg1[%get3A_257, %get3A_258] : memref<12800x128xf32, #tpu.memory_space<vmem>>, vector<200x128xf32>
    %transpose3A_260 = tpu.transpose %get3A_259, [1, 0] : vector<200x128xf32> -> vector<128x200xf32>
    %swap3A_261 = arith.constant 26 : index
    %swap3A_262 = arith.constant 0 : index
    %swap3A_263 = arith.constant 0 : index
    %swap3A_264 = vector.load %arg3[%swap3A_261, %swap3A_262, %swap3A_263] : memref<64x128x200xf32, #tpu.memory_space<vmem>>, vector<1x128x200xf32>
    %swap3A_265 = vector.shape_cast %swap3A_264 : vector<1x128x200xf32> to vector<128x200xf32>
    %swap3A_266 = vector.shape_cast %transpose3A_260 : vector<128x200xf32> to vector<1x128x200xf32>
    tpu.vector_store %arg3[%swap3A_261, %swap3A_262, %swap3A_263], %swap3A_266 {strides = array<i32>} : memref<64x128x200xf32, #tpu.memory_space<vmem>>, vector<1x128x200xf32>,
    %get3A_267 = arith.constant 5400 : index
    %get3A_268 = arith.constant 0 : index
    %get3A_269 = vector.load %arg1[%get3A_267, %get3A_268] : memref<12800x128xf32, #tpu.memory_space<vmem>>, vector<200x128xf32>
    %transpose3A_270 = tpu.transpose %get3A_269, [1, 0] : vector<200x128xf32> -> vector<128x200xf32>
    %swap3A_271 = arith.constant 27 : index
    %swap3A_272 = arith.constant 0 : index
    %swap3A_273 = arith.constant 0 : index
    %swap3A_274 = vector.load %arg3[%swap3A_271, %swap3A_272, %swap3A_273] : memref<64x128x200xf32, #tpu.memory_space<vmem>>, vector<1x128x200xf32>
    %swap3A_275 = vector.shape_cast %swap3A_274 : vector<1x128x200xf32> to vector<128x200xf32>
    %swap3A_276 = vector.shape_cast %transpose3A_270 : vector<128x200xf32> to vector<1x128x200xf32>
    tpu.vector_store %arg3[%swap3A_271, %swap3A_272, %swap3A_273], %swap3A_276 {strides = array<i32>} : memref<64x128x200xf32, #tpu.memory_space<vmem>>, vector<1x128x200xf32>,
    %get3A_277 = arith.constant 5600 : index
    %get3A_278 = arith.constant 0 : index
    %get3A_279 = vector.load %arg1[%get3A_277, %get3A_278] : memref<12800x128xf32, #tpu.memory_space<vmem>>, vector<200x128xf32>
    %transpose3A_280 = tpu.transpose %get3A_279, [1, 0] : vector<200x128xf32> -> vector<128x200xf32>
    %swap3A_281 = arith.constant 28 : index
    %swap3A_282 = arith.constant 0 : index
    %swap3A_283 = arith.constant 0 : index
    %swap3A_284 = vector.load %arg3[%swap3A_281, %swap3A_282, %swap3A_283] : memref<64x128x200xf32, #tpu.memory_space<vmem>>, vector<1x128x200xf32>
    %swap3A_285 = vector.shape_cast %swap3A_284 : vector<1x128x200xf32> to vector<128x200xf32>
    %swap3A_286 = vector.shape_cast %transpose3A_280 : vector<128x200xf32> to vector<1x128x200xf32>
    tpu.vector_store %arg3[%swap3A_281, %swap3A_282, %swap3A_283], %swap3A_286 {strides = array<i32>} : memref<64x128x200xf32, #tpu.memory_space<vmem>>, vector<1x128x200xf32>,
    %get3A_287 = arith.constant 5800 : index
    %get3A_288 = arith.constant 0 : index
    %get3A_289 = vector.load %arg1[%get3A_287, %get3A_288] : memref<12800x128xf32, #tpu.memory_space<vmem>>, vector<200x128xf32>
    %transpose3A_290 = tpu.transpose %get3A_289, [1, 0] : vector<200x128xf32> -> vector<128x200xf32>
    %swap3A_291 = arith.constant 29 : index
    %swap3A_292 = arith.constant 0 : index
    %swap3A_293 = arith.constant 0 : index
    %swap3A_294 = vector.load %arg3[%swap3A_291, %swap3A_292, %swap3A_293] : memref<64x128x200xf32, #tpu.memory_space<vmem>>, vector<1x128x200xf32>
    %swap3A_295 = vector.shape_cast %swap3A_294 : vector<1x128x200xf32> to vector<128x200xf32>
    %swap3A_296 = vector.shape_cast %transpose3A_290 : vector<128x200xf32> to vector<1x128x200xf32>
    tpu.vector_store %arg3[%swap3A_291, %swap3A_292, %swap3A_293], %swap3A_296 {strides = array<i32>} : memref<64x128x200xf32, #tpu.memory_space<vmem>>, vector<1x128x200xf32>,
    %get3A_297 = arith.constant 6000 : index
    %get3A_298 = arith.constant 0 : index
    %get3A_299 = vector.load %arg1[%get3A_297, %get3A_298] : memref<12800x128xf32, #tpu.memory_space<vmem>>, vector<200x128xf32>
    %transpose3A_300 = tpu.transpose %get3A_299, [1, 0] : vector<200x128xf32> -> vector<128x200xf32>
    %swap3A_301 = arith.constant 30 : index
    %swap3A_302 = arith.constant 0 : index
    %swap3A_303 = arith.constant 0 : index
    %swap3A_304 = vector.load %arg3[%swap3A_301, %swap3A_302, %swap3A_303] : memref<64x128x200xf32, #tpu.memory_space<vmem>>, vector<1x128x200xf32>
    %swap3A_305 = vector.shape_cast %swap3A_304 : vector<1x128x200xf32> to vector<128x200xf32>
    %swap3A_306 = vector.shape_cast %transpose3A_300 : vector<128x200xf32> to vector<1x128x200xf32>
    tpu.vector_store %arg3[%swap3A_301, %swap3A_302, %swap3A_303], %swap3A_306 {strides = array<i32>} : memref<64x128x200xf32, #tpu.memory_space<vmem>>, vector<1x128x200xf32>,
    %get3A_307 = arith.constant 6200 : index
    %get3A_308 = arith.constant 0 : index
    %get3A_309 = vector.load %arg1[%get3A_307, %get3A_308] : memref<12800x128xf32, #tpu.memory_space<vmem>>, vector<200x128xf32>
    %transpose3A_310 = tpu.transpose %get3A_309, [1, 0] : vector<200x128xf32> -> vector<128x200xf32>
    %swap3A_311 = arith.constant 31 : index
    %swap3A_312 = arith.constant 0 : index
    %swap3A_313 = arith.constant 0 : index
    %swap3A_314 = vector.load %arg3[%swap3A_311, %swap3A_312, %swap3A_313] : memref<64x128x200xf32, #tpu.memory_space<vmem>>, vector<1x128x200xf32>
    %swap3A_315 = vector.shape_cast %swap3A_314 : vector<1x128x200xf32> to vector<128x200xf32>
    %swap3A_316 = vector.shape_cast %transpose3A_310 : vector<128x200xf32> to vector<1x128x200xf32>
    tpu.vector_store %arg3[%swap3A_311, %swap3A_312, %swap3A_313], %swap3A_316 {strides = array<i32>} : memref<64x128x200xf32, #tpu.memory_space<vmem>>, vector<1x128x200xf32>,
    %get3A_317 = arith.constant 6400 : index
    %get3A_318 = arith.constant 0 : index
    %get3A_319 = vector.load %arg1[%get3A_317, %get3A_318] : memref<12800x128xf32, #tpu.memory_space<vmem>>, vector<200x128xf32>
    %transpose3A_320 = tpu.transpose %get3A_319, [1, 0] : vector<200x128xf32> -> vector<128x200xf32>
    %swap3A_321 = arith.constant 32 : index
    %swap3A_322 = arith.constant 0 : index
    %swap3A_323 = arith.constant 0 : index
    %swap3A_324 = vector.load %arg3[%swap3A_321, %swap3A_322, %swap3A_323] : memref<64x128x200xf32, #tpu.memory_space<vmem>>, vector<1x128x200xf32>
    %swap3A_325 = vector.shape_cast %swap3A_324 : vector<1x128x200xf32> to vector<128x200xf32>
    %swap3A_326 = vector.shape_cast %transpose3A_320 : vector<128x200xf32> to vector<1x128x200xf32>
    tpu.vector_store %arg3[%swap3A_321, %swap3A_322, %swap3A_323], %swap3A_326 {strides = array<i32>} : memref<64x128x200xf32, #tpu.memory_space<vmem>>, vector<1x128x200xf32>,
    %get3A_327 = arith.constant 6600 : index
    %get3A_328 = arith.constant 0 : index
    %get3A_329 = vector.load %arg1[%get3A_327, %get3A_328] : memref<12800x128xf32, #tpu.memory_space<vmem>>, vector<200x128xf32>
    %transpose3A_330 = tpu.transpose %get3A_329, [1, 0] : vector<200x128xf32> -> vector<128x200xf32>
    %swap3A_331 = arith.constant 33 : index
    %swap3A_332 = arith.constant 0 : index
    %swap3A_333 = arith.constant 0 : index
    %swap3A_334 = vector.load %arg3[%swap3A_331, %swap3A_332, %swap3A_333] : memref<64x128x200xf32, #tpu.memory_space<vmem>>, vector<1x128x200xf32>
    %swap3A_335 = vector.shape_cast %swap3A_334 : vector<1x128x200xf32> to vector<128x200xf32>
    %swap3A_336 = vector.shape_cast %transpose3A_330 : vector<128x200xf32> to vector<1x128x200xf32>
    tpu.vector_store %arg3[%swap3A_331, %swap3A_332, %swap3A_333], %swap3A_336 {strides = array<i32>} : memref<64x128x200xf32, #tpu.memory_space<vmem>>, vector<1x128x200xf32>,
    %get3A_337 = arith.constant 6800 : index
    %get3A_338 = arith.constant 0 : index
    %get3A_339 = vector.load %arg1[%get3A_337, %get3A_338] : memref<12800x128xf32, #tpu.memory_space<vmem>>, vector<200x128xf32>
    %transpose3A_340 = tpu.transpose %get3A_339, [1, 0] : vector<200x128xf32> -> vector<128x200xf32>
    %swap3A_341 = arith.constant 34 : index
    %swap3A_342 = arith.constant 0 : index
    %swap3A_343 = arith.constant 0 : index
    %swap3A_344 = vector.load %arg3[%swap3A_341, %swap3A_342, %swap3A_343] : memref<64x128x200xf32, #tpu.memory_space<vmem>>, vector<1x128x200xf32>
    %swap3A_345 = vector.shape_cast %swap3A_344 : vector<1x128x200xf32> to vector<128x200xf32>
    %swap3A_346 = vector.shape_cast %transpose3A_340 : vector<128x200xf32> to vector<1x128x200xf32>
    tpu.vector_store %arg3[%swap3A_341, %swap3A_342, %swap3A_343], %swap3A_346 {strides = array<i32>} : memref<64x128x200xf32, #tpu.memory_space<vmem>>, vector<1x128x200xf32>,
    %get3A_347 = arith.constant 7000 : index
    %get3A_348 = arith.constant 0 : index
    %get3A_349 = vector.load %arg1[%get3A_347, %get3A_348] : memref<12800x128xf32, #tpu.memory_space<vmem>>, vector<200x128xf32>
    %transpose3A_350 = tpu.transpose %get3A_349, [1, 0] : vector<200x128xf32> -> vector<128x200xf32>
    %swap3A_351 = arith.constant 35 : index
    %swap3A_352 = arith.constant 0 : index
    %swap3A_353 = arith.constant 0 : index
    %swap3A_354 = vector.load %arg3[%swap3A_351, %swap3A_352, %swap3A_353] : memref<64x128x200xf32, #tpu.memory_space<vmem>>, vector<1x128x200xf32>
    %swap3A_355 = vector.shape_cast %swap3A_354 : vector<1x128x200xf32> to vector<128x200xf32>
    %swap3A_356 = vector.shape_cast %transpose3A_350 : vector<128x200xf32> to vector<1x128x200xf32>
    tpu.vector_store %arg3[%swap3A_351, %swap3A_352, %swap3A_353], %swap3A_356 {strides = array<i32>} : memref<64x128x200xf32, #tpu.memory_space<vmem>>, vector<1x128x200xf32>,
    %get3A_357 = arith.constant 7200 : index
    %get3A_358 = arith.constant 0 : index
    %get3A_359 = vector.load %arg1[%get3A_357, %get3A_358] : memref<12800x128xf32, #tpu.memory_space<vmem>>, vector<200x128xf32>
    %transpose3A_360 = tpu.transpose %get3A_359, [1, 0] : vector<200x128xf32> -> vector<128x200xf32>
    %swap3A_361 = arith.constant 36 : index
    %swap3A_362 = arith.constant 0 : index
    %swap3A_363 = arith.constant 0 : index
    %swap3A_364 = vector.load %arg3[%swap3A_361, %swap3A_362, %swap3A_363] : memref<64x128x200xf32, #tpu.memory_space<vmem>>, vector<1x128x200xf32>
    %swap3A_365 = vector.shape_cast %swap3A_364 : vector<1x128x200xf32> to vector<128x200xf32>
    %swap3A_366 = vector.shape_cast %transpose3A_360 : vector<128x200xf32> to vector<1x128x200xf32>
    tpu.vector_store %arg3[%swap3A_361, %swap3A_362, %swap3A_363], %swap3A_366 {strides = array<i32>} : memref<64x128x200xf32, #tpu.memory_space<vmem>>, vector<1x128x200xf32>,
    %get3A_367 = arith.constant 7400 : index
    %get3A_368 = arith.constant 0 : index
    %get3A_369 = vector.load %arg1[%get3A_367, %get3A_368] : memref<12800x128xf32, #tpu.memory_space<vmem>>, vector<200x128xf32>
    %transpose3A_370 = tpu.transpose %get3A_369, [1, 0] : vector<200x128xf32> -> vector<128x200xf32>
    %swap3A_371 = arith.constant 37 : index
    %swap3A_372 = arith.constant 0 : index
    %swap3A_373 = arith.constant 0 : index
    %swap3A_374 = vector.load %arg3[%swap3A_371, %swap3A_372, %swap3A_373] : memref<64x128x200xf32, #tpu.memory_space<vmem>>, vector<1x128x200xf32>
    %swap3A_375 = vector.shape_cast %swap3A_374 : vector<1x128x200xf32> to vector<128x200xf32>
    %swap3A_376 = vector.shape_cast %transpose3A_370 : vector<128x200xf32> to vector<1x128x200xf32>
    tpu.vector_store %arg3[%swap3A_371, %swap3A_372, %swap3A_373], %swap3A_376 {strides = array<i32>} : memref<64x128x200xf32, #tpu.memory_space<vmem>>, vector<1x128x200xf32>,
    %get3A_377 = arith.constant 7600 : index
    %get3A_378 = arith.constant 0 : index
    %get3A_379 = vector.load %arg1[%get3A_377, %get3A_378] : memref<12800x128xf32, #tpu.memory_space<vmem>>, vector<200x128xf32>
    %transpose3A_380 = tpu.transpose %get3A_379, [1, 0] : vector<200x128xf32> -> vector<128x200xf32>
    %swap3A_381 = arith.constant 38 : index
    %swap3A_382 = arith.constant 0 : index
    %swap3A_383 = arith.constant 0 : index
    %swap3A_384 = vector.load %arg3[%swap3A_381, %swap3A_382, %swap3A_383] : memref<64x128x200xf32, #tpu.memory_space<vmem>>, vector<1x128x200xf32>
    %swap3A_385 = vector.shape_cast %swap3A_384 : vector<1x128x200xf32> to vector<128x200xf32>
    %swap3A_386 = vector.shape_cast %transpose3A_380 : vector<128x200xf32> to vector<1x128x200xf32>
    tpu.vector_store %arg3[%swap3A_381, %swap3A_382, %swap3A_383], %swap3A_386 {strides = array<i32>} : memref<64x128x200xf32, #tpu.memory_space<vmem>>, vector<1x128x200xf32>,
    %get3A_387 = arith.constant 7800 : index
    %get3A_388 = arith.constant 0 : index
    %get3A_389 = vector.load %arg1[%get3A_387, %get3A_388] : memref<12800x128xf32, #tpu.memory_space<vmem>>, vector<200x128xf32>
    %transpose3A_390 = tpu.transpose %get3A_389, [1, 0] : vector<200x128xf32> -> vector<128x200xf32>
    %swap3A_391 = arith.constant 39 : index
    %swap3A_392 = arith.constant 0 : index
    %swap3A_393 = arith.constant 0 : index
    %swap3A_394 = vector.load %arg3[%swap3A_391, %swap3A_392, %swap3A_393] : memref<64x128x200xf32, #tpu.memory_space<vmem>>, vector<1x128x200xf32>
    %swap3A_395 = vector.shape_cast %swap3A_394 : vector<1x128x200xf32> to vector<128x200xf32>
    %swap3A_396 = vector.shape_cast %transpose3A_390 : vector<128x200xf32> to vector<1x128x200xf32>
    tpu.vector_store %arg3[%swap3A_391, %swap3A_392, %swap3A_393], %swap3A_396 {strides = array<i32>} : memref<64x128x200xf32, #tpu.memory_space<vmem>>, vector<1x128x200xf32>,
    %get3A_397 = arith.constant 8000 : index
    %get3A_398 = arith.constant 0 : index
    %get3A_399 = vector.load %arg1[%get3A_397, %get3A_398] : memref<12800x128xf32, #tpu.memory_space<vmem>>, vector<200x128xf32>
    %transpose3A_400 = tpu.transpose %get3A_399, [1, 0] : vector<200x128xf32> -> vector<128x200xf32>
    %swap3A_401 = arith.constant 40 : index
    %swap3A_402 = arith.constant 0 : index
    %swap3A_403 = arith.constant 0 : index
    %swap3A_404 = vector.load %arg3[%swap3A_401, %swap3A_402, %swap3A_403] : memref<64x128x200xf32, #tpu.memory_space<vmem>>, vector<1x128x200xf32>
    %swap3A_405 = vector.shape_cast %swap3A_404 : vector<1x128x200xf32> to vector<128x200xf32>
    %swap3A_406 = vector.shape_cast %transpose3A_400 : vector<128x200xf32> to vector<1x128x200xf32>
    tpu.vector_store %arg3[%swap3A_401, %swap3A_402, %swap3A_403], %swap3A_406 {strides = array<i32>} : memref<64x128x200xf32, #tpu.memory_space<vmem>>, vector<1x128x200xf32>,
    %get3A_407 = arith.constant 8200 : index
    %get3A_408 = arith.constant 0 : index
    %get3A_409 = vector.load %arg1[%get3A_407, %get3A_408] : memref<12800x128xf32, #tpu.memory_space<vmem>>, vector<200x128xf32>
    %transpose3A_410 = tpu.transpose %get3A_409, [1, 0] : vector<200x128xf32> -> vector<128x200xf32>
    %swap3A_411 = arith.constant 41 : index
    %swap3A_412 = arith.constant 0 : index
    %swap3A_413 = arith.constant 0 : index
    %swap3A_414 = vector.load %arg3[%swap3A_411, %swap3A_412, %swap3A_413] : memref<64x128x200xf32, #tpu.memory_space<vmem>>, vector<1x128x200xf32>
    %swap3A_415 = vector.shape_cast %swap3A_414 : vector<1x128x200xf32> to vector<128x200xf32>
    %swap3A_416 = vector.shape_cast %transpose3A_410 : vector<128x200xf32> to vector<1x128x200xf32>
    tpu.vector_store %arg3[%swap3A_411, %swap3A_412, %swap3A_413], %swap3A_416 {strides = array<i32>} : memref<64x128x200xf32, #tpu.memory_space<vmem>>, vector<1x128x200xf32>,
    %get3A_417 = arith.constant 8400 : index
    %get3A_418 = arith.constant 0 : index
    %get3A_419 = vector.load %arg1[%get3A_417, %get3A_418] : memref<12800x128xf32, #tpu.memory_space<vmem>>, vector<200x128xf32>
    %transpose3A_420 = tpu.transpose %get3A_419, [1, 0] : vector<200x128xf32> -> vector<128x200xf32>
    %swap3A_421 = arith.constant 42 : index
    %swap3A_422 = arith.constant 0 : index
    %swap3A_423 = arith.constant 0 : index
    %swap3A_424 = vector.load %arg3[%swap3A_421, %swap3A_422, %swap3A_423] : memref<64x128x200xf32, #tpu.memory_space<vmem>>, vector<1x128x200xf32>
    %swap3A_425 = vector.shape_cast %swap3A_424 : vector<1x128x200xf32> to vector<128x200xf32>
    %swap3A_426 = vector.shape_cast %transpose3A_420 : vector<128x200xf32> to vector<1x128x200xf32>
    tpu.vector_store %arg3[%swap3A_421, %swap3A_422, %swap3A_423], %swap3A_426 {strides = array<i32>} : memref<64x128x200xf32, #tpu.memory_space<vmem>>, vector<1x128x200xf32>,
    %get3A_427 = arith.constant 8600 : index
    %get3A_428 = arith.constant 0 : index
    %get3A_429 = vector.load %arg1[%get3A_427, %get3A_428] : memref<12800x128xf32, #tpu.memory_space<vmem>>, vector<200x128xf32>
    %transpose3A_430 = tpu.transpose %get3A_429, [1, 0] : vector<200x128xf32> -> vector<128x200xf32>
    %swap3A_431 = arith.constant 43 : index
    %swap3A_432 = arith.constant 0 : index
    %swap3A_433 = arith.constant 0 : index
    %swap3A_434 = vector.load %arg3[%swap3A_431, %swap3A_432, %swap3A_433] : memref<64x128x200xf32, #tpu.memory_space<vmem>>, vector<1x128x200xf32>
    %swap3A_435 = vector.shape_cast %swap3A_434 : vector<1x128x200xf32> to vector<128x200xf32>
    %swap3A_436 = vector.shape_cast %transpose3A_430 : vector<128x200xf32> to vector<1x128x200xf32>
    tpu.vector_store %arg3[%swap3A_431, %swap3A_432, %swap3A_433], %swap3A_436 {strides = array<i32>} : memref<64x128x200xf32, #tpu.memory_space<vmem>>, vector<1x128x200xf32>,
    %get3A_437 = arith.constant 8800 : index
    %get3A_438 = arith.constant 0 : index
    %get3A_439 = vector.load %arg1[%get3A_437, %get3A_438] : memref<12800x128xf32, #tpu.memory_space<vmem>>, vector<200x128xf32>
    %transpose3A_440 = tpu.transpose %get3A_439, [1, 0] : vector<200x128xf32> -> vector<128x200xf32>
    %swap3A_441 = arith.constant 44 : index
    %swap3A_442 = arith.constant 0 : index
    %swap3A_443 = arith.constant 0 : index
    %swap3A_444 = vector.load %arg3[%swap3A_441, %swap3A_442, %swap3A_443] : memref<64x128x200xf32, #tpu.memory_space<vmem>>, vector<1x128x200xf32>
    %swap3A_445 = vector.shape_cast %swap3A_444 : vector<1x128x200xf32> to vector<128x200xf32>
    %swap3A_446 = vector.shape_cast %transpose3A_440 : vector<128x200xf32> to vector<1x128x200xf32>
    tpu.vector_store %arg3[%swap3A_441, %swap3A_442, %swap3A_443], %swap3A_446 {strides = array<i32>} : memref<64x128x200xf32, #tpu.memory_space<vmem>>, vector<1x128x200xf32>,
    %get3A_447 = arith.constant 9000 : index
    %get3A_448 = arith.constant 0 : index
    %get3A_449 = vector.load %arg1[%get3A_447, %get3A_448] : memref<12800x128xf32, #tpu.memory_space<vmem>>, vector<200x128xf32>
    %transpose3A_450 = tpu.transpose %get3A_449, [1, 0] : vector<200x128xf32> -> vector<128x200xf32>
    %swap3A_451 = arith.constant 45 : index
    %swap3A_452 = arith.constant 0 : index
    %swap3A_453 = arith.constant 0 : index
    %swap3A_454 = vector.load %arg3[%swap3A_451, %swap3A_452, %swap3A_453] : memref<64x128x200xf32, #tpu.memory_space<vmem>>, vector<1x128x200xf32>
    %swap3A_455 = vector.shape_cast %swap3A_454 : vector<1x128x200xf32> to vector<128x200xf32>
    %swap3A_456 = vector.shape_cast %transpose3A_450 : vector<128x200xf32> to vector<1x128x200xf32>
    tpu.vector_store %arg3[%swap3A_451, %swap3A_452, %swap3A_453], %swap3A_456 {strides = array<i32>} : memref<64x128x200xf32, #tpu.memory_space<vmem>>, vector<1x128x200xf32>,
    %get3A_457 = arith.constant 9200 : index
    %get3A_458 = arith.constant 0 : index
    %get3A_459 = vector.load %arg1[%get3A_457, %get3A_458] : memref<12800x128xf32, #tpu.memory_space<vmem>>, vector<200x128xf32>
    %transpose3A_460 = tpu.transpose %get3A_459, [1, 0] : vector<200x128xf32> -> vector<128x200xf32>
    %swap3A_461 = arith.constant 46 : index
    %swap3A_462 = arith.constant 0 : index
    %swap3A_463 = arith.constant 0 : index
    %swap3A_464 = vector.load %arg3[%swap3A_461, %swap3A_462, %swap3A_463] : memref<64x128x200xf32, #tpu.memory_space<vmem>>, vector<1x128x200xf32>
    %swap3A_465 = vector.shape_cast %swap3A_464 : vector<1x128x200xf32> to vector<128x200xf32>
    %swap3A_466 = vector.shape_cast %transpose3A_460 : vector<128x200xf32> to vector<1x128x200xf32>
    tpu.vector_store %arg3[%swap3A_461, %swap3A_462, %swap3A_463], %swap3A_466 {strides = array<i32>} : memref<64x128x200xf32, #tpu.memory_space<vmem>>, vector<1x128x200xf32>,
    %get3A_467 = arith.constant 9400 : index
    %get3A_468 = arith.constant 0 : index
    %get3A_469 = vector.load %arg1[%get3A_467, %get3A_468] : memref<12800x128xf32, #tpu.memory_space<vmem>>, vector<200x128xf32>
    %transpose3A_470 = tpu.transpose %get3A_469, [1, 0] : vector<200x128xf32> -> vector<128x200xf32>
    %swap3A_471 = arith.constant 47 : index
    %swap3A_472 = arith.constant 0 : index
    %swap3A_473 = arith.constant 0 : index
    %swap3A_474 = vector.load %arg3[%swap3A_471, %swap3A_472, %swap3A_473] : memref<64x128x200xf32, #tpu.memory_space<vmem>>, vector<1x128x200xf32>
    %swap3A_475 = vector.shape_cast %swap3A_474 : vector<1x128x200xf32> to vector<128x200xf32>
    %swap3A_476 = vector.shape_cast %transpose3A_470 : vector<128x200xf32> to vector<1x128x200xf32>
    tpu.vector_store %arg3[%swap3A_471, %swap3A_472, %swap3A_473], %swap3A_476 {strides = array<i32>} : memref<64x128x200xf32, #tpu.memory_space<vmem>>, vector<1x128x200xf32>,
    %get3A_477 = arith.constant 9600 : index
    %get3A_478 = arith.constant 0 : index
    %get3A_479 = vector.load %arg1[%get3A_477, %get3A_478] : memref<12800x128xf32, #tpu.memory_space<vmem>>, vector<200x128xf32>
    %transpose3A_480 = tpu.transpose %get3A_479, [1, 0] : vector<200x128xf32> -> vector<128x200xf32>
    %swap3A_481 = arith.constant 48 : index
    %swap3A_482 = arith.constant 0 : index
    %swap3A_483 = arith.constant 0 : index
    %swap3A_484 = vector.load %arg3[%swap3A_481, %swap3A_482, %swap3A_483] : memref<64x128x200xf32, #tpu.memory_space<vmem>>, vector<1x128x200xf32>
    %swap3A_485 = vector.shape_cast %swap3A_484 : vector<1x128x200xf32> to vector<128x200xf32>
    %swap3A_486 = vector.shape_cast %transpose3A_480 : vector<128x200xf32> to vector<1x128x200xf32>
    tpu.vector_store %arg3[%swap3A_481, %swap3A_482, %swap3A_483], %swap3A_486 {strides = array<i32>} : memref<64x128x200xf32, #tpu.memory_space<vmem>>, vector<1x128x200xf32>,
    %get3A_487 = arith.constant 9800 : index
    %get3A_488 = arith.constant 0 : index
    %get3A_489 = vector.load %arg1[%get3A_487, %get3A_488] : memref<12800x128xf32, #tpu.memory_space<vmem>>, vector<200x128xf32>
    %transpose3A_490 = tpu.transpose %get3A_489, [1, 0] : vector<200x128xf32> -> vector<128x200xf32>
    %swap3A_491 = arith.constant 49 : index
    %swap3A_492 = arith.constant 0 : index
    %swap3A_493 = arith.constant 0 : index
    %swap3A_494 = vector.load %arg3[%swap3A_491, %swap3A_492, %swap3A_493] : memref<64x128x200xf32, #tpu.memory_space<vmem>>, vector<1x128x200xf32>
    %swap3A_495 = vector.shape_cast %swap3A_494 : vector<1x128x200xf32> to vector<128x200xf32>
    %swap3A_496 = vector.shape_cast %transpose3A_490 : vector<128x200xf32> to vector<1x128x200xf32>
    tpu.vector_store %arg3[%swap3A_491, %swap3A_492, %swap3A_493], %swap3A_496 {strides = array<i32>} : memref<64x128x200xf32, #tpu.memory_space<vmem>>, vector<1x128x200xf32>,
    %get3A_497 = arith.constant 10000 : index
    %get3A_498 = arith.constant 0 : index
    %get3A_499 = vector.load %arg1[%get3A_497, %get3A_498] : memref<12800x128xf32, #tpu.memory_space<vmem>>, vector<200x128xf32>
    %transpose3A_500 = tpu.transpose %get3A_499, [1, 0] : vector<200x128xf32> -> vector<128x200xf32>
    %swap3A_501 = arith.constant 50 : index
    %swap3A_502 = arith.constant 0 : index
    %swap3A_503 = arith.constant 0 : index
    %swap3A_504 = vector.load %arg3[%swap3A_501, %swap3A_502, %swap3A_503] : memref<64x128x200xf32, #tpu.memory_space<vmem>>, vector<1x128x200xf32>
    %swap3A_505 = vector.shape_cast %swap3A_504 : vector<1x128x200xf32> to vector<128x200xf32>
    %swap3A_506 = vector.shape_cast %transpose3A_500 : vector<128x200xf32> to vector<1x128x200xf32>
    tpu.vector_store %arg3[%swap3A_501, %swap3A_502, %swap3A_503], %swap3A_506 {strides = array<i32>} : memref<64x128x200xf32, #tpu.memory_space<vmem>>, vector<1x128x200xf32>,
    %get3A_507 = arith.constant 10200 : index
    %get3A_508 = arith.constant 0 : index
    %get3A_509 = vector.load %arg1[%get3A_507, %get3A_508] : memref<12800x128xf32, #tpu.memory_space<vmem>>, vector<200x128xf32>
    %transpose3A_510 = tpu.transpose %get3A_509, [1, 0] : vector<200x128xf32> -> vector<128x200xf32>
    %swap3A_511 = arith.constant 51 : index
    %swap3A_512 = arith.constant 0 : index
    %swap3A_513 = arith.constant 0 : index
    %swap3A_514 = vector.load %arg3[%swap3A_511, %swap3A_512, %swap3A_513] : memref<64x128x200xf32, #tpu.memory_space<vmem>>, vector<1x128x200xf32>
    %swap3A_515 = vector.shape_cast %swap3A_514 : vector<1x128x200xf32> to vector<128x200xf32>
    %swap3A_516 = vector.shape_cast %transpose3A_510 : vector<128x200xf32> to vector<1x128x200xf32>
    tpu.vector_store %arg3[%swap3A_511, %swap3A_512, %swap3A_513], %swap3A_516 {strides = array<i32>} : memref<64x128x200xf32, #tpu.memory_space<vmem>>, vector<1x128x200xf32>,
    %get3A_517 = arith.constant 10400 : index
    %get3A_518 = arith.constant 0 : index
    %get3A_519 = vector.load %arg1[%get3A_517, %get3A_518] : memref<12800x128xf32, #tpu.memory_space<vmem>>, vector<200x128xf32>
    %transpose3A_520 = tpu.transpose %get3A_519, [1, 0] : vector<200x128xf32> -> vector<128x200xf32>
    %swap3A_521 = arith.constant 52 : index
    %swap3A_522 = arith.constant 0 : index
    %swap3A_523 = arith.constant 0 : index
    %swap3A_524 = vector.load %arg3[%swap3A_521, %swap3A_522, %swap3A_523] : memref<64x128x200xf32, #tpu.memory_space<vmem>>, vector<1x128x200xf32>
    %swap3A_525 = vector.shape_cast %swap3A_524 : vector<1x128x200xf32> to vector<128x200xf32>
    %swap3A_526 = vector.shape_cast %transpose3A_520 : vector<128x200xf32> to vector<1x128x200xf32>
    tpu.vector_store %arg3[%swap3A_521, %swap3A_522, %swap3A_523], %swap3A_526 {strides = array<i32>} : memref<64x128x200xf32, #tpu.memory_space<vmem>>, vector<1x128x200xf32>,
    %get3A_527 = arith.constant 10600 : index
    %get3A_528 = arith.constant 0 : index
    %get3A_529 = vector.load %arg1[%get3A_527, %get3A_528] : memref<12800x128xf32, #tpu.memory_space<vmem>>, vector<200x128xf32>
    %transpose3A_530 = tpu.transpose %get3A_529, [1, 0] : vector<200x128xf32> -> vector<128x200xf32>
    %swap3A_531 = arith.constant 53 : index
    %swap3A_532 = arith.constant 0 : index
    %swap3A_533 = arith.constant 0 : index
    %swap3A_534 = vector.load %arg3[%swap3A_531, %swap3A_532, %swap3A_533] : memref<64x128x200xf32, #tpu.memory_space<vmem>>, vector<1x128x200xf32>
    %swap3A_535 = vector.shape_cast %swap3A_534 : vector<1x128x200xf32> to vector<128x200xf32>
    %swap3A_536 = vector.shape_cast %transpose3A_530 : vector<128x200xf32> to vector<1x128x200xf32>
    tpu.vector_store %arg3[%swap3A_531, %swap3A_532, %swap3A_533], %swap3A_536 {strides = array<i32>} : memref<64x128x200xf32, #tpu.memory_space<vmem>>, vector<1x128x200xf32>,
    %get3A_537 = arith.constant 10800 : index
    %get3A_538 = arith.constant 0 : index
    %get3A_539 = vector.load %arg1[%get3A_537, %get3A_538] : memref<12800x128xf32, #tpu.memory_space<vmem>>, vector<200x128xf32>
    %transpose3A_540 = tpu.transpose %get3A_539, [1, 0] : vector<200x128xf32> -> vector<128x200xf32>
    %swap3A_541 = arith.constant 54 : index
    %swap3A_542 = arith.constant 0 : index
    %swap3A_543 = arith.constant 0 : index
    %swap3A_544 = vector.load %arg3[%swap3A_541, %swap3A_542, %swap3A_543] : memref<64x128x200xf32, #tpu.memory_space<vmem>>, vector<1x128x200xf32>
    %swap3A_545 = vector.shape_cast %swap3A_544 : vector<1x128x200xf32> to vector<128x200xf32>
    %swap3A_546 = vector.shape_cast %transpose3A_540 : vector<128x200xf32> to vector<1x128x200xf32>
    tpu.vector_store %arg3[%swap3A_541, %swap3A_542, %swap3A_543], %swap3A_546 {strides = array<i32>} : memref<64x128x200xf32, #tpu.memory_space<vmem>>, vector<1x128x200xf32>,
    %get3A_547 = arith.constant 11000 : index
    %get3A_548 = arith.constant 0 : index
    %get3A_549 = vector.load %arg1[%get3A_547, %get3A_548] : memref<12800x128xf32, #tpu.memory_space<vmem>>, vector<200x128xf32>
    %transpose3A_550 = tpu.transpose %get3A_549, [1, 0] : vector<200x128xf32> -> vector<128x200xf32>
    %swap3A_551 = arith.constant 55 : index
    %swap3A_552 = arith.constant 0 : index
    %swap3A_553 = arith.constant 0 : index
    %swap3A_554 = vector.load %arg3[%swap3A_551, %swap3A_552, %swap3A_553] : memref<64x128x200xf32, #tpu.memory_space<vmem>>, vector<1x128x200xf32>
    %swap3A_555 = vector.shape_cast %swap3A_554 : vector<1x128x200xf32> to vector<128x200xf32>
    %swap3A_556 = vector.shape_cast %transpose3A_550 : vector<128x200xf32> to vector<1x128x200xf32>
    tpu.vector_store %arg3[%swap3A_551, %swap3A_552, %swap3A_553], %swap3A_556 {strides = array<i32>} : memref<64x128x200xf32, #tpu.memory_space<vmem>>, vector<1x128x200xf32>,
    %get3A_557 = arith.constant 11200 : index
    %get3A_558 = arith.constant 0 : index
    %get3A_559 = vector.load %arg1[%get3A_557, %get3A_558] : memref<12800x128xf32, #tpu.memory_space<vmem>>, vector<200x128xf32>
    %transpose3A_560 = tpu.transpose %get3A_559, [1, 0] : vector<200x128xf32> -> vector<128x200xf32>
    %swap3A_561 = arith.constant 56 : index
    %swap3A_562 = arith.constant 0 : index
    %swap3A_563 = arith.constant 0 : index
    %swap3A_564 = vector.load %arg3[%swap3A_561, %swap3A_562, %swap3A_563] : memref<64x128x200xf32, #tpu.memory_space<vmem>>, vector<1x128x200xf32>
    %swap3A_565 = vector.shape_cast %swap3A_564 : vector<1x128x200xf32> to vector<128x200xf32>
    %swap3A_566 = vector.shape_cast %transpose3A_560 : vector<128x200xf32> to vector<1x128x200xf32>
    tpu.vector_store %arg3[%swap3A_561, %swap3A_562, %swap3A_563], %swap3A_566 {strides = array<i32>} : memref<64x128x200xf32, #tpu.memory_space<vmem>>, vector<1x128x200xf32>,
    %get3A_567 = arith.constant 11400 : index
    %get3A_568 = arith.constant 0 : index
    %get3A_569 = vector.load %arg1[%get3A_567, %get3A_568] : memref<12800x128xf32, #tpu.memory_space<vmem>>, vector<200x128xf32>
    %transpose3A_570 = tpu.transpose %get3A_569, [1, 0] : vector<200x128xf32> -> vector<128x200xf32>
    %swap3A_571 = arith.constant 57 : index
    %swap3A_572 = arith.constant 0 : index
    %swap3A_573 = arith.constant 0 : index
    %swap3A_574 = vector.load %arg3[%swap3A_571, %swap3A_572, %swap3A_573] : memref<64x128x200xf32, #tpu.memory_space<vmem>>, vector<1x128x200xf32>
    %swap3A_575 = vector.shape_cast %swap3A_574 : vector<1x128x200xf32> to vector<128x200xf32>
    %swap3A_576 = vector.shape_cast %transpose3A_570 : vector<128x200xf32> to vector<1x128x200xf32>
    tpu.vector_store %arg3[%swap3A_571, %swap3A_572, %swap3A_573], %swap3A_576 {strides = array<i32>} : memref<64x128x200xf32, #tpu.memory_space<vmem>>, vector<1x128x200xf32>,
    %get3A_577 = arith.constant 11600 : index
    %get3A_578 = arith.constant 0 : index
    %get3A_579 = vector.load %arg1[%get3A_577, %get3A_578] : memref<12800x128xf32, #tpu.memory_space<vmem>>, vector<200x128xf32>
    %transpose3A_580 = tpu.transpose %get3A_579, [1, 0] : vector<200x128xf32> -> vector<128x200xf32>
    %swap3A_581 = arith.constant 58 : index
    %swap3A_582 = arith.constant 0 : index
    %swap3A_583 = arith.constant 0 : index
    %swap3A_584 = vector.load %arg3[%swap3A_581, %swap3A_582, %swap3A_583] : memref<64x128x200xf32, #tpu.memory_space<vmem>>, vector<1x128x200xf32>
    %swap3A_585 = vector.shape_cast %swap3A_584 : vector<1x128x200xf32> to vector<128x200xf32>
    %swap3A_586 = vector.shape_cast %transpose3A_580 : vector<128x200xf32> to vector<1x128x200xf32>
    tpu.vector_store %arg3[%swap3A_581, %swap3A_582, %swap3A_583], %swap3A_586 {strides = array<i32>} : memref<64x128x200xf32, #tpu.memory_space<vmem>>, vector<1x128x200xf32>,
    %get3A_587 = arith.constant 11800 : index
    %get3A_588 = arith.constant 0 : index
    %get3A_589 = vector.load %arg1[%get3A_587, %get3A_588] : memref<12800x128xf32, #tpu.memory_space<vmem>>, vector<200x128xf32>
    %transpose3A_590 = tpu.transpose %get3A_589, [1, 0] : vector<200x128xf32> -> vector<128x200xf32>
    %swap3A_591 = arith.constant 59 : index
    %swap3A_592 = arith.constant 0 : index
    %swap3A_593 = arith.constant 0 : index
    %swap3A_594 = vector.load %arg3[%swap3A_591, %swap3A_592, %swap3A_593] : memref<64x128x200xf32, #tpu.memory_space<vmem>>, vector<1x128x200xf32>
    %swap3A_595 = vector.shape_cast %swap3A_594 : vector<1x128x200xf32> to vector<128x200xf32>
    %swap3A_596 = vector.shape_cast %transpose3A_590 : vector<128x200xf32> to vector<1x128x200xf32>
    tpu.vector_store %arg3[%swap3A_591, %swap3A_592, %swap3A_593], %swap3A_596 {strides = array<i32>} : memref<64x128x200xf32, #tpu.memory_space<vmem>>, vector<1x128x200xf32>,
    %get3A_597 = arith.constant 12000 : index
    %get3A_598 = arith.constant 0 : index
    %get3A_599 = vector.load %arg1[%get3A_597, %get3A_598] : memref<12800x128xf32, #tpu.memory_space<vmem>>, vector<200x128xf32>
    %transpose3A_600 = tpu.transpose %get3A_599, [1, 0] : vector<200x128xf32> -> vector<128x200xf32>
    %swap3A_601 = arith.constant 60 : index
    %swap3A_602 = arith.constant 0 : index
    %swap3A_603 = arith.constant 0 : index
    %swap3A_604 = vector.load %arg3[%swap3A_601, %swap3A_602, %swap3A_603] : memref<64x128x200xf32, #tpu.memory_space<vmem>>, vector<1x128x200xf32>
    %swap3A_605 = vector.shape_cast %swap3A_604 : vector<1x128x200xf32> to vector<128x200xf32>
    %swap3A_606 = vector.shape_cast %transpose3A_600 : vector<128x200xf32> to vector<1x128x200xf32>
    tpu.vector_store %arg3[%swap3A_601, %swap3A_602, %swap3A_603], %swap3A_606 {strides = array<i32>} : memref<64x128x200xf32, #tpu.memory_space<vmem>>, vector<1x128x200xf32>,
    %get3A_607 = arith.constant 12200 : index
    %get3A_608 = arith.constant 0 : index
    %get3A_609 = vector.load %arg1[%get3A_607, %get3A_608] : memref<12800x128xf32, #tpu.memory_space<vmem>>, vector<200x128xf32>
    %transpose3A_610 = tpu.transpose %get3A_609, [1, 0] : vector<200x128xf32> -> vector<128x200xf32>
    %swap3A_611 = arith.constant 61 : index
    %swap3A_612 = arith.constant 0 : index
    %swap3A_613 = arith.constant 0 : index
    %swap3A_614 = vector.load %arg3[%swap3A_611, %swap3A_612, %swap3A_613] : memref<64x128x200xf32, #tpu.memory_space<vmem>>, vector<1x128x200xf32>
    %swap3A_615 = vector.shape_cast %swap3A_614 : vector<1x128x200xf32> to vector<128x200xf32>
    %swap3A_616 = vector.shape_cast %transpose3A_610 : vector<128x200xf32> to vector<1x128x200xf32>
    tpu.vector_store %arg3[%swap3A_611, %swap3A_612, %swap3A_613], %swap3A_616 {strides = array<i32>} : memref<64x128x200xf32, #tpu.memory_space<vmem>>, vector<1x128x200xf32>,
    %get3A_617 = arith.constant 12400 : index
    %get3A_618 = arith.constant 0 : index
    %get3A_619 = vector.load %arg1[%get3A_617, %get3A_618] : memref<12800x128xf32, #tpu.memory_space<vmem>>, vector<200x128xf32>
    %transpose3A_620 = tpu.transpose %get3A_619, [1, 0] : vector<200x128xf32> -> vector<128x200xf32>
    %swap3A_621 = arith.constant 62 : index
    %swap3A_622 = arith.constant 0 : index
    %swap3A_623 = arith.constant 0 : index
    %swap3A_624 = vector.load %arg3[%swap3A_621, %swap3A_622, %swap3A_623] : memref<64x128x200xf32, #tpu.memory_space<vmem>>, vector<1x128x200xf32>
    %swap3A_625 = vector.shape_cast %swap3A_624 : vector<1x128x200xf32> to vector<128x200xf32>
    %swap3A_626 = vector.shape_cast %transpose3A_620 : vector<128x200xf32> to vector<1x128x200xf32>
    tpu.vector_store %arg3[%swap3A_621, %swap3A_622, %swap3A_623], %swap3A_626 {strides = array<i32>} : memref<64x128x200xf32, #tpu.memory_space<vmem>>, vector<1x128x200xf32>,
    %get3A_627 = arith.constant 12600 : index
    %get3A_628 = arith.constant 0 : index
    %get3A_629 = vector.load %arg1[%get3A_627, %get3A_628] : memref<12800x128xf32, #tpu.memory_space<vmem>>, vector<200x128xf32>
    %transpose3A_630 = tpu.transpose %get3A_629, [1, 0] : vector<200x128xf32> -> vector<128x200xf32>
    %swap3A_631 = arith.constant 63 : index
    %swap3A_632 = arith.constant 0 : index
    %swap3A_633 = arith.constant 0 : index
    %swap3A_634 = vector.load %arg3[%swap3A_631, %swap3A_632, %swap3A_633] : memref<64x128x200xf32, #tpu.memory_space<vmem>>, vector<1x128x200xf32>
    %swap3A_635 = vector.shape_cast %swap3A_634 : vector<1x128x200xf32> to vector<128x200xf32>
    %swap3A_636 = vector.shape_cast %transpose3A_630 : vector<128x200xf32> to vector<1x128x200xf32>
    tpu.vector_store %arg3[%swap3A_631, %swap3A_632, %swap3A_633], %swap3A_636 {strides = array<i32>} : memref<64x128x200xf32, #tpu.memory_space<vmem>>, vector<1x128x200xf32>,
    return
  }
  func.func @transform_0(%arg0: i32) -> (i32, i32) {
    %c0_i32 = arith.constant 0 : i32
    %c0_i32_0 = arith.constant 0 : i32
    return %arg0, %c0_i32 : i32, i32
  }
  func.func @transform_2(%arg0: i32) -> (i32, i32, i32) {
    %add3A = arith.constant 16 : i32
    %add3A_0 = arith.addi %add3A, %arg0 : i32
    %c0_i32 = arith.constant 0 : i32
    %c0_i32_1 = arith.constant 0 : i32
    %c0_i32_2 = arith.constant 0 : i32
    return %add3A_0, %c0_i32, %c0_i32_1 : i32, i32, i32
  }
}

module attributes {stable_mosaic.version = 14 : i64} {
  func.func @_tr_body_chained(%arg0: i32, %arg1: memref<12800x128xf32, #tpu.memory_space<vmem>>, %arg2: memref<4096x128x200xf32, #tpu.memory_space<any>>, %arg3: memref<64x128x200xf32, #tpu.memory_space<vmem>>) attributes {dimension_semantics = [#tpu.dimension_semantics<arbitrary>], iteration_bounds = array<i64: 16>, scalar_prefetch = 0 : i64, scratch_operands = 0 : i64, tpu.core_type = #tpu.core_type<tc>, window_params = [{transform_indices = @transform_0, window_bounds = array<i64: 12800, 128>}, {}, {transform_indices = @transform_2, window_bounds = array<i64: 64, 128, 200>}]} {
    %get3A = arith.constant 0 : index
    %get3A_0 = arith.constant 0 : index
    %get3A_1 = vector.load %arg1[%get3A, %get3A_0] : memref<12800x128xf32, #tpu.memory_space<vmem>>, vector<200x128xf32>
    %transpose3A = tpu.transpose %get3A_1, [1, 0] : vector<200x128xf32> -> vector<128x200xf32>
    %swap3A = arith.constant 0 : index
    %swap3A_2 = arith.constant 0 : index
    %swap3A_3 = arith.constant 0 : index
    %swap3A_4 = vector.load %arg3[%swap3A, %swap3A_2, %swap3A_3] : memref<64x128x200xf32, #tpu.memory_space<vmem>>, vector<1x128x200xf32>
    %swap3A_5 = vector.shape_cast %swap3A_4 : vector<1x128x200xf32> to vector<128x200xf32>
    %swap3A_6 = vector.shape_cast %transpose3A : vector<128x200xf32> to vector<1x128x200xf32>
    tpu.vector_store %arg3[%swap3A, %swap3A_2, %swap3A_3], %swap3A_6 {strides = array<i32>} : memref<64x128x200xf32, #tpu.memory_space<vmem>>, vector<1x128x200xf32>,
    %get3A_7 = arith.constant 200 : index
    %get3A_8 = arith.constant 0 : index
    %get3A_9 = vector.load %arg1[%get3A_7, %get3A_8] : memref<12800x128xf32, #tpu.memory_space<vmem>>, vector<200x128xf32>
    %transpose3A_10 = tpu.transpose %get3A_9, [1, 0] : vector<200x128xf32> -> vector<128x200xf32>
    %swap3A_11 = arith.constant 1 : index
    %swap3A_12 = arith.constant 0 : index
    %swap3A_13 = arith.constant 0 : index
    %swap3A_14 = vector.load %arg3[%swap3A_11, %swap3A_12, %swap3A_13] : memref<64x128x200xf32, #tpu.memory_space<vmem>>, vector<1x128x200xf32>
    %swap3A_15 = vector.shape_cast %swap3A_14 : vector<1x128x200xf32> to vector<128x200xf32>
    %swap3A_16 = vector.shape_cast %transpose3A_10 : vector<128x200xf32> to vector<1x128x200xf32>
    tpu.vector_store %arg3[%swap3A_11, %swap3A_12, %swap3A_13], %swap3A_16 {strides = array<i32>} : memref<64x128x200xf32, #tpu.memory_space<vmem>>, vector<1x128x200xf32>,
    %get3A_17 = arith.constant 400 : index
    %get3A_18 = arith.constant 0 : index
    %get3A_19 = vector.load %arg1[%get3A_17, %get3A_18] : memref<12800x128xf32, #tpu.memory_space<vmem>>, vector<200x128xf32>
    %transpose3A_20 = tpu.transpose %get3A_19, [1, 0] : vector<200x128xf32> -> vector<128x200xf32>
    %swap3A_21 = arith.constant 2 : index
    %swap3A_22 = arith.constant 0 : index
    %swap3A_23 = arith.constant 0 : index
    %swap3A_24 = vector.load %arg3[%swap3A_21, %swap3A_22, %swap3A_23] : memref<64x128x200xf32, #tpu.memory_space<vmem>>, vector<1x128x200xf32>
    %swap3A_25 = vector.shape_cast %swap3A_24 : vector<1x128x200xf32> to vector<128x200xf32>
    %swap3A_26 = vector.shape_cast %transpose3A_20 : vector<128x200xf32> to vector<1x128x200xf32>
    tpu.vector_store %arg3[%swap3A_21, %swap3A_22, %swap3A_23], %swap3A_26 {strides = array<i32>} : memref<64x128x200xf32, #tpu.memory_space<vmem>>, vector<1x128x200xf32>,
    %get3A_27 = arith.constant 600 : index
    %get3A_28 = arith.constant 0 : index
    %get3A_29 = vector.load %arg1[%get3A_27, %get3A_28] : memref<12800x128xf32, #tpu.memory_space<vmem>>, vector<200x128xf32>
    %transpose3A_30 = tpu.transpose %get3A_29, [1, 0] : vector<200x128xf32> -> vector<128x200xf32>
    %swap3A_31 = arith.constant 3 : index
    %swap3A_32 = arith.constant 0 : index
    %swap3A_33 = arith.constant 0 : index
    %swap3A_34 = vector.load %arg3[%swap3A_31, %swap3A_32, %swap3A_33] : memref<64x128x200xf32, #tpu.memory_space<vmem>>, vector<1x128x200xf32>
    %swap3A_35 = vector.shape_cast %swap3A_34 : vector<1x128x200xf32> to vector<128x200xf32>
    %swap3A_36 = vector.shape_cast %transpose3A_30 : vector<128x200xf32> to vector<1x128x200xf32>
    tpu.vector_store %arg3[%swap3A_31, %swap3A_32, %swap3A_33], %swap3A_36 {strides = array<i32>} : memref<64x128x200xf32, #tpu.memory_space<vmem>>, vector<1x128x200xf32>,
    %get3A_37 = arith.constant 800 : index
    %get3A_38 = arith.constant 0 : index
    %get3A_39 = vector.load %arg1[%get3A_37, %get3A_38] : memref<12800x128xf32, #tpu.memory_space<vmem>>, vector<200x128xf32>
    %transpose3A_40 = tpu.transpose %get3A_39, [1, 0] : vector<200x128xf32> -> vector<128x200xf32>
    %swap3A_41 = arith.constant 4 : index
    %swap3A_42 = arith.constant 0 : index
    %swap3A_43 = arith.constant 0 : index
    %swap3A_44 = vector.load %arg3[%swap3A_41, %swap3A_42, %swap3A_43] : memref<64x128x200xf32, #tpu.memory_space<vmem>>, vector<1x128x200xf32>
    %swap3A_45 = vector.shape_cast %swap3A_44 : vector<1x128x200xf32> to vector<128x200xf32>
    %swap3A_46 = vector.shape_cast %transpose3A_40 : vector<128x200xf32> to vector<1x128x200xf32>
    tpu.vector_store %arg3[%swap3A_41, %swap3A_42, %swap3A_43], %swap3A_46 {strides = array<i32>} : memref<64x128x200xf32, #tpu.memory_space<vmem>>, vector<1x128x200xf32>,
    %get3A_47 = arith.constant 1000 : index
    %get3A_48 = arith.constant 0 : index
    %get3A_49 = vector.load %arg1[%get3A_47, %get3A_48] : memref<12800x128xf32, #tpu.memory_space<vmem>>, vector<200x128xf32>
    %transpose3A_50 = tpu.transpose %get3A_49, [1, 0] : vector<200x128xf32> -> vector<128x200xf32>
    %swap3A_51 = arith.constant 5 : index
    %swap3A_52 = arith.constant 0 : index
    %swap3A_53 = arith.constant 0 : index
    %swap3A_54 = vector.load %arg3[%swap3A_51, %swap3A_52, %swap3A_53] : memref<64x128x200xf32, #tpu.memory_space<vmem>>, vector<1x128x200xf32>
    %swap3A_55 = vector.shape_cast %swap3A_54 : vector<1x128x200xf32> to vector<128x200xf32>
    %swap3A_56 = vector.shape_cast %transpose3A_50 : vector<128x200xf32> to vector<1x128x200xf32>
    tpu.vector_store %arg3[%swap3A_51, %swap3A_52, %swap3A_53], %swap3A_56 {strides = array<i32>} : memref<64x128x200xf32, #tpu.memory_space<vmem>>, vector<1x128x200xf32>,
    %get3A_57 = arith.constant 1200 : index
    %get3A_58 = arith.constant 0 : index
    %get3A_59 = vector.load %arg1[%get3A_57, %get3A_58] : memref<12800x128xf32, #tpu.memory_space<vmem>>, vector<200x128xf32>
    %transpose3A_60 = tpu.transpose %get3A_59, [1, 0] : vector<200x128xf32> -> vector<128x200xf32>
    %swap3A_61 = arith.constant 6 : index
    %swap3A_62 = arith.constant 0 : index
    %swap3A_63 = arith.constant 0 : index
    %swap3A_64 = vector.load %arg3[%swap3A_61, %swap3A_62, %swap3A_63] : memref<64x128x200xf32, #tpu.memory_space<vmem>>, vector<1x128x200xf32>
    %swap3A_65 = vector.shape_cast %swap3A_64 : vector<1x128x200xf32> to vector<128x200xf32>
    %swap3A_66 = vector.shape_cast %transpose3A_60 : vector<128x200xf32> to vector<1x128x200xf32>
    tpu.vector_store %arg3[%swap3A_61, %swap3A_62, %swap3A_63], %swap3A_66 {strides = array<i32>} : memref<64x128x200xf32, #tpu.memory_space<vmem>>, vector<1x128x200xf32>,
    %get3A_67 = arith.constant 1400 : index
    %get3A_68 = arith.constant 0 : index
    %get3A_69 = vector.load %arg1[%get3A_67, %get3A_68] : memref<12800x128xf32, #tpu.memory_space<vmem>>, vector<200x128xf32>
    %transpose3A_70 = tpu.transpose %get3A_69, [1, 0] : vector<200x128xf32> -> vector<128x200xf32>
    %swap3A_71 = arith.constant 7 : index
    %swap3A_72 = arith.constant 0 : index
    %swap3A_73 = arith.constant 0 : index
    %swap3A_74 = vector.load %arg3[%swap3A_71, %swap3A_72, %swap3A_73] : memref<64x128x200xf32, #tpu.memory_space<vmem>>, vector<1x128x200xf32>
    %swap3A_75 = vector.shape_cast %swap3A_74 : vector<1x128x200xf32> to vector<128x200xf32>
    %swap3A_76 = vector.shape_cast %transpose3A_70 : vector<128x200xf32> to vector<1x128x200xf32>
    tpu.vector_store %arg3[%swap3A_71, %swap3A_72, %swap3A_73], %swap3A_76 {strides = array<i32>} : memref<64x128x200xf32, #tpu.memory_space<vmem>>, vector<1x128x200xf32>,
    %get3A_77 = arith.constant 1600 : index
    %get3A_78 = arith.constant 0 : index
    %get3A_79 = vector.load %arg1[%get3A_77, %get3A_78] : memref<12800x128xf32, #tpu.memory_space<vmem>>, vector<200x128xf32>
    %transpose3A_80 = tpu.transpose %get3A_79, [1, 0] : vector<200x128xf32> -> vector<128x200xf32>
    %swap3A_81 = arith.constant 8 : index
    %swap3A_82 = arith.constant 0 : index
    %swap3A_83 = arith.constant 0 : index
    %swap3A_84 = vector.load %arg3[%swap3A_81, %swap3A_82, %swap3A_83] : memref<64x128x200xf32, #tpu.memory_space<vmem>>, vector<1x128x200xf32>
    %swap3A_85 = vector.shape_cast %swap3A_84 : vector<1x128x200xf32> to vector<128x200xf32>
    %swap3A_86 = vector.shape_cast %transpose3A_80 : vector<128x200xf32> to vector<1x128x200xf32>
    tpu.vector_store %arg3[%swap3A_81, %swap3A_82, %swap3A_83], %swap3A_86 {strides = array<i32>} : memref<64x128x200xf32, #tpu.memory_space<vmem>>, vector<1x128x200xf32>,
    %get3A_87 = arith.constant 1800 : index
    %get3A_88 = arith.constant 0 : index
    %get3A_89 = vector.load %arg1[%get3A_87, %get3A_88] : memref<12800x128xf32, #tpu.memory_space<vmem>>, vector<200x128xf32>
    %transpose3A_90 = tpu.transpose %get3A_89, [1, 0] : vector<200x128xf32> -> vector<128x200xf32>
    %swap3A_91 = arith.constant 9 : index
    %swap3A_92 = arith.constant 0 : index
    %swap3A_93 = arith.constant 0 : index
    %swap3A_94 = vector.load %arg3[%swap3A_91, %swap3A_92, %swap3A_93] : memref<64x128x200xf32, #tpu.memory_space<vmem>>, vector<1x128x200xf32>
    %swap3A_95 = vector.shape_cast %swap3A_94 : vector<1x128x200xf32> to vector<128x200xf32>
    %swap3A_96 = vector.shape_cast %transpose3A_90 : vector<128x200xf32> to vector<1x128x200xf32>
    tpu.vector_store %arg3[%swap3A_91, %swap3A_92, %swap3A_93], %swap3A_96 {strides = array<i32>} : memref<64x128x200xf32, #tpu.memory_space<vmem>>, vector<1x128x200xf32>,
    %get3A_97 = arith.constant 2000 : index
    %get3A_98 = arith.constant 0 : index
    %get3A_99 = vector.load %arg1[%get3A_97, %get3A_98] : memref<12800x128xf32, #tpu.memory_space<vmem>>, vector<200x128xf32>
    %transpose3A_100 = tpu.transpose %get3A_99, [1, 0] : vector<200x128xf32> -> vector<128x200xf32>
    %swap3A_101 = arith.constant 10 : index
    %swap3A_102 = arith.constant 0 : index
    %swap3A_103 = arith.constant 0 : index
    %swap3A_104 = vector.load %arg3[%swap3A_101, %swap3A_102, %swap3A_103] : memref<64x128x200xf32, #tpu.memory_space<vmem>>, vector<1x128x200xf32>
    %swap3A_105 = vector.shape_cast %swap3A_104 : vector<1x128x200xf32> to vector<128x200xf32>
    %swap3A_106 = vector.shape_cast %transpose3A_100 : vector<128x200xf32> to vector<1x128x200xf32>
    tpu.vector_store %arg3[%swap3A_101, %swap3A_102, %swap3A_103], %swap3A_106 {strides = array<i32>} : memref<64x128x200xf32, #tpu.memory_space<vmem>>, vector<1x128x200xf32>,
    %get3A_107 = arith.constant 2200 : index
    %get3A_108 = arith.constant 0 : index
    %get3A_109 = vector.load %arg1[%get3A_107, %get3A_108] : memref<12800x128xf32, #tpu.memory_space<vmem>>, vector<200x128xf32>
    %transpose3A_110 = tpu.transpose %get3A_109, [1, 0] : vector<200x128xf32> -> vector<128x200xf32>
    %swap3A_111 = arith.constant 11 : index
    %swap3A_112 = arith.constant 0 : index
    %swap3A_113 = arith.constant 0 : index
    %swap3A_114 = vector.load %arg3[%swap3A_111, %swap3A_112, %swap3A_113] : memref<64x128x200xf32, #tpu.memory_space<vmem>>, vector<1x128x200xf32>
    %swap3A_115 = vector.shape_cast %swap3A_114 : vector<1x128x200xf32> to vector<128x200xf32>
    %swap3A_116 = vector.shape_cast %transpose3A_110 : vector<128x200xf32> to vector<1x128x200xf32>
    tpu.vector_store %arg3[%swap3A_111, %swap3A_112, %swap3A_113], %swap3A_116 {strides = array<i32>} : memref<64x128x200xf32, #tpu.memory_space<vmem>>, vector<1x128x200xf32>,
    %get3A_117 = arith.constant 2400 : index
    %get3A_118 = arith.constant 0 : index
    %get3A_119 = vector.load %arg1[%get3A_117, %get3A_118] : memref<12800x128xf32, #tpu.memory_space<vmem>>, vector<200x128xf32>
    %transpose3A_120 = tpu.transpose %get3A_119, [1, 0] : vector<200x128xf32> -> vector<128x200xf32>
    %swap3A_121 = arith.constant 12 : index
    %swap3A_122 = arith.constant 0 : index
    %swap3A_123 = arith.constant 0 : index
    %swap3A_124 = vector.load %arg3[%swap3A_121, %swap3A_122, %swap3A_123] : memref<64x128x200xf32, #tpu.memory_space<vmem>>, vector<1x128x200xf32>
    %swap3A_125 = vector.shape_cast %swap3A_124 : vector<1x128x200xf32> to vector<128x200xf32>
    %swap3A_126 = vector.shape_cast %transpose3A_120 : vector<128x200xf32> to vector<1x128x200xf32>
    tpu.vector_store %arg3[%swap3A_121, %swap3A_122, %swap3A_123], %swap3A_126 {strides = array<i32>} : memref<64x128x200xf32, #tpu.memory_space<vmem>>, vector<1x128x200xf32>,
    %get3A_127 = arith.constant 2600 : index
    %get3A_128 = arith.constant 0 : index
    %get3A_129 = vector.load %arg1[%get3A_127, %get3A_128] : memref<12800x128xf32, #tpu.memory_space<vmem>>, vector<200x128xf32>
    %transpose3A_130 = tpu.transpose %get3A_129, [1, 0] : vector<200x128xf32> -> vector<128x200xf32>
    %swap3A_131 = arith.constant 13 : index
    %swap3A_132 = arith.constant 0 : index
    %swap3A_133 = arith.constant 0 : index
    %swap3A_134 = vector.load %arg3[%swap3A_131, %swap3A_132, %swap3A_133] : memref<64x128x200xf32, #tpu.memory_space<vmem>>, vector<1x128x200xf32>
    %swap3A_135 = vector.shape_cast %swap3A_134 : vector<1x128x200xf32> to vector<128x200xf32>
    %swap3A_136 = vector.shape_cast %transpose3A_130 : vector<128x200xf32> to vector<1x128x200xf32>
    tpu.vector_store %arg3[%swap3A_131, %swap3A_132, %swap3A_133], %swap3A_136 {strides = array<i32>} : memref<64x128x200xf32, #tpu.memory_space<vmem>>, vector<1x128x200xf32>,
    %get3A_137 = arith.constant 2800 : index
    %get3A_138 = arith.constant 0 : index
    %get3A_139 = vector.load %arg1[%get3A_137, %get3A_138] : memref<12800x128xf32, #tpu.memory_space<vmem>>, vector<200x128xf32>
    %transpose3A_140 = tpu.transpose %get3A_139, [1, 0] : vector<200x128xf32> -> vector<128x200xf32>
    %swap3A_141 = arith.constant 14 : index
    %swap3A_142 = arith.constant 0 : index
    %swap3A_143 = arith.constant 0 : index
    %swap3A_144 = vector.load %arg3[%swap3A_141, %swap3A_142, %swap3A_143] : memref<64x128x200xf32, #tpu.memory_space<vmem>>, vector<1x128x200xf32>
    %swap3A_145 = vector.shape_cast %swap3A_144 : vector<1x128x200xf32> to vector<128x200xf32>
    %swap3A_146 = vector.shape_cast %transpose3A_140 : vector<128x200xf32> to vector<1x128x200xf32>
    tpu.vector_store %arg3[%swap3A_141, %swap3A_142, %swap3A_143], %swap3A_146 {strides = array<i32>} : memref<64x128x200xf32, #tpu.memory_space<vmem>>, vector<1x128x200xf32>,
    %get3A_147 = arith.constant 3000 : index
    %get3A_148 = arith.constant 0 : index
    %get3A_149 = vector.load %arg1[%get3A_147, %get3A_148] : memref<12800x128xf32, #tpu.memory_space<vmem>>, vector<200x128xf32>
    %transpose3A_150 = tpu.transpose %get3A_149, [1, 0] : vector<200x128xf32> -> vector<128x200xf32>
    %swap3A_151 = arith.constant 15 : index
    %swap3A_152 = arith.constant 0 : index
    %swap3A_153 = arith.constant 0 : index
    %swap3A_154 = vector.load %arg3[%swap3A_151, %swap3A_152, %swap3A_153] : memref<64x128x200xf32, #tpu.memory_space<vmem>>, vector<1x128x200xf32>
    %swap3A_155 = vector.shape_cast %swap3A_154 : vector<1x128x200xf32> to vector<128x200xf32>
    %swap3A_156 = vector.shape_cast %transpose3A_150 : vector<128x200xf32> to vector<1x128x200xf32>
    tpu.vector_store %arg3[%swap3A_151, %swap3A_152, %swap3A_153], %swap3A_156 {strides = array<i32>} : memref<64x128x200xf32, #tpu.memory_space<vmem>>, vector<1x128x200xf32>,
    %get3A_157 = arith.constant 3200 : index
    %get3A_158 = arith.constant 0 : index
    %get3A_159 = vector.load %arg1[%get3A_157, %get3A_158] : memref<12800x128xf32, #tpu.memory_space<vmem>>, vector<200x128xf32>
    %transpose3A_160 = tpu.transpose %get3A_159, [1, 0] : vector<200x128xf32> -> vector<128x200xf32>
    %swap3A_161 = arith.constant 16 : index
    %swap3A_162 = arith.constant 0 : index
    %swap3A_163 = arith.constant 0 : index
    %swap3A_164 = vector.load %arg3[%swap3A_161, %swap3A_162, %swap3A_163] : memref<64x128x200xf32, #tpu.memory_space<vmem>>, vector<1x128x200xf32>
    %swap3A_165 = vector.shape_cast %swap3A_164 : vector<1x128x200xf32> to vector<128x200xf32>
    %swap3A_166 = vector.shape_cast %transpose3A_160 : vector<128x200xf32> to vector<1x128x200xf32>
    tpu.vector_store %arg3[%swap3A_161, %swap3A_162, %swap3A_163], %swap3A_166 {strides = array<i32>} : memref<64x128x200xf32, #tpu.memory_space<vmem>>, vector<1x128x200xf32>,
    %get3A_167 = arith.constant 3400 : index
    %get3A_168 = arith.constant 0 : index
    %get3A_169 = vector.load %arg1[%get3A_167, %get3A_168] : memref<12800x128xf32, #tpu.memory_space<vmem>>, vector<200x128xf32>
    %transpose3A_170 = tpu.transpose %get3A_169, [1, 0] : vector<200x128xf32> -> vector<128x200xf32>
    %swap3A_171 = arith.constant 17 : index
    %swap3A_172 = arith.constant 0 : index
    %swap3A_173 = arith.constant 0 : index
    %swap3A_174 = vector.load %arg3[%swap3A_171, %swap3A_172, %swap3A_173] : memref<64x128x200xf32, #tpu.memory_space<vmem>>, vector<1x128x200xf32>
    %swap3A_175 = vector.shape_cast %swap3A_174 : vector<1x128x200xf32> to vector<128x200xf32>
    %swap3A_176 = vector.shape_cast %transpose3A_170 : vector<128x200xf32> to vector<1x128x200xf32>
    tpu.vector_store %arg3[%swap3A_171, %swap3A_172, %swap3A_173], %swap3A_176 {strides = array<i32>} : memref<64x128x200xf32, #tpu.memory_space<vmem>>, vector<1x128x200xf32>,
    %get3A_177 = arith.constant 3600 : index
    %get3A_178 = arith.constant 0 : index
    %get3A_179 = vector.load %arg1[%get3A_177, %get3A_178] : memref<12800x128xf32, #tpu.memory_space<vmem>>, vector<200x128xf32>
    %transpose3A_180 = tpu.transpose %get3A_179, [1, 0] : vector<200x128xf32> -> vector<128x200xf32>
    %swap3A_181 = arith.constant 18 : index
    %swap3A_182 = arith.constant 0 : index
    %swap3A_183 = arith.constant 0 : index
    %swap3A_184 = vector.load %arg3[%swap3A_181, %swap3A_182, %swap3A_183] : memref<64x128x200xf32, #tpu.memory_space<vmem>>, vector<1x128x200xf32>
    %swap3A_185 = vector.shape_cast %swap3A_184 : vector<1x128x200xf32> to vector<128x200xf32>
    %swap3A_186 = vector.shape_cast %transpose3A_180 : vector<128x200xf32> to vector<1x128x200xf32>
    tpu.vector_store %arg3[%swap3A_181, %swap3A_182, %swap3A_183], %swap3A_186 {strides = array<i32>} : memref<64x128x200xf32, #tpu.memory_space<vmem>>, vector<1x128x200xf32>,
    %get3A_187 = arith.constant 3800 : index
    %get3A_188 = arith.constant 0 : index
    %get3A_189 = vector.load %arg1[%get3A_187, %get3A_188] : memref<12800x128xf32, #tpu.memory_space<vmem>>, vector<200x128xf32>
    %transpose3A_190 = tpu.transpose %get3A_189, [1, 0] : vector<200x128xf32> -> vector<128x200xf32>
    %swap3A_191 = arith.constant 19 : index
    %swap3A_192 = arith.constant 0 : index
    %swap3A_193 = arith.constant 0 : index
    %swap3A_194 = vector.load %arg3[%swap3A_191, %swap3A_192, %swap3A_193] : memref<64x128x200xf32, #tpu.memory_space<vmem>>, vector<1x128x200xf32>
    %swap3A_195 = vector.shape_cast %swap3A_194 : vector<1x128x200xf32> to vector<128x200xf32>
    %swap3A_196 = vector.shape_cast %transpose3A_190 : vector<128x200xf32> to vector<1x128x200xf32>
    tpu.vector_store %arg3[%swap3A_191, %swap3A_192, %swap3A_193], %swap3A_196 {strides = array<i32>} : memref<64x128x200xf32, #tpu.memory_space<vmem>>, vector<1x128x200xf32>,
    %get3A_197 = arith.constant 4000 : index
    %get3A_198 = arith.constant 0 : index
    %get3A_199 = vector.load %arg1[%get3A_197, %get3A_198] : memref<12800x128xf32, #tpu.memory_space<vmem>>, vector<200x128xf32>
    %transpose3A_200 = tpu.transpose %get3A_199, [1, 0] : vector<200x128xf32> -> vector<128x200xf32>
    %swap3A_201 = arith.constant 20 : index
    %swap3A_202 = arith.constant 0 : index
    %swap3A_203 = arith.constant 0 : index
    %swap3A_204 = vector.load %arg3[%swap3A_201, %swap3A_202, %swap3A_203] : memref<64x128x200xf32, #tpu.memory_space<vmem>>, vector<1x128x200xf32>
    %swap3A_205 = vector.shape_cast %swap3A_204 : vector<1x128x200xf32> to vector<128x200xf32>
    %swap3A_206 = vector.shape_cast %transpose3A_200 : vector<128x200xf32> to vector<1x128x200xf32>
    tpu.vector_store %arg3[%swap3A_201, %swap3A_202, %swap3A_203], %swap3A_206 {strides = array<i32>} : memref<64x128x200xf32, #tpu.memory_space<vmem>>, vector<1x128x200xf32>,
    %get3A_207 = arith.constant 4200 : index
    %get3A_208 = arith.constant 0 : index
    %get3A_209 = vector.load %arg1[%get3A_207, %get3A_208] : memref<12800x128xf32, #tpu.memory_space<vmem>>, vector<200x128xf32>
    %transpose3A_210 = tpu.transpose %get3A_209, [1, 0] : vector<200x128xf32> -> vector<128x200xf32>
    %swap3A_211 = arith.constant 21 : index
    %swap3A_212 = arith.constant 0 : index
    %swap3A_213 = arith.constant 0 : index
    %swap3A_214 = vector.load %arg3[%swap3A_211, %swap3A_212, %swap3A_213] : memref<64x128x200xf32, #tpu.memory_space<vmem>>, vector<1x128x200xf32>
    %swap3A_215 = vector.shape_cast %swap3A_214 : vector<1x128x200xf32> to vector<128x200xf32>
    %swap3A_216 = vector.shape_cast %transpose3A_210 : vector<128x200xf32> to vector<1x128x200xf32>
    tpu.vector_store %arg3[%swap3A_211, %swap3A_212, %swap3A_213], %swap3A_216 {strides = array<i32>} : memref<64x128x200xf32, #tpu.memory_space<vmem>>, vector<1x128x200xf32>,
    %get3A_217 = arith.constant 4400 : index
    %get3A_218 = arith.constant 0 : index
    %get3A_219 = vector.load %arg1[%get3A_217, %get3A_218] : memref<12800x128xf32, #tpu.memory_space<vmem>>, vector<200x128xf32>
    %transpose3A_220 = tpu.transpose %get3A_219, [1, 0] : vector<200x128xf32> -> vector<128x200xf32>
    %swap3A_221 = arith.constant 22 : index
    %swap3A_222 = arith.constant 0 : index
    %swap3A_223 = arith.constant 0 : index
    %swap3A_224 = vector.load %arg3[%swap3A_221, %swap3A_222, %swap3A_223] : memref<64x128x200xf32, #tpu.memory_space<vmem>>, vector<1x128x200xf32>
    %swap3A_225 = vector.shape_cast %swap3A_224 : vector<1x128x200xf32> to vector<128x200xf32>
    %swap3A_226 = vector.shape_cast %transpose3A_220 : vector<128x200xf32> to vector<1x128x200xf32>
    tpu.vector_store %arg3[%swap3A_221, %swap3A_222, %swap3A_223], %swap3A_226 {strides = array<i32>} : memref<64x128x200xf32, #tpu.memory_space<vmem>>, vector<1x128x200xf32>,
    %get3A_227 = arith.constant 4600 : index
    %get3A_228 = arith.constant 0 : index
    %get3A_229 = vector.load %arg1[%get3A_227, %get3A_228] : memref<12800x128xf32, #tpu.memory_space<vmem>>, vector<200x128xf32>
    %transpose3A_230 = tpu.transpose %get3A_229, [1, 0] : vector<200x128xf32> -> vector<128x200xf32>
    %swap3A_231 = arith.constant 23 : index
    %swap3A_232 = arith.constant 0 : index
    %swap3A_233 = arith.constant 0 : index
    %swap3A_234 = vector.load %arg3[%swap3A_231, %swap3A_232, %swap3A_233] : memref<64x128x200xf32, #tpu.memory_space<vmem>>, vector<1x128x200xf32>
    %swap3A_235 = vector.shape_cast %swap3A_234 : vector<1x128x200xf32> to vector<128x200xf32>
    %swap3A_236 = vector.shape_cast %transpose3A_230 : vector<128x200xf32> to vector<1x128x200xf32>
    tpu.vector_store %arg3[%swap3A_231, %swap3A_232, %swap3A_233], %swap3A_236 {strides = array<i32>} : memref<64x128x200xf32, #tpu.memory_space<vmem>>, vector<1x128x200xf32>,
    %get3A_237 = arith.constant 4800 : index
    %get3A_238 = arith.constant 0 : index
    %get3A_239 = vector.load %arg1[%get3A_237, %get3A_238] : memref<12800x128xf32, #tpu.memory_space<vmem>>, vector<200x128xf32>
    %transpose3A_240 = tpu.transpose %get3A_239, [1, 0] : vector<200x128xf32> -> vector<128x200xf32>
    %swap3A_241 = arith.constant 24 : index
    %swap3A_242 = arith.constant 0 : index
    %swap3A_243 = arith.constant 0 : index
    %swap3A_244 = vector.load %arg3[%swap3A_241, %swap3A_242, %swap3A_243] : memref<64x128x200xf32, #tpu.memory_space<vmem>>, vector<1x128x200xf32>
    %swap3A_245 = vector.shape_cast %swap3A_244 : vector<1x128x200xf32> to vector<128x200xf32>
    %swap3A_246 = vector.shape_cast %transpose3A_240 : vector<128x200xf32> to vector<1x128x200xf32>
    tpu.vector_store %arg3[%swap3A_241, %swap3A_242, %swap3A_243], %swap3A_246 {strides = array<i32>} : memref<64x128x200xf32, #tpu.memory_space<vmem>>, vector<1x128x200xf32>,
    %get3A_247 = arith.constant 5000 : index
    %get3A_248 = arith.constant 0 : index
    %get3A_249 = vector.load %arg1[%get3A_247, %get3A_248] : memref<12800x128xf32, #tpu.memory_space<vmem>>, vector<200x128xf32>
    %transpose3A_250 = tpu.transpose %get3A_249, [1, 0] : vector<200x128xf32> -> vector<128x200xf32>
    %swap3A_251 = arith.constant 25 : index
    %swap3A_252 = arith.constant 0 : index
    %swap3A_253 = arith.constant 0 : index
    %swap3A_254 = vector.load %arg3[%swap3A_251, %swap3A_252, %swap3A_253] : memref<64x128x200xf32, #tpu.memory_space<vmem>>, vector<1x128x200xf32>
    %swap3A_255 = vector.shape_cast %swap3A_254 : vector<1x128x200xf32> to vector<128x200xf32>
    %swap3A_256 = vector.shape_cast %transpose3A_250 : vector<128x200xf32> to vector<1x128x200xf32>
    tpu.vector_store %arg3[%swap3A_251, %swap3A_252, %swap3A_253], %swap3A_256 {strides = array<i32>} : memref<64x128x200xf32, #tpu.memory_space<vmem>>, vector<1x128x200xf32>,
    %get3A_257 = arith.constant 5200 : index
    %get3A_258 = arith.constant 0 : index
    %get3A_259 = vector.load %arg1[%get3A_257, %get3A_258] : memref<12800x128xf32, #tpu.memory_space<vmem>>, vector<200x128xf32>
    %transpose3A_260 = tpu.transpose %get3A_259, [1, 0] : vector<200x128xf32> -> vector<128x200xf32>
    %swap3A_261 = arith.constant 26 : index
    %swap3A_262 = arith.constant 0 : index
    %swap3A_263 = arith.constant 0 : index
    %swap3A_264 = vector.load %arg3[%swap3A_261, %swap3A_262, %swap3A_263] : memref<64x128x200xf32, #tpu.memory_space<vmem>>, vector<1x128x200xf32>
    %swap3A_265 = vector.shape_cast %swap3A_264 : vector<1x128x200xf32> to vector<128x200xf32>
    %swap3A_266 = vector.shape_cast %transpose3A_260 : vector<128x200xf32> to vector<1x128x200xf32>
    tpu.vector_store %arg3[%swap3A_261, %swap3A_262, %swap3A_263], %swap3A_266 {strides = array<i32>} : memref<64x128x200xf32, #tpu.memory_space<vmem>>, vector<1x128x200xf32>,
    %get3A_267 = arith.constant 5400 : index
    %get3A_268 = arith.constant 0 : index
    %get3A_269 = vector.load %arg1[%get3A_267, %get3A_268] : memref<12800x128xf32, #tpu.memory_space<vmem>>, vector<200x128xf32>
    %transpose3A_270 = tpu.transpose %get3A_269, [1, 0] : vector<200x128xf32> -> vector<128x200xf32>
    %swap3A_271 = arith.constant 27 : index
    %swap3A_272 = arith.constant 0 : index
    %swap3A_273 = arith.constant 0 : index
    %swap3A_274 = vector.load %arg3[%swap3A_271, %swap3A_272, %swap3A_273] : memref<64x128x200xf32, #tpu.memory_space<vmem>>, vector<1x128x200xf32>
    %swap3A_275 = vector.shape_cast %swap3A_274 : vector<1x128x200xf32> to vector<128x200xf32>
    %swap3A_276 = vector.shape_cast %transpose3A_270 : vector<128x200xf32> to vector<1x128x200xf32>
    tpu.vector_store %arg3[%swap3A_271, %swap3A_272, %swap3A_273], %swap3A_276 {strides = array<i32>} : memref<64x128x200xf32, #tpu.memory_space<vmem>>, vector<1x128x200xf32>,
    %get3A_277 = arith.constant 5600 : index
    %get3A_278 = arith.constant 0 : index
    %get3A_279 = vector.load %arg1[%get3A_277, %get3A_278] : memref<12800x128xf32, #tpu.memory_space<vmem>>, vector<200x128xf32>
    %transpose3A_280 = tpu.transpose %get3A_279, [1, 0] : vector<200x128xf32> -> vector<128x200xf32>
    %swap3A_281 = arith.constant 28 : index
    %swap3A_282 = arith.constant 0 : index
    %swap3A_283 = arith.constant 0 : index
    %swap3A_284 = vector.load %arg3[%swap3A_281, %swap3A_282, %swap3A_283] : memref<64x128x200xf32, #tpu.memory_space<vmem>>, vector<1x128x200xf32>
    %swap3A_285 = vector.shape_cast %swap3A_284 : vector<1x128x200xf32> to vector<128x200xf32>
    %swap3A_286 = vector.shape_cast %transpose3A_280 : vector<128x200xf32> to vector<1x128x200xf32>
    tpu.vector_store %arg3[%swap3A_281, %swap3A_282, %swap3A_283], %swap3A_286 {strides = array<i32>} : memref<64x128x200xf32, #tpu.memory_space<vmem>>, vector<1x128x200xf32>,
    %get3A_287 = arith.constant 5800 : index
    %get3A_288 = arith.constant 0 : index
    %get3A_289 = vector.load %arg1[%get3A_287, %get3A_288] : memref<12800x128xf32, #tpu.memory_space<vmem>>, vector<200x128xf32>
    %transpose3A_290 = tpu.transpose %get3A_289, [1, 0] : vector<200x128xf32> -> vector<128x200xf32>
    %swap3A_291 = arith.constant 29 : index
    %swap3A_292 = arith.constant 0 : index
    %swap3A_293 = arith.constant 0 : index
    %swap3A_294 = vector.load %arg3[%swap3A_291, %swap3A_292, %swap3A_293] : memref<64x128x200xf32, #tpu.memory_space<vmem>>, vector<1x128x200xf32>
    %swap3A_295 = vector.shape_cast %swap3A_294 : vector<1x128x200xf32> to vector<128x200xf32>
    %swap3A_296 = vector.shape_cast %transpose3A_290 : vector<128x200xf32> to vector<1x128x200xf32>
    tpu.vector_store %arg3[%swap3A_291, %swap3A_292, %swap3A_293], %swap3A_296 {strides = array<i32>} : memref<64x128x200xf32, #tpu.memory_space<vmem>>, vector<1x128x200xf32>,
    %get3A_297 = arith.constant 6000 : index
    %get3A_298 = arith.constant 0 : index
    %get3A_299 = vector.load %arg1[%get3A_297, %get3A_298] : memref<12800x128xf32, #tpu.memory_space<vmem>>, vector<200x128xf32>
    %transpose3A_300 = tpu.transpose %get3A_299, [1, 0] : vector<200x128xf32> -> vector<128x200xf32>
    %swap3A_301 = arith.constant 30 : index
    %swap3A_302 = arith.constant 0 : index
    %swap3A_303 = arith.constant 0 : index
    %swap3A_304 = vector.load %arg3[%swap3A_301, %swap3A_302, %swap3A_303] : memref<64x128x200xf32, #tpu.memory_space<vmem>>, vector<1x128x200xf32>
    %swap3A_305 = vector.shape_cast %swap3A_304 : vector<1x128x200xf32> to vector<128x200xf32>
    %swap3A_306 = vector.shape_cast %transpose3A_300 : vector<128x200xf32> to vector<1x128x200xf32>
    tpu.vector_store %arg3[%swap3A_301, %swap3A_302, %swap3A_303], %swap3A_306 {strides = array<i32>} : memref<64x128x200xf32, #tpu.memory_space<vmem>>, vector<1x128x200xf32>,
    %get3A_307 = arith.constant 6200 : index
    %get3A_308 = arith.constant 0 : index
    %get3A_309 = vector.load %arg1[%get3A_307, %get3A_308] : memref<12800x128xf32, #tpu.memory_space<vmem>>, vector<200x128xf32>
    %transpose3A_310 = tpu.transpose %get3A_309, [1, 0] : vector<200x128xf32> -> vector<128x200xf32>
    %swap3A_311 = arith.constant 31 : index
    %swap3A_312 = arith.constant 0 : index
    %swap3A_313 = arith.constant 0 : index
    %swap3A_314 = vector.load %arg3[%swap3A_311, %swap3A_312, %swap3A_313] : memref<64x128x200xf32, #tpu.memory_space<vmem>>, vector<1x128x200xf32>
    %swap3A_315 = vector.shape_cast %swap3A_314 : vector<1x128x200xf32> to vector<128x200xf32>
    %swap3A_316 = vector.shape_cast %transpose3A_310 : vector<128x200xf32> to vector<1x128x200xf32>
    tpu.vector_store %arg3[%swap3A_311, %swap3A_312, %swap3A_313], %swap3A_316 {strides = array<i32>} : memref<64x128x200xf32, #tpu.memory_space<vmem>>, vector<1x128x200xf32>,
    %get3A_317 = arith.constant 6400 : index
    %get3A_318 = arith.constant 0 : index
    %get3A_319 = vector.load %arg1[%get3A_317, %get3A_318] : memref<12800x128xf32, #tpu.memory_space<vmem>>, vector<200x128xf32>
    %transpose3A_320 = tpu.transpose %get3A_319, [1, 0] : vector<200x128xf32> -> vector<128x200xf32>
    %swap3A_321 = arith.constant 32 : index
    %swap3A_322 = arith.constant 0 : index
    %swap3A_323 = arith.constant 0 : index
    %swap3A_324 = vector.load %arg3[%swap3A_321, %swap3A_322, %swap3A_323] : memref<64x128x200xf32, #tpu.memory_space<vmem>>, vector<1x128x200xf32>
    %swap3A_325 = vector.shape_cast %swap3A_324 : vector<1x128x200xf32> to vector<128x200xf32>
    %swap3A_326 = vector.shape_cast %transpose3A_320 : vector<128x200xf32> to vector<1x128x200xf32>
    tpu.vector_store %arg3[%swap3A_321, %swap3A_322, %swap3A_323], %swap3A_326 {strides = array<i32>} : memref<64x128x200xf32, #tpu.memory_space<vmem>>, vector<1x128x200xf32>,
    %get3A_327 = arith.constant 6600 : index
    %get3A_328 = arith.constant 0 : index
    %get3A_329 = vector.load %arg1[%get3A_327, %get3A_328] : memref<12800x128xf32, #tpu.memory_space<vmem>>, vector<200x128xf32>
    %transpose3A_330 = tpu.transpose %get3A_329, [1, 0] : vector<200x128xf32> -> vector<128x200xf32>
    %swap3A_331 = arith.constant 33 : index
    %swap3A_332 = arith.constant 0 : index
    %swap3A_333 = arith.constant 0 : index
    %swap3A_334 = vector.load %arg3[%swap3A_331, %swap3A_332, %swap3A_333] : memref<64x128x200xf32, #tpu.memory_space<vmem>>, vector<1x128x200xf32>
    %swap3A_335 = vector.shape_cast %swap3A_334 : vector<1x128x200xf32> to vector<128x200xf32>
    %swap3A_336 = vector.shape_cast %transpose3A_330 : vector<128x200xf32> to vector<1x128x200xf32>
    tpu.vector_store %arg3[%swap3A_331, %swap3A_332, %swap3A_333], %swap3A_336 {strides = array<i32>} : memref<64x128x200xf32, #tpu.memory_space<vmem>>, vector<1x128x200xf32>,
    %get3A_337 = arith.constant 6800 : index
    %get3A_338 = arith.constant 0 : index
    %get3A_339 = vector.load %arg1[%get3A_337, %get3A_338] : memref<12800x128xf32, #tpu.memory_space<vmem>>, vector<200x128xf32>
    %transpose3A_340 = tpu.transpose %get3A_339, [1, 0] : vector<200x128xf32> -> vector<128x200xf32>
    %swap3A_341 = arith.constant 34 : index
    %swap3A_342 = arith.constant 0 : index
    %swap3A_343 = arith.constant 0 : index
    %swap3A_344 = vector.load %arg3[%swap3A_341, %swap3A_342, %swap3A_343] : memref<64x128x200xf32, #tpu.memory_space<vmem>>, vector<1x128x200xf32>
    %swap3A_345 = vector.shape_cast %swap3A_344 : vector<1x128x200xf32> to vector<128x200xf32>
    %swap3A_346 = vector.shape_cast %transpose3A_340 : vector<128x200xf32> to vector<1x128x200xf32>
    tpu.vector_store %arg3[%swap3A_341, %swap3A_342, %swap3A_343], %swap3A_346 {strides = array<i32>} : memref<64x128x200xf32, #tpu.memory_space<vmem>>, vector<1x128x200xf32>,
    %get3A_347 = arith.constant 7000 : index
    %get3A_348 = arith.constant 0 : index
    %get3A_349 = vector.load %arg1[%get3A_347, %get3A_348] : memref<12800x128xf32, #tpu.memory_space<vmem>>, vector<200x128xf32>
    %transpose3A_350 = tpu.transpose %get3A_349, [1, 0] : vector<200x128xf32> -> vector<128x200xf32>
    %swap3A_351 = arith.constant 35 : index
    %swap3A_352 = arith.constant 0 : index
    %swap3A_353 = arith.constant 0 : index
    %swap3A_354 = vector.load %arg3[%swap3A_351, %swap3A_352, %swap3A_353] : memref<64x128x200xf32, #tpu.memory_space<vmem>>, vector<1x128x200xf32>
    %swap3A_355 = vector.shape_cast %swap3A_354 : vector<1x128x200xf32> to vector<128x200xf32>
    %swap3A_356 = vector.shape_cast %transpose3A_350 : vector<128x200xf32> to vector<1x128x200xf32>
    tpu.vector_store %arg3[%swap3A_351, %swap3A_352, %swap3A_353], %swap3A_356 {strides = array<i32>} : memref<64x128x200xf32, #tpu.memory_space<vmem>>, vector<1x128x200xf32>,
    %get3A_357 = arith.constant 7200 : index
    %get3A_358 = arith.constant 0 : index
    %get3A_359 = vector.load %arg1[%get3A_357, %get3A_358] : memref<12800x128xf32, #tpu.memory_space<vmem>>, vector<200x128xf32>
    %transpose3A_360 = tpu.transpose %get3A_359, [1, 0] : vector<200x128xf32> -> vector<128x200xf32>
    %swap3A_361 = arith.constant 36 : index
    %swap3A_362 = arith.constant 0 : index
    %swap3A_363 = arith.constant 0 : index
    %swap3A_364 = vector.load %arg3[%swap3A_361, %swap3A_362, %swap3A_363] : memref<64x128x200xf32, #tpu.memory_space<vmem>>, vector<1x128x200xf32>
    %swap3A_365 = vector.shape_cast %swap3A_364 : vector<1x128x200xf32> to vector<128x200xf32>
    %swap3A_366 = vector.shape_cast %transpose3A_360 : vector<128x200xf32> to vector<1x128x200xf32>
    tpu.vector_store %arg3[%swap3A_361, %swap3A_362, %swap3A_363], %swap3A_366 {strides = array<i32>} : memref<64x128x200xf32, #tpu.memory_space<vmem>>, vector<1x128x200xf32>,
    %get3A_367 = arith.constant 7400 : index
    %get3A_368 = arith.constant 0 : index
    %get3A_369 = vector.load %arg1[%get3A_367, %get3A_368] : memref<12800x128xf32, #tpu.memory_space<vmem>>, vector<200x128xf32>
    %transpose3A_370 = tpu.transpose %get3A_369, [1, 0] : vector<200x128xf32> -> vector<128x200xf32>
    %swap3A_371 = arith.constant 37 : index
    %swap3A_372 = arith.constant 0 : index
    %swap3A_373 = arith.constant 0 : index
    %swap3A_374 = vector.load %arg3[%swap3A_371, %swap3A_372, %swap3A_373] : memref<64x128x200xf32, #tpu.memory_space<vmem>>, vector<1x128x200xf32>
    %swap3A_375 = vector.shape_cast %swap3A_374 : vector<1x128x200xf32> to vector<128x200xf32>
    %swap3A_376 = vector.shape_cast %transpose3A_370 : vector<128x200xf32> to vector<1x128x200xf32>
    tpu.vector_store %arg3[%swap3A_371, %swap3A_372, %swap3A_373], %swap3A_376 {strides = array<i32>} : memref<64x128x200xf32, #tpu.memory_space<vmem>>, vector<1x128x200xf32>,
    %get3A_377 = arith.constant 7600 : index
    %get3A_378 = arith.constant 0 : index
    %get3A_379 = vector.load %arg1[%get3A_377, %get3A_378] : memref<12800x128xf32, #tpu.memory_space<vmem>>, vector<200x128xf32>
    %transpose3A_380 = tpu.transpose %get3A_379, [1, 0] : vector<200x128xf32> -> vector<128x200xf32>
    %swap3A_381 = arith.constant 38 : index
    %swap3A_382 = arith.constant 0 : index
    %swap3A_383 = arith.constant 0 : index
    %swap3A_384 = vector.load %arg3[%swap3A_381, %swap3A_382, %swap3A_383] : memref<64x128x200xf32, #tpu.memory_space<vmem>>, vector<1x128x200xf32>
    %swap3A_385 = vector.shape_cast %swap3A_384 : vector<1x128x200xf32> to vector<128x200xf32>
    %swap3A_386 = vector.shape_cast %transpose3A_380 : vector<128x200xf32> to vector<1x128x200xf32>
    tpu.vector_store %arg3[%swap3A_381, %swap3A_382, %swap3A_383], %swap3A_386 {strides = array<i32>} : memref<64x128x200xf32, #tpu.memory_space<vmem>>, vector<1x128x200xf32>,
    %get3A_387 = arith.constant 7800 : index
    %get3A_388 = arith.constant 0 : index
    %get3A_389 = vector.load %arg1[%get3A_387, %get3A_388] : memref<12800x128xf32, #tpu.memory_space<vmem>>, vector<200x128xf32>
    %transpose3A_390 = tpu.transpose %get3A_389, [1, 0] : vector<200x128xf32> -> vector<128x200xf32>
    %swap3A_391 = arith.constant 39 : index
    %swap3A_392 = arith.constant 0 : index
    %swap3A_393 = arith.constant 0 : index
    %swap3A_394 = vector.load %arg3[%swap3A_391, %swap3A_392, %swap3A_393] : memref<64x128x200xf32, #tpu.memory_space<vmem>>, vector<1x128x200xf32>
    %swap3A_395 = vector.shape_cast %swap3A_394 : vector<1x128x200xf32> to vector<128x200xf32>
    %swap3A_396 = vector.shape_cast %transpose3A_390 : vector<128x200xf32> to vector<1x128x200xf32>
    tpu.vector_store %arg3[%swap3A_391, %swap3A_392, %swap3A_393], %swap3A_396 {strides = array<i32>} : memref<64x128x200xf32, #tpu.memory_space<vmem>>, vector<1x128x200xf32>,
    %get3A_397 = arith.constant 8000 : index
    %get3A_398 = arith.constant 0 : index
    %get3A_399 = vector.load %arg1[%get3A_397, %get3A_398] : memref<12800x128xf32, #tpu.memory_space<vmem>>, vector<200x128xf32>
    %transpose3A_400 = tpu.transpose %get3A_399, [1, 0] : vector<200x128xf32> -> vector<128x200xf32>
    %swap3A_401 = arith.constant 40 : index
    %swap3A_402 = arith.constant 0 : index
    %swap3A_403 = arith.constant 0 : index
    %swap3A_404 = vector.load %arg3[%swap3A_401, %swap3A_402, %swap3A_403] : memref<64x128x200xf32, #tpu.memory_space<vmem>>, vector<1x128x200xf32>
    %swap3A_405 = vector.shape_cast %swap3A_404 : vector<1x128x200xf32> to vector<128x200xf32>
    %swap3A_406 = vector.shape_cast %transpose3A_400 : vector<128x200xf32> to vector<1x128x200xf32>
    tpu.vector_store %arg3[%swap3A_401, %swap3A_402, %swap3A_403], %swap3A_406 {strides = array<i32>} : memref<64x128x200xf32, #tpu.memory_space<vmem>>, vector<1x128x200xf32>,
    %get3A_407 = arith.constant 8200 : index
    %get3A_408 = arith.constant 0 : index
    %get3A_409 = vector.load %arg1[%get3A_407, %get3A_408] : memref<12800x128xf32, #tpu.memory_space<vmem>>, vector<200x128xf32>
    %transpose3A_410 = tpu.transpose %get3A_409, [1, 0] : vector<200x128xf32> -> vector<128x200xf32>
    %swap3A_411 = arith.constant 41 : index
    %swap3A_412 = arith.constant 0 : index
    %swap3A_413 = arith.constant 0 : index
    %swap3A_414 = vector.load %arg3[%swap3A_411, %swap3A_412, %swap3A_413] : memref<64x128x200xf32, #tpu.memory_space<vmem>>, vector<1x128x200xf32>
    %swap3A_415 = vector.shape_cast %swap3A_414 : vector<1x128x200xf32> to vector<128x200xf32>
    %swap3A_416 = vector.shape_cast %transpose3A_410 : vector<128x200xf32> to vector<1x128x200xf32>
    tpu.vector_store %arg3[%swap3A_411, %swap3A_412, %swap3A_413], %swap3A_416 {strides = array<i32>} : memref<64x128x200xf32, #tpu.memory_space<vmem>>, vector<1x128x200xf32>,
    %get3A_417 = arith.constant 8400 : index
    %get3A_418 = arith.constant 0 : index
    %get3A_419 = vector.load %arg1[%get3A_417, %get3A_418] : memref<12800x128xf32, #tpu.memory_space<vmem>>, vector<200x128xf32>
    %transpose3A_420 = tpu.transpose %get3A_419, [1, 0] : vector<200x128xf32> -> vector<128x200xf32>
    %swap3A_421 = arith.constant 42 : index
    %swap3A_422 = arith.constant 0 : index
    %swap3A_423 = arith.constant 0 : index
    %swap3A_424 = vector.load %arg3[%swap3A_421, %swap3A_422, %swap3A_423] : memref<64x128x200xf32, #tpu.memory_space<vmem>>, vector<1x128x200xf32>
    %swap3A_425 = vector.shape_cast %swap3A_424 : vector<1x128x200xf32> to vector<128x200xf32>
    %swap3A_426 = vector.shape_cast %transpose3A_420 : vector<128x200xf32> to vector<1x128x200xf32>
    tpu.vector_store %arg3[%swap3A_421, %swap3A_422, %swap3A_423], %swap3A_426 {strides = array<i32>} : memref<64x128x200xf32, #tpu.memory_space<vmem>>, vector<1x128x200xf32>,
    %get3A_427 = arith.constant 8600 : index
    %get3A_428 = arith.constant 0 : index
    %get3A_429 = vector.load %arg1[%get3A_427, %get3A_428] : memref<12800x128xf32, #tpu.memory_space<vmem>>, vector<200x128xf32>
    %transpose3A_430 = tpu.transpose %get3A_429, [1, 0] : vector<200x128xf32> -> vector<128x200xf32>
    %swap3A_431 = arith.constant 43 : index
    %swap3A_432 = arith.constant 0 : index
    %swap3A_433 = arith.constant 0 : index
    %swap3A_434 = vector.load %arg3[%swap3A_431, %swap3A_432, %swap3A_433] : memref<64x128x200xf32, #tpu.memory_space<vmem>>, vector<1x128x200xf32>
    %swap3A_435 = vector.shape_cast %swap3A_434 : vector<1x128x200xf32> to vector<128x200xf32>
    %swap3A_436 = vector.shape_cast %transpose3A_430 : vector<128x200xf32> to vector<1x128x200xf32>
    tpu.vector_store %arg3[%swap3A_431, %swap3A_432, %swap3A_433], %swap3A_436 {strides = array<i32>} : memref<64x128x200xf32, #tpu.memory_space<vmem>>, vector<1x128x200xf32>,
    %get3A_437 = arith.constant 8800 : index
    %get3A_438 = arith.constant 0 : index
    %get3A_439 = vector.load %arg1[%get3A_437, %get3A_438] : memref<12800x128xf32, #tpu.memory_space<vmem>>, vector<200x128xf32>
    %transpose3A_440 = tpu.transpose %get3A_439, [1, 0] : vector<200x128xf32> -> vector<128x200xf32>
    %swap3A_441 = arith.constant 44 : index
    %swap3A_442 = arith.constant 0 : index
    %swap3A_443 = arith.constant 0 : index
    %swap3A_444 = vector.load %arg3[%swap3A_441, %swap3A_442, %swap3A_443] : memref<64x128x200xf32, #tpu.memory_space<vmem>>, vector<1x128x200xf32>
    %swap3A_445 = vector.shape_cast %swap3A_444 : vector<1x128x200xf32> to vector<128x200xf32>
    %swap3A_446 = vector.shape_cast %transpose3A_440 : vector<128x200xf32> to vector<1x128x200xf32>
    tpu.vector_store %arg3[%swap3A_441, %swap3A_442, %swap3A_443], %swap3A_446 {strides = array<i32>} : memref<64x128x200xf32, #tpu.memory_space<vmem>>, vector<1x128x200xf32>,
    %get3A_447 = arith.constant 9000 : index
    %get3A_448 = arith.constant 0 : index
    %get3A_449 = vector.load %arg1[%get3A_447, %get3A_448] : memref<12800x128xf32, #tpu.memory_space<vmem>>, vector<200x128xf32>
    %transpose3A_450 = tpu.transpose %get3A_449, [1, 0] : vector<200x128xf32> -> vector<128x200xf32>
    %swap3A_451 = arith.constant 45 : index
    %swap3A_452 = arith.constant 0 : index
    %swap3A_453 = arith.constant 0 : index
    %swap3A_454 = vector.load %arg3[%swap3A_451, %swap3A_452, %swap3A_453] : memref<64x128x200xf32, #tpu.memory_space<vmem>>, vector<1x128x200xf32>
    %swap3A_455 = vector.shape_cast %swap3A_454 : vector<1x128x200xf32> to vector<128x200xf32>
    %swap3A_456 = vector.shape_cast %transpose3A_450 : vector<128x200xf32> to vector<1x128x200xf32>
    tpu.vector_store %arg3[%swap3A_451, %swap3A_452, %swap3A_453], %swap3A_456 {strides = array<i32>} : memref<64x128x200xf32, #tpu.memory_space<vmem>>, vector<1x128x200xf32>,
    %get3A_457 = arith.constant 9200 : index
    %get3A_458 = arith.constant 0 : index
    %get3A_459 = vector.load %arg1[%get3A_457, %get3A_458] : memref<12800x128xf32, #tpu.memory_space<vmem>>, vector<200x128xf32>
    %transpose3A_460 = tpu.transpose %get3A_459, [1, 0] : vector<200x128xf32> -> vector<128x200xf32>
    %swap3A_461 = arith.constant 46 : index
    %swap3A_462 = arith.constant 0 : index
    %swap3A_463 = arith.constant 0 : index
    %swap3A_464 = vector.load %arg3[%swap3A_461, %swap3A_462, %swap3A_463] : memref<64x128x200xf32, #tpu.memory_space<vmem>>, vector<1x128x200xf32>
    %swap3A_465 = vector.shape_cast %swap3A_464 : vector<1x128x200xf32> to vector<128x200xf32>
    %swap3A_466 = vector.shape_cast %transpose3A_460 : vector<128x200xf32> to vector<1x128x200xf32>
    tpu.vector_store %arg3[%swap3A_461, %swap3A_462, %swap3A_463], %swap3A_466 {strides = array<i32>} : memref<64x128x200xf32, #tpu.memory_space<vmem>>, vector<1x128x200xf32>,
    %get3A_467 = arith.constant 9400 : index
    %get3A_468 = arith.constant 0 : index
    %get3A_469 = vector.load %arg1[%get3A_467, %get3A_468] : memref<12800x128xf32, #tpu.memory_space<vmem>>, vector<200x128xf32>
    %transpose3A_470 = tpu.transpose %get3A_469, [1, 0] : vector<200x128xf32> -> vector<128x200xf32>
    %swap3A_471 = arith.constant 47 : index
    %swap3A_472 = arith.constant 0 : index
    %swap3A_473 = arith.constant 0 : index
    %swap3A_474 = vector.load %arg3[%swap3A_471, %swap3A_472, %swap3A_473] : memref<64x128x200xf32, #tpu.memory_space<vmem>>, vector<1x128x200xf32>
    %swap3A_475 = vector.shape_cast %swap3A_474 : vector<1x128x200xf32> to vector<128x200xf32>
    %swap3A_476 = vector.shape_cast %transpose3A_470 : vector<128x200xf32> to vector<1x128x200xf32>
    tpu.vector_store %arg3[%swap3A_471, %swap3A_472, %swap3A_473], %swap3A_476 {strides = array<i32>} : memref<64x128x200xf32, #tpu.memory_space<vmem>>, vector<1x128x200xf32>,
    %get3A_477 = arith.constant 9600 : index
    %get3A_478 = arith.constant 0 : index
    %get3A_479 = vector.load %arg1[%get3A_477, %get3A_478] : memref<12800x128xf32, #tpu.memory_space<vmem>>, vector<200x128xf32>
    %transpose3A_480 = tpu.transpose %get3A_479, [1, 0] : vector<200x128xf32> -> vector<128x200xf32>
    %swap3A_481 = arith.constant 48 : index
    %swap3A_482 = arith.constant 0 : index
    %swap3A_483 = arith.constant 0 : index
    %swap3A_484 = vector.load %arg3[%swap3A_481, %swap3A_482, %swap3A_483] : memref<64x128x200xf32, #tpu.memory_space<vmem>>, vector<1x128x200xf32>
    %swap3A_485 = vector.shape_cast %swap3A_484 : vector<1x128x200xf32> to vector<128x200xf32>
    %swap3A_486 = vector.shape_cast %transpose3A_480 : vector<128x200xf32> to vector<1x128x200xf32>
    tpu.vector_store %arg3[%swap3A_481, %swap3A_482, %swap3A_483], %swap3A_486 {strides = array<i32>} : memref<64x128x200xf32, #tpu.memory_space<vmem>>, vector<1x128x200xf32>,
    %get3A_487 = arith.constant 9800 : index
    %get3A_488 = arith.constant 0 : index
    %get3A_489 = vector.load %arg1[%get3A_487, %get3A_488] : memref<12800x128xf32, #tpu.memory_space<vmem>>, vector<200x128xf32>
    %transpose3A_490 = tpu.transpose %get3A_489, [1, 0] : vector<200x128xf32> -> vector<128x200xf32>
    %swap3A_491 = arith.constant 49 : index
    %swap3A_492 = arith.constant 0 : index
    %swap3A_493 = arith.constant 0 : index
    %swap3A_494 = vector.load %arg3[%swap3A_491, %swap3A_492, %swap3A_493] : memref<64x128x200xf32, #tpu.memory_space<vmem>>, vector<1x128x200xf32>
    %swap3A_495 = vector.shape_cast %swap3A_494 : vector<1x128x200xf32> to vector<128x200xf32>
    %swap3A_496 = vector.shape_cast %transpose3A_490 : vector<128x200xf32> to vector<1x128x200xf32>
    tpu.vector_store %arg3[%swap3A_491, %swap3A_492, %swap3A_493], %swap3A_496 {strides = array<i32>} : memref<64x128x200xf32, #tpu.memory_space<vmem>>, vector<1x128x200xf32>,
    %get3A_497 = arith.constant 10000 : index
    %get3A_498 = arith.constant 0 : index
    %get3A_499 = vector.load %arg1[%get3A_497, %get3A_498] : memref<12800x128xf32, #tpu.memory_space<vmem>>, vector<200x128xf32>
    %transpose3A_500 = tpu.transpose %get3A_499, [1, 0] : vector<200x128xf32> -> vector<128x200xf32>
    %swap3A_501 = arith.constant 50 : index
    %swap3A_502 = arith.constant 0 : index
    %swap3A_503 = arith.constant 0 : index
    %swap3A_504 = vector.load %arg3[%swap3A_501, %swap3A_502, %swap3A_503] : memref<64x128x200xf32, #tpu.memory_space<vmem>>, vector<1x128x200xf32>
    %swap3A_505 = vector.shape_cast %swap3A_504 : vector<1x128x200xf32> to vector<128x200xf32>
    %swap3A_506 = vector.shape_cast %transpose3A_500 : vector<128x200xf32> to vector<1x128x200xf32>
    tpu.vector_store %arg3[%swap3A_501, %swap3A_502, %swap3A_503], %swap3A_506 {strides = array<i32>} : memref<64x128x200xf32, #tpu.memory_space<vmem>>, vector<1x128x200xf32>,
    %get3A_507 = arith.constant 10200 : index
    %get3A_508 = arith.constant 0 : index
    %get3A_509 = vector.load %arg1[%get3A_507, %get3A_508] : memref<12800x128xf32, #tpu.memory_space<vmem>>, vector<200x128xf32>
    %transpose3A_510 = tpu.transpose %get3A_509, [1, 0] : vector<200x128xf32> -> vector<128x200xf32>
    %swap3A_511 = arith.constant 51 : index
    %swap3A_512 = arith.constant 0 : index
    %swap3A_513 = arith.constant 0 : index
    %swap3A_514 = vector.load %arg3[%swap3A_511, %swap3A_512, %swap3A_513] : memref<64x128x200xf32, #tpu.memory_space<vmem>>, vector<1x128x200xf32>
    %swap3A_515 = vector.shape_cast %swap3A_514 : vector<1x128x200xf32> to vector<128x200xf32>
    %swap3A_516 = vector.shape_cast %transpose3A_510 : vector<128x200xf32> to vector<1x128x200xf32>
    tpu.vector_store %arg3[%swap3A_511, %swap3A_512, %swap3A_513], %swap3A_516 {strides = array<i32>} : memref<64x128x200xf32, #tpu.memory_space<vmem>>, vector<1x128x200xf32>,
    %get3A_517 = arith.constant 10400 : index
    %get3A_518 = arith.constant 0 : index
    %get3A_519 = vector.load %arg1[%get3A_517, %get3A_518] : memref<12800x128xf32, #tpu.memory_space<vmem>>, vector<200x128xf32>
    %transpose3A_520 = tpu.transpose %get3A_519, [1, 0] : vector<200x128xf32> -> vector<128x200xf32>
    %swap3A_521 = arith.constant 52 : index
    %swap3A_522 = arith.constant 0 : index
    %swap3A_523 = arith.constant 0 : index
    %swap3A_524 = vector.load %arg3[%swap3A_521, %swap3A_522, %swap3A_523] : memref<64x128x200xf32, #tpu.memory_space<vmem>>, vector<1x128x200xf32>
    %swap3A_525 = vector.shape_cast %swap3A_524 : vector<1x128x200xf32> to vector<128x200xf32>
    %swap3A_526 = vector.shape_cast %transpose3A_520 : vector<128x200xf32> to vector<1x128x200xf32>
    tpu.vector_store %arg3[%swap3A_521, %swap3A_522, %swap3A_523], %swap3A_526 {strides = array<i32>} : memref<64x128x200xf32, #tpu.memory_space<vmem>>, vector<1x128x200xf32>,
    %get3A_527 = arith.constant 10600 : index
    %get3A_528 = arith.constant 0 : index
    %get3A_529 = vector.load %arg1[%get3A_527, %get3A_528] : memref<12800x128xf32, #tpu.memory_space<vmem>>, vector<200x128xf32>
    %transpose3A_530 = tpu.transpose %get3A_529, [1, 0] : vector<200x128xf32> -> vector<128x200xf32>
    %swap3A_531 = arith.constant 53 : index
    %swap3A_532 = arith.constant 0 : index
    %swap3A_533 = arith.constant 0 : index
    %swap3A_534 = vector.load %arg3[%swap3A_531, %swap3A_532, %swap3A_533] : memref<64x128x200xf32, #tpu.memory_space<vmem>>, vector<1x128x200xf32>
    %swap3A_535 = vector.shape_cast %swap3A_534 : vector<1x128x200xf32> to vector<128x200xf32>
    %swap3A_536 = vector.shape_cast %transpose3A_530 : vector<128x200xf32> to vector<1x128x200xf32>
    tpu.vector_store %arg3[%swap3A_531, %swap3A_532, %swap3A_533], %swap3A_536 {strides = array<i32>} : memref<64x128x200xf32, #tpu.memory_space<vmem>>, vector<1x128x200xf32>,
    %get3A_537 = arith.constant 10800 : index
    %get3A_538 = arith.constant 0 : index
    %get3A_539 = vector.load %arg1[%get3A_537, %get3A_538] : memref<12800x128xf32, #tpu.memory_space<vmem>>, vector<200x128xf32>
    %transpose3A_540 = tpu.transpose %get3A_539, [1, 0] : vector<200x128xf32> -> vector<128x200xf32>
    %swap3A_541 = arith.constant 54 : index
    %swap3A_542 = arith.constant 0 : index
    %swap3A_543 = arith.constant 0 : index
    %swap3A_544 = vector.load %arg3[%swap3A_541, %swap3A_542, %swap3A_543] : memref<64x128x200xf32, #tpu.memory_space<vmem>>, vector<1x128x200xf32>
    %swap3A_545 = vector.shape_cast %swap3A_544 : vector<1x128x200xf32> to vector<128x200xf32>
    %swap3A_546 = vector.shape_cast %transpose3A_540 : vector<128x200xf32> to vector<1x128x200xf32>
    tpu.vector_store %arg3[%swap3A_541, %swap3A_542, %swap3A_543], %swap3A_546 {strides = array<i32>} : memref<64x128x200xf32, #tpu.memory_space<vmem>>, vector<1x128x200xf32>,
    %get3A_547 = arith.constant 11000 : index
    %get3A_548 = arith.constant 0 : index
    %get3A_549 = vector.load %arg1[%get3A_547, %get3A_548] : memref<12800x128xf32, #tpu.memory_space<vmem>>, vector<200x128xf32>
    %transpose3A_550 = tpu.transpose %get3A_549, [1, 0] : vector<200x128xf32> -> vector<128x200xf32>
    %swap3A_551 = arith.constant 55 : index
    %swap3A_552 = arith.constant 0 : index
    %swap3A_553 = arith.constant 0 : index
    %swap3A_554 = vector.load %arg3[%swap3A_551, %swap3A_552, %swap3A_553] : memref<64x128x200xf32, #tpu.memory_space<vmem>>, vector<1x128x200xf32>
    %swap3A_555 = vector.shape_cast %swap3A_554 : vector<1x128x200xf32> to vector<128x200xf32>
    %swap3A_556 = vector.shape_cast %transpose3A_550 : vector<128x200xf32> to vector<1x128x200xf32>
    tpu.vector_store %arg3[%swap3A_551, %swap3A_552, %swap3A_553], %swap3A_556 {strides = array<i32>} : memref<64x128x200xf32, #tpu.memory_space<vmem>>, vector<1x128x200xf32>,
    %get3A_557 = arith.constant 11200 : index
    %get3A_558 = arith.constant 0 : index
    %get3A_559 = vector.load %arg1[%get3A_557, %get3A_558] : memref<12800x128xf32, #tpu.memory_space<vmem>>, vector<200x128xf32>
    %transpose3A_560 = tpu.transpose %get3A_559, [1, 0] : vector<200x128xf32> -> vector<128x200xf32>
    %swap3A_561 = arith.constant 56 : index
    %swap3A_562 = arith.constant 0 : index
    %swap3A_563 = arith.constant 0 : index
    %swap3A_564 = vector.load %arg3[%swap3A_561, %swap3A_562, %swap3A_563] : memref<64x128x200xf32, #tpu.memory_space<vmem>>, vector<1x128x200xf32>
    %swap3A_565 = vector.shape_cast %swap3A_564 : vector<1x128x200xf32> to vector<128x200xf32>
    %swap3A_566 = vector.shape_cast %transpose3A_560 : vector<128x200xf32> to vector<1x128x200xf32>
    tpu.vector_store %arg3[%swap3A_561, %swap3A_562, %swap3A_563], %swap3A_566 {strides = array<i32>} : memref<64x128x200xf32, #tpu.memory_space<vmem>>, vector<1x128x200xf32>,
    %get3A_567 = arith.constant 11400 : index
    %get3A_568 = arith.constant 0 : index
    %get3A_569 = vector.load %arg1[%get3A_567, %get3A_568] : memref<12800x128xf32, #tpu.memory_space<vmem>>, vector<200x128xf32>
    %transpose3A_570 = tpu.transpose %get3A_569, [1, 0] : vector<200x128xf32> -> vector<128x200xf32>
    %swap3A_571 = arith.constant 57 : index
    %swap3A_572 = arith.constant 0 : index
    %swap3A_573 = arith.constant 0 : index
    %swap3A_574 = vector.load %arg3[%swap3A_571, %swap3A_572, %swap3A_573] : memref<64x128x200xf32, #tpu.memory_space<vmem>>, vector<1x128x200xf32>
    %swap3A_575 = vector.shape_cast %swap3A_574 : vector<1x128x200xf32> to vector<128x200xf32>
    %swap3A_576 = vector.shape_cast %transpose3A_570 : vector<128x200xf32> to vector<1x128x200xf32>
    tpu.vector_store %arg3[%swap3A_571, %swap3A_572, %swap3A_573], %swap3A_576 {strides = array<i32>} : memref<64x128x200xf32, #tpu.memory_space<vmem>>, vector<1x128x200xf32>,
    %get3A_577 = arith.constant 11600 : index
    %get3A_578 = arith.constant 0 : index
    %get3A_579 = vector.load %arg1[%get3A_577, %get3A_578] : memref<12800x128xf32, #tpu.memory_space<vmem>>, vector<200x128xf32>
    %transpose3A_580 = tpu.transpose %get3A_579, [1, 0] : vector<200x128xf32> -> vector<128x200xf32>
    %swap3A_581 = arith.constant 58 : index
    %swap3A_582 = arith.constant 0 : index
    %swap3A_583 = arith.constant 0 : index
    %swap3A_584 = vector.load %arg3[%swap3A_581, %swap3A_582, %swap3A_583] : memref<64x128x200xf32, #tpu.memory_space<vmem>>, vector<1x128x200xf32>
    %swap3A_585 = vector.shape_cast %swap3A_584 : vector<1x128x200xf32> to vector<128x200xf32>
    %swap3A_586 = vector.shape_cast %transpose3A_580 : vector<128x200xf32> to vector<1x128x200xf32>
    tpu.vector_store %arg3[%swap3A_581, %swap3A_582, %swap3A_583], %swap3A_586 {strides = array<i32>} : memref<64x128x200xf32, #tpu.memory_space<vmem>>, vector<1x128x200xf32>,
    %get3A_587 = arith.constant 11800 : index
    %get3A_588 = arith.constant 0 : index
    %get3A_589 = vector.load %arg1[%get3A_587, %get3A_588] : memref<12800x128xf32, #tpu.memory_space<vmem>>, vector<200x128xf32>
    %transpose3A_590 = tpu.transpose %get3A_589, [1, 0] : vector<200x128xf32> -> vector<128x200xf32>
    %swap3A_591 = arith.constant 59 : index
    %swap3A_592 = arith.constant 0 : index
    %swap3A_593 = arith.constant 0 : index
    %swap3A_594 = vector.load %arg3[%swap3A_591, %swap3A_592, %swap3A_593] : memref<64x128x200xf32, #tpu.memory_space<vmem>>, vector<1x128x200xf32>
    %swap3A_595 = vector.shape_cast %swap3A_594 : vector<1x128x200xf32> to vector<128x200xf32>
    %swap3A_596 = vector.shape_cast %transpose3A_590 : vector<128x200xf32> to vector<1x128x200xf32>
    tpu.vector_store %arg3[%swap3A_591, %swap3A_592, %swap3A_593], %swap3A_596 {strides = array<i32>} : memref<64x128x200xf32, #tpu.memory_space<vmem>>, vector<1x128x200xf32>,
    %get3A_597 = arith.constant 12000 : index
    %get3A_598 = arith.constant 0 : index
    %get3A_599 = vector.load %arg1[%get3A_597, %get3A_598] : memref<12800x128xf32, #tpu.memory_space<vmem>>, vector<200x128xf32>
    %transpose3A_600 = tpu.transpose %get3A_599, [1, 0] : vector<200x128xf32> -> vector<128x200xf32>
    %swap3A_601 = arith.constant 60 : index
    %swap3A_602 = arith.constant 0 : index
    %swap3A_603 = arith.constant 0 : index
    %swap3A_604 = vector.load %arg3[%swap3A_601, %swap3A_602, %swap3A_603] : memref<64x128x200xf32, #tpu.memory_space<vmem>>, vector<1x128x200xf32>
    %swap3A_605 = vector.shape_cast %swap3A_604 : vector<1x128x200xf32> to vector<128x200xf32>
    %swap3A_606 = vector.shape_cast %transpose3A_600 : vector<128x200xf32> to vector<1x128x200xf32>
    tpu.vector_store %arg3[%swap3A_601, %swap3A_602, %swap3A_603], %swap3A_606 {strides = array<i32>} : memref<64x128x200xf32, #tpu.memory_space<vmem>>, vector<1x128x200xf32>,
    %get3A_607 = arith.constant 12200 : index
    %get3A_608 = arith.constant 0 : index
    %get3A_609 = vector.load %arg1[%get3A_607, %get3A_608] : memref<12800x128xf32, #tpu.memory_space<vmem>>, vector<200x128xf32>
    %transpose3A_610 = tpu.transpose %get3A_609, [1, 0] : vector<200x128xf32> -> vector<128x200xf32>
    %swap3A_611 = arith.constant 61 : index
    %swap3A_612 = arith.constant 0 : index
    %swap3A_613 = arith.constant 0 : index
    %swap3A_614 = vector.load %arg3[%swap3A_611, %swap3A_612, %swap3A_613] : memref<64x128x200xf32, #tpu.memory_space<vmem>>, vector<1x128x200xf32>
    %swap3A_615 = vector.shape_cast %swap3A_614 : vector<1x128x200xf32> to vector<128x200xf32>
    %swap3A_616 = vector.shape_cast %transpose3A_610 : vector<128x200xf32> to vector<1x128x200xf32>
    tpu.vector_store %arg3[%swap3A_611, %swap3A_612, %swap3A_613], %swap3A_616 {strides = array<i32>} : memref<64x128x200xf32, #tpu.memory_space<vmem>>, vector<1x128x200xf32>,
    %get3A_617 = arith.constant 12400 : index
    %get3A_618 = arith.constant 0 : index
    %get3A_619 = vector.load %arg1[%get3A_617, %get3A_618] : memref<12800x128xf32, #tpu.memory_space<vmem>>, vector<200x128xf32>
    %transpose3A_620 = tpu.transpose %get3A_619, [1, 0] : vector<200x128xf32> -> vector<128x200xf32>
    %swap3A_621 = arith.constant 62 : index
    %swap3A_622 = arith.constant 0 : index
    %swap3A_623 = arith.constant 0 : index
    %swap3A_624 = vector.load %arg3[%swap3A_621, %swap3A_622, %swap3A_623] : memref<64x128x200xf32, #tpu.memory_space<vmem>>, vector<1x128x200xf32>
    %swap3A_625 = vector.shape_cast %swap3A_624 : vector<1x128x200xf32> to vector<128x200xf32>
    %swap3A_626 = vector.shape_cast %transpose3A_620 : vector<128x200xf32> to vector<1x128x200xf32>
    tpu.vector_store %arg3[%swap3A_621, %swap3A_622, %swap3A_623], %swap3A_626 {strides = array<i32>} : memref<64x128x200xf32, #tpu.memory_space<vmem>>, vector<1x128x200xf32>,
    %get3A_627 = arith.constant 12600 : index
    %get3A_628 = arith.constant 0 : index
    %get3A_629 = vector.load %arg1[%get3A_627, %get3A_628] : memref<12800x128xf32, #tpu.memory_space<vmem>>, vector<200x128xf32>
    %transpose3A_630 = tpu.transpose %get3A_629, [1, 0] : vector<200x128xf32> -> vector<128x200xf32>
    %swap3A_631 = arith.constant 63 : index
    %swap3A_632 = arith.constant 0 : index
    %swap3A_633 = arith.constant 0 : index
    %swap3A_634 = vector.load %arg3[%swap3A_631, %swap3A_632, %swap3A_633] : memref<64x128x200xf32, #tpu.memory_space<vmem>>, vector<1x128x200xf32>
    %swap3A_635 = vector.shape_cast %swap3A_634 : vector<1x128x200xf32> to vector<128x200xf32>
    %swap3A_636 = vector.shape_cast %transpose3A_630 : vector<128x200xf32> to vector<1x128x200xf32>
    tpu.vector_store %arg3[%swap3A_631, %swap3A_632, %swap3A_633], %swap3A_636 {strides = array<i32>} : memref<64x128x200xf32, #tpu.memory_space<vmem>>, vector<1x128x200xf32>,
    return
  }
  func.func @transform_0(%arg0: i32) -> (i32, i32) {
    %c0_i32 = arith.constant 0 : i32
    %c0_i32_0 = arith.constant 0 : i32
    return %arg0, %c0_i32 : i32, i32
  }
  func.func @transform_2(%arg0: i32) -> (i32, i32, i32) {
    %add3A = arith.constant 32 : i32
    %add3A_0 = arith.addi %add3A, %arg0 : i32
    %c0_i32 = arith.constant 0 : i32
    %c0_i32_1 = arith.constant 0 : i32
    %c0_i32_2 = arith.constant 0 : i32
    return %add3A_0, %c0_i32, %c0_i32_1 : i32, i32, i32
  }
}

module attributes {stable_mosaic.version = 14 : i64} {
  func.func @_tr_body_chained(%arg0: i32, %arg1: memref<12800x128xf32, #tpu.memory_space<vmem>>, %arg2: memref<4096x128x200xf32, #tpu.memory_space<any>>, %arg3: memref<64x128x200xf32, #tpu.memory_space<vmem>>) attributes {dimension_semantics = [#tpu.dimension_semantics<arbitrary>], iteration_bounds = array<i64: 16>, scalar_prefetch = 0 : i64, scratch_operands = 0 : i64, tpu.core_type = #tpu.core_type<tc>, window_params = [{transform_indices = @transform_0, window_bounds = array<i64: 12800, 128>}, {}, {transform_indices = @transform_2, window_bounds = array<i64: 64, 128, 200>}]} {
    %get3A = arith.constant 0 : index
    %get3A_0 = arith.constant 0 : index
    %get3A_1 = vector.load %arg1[%get3A, %get3A_0] : memref<12800x128xf32, #tpu.memory_space<vmem>>, vector<200x128xf32>
    %transpose3A = tpu.transpose %get3A_1, [1, 0] : vector<200x128xf32> -> vector<128x200xf32>
    %swap3A = arith.constant 0 : index
    %swap3A_2 = arith.constant 0 : index
    %swap3A_3 = arith.constant 0 : index
    %swap3A_4 = vector.load %arg3[%swap3A, %swap3A_2, %swap3A_3] : memref<64x128x200xf32, #tpu.memory_space<vmem>>, vector<1x128x200xf32>
    %swap3A_5 = vector.shape_cast %swap3A_4 : vector<1x128x200xf32> to vector<128x200xf32>
    %swap3A_6 = vector.shape_cast %transpose3A : vector<128x200xf32> to vector<1x128x200xf32>
    tpu.vector_store %arg3[%swap3A, %swap3A_2, %swap3A_3], %swap3A_6 {strides = array<i32>} : memref<64x128x200xf32, #tpu.memory_space<vmem>>, vector<1x128x200xf32>,
    %get3A_7 = arith.constant 200 : index
    %get3A_8 = arith.constant 0 : index
    %get3A_9 = vector.load %arg1[%get3A_7, %get3A_8] : memref<12800x128xf32, #tpu.memory_space<vmem>>, vector<200x128xf32>
    %transpose3A_10 = tpu.transpose %get3A_9, [1, 0] : vector<200x128xf32> -> vector<128x200xf32>
    %swap3A_11 = arith.constant 1 : index
    %swap3A_12 = arith.constant 0 : index
    %swap3A_13 = arith.constant 0 : index
    %swap3A_14 = vector.load %arg3[%swap3A_11, %swap3A_12, %swap3A_13] : memref<64x128x200xf32, #tpu.memory_space<vmem>>, vector<1x128x200xf32>
    %swap3A_15 = vector.shape_cast %swap3A_14 : vector<1x128x200xf32> to vector<128x200xf32>
    %swap3A_16 = vector.shape_cast %transpose3A_10 : vector<128x200xf32> to vector<1x128x200xf32>
    tpu.vector_store %arg3[%swap3A_11, %swap3A_12, %swap3A_13], %swap3A_16 {strides = array<i32>} : memref<64x128x200xf32, #tpu.memory_space<vmem>>, vector<1x128x200xf32>,
    %get3A_17 = arith.constant 400 : index
    %get3A_18 = arith.constant 0 : index
    %get3A_19 = vector.load %arg1[%get3A_17, %get3A_18] : memref<12800x128xf32, #tpu.memory_space<vmem>>, vector<200x128xf32>
    %transpose3A_20 = tpu.transpose %get3A_19, [1, 0] : vector<200x128xf32> -> vector<128x200xf32>
    %swap3A_21 = arith.constant 2 : index
    %swap3A_22 = arith.constant 0 : index
    %swap3A_23 = arith.constant 0 : index
    %swap3A_24 = vector.load %arg3[%swap3A_21, %swap3A_22, %swap3A_23] : memref<64x128x200xf32, #tpu.memory_space<vmem>>, vector<1x128x200xf32>
    %swap3A_25 = vector.shape_cast %swap3A_24 : vector<1x128x200xf32> to vector<128x200xf32>
    %swap3A_26 = vector.shape_cast %transpose3A_20 : vector<128x200xf32> to vector<1x128x200xf32>
    tpu.vector_store %arg3[%swap3A_21, %swap3A_22, %swap3A_23], %swap3A_26 {strides = array<i32>} : memref<64x128x200xf32, #tpu.memory_space<vmem>>, vector<1x128x200xf32>,
    %get3A_27 = arith.constant 600 : index
    %get3A_28 = arith.constant 0 : index
    %get3A_29 = vector.load %arg1[%get3A_27, %get3A_28] : memref<12800x128xf32, #tpu.memory_space<vmem>>, vector<200x128xf32>
    %transpose3A_30 = tpu.transpose %get3A_29, [1, 0] : vector<200x128xf32> -> vector<128x200xf32>
    %swap3A_31 = arith.constant 3 : index
    %swap3A_32 = arith.constant 0 : index
    %swap3A_33 = arith.constant 0 : index
    %swap3A_34 = vector.load %arg3[%swap3A_31, %swap3A_32, %swap3A_33] : memref<64x128x200xf32, #tpu.memory_space<vmem>>, vector<1x128x200xf32>
    %swap3A_35 = vector.shape_cast %swap3A_34 : vector<1x128x200xf32> to vector<128x200xf32>
    %swap3A_36 = vector.shape_cast %transpose3A_30 : vector<128x200xf32> to vector<1x128x200xf32>
    tpu.vector_store %arg3[%swap3A_31, %swap3A_32, %swap3A_33], %swap3A_36 {strides = array<i32>} : memref<64x128x200xf32, #tpu.memory_space<vmem>>, vector<1x128x200xf32>,
    %get3A_37 = arith.constant 800 : index
    %get3A_38 = arith.constant 0 : index
    %get3A_39 = vector.load %arg1[%get3A_37, %get3A_38] : memref<12800x128xf32, #tpu.memory_space<vmem>>, vector<200x128xf32>
    %transpose3A_40 = tpu.transpose %get3A_39, [1, 0] : vector<200x128xf32> -> vector<128x200xf32>
    %swap3A_41 = arith.constant 4 : index
    %swap3A_42 = arith.constant 0 : index
    %swap3A_43 = arith.constant 0 : index
    %swap3A_44 = vector.load %arg3[%swap3A_41, %swap3A_42, %swap3A_43] : memref<64x128x200xf32, #tpu.memory_space<vmem>>, vector<1x128x200xf32>
    %swap3A_45 = vector.shape_cast %swap3A_44 : vector<1x128x200xf32> to vector<128x200xf32>
    %swap3A_46 = vector.shape_cast %transpose3A_40 : vector<128x200xf32> to vector<1x128x200xf32>
    tpu.vector_store %arg3[%swap3A_41, %swap3A_42, %swap3A_43], %swap3A_46 {strides = array<i32>} : memref<64x128x200xf32, #tpu.memory_space<vmem>>, vector<1x128x200xf32>,
    %get3A_47 = arith.constant 1000 : index
    %get3A_48 = arith.constant 0 : index
    %get3A_49 = vector.load %arg1[%get3A_47, %get3A_48] : memref<12800x128xf32, #tpu.memory_space<vmem>>, vector<200x128xf32>
    %transpose3A_50 = tpu.transpose %get3A_49, [1, 0] : vector<200x128xf32> -> vector<128x200xf32>
    %swap3A_51 = arith.constant 5 : index
    %swap3A_52 = arith.constant 0 : index
    %swap3A_53 = arith.constant 0 : index
    %swap3A_54 = vector.load %arg3[%swap3A_51, %swap3A_52, %swap3A_53] : memref<64x128x200xf32, #tpu.memory_space<vmem>>, vector<1x128x200xf32>
    %swap3A_55 = vector.shape_cast %swap3A_54 : vector<1x128x200xf32> to vector<128x200xf32>
    %swap3A_56 = vector.shape_cast %transpose3A_50 : vector<128x200xf32> to vector<1x128x200xf32>
    tpu.vector_store %arg3[%swap3A_51, %swap3A_52, %swap3A_53], %swap3A_56 {strides = array<i32>} : memref<64x128x200xf32, #tpu.memory_space<vmem>>, vector<1x128x200xf32>,
    %get3A_57 = arith.constant 1200 : index
    %get3A_58 = arith.constant 0 : index
    %get3A_59 = vector.load %arg1[%get3A_57, %get3A_58] : memref<12800x128xf32, #tpu.memory_space<vmem>>, vector<200x128xf32>
    %transpose3A_60 = tpu.transpose %get3A_59, [1, 0] : vector<200x128xf32> -> vector<128x200xf32>
    %swap3A_61 = arith.constant 6 : index
    %swap3A_62 = arith.constant 0 : index
    %swap3A_63 = arith.constant 0 : index
    %swap3A_64 = vector.load %arg3[%swap3A_61, %swap3A_62, %swap3A_63] : memref<64x128x200xf32, #tpu.memory_space<vmem>>, vector<1x128x200xf32>
    %swap3A_65 = vector.shape_cast %swap3A_64 : vector<1x128x200xf32> to vector<128x200xf32>
    %swap3A_66 = vector.shape_cast %transpose3A_60 : vector<128x200xf32> to vector<1x128x200xf32>
    tpu.vector_store %arg3[%swap3A_61, %swap3A_62, %swap3A_63], %swap3A_66 {strides = array<i32>} : memref<64x128x200xf32, #tpu.memory_space<vmem>>, vector<1x128x200xf32>,
    %get3A_67 = arith.constant 1400 : index
    %get3A_68 = arith.constant 0 : index
    %get3A_69 = vector.load %arg1[%get3A_67, %get3A_68] : memref<12800x128xf32, #tpu.memory_space<vmem>>, vector<200x128xf32>
    %transpose3A_70 = tpu.transpose %get3A_69, [1, 0] : vector<200x128xf32> -> vector<128x200xf32>
    %swap3A_71 = arith.constant 7 : index
    %swap3A_72 = arith.constant 0 : index
    %swap3A_73 = arith.constant 0 : index
    %swap3A_74 = vector.load %arg3[%swap3A_71, %swap3A_72, %swap3A_73] : memref<64x128x200xf32, #tpu.memory_space<vmem>>, vector<1x128x200xf32>
    %swap3A_75 = vector.shape_cast %swap3A_74 : vector<1x128x200xf32> to vector<128x200xf32>
    %swap3A_76 = vector.shape_cast %transpose3A_70 : vector<128x200xf32> to vector<1x128x200xf32>
    tpu.vector_store %arg3[%swap3A_71, %swap3A_72, %swap3A_73], %swap3A_76 {strides = array<i32>} : memref<64x128x200xf32, #tpu.memory_space<vmem>>, vector<1x128x200xf32>,
    %get3A_77 = arith.constant 1600 : index
    %get3A_78 = arith.constant 0 : index
    %get3A_79 = vector.load %arg1[%get3A_77, %get3A_78] : memref<12800x128xf32, #tpu.memory_space<vmem>>, vector<200x128xf32>
    %transpose3A_80 = tpu.transpose %get3A_79, [1, 0] : vector<200x128xf32> -> vector<128x200xf32>
    %swap3A_81 = arith.constant 8 : index
    %swap3A_82 = arith.constant 0 : index
    %swap3A_83 = arith.constant 0 : index
    %swap3A_84 = vector.load %arg3[%swap3A_81, %swap3A_82, %swap3A_83] : memref<64x128x200xf32, #tpu.memory_space<vmem>>, vector<1x128x200xf32>
    %swap3A_85 = vector.shape_cast %swap3A_84 : vector<1x128x200xf32> to vector<128x200xf32>
    %swap3A_86 = vector.shape_cast %transpose3A_80 : vector<128x200xf32> to vector<1x128x200xf32>
    tpu.vector_store %arg3[%swap3A_81, %swap3A_82, %swap3A_83], %swap3A_86 {strides = array<i32>} : memref<64x128x200xf32, #tpu.memory_space<vmem>>, vector<1x128x200xf32>,
    %get3A_87 = arith.constant 1800 : index
    %get3A_88 = arith.constant 0 : index
    %get3A_89 = vector.load %arg1[%get3A_87, %get3A_88] : memref<12800x128xf32, #tpu.memory_space<vmem>>, vector<200x128xf32>
    %transpose3A_90 = tpu.transpose %get3A_89, [1, 0] : vector<200x128xf32> -> vector<128x200xf32>
    %swap3A_91 = arith.constant 9 : index
    %swap3A_92 = arith.constant 0 : index
    %swap3A_93 = arith.constant 0 : index
    %swap3A_94 = vector.load %arg3[%swap3A_91, %swap3A_92, %swap3A_93] : memref<64x128x200xf32, #tpu.memory_space<vmem>>, vector<1x128x200xf32>
    %swap3A_95 = vector.shape_cast %swap3A_94 : vector<1x128x200xf32> to vector<128x200xf32>
    %swap3A_96 = vector.shape_cast %transpose3A_90 : vector<128x200xf32> to vector<1x128x200xf32>
    tpu.vector_store %arg3[%swap3A_91, %swap3A_92, %swap3A_93], %swap3A_96 {strides = array<i32>} : memref<64x128x200xf32, #tpu.memory_space<vmem>>, vector<1x128x200xf32>,
    %get3A_97 = arith.constant 2000 : index
    %get3A_98 = arith.constant 0 : index
    %get3A_99 = vector.load %arg1[%get3A_97, %get3A_98] : memref<12800x128xf32, #tpu.memory_space<vmem>>, vector<200x128xf32>
    %transpose3A_100 = tpu.transpose %get3A_99, [1, 0] : vector<200x128xf32> -> vector<128x200xf32>
    %swap3A_101 = arith.constant 10 : index
    %swap3A_102 = arith.constant 0 : index
    %swap3A_103 = arith.constant 0 : index
    %swap3A_104 = vector.load %arg3[%swap3A_101, %swap3A_102, %swap3A_103] : memref<64x128x200xf32, #tpu.memory_space<vmem>>, vector<1x128x200xf32>
    %swap3A_105 = vector.shape_cast %swap3A_104 : vector<1x128x200xf32> to vector<128x200xf32>
    %swap3A_106 = vector.shape_cast %transpose3A_100 : vector<128x200xf32> to vector<1x128x200xf32>
    tpu.vector_store %arg3[%swap3A_101, %swap3A_102, %swap3A_103], %swap3A_106 {strides = array<i32>} : memref<64x128x200xf32, #tpu.memory_space<vmem>>, vector<1x128x200xf32>,
    %get3A_107 = arith.constant 2200 : index
    %get3A_108 = arith.constant 0 : index
    %get3A_109 = vector.load %arg1[%get3A_107, %get3A_108] : memref<12800x128xf32, #tpu.memory_space<vmem>>, vector<200x128xf32>
    %transpose3A_110 = tpu.transpose %get3A_109, [1, 0] : vector<200x128xf32> -> vector<128x200xf32>
    %swap3A_111 = arith.constant 11 : index
    %swap3A_112 = arith.constant 0 : index
    %swap3A_113 = arith.constant 0 : index
    %swap3A_114 = vector.load %arg3[%swap3A_111, %swap3A_112, %swap3A_113] : memref<64x128x200xf32, #tpu.memory_space<vmem>>, vector<1x128x200xf32>
    %swap3A_115 = vector.shape_cast %swap3A_114 : vector<1x128x200xf32> to vector<128x200xf32>
    %swap3A_116 = vector.shape_cast %transpose3A_110 : vector<128x200xf32> to vector<1x128x200xf32>
    tpu.vector_store %arg3[%swap3A_111, %swap3A_112, %swap3A_113], %swap3A_116 {strides = array<i32>} : memref<64x128x200xf32, #tpu.memory_space<vmem>>, vector<1x128x200xf32>,
    %get3A_117 = arith.constant 2400 : index
    %get3A_118 = arith.constant 0 : index
    %get3A_119 = vector.load %arg1[%get3A_117, %get3A_118] : memref<12800x128xf32, #tpu.memory_space<vmem>>, vector<200x128xf32>
    %transpose3A_120 = tpu.transpose %get3A_119, [1, 0] : vector<200x128xf32> -> vector<128x200xf32>
    %swap3A_121 = arith.constant 12 : index
    %swap3A_122 = arith.constant 0 : index
    %swap3A_123 = arith.constant 0 : index
    %swap3A_124 = vector.load %arg3[%swap3A_121, %swap3A_122, %swap3A_123] : memref<64x128x200xf32, #tpu.memory_space<vmem>>, vector<1x128x200xf32>
    %swap3A_125 = vector.shape_cast %swap3A_124 : vector<1x128x200xf32> to vector<128x200xf32>
    %swap3A_126 = vector.shape_cast %transpose3A_120 : vector<128x200xf32> to vector<1x128x200xf32>
    tpu.vector_store %arg3[%swap3A_121, %swap3A_122, %swap3A_123], %swap3A_126 {strides = array<i32>} : memref<64x128x200xf32, #tpu.memory_space<vmem>>, vector<1x128x200xf32>,
    %get3A_127 = arith.constant 2600 : index
    %get3A_128 = arith.constant 0 : index
    %get3A_129 = vector.load %arg1[%get3A_127, %get3A_128] : memref<12800x128xf32, #tpu.memory_space<vmem>>, vector<200x128xf32>
    %transpose3A_130 = tpu.transpose %get3A_129, [1, 0] : vector<200x128xf32> -> vector<128x200xf32>
    %swap3A_131 = arith.constant 13 : index
    %swap3A_132 = arith.constant 0 : index
    %swap3A_133 = arith.constant 0 : index
    %swap3A_134 = vector.load %arg3[%swap3A_131, %swap3A_132, %swap3A_133] : memref<64x128x200xf32, #tpu.memory_space<vmem>>, vector<1x128x200xf32>
    %swap3A_135 = vector.shape_cast %swap3A_134 : vector<1x128x200xf32> to vector<128x200xf32>
    %swap3A_136 = vector.shape_cast %transpose3A_130 : vector<128x200xf32> to vector<1x128x200xf32>
    tpu.vector_store %arg3[%swap3A_131, %swap3A_132, %swap3A_133], %swap3A_136 {strides = array<i32>} : memref<64x128x200xf32, #tpu.memory_space<vmem>>, vector<1x128x200xf32>,
    %get3A_137 = arith.constant 2800 : index
    %get3A_138 = arith.constant 0 : index
    %get3A_139 = vector.load %arg1[%get3A_137, %get3A_138] : memref<12800x128xf32, #tpu.memory_space<vmem>>, vector<200x128xf32>
    %transpose3A_140 = tpu.transpose %get3A_139, [1, 0] : vector<200x128xf32> -> vector<128x200xf32>
    %swap3A_141 = arith.constant 14 : index
    %swap3A_142 = arith.constant 0 : index
    %swap3A_143 = arith.constant 0 : index
    %swap3A_144 = vector.load %arg3[%swap3A_141, %swap3A_142, %swap3A_143] : memref<64x128x200xf32, #tpu.memory_space<vmem>>, vector<1x128x200xf32>
    %swap3A_145 = vector.shape_cast %swap3A_144 : vector<1x128x200xf32> to vector<128x200xf32>
    %swap3A_146 = vector.shape_cast %transpose3A_140 : vector<128x200xf32> to vector<1x128x200xf32>
    tpu.vector_store %arg3[%swap3A_141, %swap3A_142, %swap3A_143], %swap3A_146 {strides = array<i32>} : memref<64x128x200xf32, #tpu.memory_space<vmem>>, vector<1x128x200xf32>,
    %get3A_147 = arith.constant 3000 : index
    %get3A_148 = arith.constant 0 : index
    %get3A_149 = vector.load %arg1[%get3A_147, %get3A_148] : memref<12800x128xf32, #tpu.memory_space<vmem>>, vector<200x128xf32>
    %transpose3A_150 = tpu.transpose %get3A_149, [1, 0] : vector<200x128xf32> -> vector<128x200xf32>
    %swap3A_151 = arith.constant 15 : index
    %swap3A_152 = arith.constant 0 : index
    %swap3A_153 = arith.constant 0 : index
    %swap3A_154 = vector.load %arg3[%swap3A_151, %swap3A_152, %swap3A_153] : memref<64x128x200xf32, #tpu.memory_space<vmem>>, vector<1x128x200xf32>
    %swap3A_155 = vector.shape_cast %swap3A_154 : vector<1x128x200xf32> to vector<128x200xf32>
    %swap3A_156 = vector.shape_cast %transpose3A_150 : vector<128x200xf32> to vector<1x128x200xf32>
    tpu.vector_store %arg3[%swap3A_151, %swap3A_152, %swap3A_153], %swap3A_156 {strides = array<i32>} : memref<64x128x200xf32, #tpu.memory_space<vmem>>, vector<1x128x200xf32>,
    %get3A_157 = arith.constant 3200 : index
    %get3A_158 = arith.constant 0 : index
    %get3A_159 = vector.load %arg1[%get3A_157, %get3A_158] : memref<12800x128xf32, #tpu.memory_space<vmem>>, vector<200x128xf32>
    %transpose3A_160 = tpu.transpose %get3A_159, [1, 0] : vector<200x128xf32> -> vector<128x200xf32>
    %swap3A_161 = arith.constant 16 : index
    %swap3A_162 = arith.constant 0 : index
    %swap3A_163 = arith.constant 0 : index
    %swap3A_164 = vector.load %arg3[%swap3A_161, %swap3A_162, %swap3A_163] : memref<64x128x200xf32, #tpu.memory_space<vmem>>, vector<1x128x200xf32>
    %swap3A_165 = vector.shape_cast %swap3A_164 : vector<1x128x200xf32> to vector<128x200xf32>
    %swap3A_166 = vector.shape_cast %transpose3A_160 : vector<128x200xf32> to vector<1x128x200xf32>
    tpu.vector_store %arg3[%swap3A_161, %swap3A_162, %swap3A_163], %swap3A_166 {strides = array<i32>} : memref<64x128x200xf32, #tpu.memory_space<vmem>>, vector<1x128x200xf32>,
    %get3A_167 = arith.constant 3400 : index
    %get3A_168 = arith.constant 0 : index
    %get3A_169 = vector.load %arg1[%get3A_167, %get3A_168] : memref<12800x128xf32, #tpu.memory_space<vmem>>, vector<200x128xf32>
    %transpose3A_170 = tpu.transpose %get3A_169, [1, 0] : vector<200x128xf32> -> vector<128x200xf32>
    %swap3A_171 = arith.constant 17 : index
    %swap3A_172 = arith.constant 0 : index
    %swap3A_173 = arith.constant 0 : index
    %swap3A_174 = vector.load %arg3[%swap3A_171, %swap3A_172, %swap3A_173] : memref<64x128x200xf32, #tpu.memory_space<vmem>>, vector<1x128x200xf32>
    %swap3A_175 = vector.shape_cast %swap3A_174 : vector<1x128x200xf32> to vector<128x200xf32>
    %swap3A_176 = vector.shape_cast %transpose3A_170 : vector<128x200xf32> to vector<1x128x200xf32>
    tpu.vector_store %arg3[%swap3A_171, %swap3A_172, %swap3A_173], %swap3A_176 {strides = array<i32>} : memref<64x128x200xf32, #tpu.memory_space<vmem>>, vector<1x128x200xf32>,
    %get3A_177 = arith.constant 3600 : index
    %get3A_178 = arith.constant 0 : index
    %get3A_179 = vector.load %arg1[%get3A_177, %get3A_178] : memref<12800x128xf32, #tpu.memory_space<vmem>>, vector<200x128xf32>
    %transpose3A_180 = tpu.transpose %get3A_179, [1, 0] : vector<200x128xf32> -> vector<128x200xf32>
    %swap3A_181 = arith.constant 18 : index
    %swap3A_182 = arith.constant 0 : index
    %swap3A_183 = arith.constant 0 : index
    %swap3A_184 = vector.load %arg3[%swap3A_181, %swap3A_182, %swap3A_183] : memref<64x128x200xf32, #tpu.memory_space<vmem>>, vector<1x128x200xf32>
    %swap3A_185 = vector.shape_cast %swap3A_184 : vector<1x128x200xf32> to vector<128x200xf32>
    %swap3A_186 = vector.shape_cast %transpose3A_180 : vector<128x200xf32> to vector<1x128x200xf32>
    tpu.vector_store %arg3[%swap3A_181, %swap3A_182, %swap3A_183], %swap3A_186 {strides = array<i32>} : memref<64x128x200xf32, #tpu.memory_space<vmem>>, vector<1x128x200xf32>,
    %get3A_187 = arith.constant 3800 : index
    %get3A_188 = arith.constant 0 : index
    %get3A_189 = vector.load %arg1[%get3A_187, %get3A_188] : memref<12800x128xf32, #tpu.memory_space<vmem>>, vector<200x128xf32>
    %transpose3A_190 = tpu.transpose %get3A_189, [1, 0] : vector<200x128xf32> -> vector<128x200xf32>
    %swap3A_191 = arith.constant 19 : index
    %swap3A_192 = arith.constant 0 : index
    %swap3A_193 = arith.constant 0 : index
    %swap3A_194 = vector.load %arg3[%swap3A_191, %swap3A_192, %swap3A_193] : memref<64x128x200xf32, #tpu.memory_space<vmem>>, vector<1x128x200xf32>
    %swap3A_195 = vector.shape_cast %swap3A_194 : vector<1x128x200xf32> to vector<128x200xf32>
    %swap3A_196 = vector.shape_cast %transpose3A_190 : vector<128x200xf32> to vector<1x128x200xf32>
    tpu.vector_store %arg3[%swap3A_191, %swap3A_192, %swap3A_193], %swap3A_196 {strides = array<i32>} : memref<64x128x200xf32, #tpu.memory_space<vmem>>, vector<1x128x200xf32>,
    %get3A_197 = arith.constant 4000 : index
    %get3A_198 = arith.constant 0 : index
    %get3A_199 = vector.load %arg1[%get3A_197, %get3A_198] : memref<12800x128xf32, #tpu.memory_space<vmem>>, vector<200x128xf32>
    %transpose3A_200 = tpu.transpose %get3A_199, [1, 0] : vector<200x128xf32> -> vector<128x200xf32>
    %swap3A_201 = arith.constant 20 : index
    %swap3A_202 = arith.constant 0 : index
    %swap3A_203 = arith.constant 0 : index
    %swap3A_204 = vector.load %arg3[%swap3A_201, %swap3A_202, %swap3A_203] : memref<64x128x200xf32, #tpu.memory_space<vmem>>, vector<1x128x200xf32>
    %swap3A_205 = vector.shape_cast %swap3A_204 : vector<1x128x200xf32> to vector<128x200xf32>
    %swap3A_206 = vector.shape_cast %transpose3A_200 : vector<128x200xf32> to vector<1x128x200xf32>
    tpu.vector_store %arg3[%swap3A_201, %swap3A_202, %swap3A_203], %swap3A_206 {strides = array<i32>} : memref<64x128x200xf32, #tpu.memory_space<vmem>>, vector<1x128x200xf32>,
    %get3A_207 = arith.constant 4200 : index
    %get3A_208 = arith.constant 0 : index
    %get3A_209 = vector.load %arg1[%get3A_207, %get3A_208] : memref<12800x128xf32, #tpu.memory_space<vmem>>, vector<200x128xf32>
    %transpose3A_210 = tpu.transpose %get3A_209, [1, 0] : vector<200x128xf32> -> vector<128x200xf32>
    %swap3A_211 = arith.constant 21 : index
    %swap3A_212 = arith.constant 0 : index
    %swap3A_213 = arith.constant 0 : index
    %swap3A_214 = vector.load %arg3[%swap3A_211, %swap3A_212, %swap3A_213] : memref<64x128x200xf32, #tpu.memory_space<vmem>>, vector<1x128x200xf32>
    %swap3A_215 = vector.shape_cast %swap3A_214 : vector<1x128x200xf32> to vector<128x200xf32>
    %swap3A_216 = vector.shape_cast %transpose3A_210 : vector<128x200xf32> to vector<1x128x200xf32>
    tpu.vector_store %arg3[%swap3A_211, %swap3A_212, %swap3A_213], %swap3A_216 {strides = array<i32>} : memref<64x128x200xf32, #tpu.memory_space<vmem>>, vector<1x128x200xf32>,
    %get3A_217 = arith.constant 4400 : index
    %get3A_218 = arith.constant 0 : index
    %get3A_219 = vector.load %arg1[%get3A_217, %get3A_218] : memref<12800x128xf32, #tpu.memory_space<vmem>>, vector<200x128xf32>
    %transpose3A_220 = tpu.transpose %get3A_219, [1, 0] : vector<200x128xf32> -> vector<128x200xf32>
    %swap3A_221 = arith.constant 22 : index
    %swap3A_222 = arith.constant 0 : index
    %swap3A_223 = arith.constant 0 : index
    %swap3A_224 = vector.load %arg3[%swap3A_221, %swap3A_222, %swap3A_223] : memref<64x128x200xf32, #tpu.memory_space<vmem>>, vector<1x128x200xf32>
    %swap3A_225 = vector.shape_cast %swap3A_224 : vector<1x128x200xf32> to vector<128x200xf32>
    %swap3A_226 = vector.shape_cast %transpose3A_220 : vector<128x200xf32> to vector<1x128x200xf32>
    tpu.vector_store %arg3[%swap3A_221, %swap3A_222, %swap3A_223], %swap3A_226 {strides = array<i32>} : memref<64x128x200xf32, #tpu.memory_space<vmem>>, vector<1x128x200xf32>,
    %get3A_227 = arith.constant 4600 : index
    %get3A_228 = arith.constant 0 : index
    %get3A_229 = vector.load %arg1[%get3A_227, %get3A_228] : memref<12800x128xf32, #tpu.memory_space<vmem>>, vector<200x128xf32>
    %transpose3A_230 = tpu.transpose %get3A_229, [1, 0] : vector<200x128xf32> -> vector<128x200xf32>
    %swap3A_231 = arith.constant 23 : index
    %swap3A_232 = arith.constant 0 : index
    %swap3A_233 = arith.constant 0 : index
    %swap3A_234 = vector.load %arg3[%swap3A_231, %swap3A_232, %swap3A_233] : memref<64x128x200xf32, #tpu.memory_space<vmem>>, vector<1x128x200xf32>
    %swap3A_235 = vector.shape_cast %swap3A_234 : vector<1x128x200xf32> to vector<128x200xf32>
    %swap3A_236 = vector.shape_cast %transpose3A_230 : vector<128x200xf32> to vector<1x128x200xf32>
    tpu.vector_store %arg3[%swap3A_231, %swap3A_232, %swap3A_233], %swap3A_236 {strides = array<i32>} : memref<64x128x200xf32, #tpu.memory_space<vmem>>, vector<1x128x200xf32>,
    %get3A_237 = arith.constant 4800 : index
    %get3A_238 = arith.constant 0 : index
    %get3A_239 = vector.load %arg1[%get3A_237, %get3A_238] : memref<12800x128xf32, #tpu.memory_space<vmem>>, vector<200x128xf32>
    %transpose3A_240 = tpu.transpose %get3A_239, [1, 0] : vector<200x128xf32> -> vector<128x200xf32>
    %swap3A_241 = arith.constant 24 : index
    %swap3A_242 = arith.constant 0 : index
    %swap3A_243 = arith.constant 0 : index
    %swap3A_244 = vector.load %arg3[%swap3A_241, %swap3A_242, %swap3A_243] : memref<64x128x200xf32, #tpu.memory_space<vmem>>, vector<1x128x200xf32>
    %swap3A_245 = vector.shape_cast %swap3A_244 : vector<1x128x200xf32> to vector<128x200xf32>
    %swap3A_246 = vector.shape_cast %transpose3A_240 : vector<128x200xf32> to vector<1x128x200xf32>
    tpu.vector_store %arg3[%swap3A_241, %swap3A_242, %swap3A_243], %swap3A_246 {strides = array<i32>} : memref<64x128x200xf32, #tpu.memory_space<vmem>>, vector<1x128x200xf32>,
    %get3A_247 = arith.constant 5000 : index
    %get3A_248 = arith.constant 0 : index
    %get3A_249 = vector.load %arg1[%get3A_247, %get3A_248] : memref<12800x128xf32, #tpu.memory_space<vmem>>, vector<200x128xf32>
    %transpose3A_250 = tpu.transpose %get3A_249, [1, 0] : vector<200x128xf32> -> vector<128x200xf32>
    %swap3A_251 = arith.constant 25 : index
    %swap3A_252 = arith.constant 0 : index
    %swap3A_253 = arith.constant 0 : index
    %swap3A_254 = vector.load %arg3[%swap3A_251, %swap3A_252, %swap3A_253] : memref<64x128x200xf32, #tpu.memory_space<vmem>>, vector<1x128x200xf32>
    %swap3A_255 = vector.shape_cast %swap3A_254 : vector<1x128x200xf32> to vector<128x200xf32>
    %swap3A_256 = vector.shape_cast %transpose3A_250 : vector<128x200xf32> to vector<1x128x200xf32>
    tpu.vector_store %arg3[%swap3A_251, %swap3A_252, %swap3A_253], %swap3A_256 {strides = array<i32>} : memref<64x128x200xf32, #tpu.memory_space<vmem>>, vector<1x128x200xf32>,
    %get3A_257 = arith.constant 5200 : index
    %get3A_258 = arith.constant 0 : index
    %get3A_259 = vector.load %arg1[%get3A_257, %get3A_258] : memref<12800x128xf32, #tpu.memory_space<vmem>>, vector<200x128xf32>
    %transpose3A_260 = tpu.transpose %get3A_259, [1, 0] : vector<200x128xf32> -> vector<128x200xf32>
    %swap3A_261 = arith.constant 26 : index
    %swap3A_262 = arith.constant 0 : index
    %swap3A_263 = arith.constant 0 : index
    %swap3A_264 = vector.load %arg3[%swap3A_261, %swap3A_262, %swap3A_263] : memref<64x128x200xf32, #tpu.memory_space<vmem>>, vector<1x128x200xf32>
    %swap3A_265 = vector.shape_cast %swap3A_264 : vector<1x128x200xf32> to vector<128x200xf32>
    %swap3A_266 = vector.shape_cast %transpose3A_260 : vector<128x200xf32> to vector<1x128x200xf32>
    tpu.vector_store %arg3[%swap3A_261, %swap3A_262, %swap3A_263], %swap3A_266 {strides = array<i32>} : memref<64x128x200xf32, #tpu.memory_space<vmem>>, vector<1x128x200xf32>,
    %get3A_267 = arith.constant 5400 : index
    %get3A_268 = arith.constant 0 : index
    %get3A_269 = vector.load %arg1[%get3A_267, %get3A_268] : memref<12800x128xf32, #tpu.memory_space<vmem>>, vector<200x128xf32>
    %transpose3A_270 = tpu.transpose %get3A_269, [1, 0] : vector<200x128xf32> -> vector<128x200xf32>
    %swap3A_271 = arith.constant 27 : index
    %swap3A_272 = arith.constant 0 : index
    %swap3A_273 = arith.constant 0 : index
    %swap3A_274 = vector.load %arg3[%swap3A_271, %swap3A_272, %swap3A_273] : memref<64x128x200xf32, #tpu.memory_space<vmem>>, vector<1x128x200xf32>
    %swap3A_275 = vector.shape_cast %swap3A_274 : vector<1x128x200xf32> to vector<128x200xf32>
    %swap3A_276 = vector.shape_cast %transpose3A_270 : vector<128x200xf32> to vector<1x128x200xf32>
    tpu.vector_store %arg3[%swap3A_271, %swap3A_272, %swap3A_273], %swap3A_276 {strides = array<i32>} : memref<64x128x200xf32, #tpu.memory_space<vmem>>, vector<1x128x200xf32>,
    %get3A_277 = arith.constant 5600 : index
    %get3A_278 = arith.constant 0 : index
    %get3A_279 = vector.load %arg1[%get3A_277, %get3A_278] : memref<12800x128xf32, #tpu.memory_space<vmem>>, vector<200x128xf32>
    %transpose3A_280 = tpu.transpose %get3A_279, [1, 0] : vector<200x128xf32> -> vector<128x200xf32>
    %swap3A_281 = arith.constant 28 : index
    %swap3A_282 = arith.constant 0 : index
    %swap3A_283 = arith.constant 0 : index
    %swap3A_284 = vector.load %arg3[%swap3A_281, %swap3A_282, %swap3A_283] : memref<64x128x200xf32, #tpu.memory_space<vmem>>, vector<1x128x200xf32>
    %swap3A_285 = vector.shape_cast %swap3A_284 : vector<1x128x200xf32> to vector<128x200xf32>
    %swap3A_286 = vector.shape_cast %transpose3A_280 : vector<128x200xf32> to vector<1x128x200xf32>
    tpu.vector_store %arg3[%swap3A_281, %swap3A_282, %swap3A_283], %swap3A_286 {strides = array<i32>} : memref<64x128x200xf32, #tpu.memory_space<vmem>>, vector<1x128x200xf32>,
    %get3A_287 = arith.constant 5800 : index
    %get3A_288 = arith.constant 0 : index
    %get3A_289 = vector.load %arg1[%get3A_287, %get3A_288] : memref<12800x128xf32, #tpu.memory_space<vmem>>, vector<200x128xf32>
    %transpose3A_290 = tpu.transpose %get3A_289, [1, 0] : vector<200x128xf32> -> vector<128x200xf32>
    %swap3A_291 = arith.constant 29 : index
    %swap3A_292 = arith.constant 0 : index
    %swap3A_293 = arith.constant 0 : index
    %swap3A_294 = vector.load %arg3[%swap3A_291, %swap3A_292, %swap3A_293] : memref<64x128x200xf32, #tpu.memory_space<vmem>>, vector<1x128x200xf32>
    %swap3A_295 = vector.shape_cast %swap3A_294 : vector<1x128x200xf32> to vector<128x200xf32>
    %swap3A_296 = vector.shape_cast %transpose3A_290 : vector<128x200xf32> to vector<1x128x200xf32>
    tpu.vector_store %arg3[%swap3A_291, %swap3A_292, %swap3A_293], %swap3A_296 {strides = array<i32>} : memref<64x128x200xf32, #tpu.memory_space<vmem>>, vector<1x128x200xf32>,
    %get3A_297 = arith.constant 6000 : index
    %get3A_298 = arith.constant 0 : index
    %get3A_299 = vector.load %arg1[%get3A_297, %get3A_298] : memref<12800x128xf32, #tpu.memory_space<vmem>>, vector<200x128xf32>
    %transpose3A_300 = tpu.transpose %get3A_299, [1, 0] : vector<200x128xf32> -> vector<128x200xf32>
    %swap3A_301 = arith.constant 30 : index
    %swap3A_302 = arith.constant 0 : index
    %swap3A_303 = arith.constant 0 : index
    %swap3A_304 = vector.load %arg3[%swap3A_301, %swap3A_302, %swap3A_303] : memref<64x128x200xf32, #tpu.memory_space<vmem>>, vector<1x128x200xf32>
    %swap3A_305 = vector.shape_cast %swap3A_304 : vector<1x128x200xf32> to vector<128x200xf32>
    %swap3A_306 = vector.shape_cast %transpose3A_300 : vector<128x200xf32> to vector<1x128x200xf32>
    tpu.vector_store %arg3[%swap3A_301, %swap3A_302, %swap3A_303], %swap3A_306 {strides = array<i32>} : memref<64x128x200xf32, #tpu.memory_space<vmem>>, vector<1x128x200xf32>,
    %get3A_307 = arith.constant 6200 : index
    %get3A_308 = arith.constant 0 : index
    %get3A_309 = vector.load %arg1[%get3A_307, %get3A_308] : memref<12800x128xf32, #tpu.memory_space<vmem>>, vector<200x128xf32>
    %transpose3A_310 = tpu.transpose %get3A_309, [1, 0] : vector<200x128xf32> -> vector<128x200xf32>
    %swap3A_311 = arith.constant 31 : index
    %swap3A_312 = arith.constant 0 : index
    %swap3A_313 = arith.constant 0 : index
    %swap3A_314 = vector.load %arg3[%swap3A_311, %swap3A_312, %swap3A_313] : memref<64x128x200xf32, #tpu.memory_space<vmem>>, vector<1x128x200xf32>
    %swap3A_315 = vector.shape_cast %swap3A_314 : vector<1x128x200xf32> to vector<128x200xf32>
    %swap3A_316 = vector.shape_cast %transpose3A_310 : vector<128x200xf32> to vector<1x128x200xf32>
    tpu.vector_store %arg3[%swap3A_311, %swap3A_312, %swap3A_313], %swap3A_316 {strides = array<i32>} : memref<64x128x200xf32, #tpu.memory_space<vmem>>, vector<1x128x200xf32>,
    %get3A_317 = arith.constant 6400 : index
    %get3A_318 = arith.constant 0 : index
    %get3A_319 = vector.load %arg1[%get3A_317, %get3A_318] : memref<12800x128xf32, #tpu.memory_space<vmem>>, vector<200x128xf32>
    %transpose3A_320 = tpu.transpose %get3A_319, [1, 0] : vector<200x128xf32> -> vector<128x200xf32>
    %swap3A_321 = arith.constant 32 : index
    %swap3A_322 = arith.constant 0 : index
    %swap3A_323 = arith.constant 0 : index
    %swap3A_324 = vector.load %arg3[%swap3A_321, %swap3A_322, %swap3A_323] : memref<64x128x200xf32, #tpu.memory_space<vmem>>, vector<1x128x200xf32>
    %swap3A_325 = vector.shape_cast %swap3A_324 : vector<1x128x200xf32> to vector<128x200xf32>
    %swap3A_326 = vector.shape_cast %transpose3A_320 : vector<128x200xf32> to vector<1x128x200xf32>
    tpu.vector_store %arg3[%swap3A_321, %swap3A_322, %swap3A_323], %swap3A_326 {strides = array<i32>} : memref<64x128x200xf32, #tpu.memory_space<vmem>>, vector<1x128x200xf32>,
    %get3A_327 = arith.constant 6600 : index
    %get3A_328 = arith.constant 0 : index
    %get3A_329 = vector.load %arg1[%get3A_327, %get3A_328] : memref<12800x128xf32, #tpu.memory_space<vmem>>, vector<200x128xf32>
    %transpose3A_330 = tpu.transpose %get3A_329, [1, 0] : vector<200x128xf32> -> vector<128x200xf32>
    %swap3A_331 = arith.constant 33 : index
    %swap3A_332 = arith.constant 0 : index
    %swap3A_333 = arith.constant 0 : index
    %swap3A_334 = vector.load %arg3[%swap3A_331, %swap3A_332, %swap3A_333] : memref<64x128x200xf32, #tpu.memory_space<vmem>>, vector<1x128x200xf32>
    %swap3A_335 = vector.shape_cast %swap3A_334 : vector<1x128x200xf32> to vector<128x200xf32>
    %swap3A_336 = vector.shape_cast %transpose3A_330 : vector<128x200xf32> to vector<1x128x200xf32>
    tpu.vector_store %arg3[%swap3A_331, %swap3A_332, %swap3A_333], %swap3A_336 {strides = array<i32>} : memref<64x128x200xf32, #tpu.memory_space<vmem>>, vector<1x128x200xf32>,
    %get3A_337 = arith.constant 6800 : index
    %get3A_338 = arith.constant 0 : index
    %get3A_339 = vector.load %arg1[%get3A_337, %get3A_338] : memref<12800x128xf32, #tpu.memory_space<vmem>>, vector<200x128xf32>
    %transpose3A_340 = tpu.transpose %get3A_339, [1, 0] : vector<200x128xf32> -> vector<128x200xf32>
    %swap3A_341 = arith.constant 34 : index
    %swap3A_342 = arith.constant 0 : index
    %swap3A_343 = arith.constant 0 : index
    %swap3A_344 = vector.load %arg3[%swap3A_341, %swap3A_342, %swap3A_343] : memref<64x128x200xf32, #tpu.memory_space<vmem>>, vector<1x128x200xf32>
    %swap3A_345 = vector.shape_cast %swap3A_344 : vector<1x128x200xf32> to vector<128x200xf32>
    %swap3A_346 = vector.shape_cast %transpose3A_340 : vector<128x200xf32> to vector<1x128x200xf32>
    tpu.vector_store %arg3[%swap3A_341, %swap3A_342, %swap3A_343], %swap3A_346 {strides = array<i32>} : memref<64x128x200xf32, #tpu.memory_space<vmem>>, vector<1x128x200xf32>,
    %get3A_347 = arith.constant 7000 : index
    %get3A_348 = arith.constant 0 : index
    %get3A_349 = vector.load %arg1[%get3A_347, %get3A_348] : memref<12800x128xf32, #tpu.memory_space<vmem>>, vector<200x128xf32>
    %transpose3A_350 = tpu.transpose %get3A_349, [1, 0] : vector<200x128xf32> -> vector<128x200xf32>
    %swap3A_351 = arith.constant 35 : index
    %swap3A_352 = arith.constant 0 : index
    %swap3A_353 = arith.constant 0 : index
    %swap3A_354 = vector.load %arg3[%swap3A_351, %swap3A_352, %swap3A_353] : memref<64x128x200xf32, #tpu.memory_space<vmem>>, vector<1x128x200xf32>
    %swap3A_355 = vector.shape_cast %swap3A_354 : vector<1x128x200xf32> to vector<128x200xf32>
    %swap3A_356 = vector.shape_cast %transpose3A_350 : vector<128x200xf32> to vector<1x128x200xf32>
    tpu.vector_store %arg3[%swap3A_351, %swap3A_352, %swap3A_353], %swap3A_356 {strides = array<i32>} : memref<64x128x200xf32, #tpu.memory_space<vmem>>, vector<1x128x200xf32>,
    %get3A_357 = arith.constant 7200 : index
    %get3A_358 = arith.constant 0 : index
    %get3A_359 = vector.load %arg1[%get3A_357, %get3A_358] : memref<12800x128xf32, #tpu.memory_space<vmem>>, vector<200x128xf32>
    %transpose3A_360 = tpu.transpose %get3A_359, [1, 0] : vector<200x128xf32> -> vector<128x200xf32>
    %swap3A_361 = arith.constant 36 : index
    %swap3A_362 = arith.constant 0 : index
    %swap3A_363 = arith.constant 0 : index
    %swap3A_364 = vector.load %arg3[%swap3A_361, %swap3A_362, %swap3A_363] : memref<64x128x200xf32, #tpu.memory_space<vmem>>, vector<1x128x200xf32>
    %swap3A_365 = vector.shape_cast %swap3A_364 : vector<1x128x200xf32> to vector<128x200xf32>
    %swap3A_366 = vector.shape_cast %transpose3A_360 : vector<128x200xf32> to vector<1x128x200xf32>
    tpu.vector_store %arg3[%swap3A_361, %swap3A_362, %swap3A_363], %swap3A_366 {strides = array<i32>} : memref<64x128x200xf32, #tpu.memory_space<vmem>>, vector<1x128x200xf32>,
    %get3A_367 = arith.constant 7400 : index
    %get3A_368 = arith.constant 0 : index
    %get3A_369 = vector.load %arg1[%get3A_367, %get3A_368] : memref<12800x128xf32, #tpu.memory_space<vmem>>, vector<200x128xf32>
    %transpose3A_370 = tpu.transpose %get3A_369, [1, 0] : vector<200x128xf32> -> vector<128x200xf32>
    %swap3A_371 = arith.constant 37 : index
    %swap3A_372 = arith.constant 0 : index
    %swap3A_373 = arith.constant 0 : index
    %swap3A_374 = vector.load %arg3[%swap3A_371, %swap3A_372, %swap3A_373] : memref<64x128x200xf32, #tpu.memory_space<vmem>>, vector<1x128x200xf32>
    %swap3A_375 = vector.shape_cast %swap3A_374 : vector<1x128x200xf32> to vector<128x200xf32>
    %swap3A_376 = vector.shape_cast %transpose3A_370 : vector<128x200xf32> to vector<1x128x200xf32>
    tpu.vector_store %arg3[%swap3A_371, %swap3A_372, %swap3A_373], %swap3A_376 {strides = array<i32>} : memref<64x128x200xf32, #tpu.memory_space<vmem>>, vector<1x128x200xf32>,
    %get3A_377 = arith.constant 7600 : index
    %get3A_378 = arith.constant 0 : index
    %get3A_379 = vector.load %arg1[%get3A_377, %get3A_378] : memref<12800x128xf32, #tpu.memory_space<vmem>>, vector<200x128xf32>
    %transpose3A_380 = tpu.transpose %get3A_379, [1, 0] : vector<200x128xf32> -> vector<128x200xf32>
    %swap3A_381 = arith.constant 38 : index
    %swap3A_382 = arith.constant 0 : index
    %swap3A_383 = arith.constant 0 : index
    %swap3A_384 = vector.load %arg3[%swap3A_381, %swap3A_382, %swap3A_383] : memref<64x128x200xf32, #tpu.memory_space<vmem>>, vector<1x128x200xf32>
    %swap3A_385 = vector.shape_cast %swap3A_384 : vector<1x128x200xf32> to vector<128x200xf32>
    %swap3A_386 = vector.shape_cast %transpose3A_380 : vector<128x200xf32> to vector<1x128x200xf32>
    tpu.vector_store %arg3[%swap3A_381, %swap3A_382, %swap3A_383], %swap3A_386 {strides = array<i32>} : memref<64x128x200xf32, #tpu.memory_space<vmem>>, vector<1x128x200xf32>,
    %get3A_387 = arith.constant 7800 : index
    %get3A_388 = arith.constant 0 : index
    %get3A_389 = vector.load %arg1[%get3A_387, %get3A_388] : memref<12800x128xf32, #tpu.memory_space<vmem>>, vector<200x128xf32>
    %transpose3A_390 = tpu.transpose %get3A_389, [1, 0] : vector<200x128xf32> -> vector<128x200xf32>
    %swap3A_391 = arith.constant 39 : index
    %swap3A_392 = arith.constant 0 : index
    %swap3A_393 = arith.constant 0 : index
    %swap3A_394 = vector.load %arg3[%swap3A_391, %swap3A_392, %swap3A_393] : memref<64x128x200xf32, #tpu.memory_space<vmem>>, vector<1x128x200xf32>
    %swap3A_395 = vector.shape_cast %swap3A_394 : vector<1x128x200xf32> to vector<128x200xf32>
    %swap3A_396 = vector.shape_cast %transpose3A_390 : vector<128x200xf32> to vector<1x128x200xf32>
    tpu.vector_store %arg3[%swap3A_391, %swap3A_392, %swap3A_393], %swap3A_396 {strides = array<i32>} : memref<64x128x200xf32, #tpu.memory_space<vmem>>, vector<1x128x200xf32>,
    %get3A_397 = arith.constant 8000 : index
    %get3A_398 = arith.constant 0 : index
    %get3A_399 = vector.load %arg1[%get3A_397, %get3A_398] : memref<12800x128xf32, #tpu.memory_space<vmem>>, vector<200x128xf32>
    %transpose3A_400 = tpu.transpose %get3A_399, [1, 0] : vector<200x128xf32> -> vector<128x200xf32>
    %swap3A_401 = arith.constant 40 : index
    %swap3A_402 = arith.constant 0 : index
    %swap3A_403 = arith.constant 0 : index
    %swap3A_404 = vector.load %arg3[%swap3A_401, %swap3A_402, %swap3A_403] : memref<64x128x200xf32, #tpu.memory_space<vmem>>, vector<1x128x200xf32>
    %swap3A_405 = vector.shape_cast %swap3A_404 : vector<1x128x200xf32> to vector<128x200xf32>
    %swap3A_406 = vector.shape_cast %transpose3A_400 : vector<128x200xf32> to vector<1x128x200xf32>
    tpu.vector_store %arg3[%swap3A_401, %swap3A_402, %swap3A_403], %swap3A_406 {strides = array<i32>} : memref<64x128x200xf32, #tpu.memory_space<vmem>>, vector<1x128x200xf32>,
    %get3A_407 = arith.constant 8200 : index
    %get3A_408 = arith.constant 0 : index
    %get3A_409 = vector.load %arg1[%get3A_407, %get3A_408] : memref<12800x128xf32, #tpu.memory_space<vmem>>, vector<200x128xf32>
    %transpose3A_410 = tpu.transpose %get3A_409, [1, 0] : vector<200x128xf32> -> vector<128x200xf32>
    %swap3A_411 = arith.constant 41 : index
    %swap3A_412 = arith.constant 0 : index
    %swap3A_413 = arith.constant 0 : index
    %swap3A_414 = vector.load %arg3[%swap3A_411, %swap3A_412, %swap3A_413] : memref<64x128x200xf32, #tpu.memory_space<vmem>>, vector<1x128x200xf32>
    %swap3A_415 = vector.shape_cast %swap3A_414 : vector<1x128x200xf32> to vector<128x200xf32>
    %swap3A_416 = vector.shape_cast %transpose3A_410 : vector<128x200xf32> to vector<1x128x200xf32>
    tpu.vector_store %arg3[%swap3A_411, %swap3A_412, %swap3A_413], %swap3A_416 {strides = array<i32>} : memref<64x128x200xf32, #tpu.memory_space<vmem>>, vector<1x128x200xf32>,
    %get3A_417 = arith.constant 8400 : index
    %get3A_418 = arith.constant 0 : index
    %get3A_419 = vector.load %arg1[%get3A_417, %get3A_418] : memref<12800x128xf32, #tpu.memory_space<vmem>>, vector<200x128xf32>
    %transpose3A_420 = tpu.transpose %get3A_419, [1, 0] : vector<200x128xf32> -> vector<128x200xf32>
    %swap3A_421 = arith.constant 42 : index
    %swap3A_422 = arith.constant 0 : index
    %swap3A_423 = arith.constant 0 : index
    %swap3A_424 = vector.load %arg3[%swap3A_421, %swap3A_422, %swap3A_423] : memref<64x128x200xf32, #tpu.memory_space<vmem>>, vector<1x128x200xf32>
    %swap3A_425 = vector.shape_cast %swap3A_424 : vector<1x128x200xf32> to vector<128x200xf32>
    %swap3A_426 = vector.shape_cast %transpose3A_420 : vector<128x200xf32> to vector<1x128x200xf32>
    tpu.vector_store %arg3[%swap3A_421, %swap3A_422, %swap3A_423], %swap3A_426 {strides = array<i32>} : memref<64x128x200xf32, #tpu.memory_space<vmem>>, vector<1x128x200xf32>,
    %get3A_427 = arith.constant 8600 : index
    %get3A_428 = arith.constant 0 : index
    %get3A_429 = vector.load %arg1[%get3A_427, %get3A_428] : memref<12800x128xf32, #tpu.memory_space<vmem>>, vector<200x128xf32>
    %transpose3A_430 = tpu.transpose %get3A_429, [1, 0] : vector<200x128xf32> -> vector<128x200xf32>
    %swap3A_431 = arith.constant 43 : index
    %swap3A_432 = arith.constant 0 : index
    %swap3A_433 = arith.constant 0 : index
    %swap3A_434 = vector.load %arg3[%swap3A_431, %swap3A_432, %swap3A_433] : memref<64x128x200xf32, #tpu.memory_space<vmem>>, vector<1x128x200xf32>
    %swap3A_435 = vector.shape_cast %swap3A_434 : vector<1x128x200xf32> to vector<128x200xf32>
    %swap3A_436 = vector.shape_cast %transpose3A_430 : vector<128x200xf32> to vector<1x128x200xf32>
    tpu.vector_store %arg3[%swap3A_431, %swap3A_432, %swap3A_433], %swap3A_436 {strides = array<i32>} : memref<64x128x200xf32, #tpu.memory_space<vmem>>, vector<1x128x200xf32>,
    %get3A_437 = arith.constant 8800 : index
    %get3A_438 = arith.constant 0 : index
    %get3A_439 = vector.load %arg1[%get3A_437, %get3A_438] : memref<12800x128xf32, #tpu.memory_space<vmem>>, vector<200x128xf32>
    %transpose3A_440 = tpu.transpose %get3A_439, [1, 0] : vector<200x128xf32> -> vector<128x200xf32>
    %swap3A_441 = arith.constant 44 : index
    %swap3A_442 = arith.constant 0 : index
    %swap3A_443 = arith.constant 0 : index
    %swap3A_444 = vector.load %arg3[%swap3A_441, %swap3A_442, %swap3A_443] : memref<64x128x200xf32, #tpu.memory_space<vmem>>, vector<1x128x200xf32>
    %swap3A_445 = vector.shape_cast %swap3A_444 : vector<1x128x200xf32> to vector<128x200xf32>
    %swap3A_446 = vector.shape_cast %transpose3A_440 : vector<128x200xf32> to vector<1x128x200xf32>
    tpu.vector_store %arg3[%swap3A_441, %swap3A_442, %swap3A_443], %swap3A_446 {strides = array<i32>} : memref<64x128x200xf32, #tpu.memory_space<vmem>>, vector<1x128x200xf32>,
    %get3A_447 = arith.constant 9000 : index
    %get3A_448 = arith.constant 0 : index
    %get3A_449 = vector.load %arg1[%get3A_447, %get3A_448] : memref<12800x128xf32, #tpu.memory_space<vmem>>, vector<200x128xf32>
    %transpose3A_450 = tpu.transpose %get3A_449, [1, 0] : vector<200x128xf32> -> vector<128x200xf32>
    %swap3A_451 = arith.constant 45 : index
    %swap3A_452 = arith.constant 0 : index
    %swap3A_453 = arith.constant 0 : index
    %swap3A_454 = vector.load %arg3[%swap3A_451, %swap3A_452, %swap3A_453] : memref<64x128x200xf32, #tpu.memory_space<vmem>>, vector<1x128x200xf32>
    %swap3A_455 = vector.shape_cast %swap3A_454 : vector<1x128x200xf32> to vector<128x200xf32>
    %swap3A_456 = vector.shape_cast %transpose3A_450 : vector<128x200xf32> to vector<1x128x200xf32>
    tpu.vector_store %arg3[%swap3A_451, %swap3A_452, %swap3A_453], %swap3A_456 {strides = array<i32>} : memref<64x128x200xf32, #tpu.memory_space<vmem>>, vector<1x128x200xf32>,
    %get3A_457 = arith.constant 9200 : index
    %get3A_458 = arith.constant 0 : index
    %get3A_459 = vector.load %arg1[%get3A_457, %get3A_458] : memref<12800x128xf32, #tpu.memory_space<vmem>>, vector<200x128xf32>
    %transpose3A_460 = tpu.transpose %get3A_459, [1, 0] : vector<200x128xf32> -> vector<128x200xf32>
    %swap3A_461 = arith.constant 46 : index
    %swap3A_462 = arith.constant 0 : index
    %swap3A_463 = arith.constant 0 : index
    %swap3A_464 = vector.load %arg3[%swap3A_461, %swap3A_462, %swap3A_463] : memref<64x128x200xf32, #tpu.memory_space<vmem>>, vector<1x128x200xf32>
    %swap3A_465 = vector.shape_cast %swap3A_464 : vector<1x128x200xf32> to vector<128x200xf32>
    %swap3A_466 = vector.shape_cast %transpose3A_460 : vector<128x200xf32> to vector<1x128x200xf32>
    tpu.vector_store %arg3[%swap3A_461, %swap3A_462, %swap3A_463], %swap3A_466 {strides = array<i32>} : memref<64x128x200xf32, #tpu.memory_space<vmem>>, vector<1x128x200xf32>,
    %get3A_467 = arith.constant 9400 : index
    %get3A_468 = arith.constant 0 : index
    %get3A_469 = vector.load %arg1[%get3A_467, %get3A_468] : memref<12800x128xf32, #tpu.memory_space<vmem>>, vector<200x128xf32>
    %transpose3A_470 = tpu.transpose %get3A_469, [1, 0] : vector<200x128xf32> -> vector<128x200xf32>
    %swap3A_471 = arith.constant 47 : index
    %swap3A_472 = arith.constant 0 : index
    %swap3A_473 = arith.constant 0 : index
    %swap3A_474 = vector.load %arg3[%swap3A_471, %swap3A_472, %swap3A_473] : memref<64x128x200xf32, #tpu.memory_space<vmem>>, vector<1x128x200xf32>
    %swap3A_475 = vector.shape_cast %swap3A_474 : vector<1x128x200xf32> to vector<128x200xf32>
    %swap3A_476 = vector.shape_cast %transpose3A_470 : vector<128x200xf32> to vector<1x128x200xf32>
    tpu.vector_store %arg3[%swap3A_471, %swap3A_472, %swap3A_473], %swap3A_476 {strides = array<i32>} : memref<64x128x200xf32, #tpu.memory_space<vmem>>, vector<1x128x200xf32>,
    %get3A_477 = arith.constant 9600 : index
    %get3A_478 = arith.constant 0 : index
    %get3A_479 = vector.load %arg1[%get3A_477, %get3A_478] : memref<12800x128xf32, #tpu.memory_space<vmem>>, vector<200x128xf32>
    %transpose3A_480 = tpu.transpose %get3A_479, [1, 0] : vector<200x128xf32> -> vector<128x200xf32>
    %swap3A_481 = arith.constant 48 : index
    %swap3A_482 = arith.constant 0 : index
    %swap3A_483 = arith.constant 0 : index
    %swap3A_484 = vector.load %arg3[%swap3A_481, %swap3A_482, %swap3A_483] : memref<64x128x200xf32, #tpu.memory_space<vmem>>, vector<1x128x200xf32>
    %swap3A_485 = vector.shape_cast %swap3A_484 : vector<1x128x200xf32> to vector<128x200xf32>
    %swap3A_486 = vector.shape_cast %transpose3A_480 : vector<128x200xf32> to vector<1x128x200xf32>
    tpu.vector_store %arg3[%swap3A_481, %swap3A_482, %swap3A_483], %swap3A_486 {strides = array<i32>} : memref<64x128x200xf32, #tpu.memory_space<vmem>>, vector<1x128x200xf32>,
    %get3A_487 = arith.constant 9800 : index
    %get3A_488 = arith.constant 0 : index
    %get3A_489 = vector.load %arg1[%get3A_487, %get3A_488] : memref<12800x128xf32, #tpu.memory_space<vmem>>, vector<200x128xf32>
    %transpose3A_490 = tpu.transpose %get3A_489, [1, 0] : vector<200x128xf32> -> vector<128x200xf32>
    %swap3A_491 = arith.constant 49 : index
    %swap3A_492 = arith.constant 0 : index
    %swap3A_493 = arith.constant 0 : index
    %swap3A_494 = vector.load %arg3[%swap3A_491, %swap3A_492, %swap3A_493] : memref<64x128x200xf32, #tpu.memory_space<vmem>>, vector<1x128x200xf32>
    %swap3A_495 = vector.shape_cast %swap3A_494 : vector<1x128x200xf32> to vector<128x200xf32>
    %swap3A_496 = vector.shape_cast %transpose3A_490 : vector<128x200xf32> to vector<1x128x200xf32>
    tpu.vector_store %arg3[%swap3A_491, %swap3A_492, %swap3A_493], %swap3A_496 {strides = array<i32>} : memref<64x128x200xf32, #tpu.memory_space<vmem>>, vector<1x128x200xf32>,
    %get3A_497 = arith.constant 10000 : index
    %get3A_498 = arith.constant 0 : index
    %get3A_499 = vector.load %arg1[%get3A_497, %get3A_498] : memref<12800x128xf32, #tpu.memory_space<vmem>>, vector<200x128xf32>
    %transpose3A_500 = tpu.transpose %get3A_499, [1, 0] : vector<200x128xf32> -> vector<128x200xf32>
    %swap3A_501 = arith.constant 50 : index
    %swap3A_502 = arith.constant 0 : index
    %swap3A_503 = arith.constant 0 : index
    %swap3A_504 = vector.load %arg3[%swap3A_501, %swap3A_502, %swap3A_503] : memref<64x128x200xf32, #tpu.memory_space<vmem>>, vector<1x128x200xf32>
    %swap3A_505 = vector.shape_cast %swap3A_504 : vector<1x128x200xf32> to vector<128x200xf32>
    %swap3A_506 = vector.shape_cast %transpose3A_500 : vector<128x200xf32> to vector<1x128x200xf32>
    tpu.vector_store %arg3[%swap3A_501, %swap3A_502, %swap3A_503], %swap3A_506 {strides = array<i32>} : memref<64x128x200xf32, #tpu.memory_space<vmem>>, vector<1x128x200xf32>,
    %get3A_507 = arith.constant 10200 : index
    %get3A_508 = arith.constant 0 : index
    %get3A_509 = vector.load %arg1[%get3A_507, %get3A_508] : memref<12800x128xf32, #tpu.memory_space<vmem>>, vector<200x128xf32>
    %transpose3A_510 = tpu.transpose %get3A_509, [1, 0] : vector<200x128xf32> -> vector<128x200xf32>
    %swap3A_511 = arith.constant 51 : index
    %swap3A_512 = arith.constant 0 : index
    %swap3A_513 = arith.constant 0 : index
    %swap3A_514 = vector.load %arg3[%swap3A_511, %swap3A_512, %swap3A_513] : memref<64x128x200xf32, #tpu.memory_space<vmem>>, vector<1x128x200xf32>
    %swap3A_515 = vector.shape_cast %swap3A_514 : vector<1x128x200xf32> to vector<128x200xf32>
    %swap3A_516 = vector.shape_cast %transpose3A_510 : vector<128x200xf32> to vector<1x128x200xf32>
    tpu.vector_store %arg3[%swap3A_511, %swap3A_512, %swap3A_513], %swap3A_516 {strides = array<i32>} : memref<64x128x200xf32, #tpu.memory_space<vmem>>, vector<1x128x200xf32>,
    %get3A_517 = arith.constant 10400 : index
    %get3A_518 = arith.constant 0 : index
    %get3A_519 = vector.load %arg1[%get3A_517, %get3A_518] : memref<12800x128xf32, #tpu.memory_space<vmem>>, vector<200x128xf32>
    %transpose3A_520 = tpu.transpose %get3A_519, [1, 0] : vector<200x128xf32> -> vector<128x200xf32>
    %swap3A_521 = arith.constant 52 : index
    %swap3A_522 = arith.constant 0 : index
    %swap3A_523 = arith.constant 0 : index
    %swap3A_524 = vector.load %arg3[%swap3A_521, %swap3A_522, %swap3A_523] : memref<64x128x200xf32, #tpu.memory_space<vmem>>, vector<1x128x200xf32>
    %swap3A_525 = vector.shape_cast %swap3A_524 : vector<1x128x200xf32> to vector<128x200xf32>
    %swap3A_526 = vector.shape_cast %transpose3A_520 : vector<128x200xf32> to vector<1x128x200xf32>
    tpu.vector_store %arg3[%swap3A_521, %swap3A_522, %swap3A_523], %swap3A_526 {strides = array<i32>} : memref<64x128x200xf32, #tpu.memory_space<vmem>>, vector<1x128x200xf32>,
    %get3A_527 = arith.constant 10600 : index
    %get3A_528 = arith.constant 0 : index
    %get3A_529 = vector.load %arg1[%get3A_527, %get3A_528] : memref<12800x128xf32, #tpu.memory_space<vmem>>, vector<200x128xf32>
    %transpose3A_530 = tpu.transpose %get3A_529, [1, 0] : vector<200x128xf32> -> vector<128x200xf32>
    %swap3A_531 = arith.constant 53 : index
    %swap3A_532 = arith.constant 0 : index
    %swap3A_533 = arith.constant 0 : index
    %swap3A_534 = vector.load %arg3[%swap3A_531, %swap3A_532, %swap3A_533] : memref<64x128x200xf32, #tpu.memory_space<vmem>>, vector<1x128x200xf32>
    %swap3A_535 = vector.shape_cast %swap3A_534 : vector<1x128x200xf32> to vector<128x200xf32>
    %swap3A_536 = vector.shape_cast %transpose3A_530 : vector<128x200xf32> to vector<1x128x200xf32>
    tpu.vector_store %arg3[%swap3A_531, %swap3A_532, %swap3A_533], %swap3A_536 {strides = array<i32>} : memref<64x128x200xf32, #tpu.memory_space<vmem>>, vector<1x128x200xf32>,
    %get3A_537 = arith.constant 10800 : index
    %get3A_538 = arith.constant 0 : index
    %get3A_539 = vector.load %arg1[%get3A_537, %get3A_538] : memref<12800x128xf32, #tpu.memory_space<vmem>>, vector<200x128xf32>
    %transpose3A_540 = tpu.transpose %get3A_539, [1, 0] : vector<200x128xf32> -> vector<128x200xf32>
    %swap3A_541 = arith.constant 54 : index
    %swap3A_542 = arith.constant 0 : index
    %swap3A_543 = arith.constant 0 : index
    %swap3A_544 = vector.load %arg3[%swap3A_541, %swap3A_542, %swap3A_543] : memref<64x128x200xf32, #tpu.memory_space<vmem>>, vector<1x128x200xf32>
    %swap3A_545 = vector.shape_cast %swap3A_544 : vector<1x128x200xf32> to vector<128x200xf32>
    %swap3A_546 = vector.shape_cast %transpose3A_540 : vector<128x200xf32> to vector<1x128x200xf32>
    tpu.vector_store %arg3[%swap3A_541, %swap3A_542, %swap3A_543], %swap3A_546 {strides = array<i32>} : memref<64x128x200xf32, #tpu.memory_space<vmem>>, vector<1x128x200xf32>,
    %get3A_547 = arith.constant 11000 : index
    %get3A_548 = arith.constant 0 : index
    %get3A_549 = vector.load %arg1[%get3A_547, %get3A_548] : memref<12800x128xf32, #tpu.memory_space<vmem>>, vector<200x128xf32>
    %transpose3A_550 = tpu.transpose %get3A_549, [1, 0] : vector<200x128xf32> -> vector<128x200xf32>
    %swap3A_551 = arith.constant 55 : index
    %swap3A_552 = arith.constant 0 : index
    %swap3A_553 = arith.constant 0 : index
    %swap3A_554 = vector.load %arg3[%swap3A_551, %swap3A_552, %swap3A_553] : memref<64x128x200xf32, #tpu.memory_space<vmem>>, vector<1x128x200xf32>
    %swap3A_555 = vector.shape_cast %swap3A_554 : vector<1x128x200xf32> to vector<128x200xf32>
    %swap3A_556 = vector.shape_cast %transpose3A_550 : vector<128x200xf32> to vector<1x128x200xf32>
    tpu.vector_store %arg3[%swap3A_551, %swap3A_552, %swap3A_553], %swap3A_556 {strides = array<i32>} : memref<64x128x200xf32, #tpu.memory_space<vmem>>, vector<1x128x200xf32>,
    %get3A_557 = arith.constant 11200 : index
    %get3A_558 = arith.constant 0 : index
    %get3A_559 = vector.load %arg1[%get3A_557, %get3A_558] : memref<12800x128xf32, #tpu.memory_space<vmem>>, vector<200x128xf32>
    %transpose3A_560 = tpu.transpose %get3A_559, [1, 0] : vector<200x128xf32> -> vector<128x200xf32>
    %swap3A_561 = arith.constant 56 : index
    %swap3A_562 = arith.constant 0 : index
    %swap3A_563 = arith.constant 0 : index
    %swap3A_564 = vector.load %arg3[%swap3A_561, %swap3A_562, %swap3A_563] : memref<64x128x200xf32, #tpu.memory_space<vmem>>, vector<1x128x200xf32>
    %swap3A_565 = vector.shape_cast %swap3A_564 : vector<1x128x200xf32> to vector<128x200xf32>
    %swap3A_566 = vector.shape_cast %transpose3A_560 : vector<128x200xf32> to vector<1x128x200xf32>
    tpu.vector_store %arg3[%swap3A_561, %swap3A_562, %swap3A_563], %swap3A_566 {strides = array<i32>} : memref<64x128x200xf32, #tpu.memory_space<vmem>>, vector<1x128x200xf32>,
    %get3A_567 = arith.constant 11400 : index
    %get3A_568 = arith.constant 0 : index
    %get3A_569 = vector.load %arg1[%get3A_567, %get3A_568] : memref<12800x128xf32, #tpu.memory_space<vmem>>, vector<200x128xf32>
    %transpose3A_570 = tpu.transpose %get3A_569, [1, 0] : vector<200x128xf32> -> vector<128x200xf32>
    %swap3A_571 = arith.constant 57 : index
    %swap3A_572 = arith.constant 0 : index
    %swap3A_573 = arith.constant 0 : index
    %swap3A_574 = vector.load %arg3[%swap3A_571, %swap3A_572, %swap3A_573] : memref<64x128x200xf32, #tpu.memory_space<vmem>>, vector<1x128x200xf32>
    %swap3A_575 = vector.shape_cast %swap3A_574 : vector<1x128x200xf32> to vector<128x200xf32>
    %swap3A_576 = vector.shape_cast %transpose3A_570 : vector<128x200xf32> to vector<1x128x200xf32>
    tpu.vector_store %arg3[%swap3A_571, %swap3A_572, %swap3A_573], %swap3A_576 {strides = array<i32>} : memref<64x128x200xf32, #tpu.memory_space<vmem>>, vector<1x128x200xf32>,
    %get3A_577 = arith.constant 11600 : index
    %get3A_578 = arith.constant 0 : index
    %get3A_579 = vector.load %arg1[%get3A_577, %get3A_578] : memref<12800x128xf32, #tpu.memory_space<vmem>>, vector<200x128xf32>
    %transpose3A_580 = tpu.transpose %get3A_579, [1, 0] : vector<200x128xf32> -> vector<128x200xf32>
    %swap3A_581 = arith.constant 58 : index
    %swap3A_582 = arith.constant 0 : index
    %swap3A_583 = arith.constant 0 : index
    %swap3A_584 = vector.load %arg3[%swap3A_581, %swap3A_582, %swap3A_583] : memref<64x128x200xf32, #tpu.memory_space<vmem>>, vector<1x128x200xf32>
    %swap3A_585 = vector.shape_cast %swap3A_584 : vector<1x128x200xf32> to vector<128x200xf32>
    %swap3A_586 = vector.shape_cast %transpose3A_580 : vector<128x200xf32> to vector<1x128x200xf32>
    tpu.vector_store %arg3[%swap3A_581, %swap3A_582, %swap3A_583], %swap3A_586 {strides = array<i32>} : memref<64x128x200xf32, #tpu.memory_space<vmem>>, vector<1x128x200xf32>,
    %get3A_587 = arith.constant 11800 : index
    %get3A_588 = arith.constant 0 : index
    %get3A_589 = vector.load %arg1[%get3A_587, %get3A_588] : memref<12800x128xf32, #tpu.memory_space<vmem>>, vector<200x128xf32>
    %transpose3A_590 = tpu.transpose %get3A_589, [1, 0] : vector<200x128xf32> -> vector<128x200xf32>
    %swap3A_591 = arith.constant 59 : index
    %swap3A_592 = arith.constant 0 : index
    %swap3A_593 = arith.constant 0 : index
    %swap3A_594 = vector.load %arg3[%swap3A_591, %swap3A_592, %swap3A_593] : memref<64x128x200xf32, #tpu.memory_space<vmem>>, vector<1x128x200xf32>
    %swap3A_595 = vector.shape_cast %swap3A_594 : vector<1x128x200xf32> to vector<128x200xf32>
    %swap3A_596 = vector.shape_cast %transpose3A_590 : vector<128x200xf32> to vector<1x128x200xf32>
    tpu.vector_store %arg3[%swap3A_591, %swap3A_592, %swap3A_593], %swap3A_596 {strides = array<i32>} : memref<64x128x200xf32, #tpu.memory_space<vmem>>, vector<1x128x200xf32>,
    %get3A_597 = arith.constant 12000 : index
    %get3A_598 = arith.constant 0 : index
    %get3A_599 = vector.load %arg1[%get3A_597, %get3A_598] : memref<12800x128xf32, #tpu.memory_space<vmem>>, vector<200x128xf32>
    %transpose3A_600 = tpu.transpose %get3A_599, [1, 0] : vector<200x128xf32> -> vector<128x200xf32>
    %swap3A_601 = arith.constant 60 : index
    %swap3A_602 = arith.constant 0 : index
    %swap3A_603 = arith.constant 0 : index
    %swap3A_604 = vector.load %arg3[%swap3A_601, %swap3A_602, %swap3A_603] : memref<64x128x200xf32, #tpu.memory_space<vmem>>, vector<1x128x200xf32>
    %swap3A_605 = vector.shape_cast %swap3A_604 : vector<1x128x200xf32> to vector<128x200xf32>
    %swap3A_606 = vector.shape_cast %transpose3A_600 : vector<128x200xf32> to vector<1x128x200xf32>
    tpu.vector_store %arg3[%swap3A_601, %swap3A_602, %swap3A_603], %swap3A_606 {strides = array<i32>} : memref<64x128x200xf32, #tpu.memory_space<vmem>>, vector<1x128x200xf32>,
    %get3A_607 = arith.constant 12200 : index
    %get3A_608 = arith.constant 0 : index
    %get3A_609 = vector.load %arg1[%get3A_607, %get3A_608] : memref<12800x128xf32, #tpu.memory_space<vmem>>, vector<200x128xf32>
    %transpose3A_610 = tpu.transpose %get3A_609, [1, 0] : vector<200x128xf32> -> vector<128x200xf32>
    %swap3A_611 = arith.constant 61 : index
    %swap3A_612 = arith.constant 0 : index
    %swap3A_613 = arith.constant 0 : index
    %swap3A_614 = vector.load %arg3[%swap3A_611, %swap3A_612, %swap3A_613] : memref<64x128x200xf32, #tpu.memory_space<vmem>>, vector<1x128x200xf32>
    %swap3A_615 = vector.shape_cast %swap3A_614 : vector<1x128x200xf32> to vector<128x200xf32>
    %swap3A_616 = vector.shape_cast %transpose3A_610 : vector<128x200xf32> to vector<1x128x200xf32>
    tpu.vector_store %arg3[%swap3A_611, %swap3A_612, %swap3A_613], %swap3A_616 {strides = array<i32>} : memref<64x128x200xf32, #tpu.memory_space<vmem>>, vector<1x128x200xf32>,
    %get3A_617 = arith.constant 12400 : index
    %get3A_618 = arith.constant 0 : index
    %get3A_619 = vector.load %arg1[%get3A_617, %get3A_618] : memref<12800x128xf32, #tpu.memory_space<vmem>>, vector<200x128xf32>
    %transpose3A_620 = tpu.transpose %get3A_619, [1, 0] : vector<200x128xf32> -> vector<128x200xf32>
    %swap3A_621 = arith.constant 62 : index
    %swap3A_622 = arith.constant 0 : index
    %swap3A_623 = arith.constant 0 : index
    %swap3A_624 = vector.load %arg3[%swap3A_621, %swap3A_622, %swap3A_623] : memref<64x128x200xf32, #tpu.memory_space<vmem>>, vector<1x128x200xf32>
    %swap3A_625 = vector.shape_cast %swap3A_624 : vector<1x128x200xf32> to vector<128x200xf32>
    %swap3A_626 = vector.shape_cast %transpose3A_620 : vector<128x200xf32> to vector<1x128x200xf32>
    tpu.vector_store %arg3[%swap3A_621, %swap3A_622, %swap3A_623], %swap3A_626 {strides = array<i32>} : memref<64x128x200xf32, #tpu.memory_space<vmem>>, vector<1x128x200xf32>,
    %get3A_627 = arith.constant 12600 : index
    %get3A_628 = arith.constant 0 : index
    %get3A_629 = vector.load %arg1[%get3A_627, %get3A_628] : memref<12800x128xf32, #tpu.memory_space<vmem>>, vector<200x128xf32>
    %transpose3A_630 = tpu.transpose %get3A_629, [1, 0] : vector<200x128xf32> -> vector<128x200xf32>
    %swap3A_631 = arith.constant 63 : index
    %swap3A_632 = arith.constant 0 : index
    %swap3A_633 = arith.constant 0 : index
    %swap3A_634 = vector.load %arg3[%swap3A_631, %swap3A_632, %swap3A_633] : memref<64x128x200xf32, #tpu.memory_space<vmem>>, vector<1x128x200xf32>
    %swap3A_635 = vector.shape_cast %swap3A_634 : vector<1x128x200xf32> to vector<128x200xf32>
    %swap3A_636 = vector.shape_cast %transpose3A_630 : vector<128x200xf32> to vector<1x128x200xf32>
    tpu.vector_store %arg3[%swap3A_631, %swap3A_632, %swap3A_633], %swap3A_636 {strides = array<i32>} : memref<64x128x200xf32, #tpu.memory_space<vmem>>, vector<1x128x200xf32>,
    return
  }
  func.func @transform_0(%arg0: i32) -> (i32, i32) {
    %c0_i32 = arith.constant 0 : i32
    %c0_i32_0 = arith.constant 0 : i32
    return %arg0, %c0_i32 : i32, i32
  }
  func.func @transform_2(%arg0: i32) -> (i32, i32, i32) {
    %add3A = arith.constant 48 : i32
    %add3A_0 = arith.addi %add3A, %arg0 : i32
    %c0_i32 = arith.constant 0 : i32
    %c0_i32_1 = arith.constant 0 : i32
    %c0_i32_2 = arith.constant 0 : i32
    return %add3A_0, %c0_i32, %c0_i32_1 : i32, i32, i32
  }
}

</mosaic_0001>

<sc_bundles>
// kernel: kernel.10.cloned.1.call-start
scs
__scs_entry_jumppad:
0x0: {  	(pc) =	sbr.rel $0x88, $3  }
0x1: {  	(tag) =	ssettag $0x0;
	lr =	simm.s32 $0x1  }
0x2: {  	[smem:$0x3F9F] =	sst lr;
	_ =	strace $0xD0000000  }
0x3: {  	_ = 	snop  }
0x4: {  	_ = 	snop  }
0x5: {  	_ = 	snop  }
0x6: {  	_ = 	snop  }
0x7: {  	_ = 	snop  }
__scs_overlays_trampoline_lowered:
0x8: {  	[smem:$0x3FAE] =	sst s0  }
0x9: {  	[smem:$0x3FAF] =	sst s1  }
0xa: {  	[smem:$0x3FB0] =	sst s2  }
0xb: {  	[smem:$0x3FB1] =	sst s3  }
0xc: {  	[smem:$0x3FB2] =	sst s4  }
0xd: {  	[smem:$0x3FB3] =	sst s5  }
0xe: {  	[smem:$0x3FB4] =	sst s6  }
0xf: {  	[smem:$0x3FB5] =	sst s7  }
0x10: {  	[smem:$0x3FB6] =	sst s8  }
0x11: {  	[smem:$0x3FB7] =	sst s9;
	s0 =	simm.s32 @!p0 $0x0  }
0x12: {  	s1 =	sld [smem:$0x3F9D];
	s0 =	simm.s32 @p0 $0x1  }
0x13: {  	[smem:$0x3FB8] =	sst s0;
	s0 =	simm.s32 @!p1 $0x0  }
0x14: {  	s2 =	sld [smem:$0x3F9C];
	s0 =	simm.s32 @p1 $0x1  }
0x15: {  	[smem:$0x3FB9] =	sst s0;
	s0 =	simm.s32 @!p2 $0x0  }
0x16: {  	s3 =	sld [smem:$0x3FDB];
	s0 =	simm.s32 @p2 $0x1  }
0x17: {  	s4 =	simm.s32 $0x1BF5;
	[smem:$0x3FBB] =	sst s0  }
0x18: {  	s0 =	sld [smem:$0x3F9E];
	_ =	swait.ge [sflag:s4], $0x0  }
0x19: {  	s7 =	sld [smem:$0x3F9F]  }
0x1a: {  	s8 =	sadd.s32 $0xFFFFE003, lr  }
0x1b: {  	s9 =	sadd.s32 $0xFFFFFEF7, lr;
	s5 =	simm.s32 $0xFFFFFFFF;
	p2 =	slt.u32 s8, $0xFFFFF086  }
0x1c: {  	p1 =	slt.u32 s9, $0xF7A;
	s5 =	simm.s32 @!p2 $0x0  }
0x1d: {  	s5 =	simm.s32 @p1 $0x1;
	p0 =	seq.s32 s7, s2  }
0x1e: {  	s7 =	smul.u32 @!p0 $0xF7A, s2;
	p2 =	seq.s32 @!p0 s5, $0x0  }
0x1f: {  	s9 =	smul.u32 $0xF7A, s1;
	s8 =	simm.s32 @!p0 $0x1BF5;
	p2 =	por !p2, p0  }
0x20: {  	[sflag:s8] =	ssyncset.s32 @!p0 $0xFFFFF086;
	s6 =	sadd.s32 @!p0 s3, s7;
	s7 =	simm.s32 @!p0 $0x108  }
0x21: {  	s3 =	sadd.s32 s3, s9;
	s6 =	sadd.s32 @!p0 $0x88, s6;
	s7 =	simm.s32 @p2 $0x1082  }
0x22: {  	[simem:s7], [sflag:s8] =	dma.local @!p0 [hbm:s6], $0xF7A  }
0x23: {  	s9 =	sor.u32 $0xD0000000, s2;
	s6 =	simm.s32 $0x108;
	_ =	swait.ge @!p0 [sflag:s8], $0x0  }
0x24: {  	s3 =	sadd.s32 $0x88, s3;
	s6 =	simm.s32 @!p1 $0x1082;
	[sflag:s4] =	ssyncset.s32 $0xFFFFF086  }
0x25: {  	[simem:s6], [sflag:s4] =	dma.local [hbm:s3], $0xF7A  }
0x26: {  	[smem:$0x3F9F] =	sst s1;
	(tag) =	ssettag s2;
	_ =	strace s9  }
0x27: {  	s1 =	sld [smem:$0x3FAF]  }
0x28: {  	s2 =	sld [smem:$0x3FB0]  }
0x29: {  	s4 =	sld [smem:$0x3FB2]  }
0x2a: {  	p0 =	seq.s32 s5, $0x0;
	s5 =	sld [smem:$0x3FB3]  }
0x2b: {  	s6 =	sld [smem:$0x3FB4]  }
0x2c: {  	s7 =	sld [smem:$0x3FB5]  }
0x2d: {  	s3 =	simm.s32 $0x108;
	s8 =	sld [smem:$0x3FB6]  }
0x2e: {  	s3 =	simm.s32 @!p0 $0x1082;
	s9 =	sld [smem:$0x3FB7]  }
0x2f: {  	lr =	sadd.s32 s0, s3;
	s0 =	sld [smem:$0x3FAE]  }
0x30: {  	s3 =	sld [smem:$0x3FB1]  }
0x31: {  	[smem:$0x3FBA] =	sst s10  }
0x32: {  	s10 =	sld [smem:$0x3FB8];
	_ =	sdelay $0x3  }
0x33: {  	p0 =	seq.s32 s10, $0x1;
	s10 =	sld [smem:$0x3FBA];
	_ =	sdelay $0x3  }
0x34: {  	[smem:$0x3FBA] =	sst s10  }
0x35: {  	s10 =	sld [smem:$0x3FB9];
	_ =	sdelay $0x3  }
0x36: {  	p1 =	seq.s32 s10, $0x1;
	s10 =	sld [smem:$0x3FBA];
	_ =	sdelay $0x3  }
0x37: {  	[smem:$0x3FBA] =	sst s10  }
0x38: {  	s10 =	sld [smem:$0x3FBB]  }
0x39: {  	_ = 	snop;
	(pc) =	sbr.ind lr, $3  }
0x3a: {  	_ = 	snop  }
0x3b: {  	_ = 	snop  }
0x3c: {  	p2 =	seq.s32 s10, $0x1;
	s10 =	sld [smem:$0x3FBA]  }
0x3d: {  	_ =	shalt  }
0x3e: {  	_ =	shalt  }
0x3f: {  	_ =	shalt  }
0x40: {  	_ =	shalt  }
0x41: {  	_ =	shalt  }
0x42: {  	_ =	shalt  }
0x43: {  	_ =	shalt  }
0x44: {  	_ =	shalt  }
0x45: {  	_ =	shalt  }
0x46: {  	_ =	shalt  }
0x47: {  	_ =	shalt  }
0x48: {  	_ =	shalt  }
0x49: {  	_ =	shalt  }
0x4a: {  	_ =	shalt  }
0x4b: {  	_ =	shalt  }
0x4c: {  	_ =	shalt  }
0x4d: {  	_ =	shalt  }
0x4e: {  	_ =	shalt  }
0x4f: {  	_ =	shalt  }
0x50: {  	_ =	shalt  }
0x51: {  	_ =	shalt  }
0x52: {  	_ =	shalt  }
0x53: {  	_ =	shalt  }
0x54: {  	_ =	shalt  }
0x55: {  	_ =	shalt  }
0x56: {  	_ =	shalt  }
0x57: {  	_ =	shalt  }
0x58: {  	_ =	shalt  }
0x59: {  	_ =	shalt  }
0x5a: {  	_ =	shalt  }
0x5b: {  	_ =	shalt  }
0x5c: {  	_ =	shalt  }
0x5d: {  	_ =	shalt  }
0x5e: {  	_ =	shalt  }
0x5f: {  	_ =	shalt  }
0x60: {  	_ =	shalt  }
0x61: {  	_ =	shalt  }
0x62: {  	_ =	shalt  }
0x63: {  	_ =	shalt  }
0x64: {  	_ =	shalt  }
0x65: {  	_ =	shalt  }
0x66: {  	_ =	shalt  }
0x67: {  	_ =	shalt  }
0x68: {  	_ =	shalt  }
0x69: {  	_ =	shalt  }
0x6a: {  	_ =	shalt  }
0x6b: {  	_ =	shalt  }
0x6c: {  	_ =	shalt  }
0x6d: {  	_ =	shalt  }
0x6e: {  	_ =	shalt  }
0x6f: {  	_ =	shalt  }
0x70: {  	_ =	shalt  }
0x71: {  	_ =	shalt  }
0x72: {  	_ =	shalt  }
0x73: {  	_ =	shalt  }
0x74: {  	_ =	shalt  }
0x75: {  	_ =	shalt  }
0x76: {  	_ =	shalt  }
0x77: {  	_ =	shalt  }
0x78: {  	_ =	shalt  }
0x79: {  	_ =	shalt  }
0x7a: {  	_ =	shalt  }
0x7b: {  	_ =	shalt  }
0x7c: {  	_ =	shalt  }
0x7d: {  	_ =	shalt  }
0x7e: {  	_ =	shalt  }
0x7f: {  	_ =	shalt  }
0x80: {  	_ =	shalt  }
0x81: {  	_ =	shalt  }
0x82: {  	_ =	shalt  }
0x83: {  	_ =	shalt  }
0x84: {  	_ =	shalt  }
0x85: {  	_ =	shalt  }
0x86: {  	_ =	shalt  }
0x87: {  	_ =	shalt  }
.Lfunc_end0:
.L_simem_size_0:
called_computation_lowered:
.L_overlay_start_0:
0x88: {  	s2 =	sld [smem:$0x3FD9]  }
0x89: {  	s3 =	sld [smem:$0x3FFE];
	_ =	sdelay $0x1  }
0x8a: {  	s1 =	srdreg.scid  }
0x8b: {  	s0 =	sand.u32 $0x1, s1  }
0x8c: {  	s17 =	sshll.u32 s0, $0xA;
	s2 =	sadd.s32 s3, s2  }
0x8d: {  	s2 =	sadd.s32 s2, s17  }
0x8e: {  	[smem:$0x3FC6] =	sst s2  }
0x8f: {  	_ = 	snop  }
0x90: {  	s2 =	sld [smem:$0x3FC8];
	(tm) =	ssettm $0x1  }
0x91: {  	s18 =	sld [smem:$0x3FFB];
	_ =	sdelay $0x3  }
0x92: {  	_ =	strace s18  }
0x93: {  	s3 =	sld [smem:$0x3FFC];
	_ =	sdelay $0x3  }
0x94: {  	_ =	strace s3  }
0x95: {  	s3 =	sld [smem:$0x3FFD];
	_ =	sdelay $0x3  }
0x96: {  	_ =	strace s3  }
0x97: {  	_ =	strace $0x8FFFFFFF  }
0x98: {  	s19 =	sld [smem:$0x3FDB];
	_ =	sdelay $0x1  }
0x99: {  	s4 =	simm.s32 $_scs_section_size  }
0x9a: {  	s5 =	simm.s32 $_size__tile_overlayer_lowered;
	s6 =	simm.s32 $_tile_overlayer_lowered  }
0x9b: {  	s22 =	simm.s32 $0x1BFF;
	s21 =	sshll.u32 s6, $0x1;
	s3 =	sadd.s32 s4, s19  }
0x9c: {  	s7 =	simm.s32 $0x0;
	s20 =	sshll.u32 s5, $0x1;
	s5 =	sadd.s32 s21, s3  }
0x9d: {  	[timem:s7], [sflag:s22] =	dma.local [hbm:s5], s20  }
0x9e: {  	_ =	swait.ge [sflag:s22], s20  }
0x9f: {  	s4 =	ssub.s32 $0x0, s20;
	[sflag:s22] =	ssyncset.done $0x0  }
0xa0: {  	[sflag:s22] =	ssyncadd.s32 s4;
	_ =	sdelay $0x1  }
0xa1: {  	s23 =	simm.s32 $0x1B8B  }
0xa2: {  	_ =	swait.ge [sflag:s23], $0x1  }
0xa3: {  	[sflag:s23] =	ssyncset.done $0x0  }
0xa4: {  	s25 =	simm.s32 $0x1B8E;
	s24 =	sld [smem:$0x3FFE];
	[sflag:s23] =	ssyncadd.s32 $0xFFFFFFFF  }
0xa5: {  	s26 =	simm.s32 $execute0_lowered;
	[smem:$0x3FD2] =	sst s25  }
0xa6: {  	s5 =	sshll.u32 s26, $0x1;
	_ =	strace $0x80000046;
	[dreg:$0x1] =	wrdreg $0xFFFFFFFF  }
0xa7: {  	s28 =	simm.s32 $_size_execute0_lowered;
	s3 =	sadd.s32 s3, s5;
	[dreg:$0x0] =	wrdreg $0x0  }
0xa8: {  	s5 =	sshll.u32 s28, $0x1;
	[dreg:$0x2] =	wrdreg s3  }
0xa9: {  	[dreg:$0x3] =	wrdreg s5  }
0xaa: {  	[dreg:$0x4] =	wrdreg $0xC0  }
0xab: {  	_ =	task [dreg:s7], $0x5FFFF  }
0xac: {  	[dreg:$0x1] =	wrdreg $0xFFFFFFFF  }
0xad: {  	[dreg:$0x0] =	wrdreg $0x60  }
0xae: {  	[dreg:$0x2] =	wrdreg s24  }
0xaf: {  	[dreg:$0x3] =	wrdreg s2  }
0xb0: {  	[dreg:$0x4] =	wrdreg $0x9  }
0xb1: {  	_ =	task.clear_ibuf [dreg:s7], $0x5FFFF;
	_ =	strace $0x90000046  }
0xb2: {  	s29 =	simm.s32 $0x9;
	_ =	strace $0x80000048  }
0xb3: {  	_ =	swait.ge [sflag:s29], $0x1  }
0xb4: {  	[sflag:s29] =	ssyncadd.s32 $0xFFFFFFFF  }
0xb5: {  	_ =	strace $0x90000048  }
0xb6: {  	_ =	sfence  }
0xb7: {  	s30 =	sld [smem:$0x0];
	_ =	sdelay $0x2  }
0xb8: {  	s31 =	sshll.u32 s1, $0xD;
	s1 =	sshrl.u32 s1, $0x2  }
0xb9: {  	s3 =	sand.u32 $0x4000, s31;
	s1 =	sadd.s32 s1, s30  }
0xba: {  	s0 =	sor.u32 s3, s0;
	s1 =	sshll.u32 s1, $0x11  }
0xbb: {  	s0 =	sor.u32 s1, s0  }
0xbc: {  	s0 =	sadd.s32 $0x8F2B, s0  }
0xbd: {  	[sflag:s0] =	ssyncadd.remote.s32 $0x1  }
0xbe: {  	_ =	sfence.sel $0xFFFF  }
0xbf: {  	[dreg:$0x0] =	wrdreg $0xFFFFFFFF;
	(pc) =	sbr.abs _section_cstart, $3  }
0xc0: {  	[dreg:$0x1] =	wrdreg $0xFFFFFFFF  }
0xc1: {  	_ =	task.clear_ibuf [dreg:s7], $0x2FFFF;
	_ =	strace $0x9FFFFFFF  }
0xc2: {  	(tm) =	ssettm $0x7FFFFFFF  }
0xc3: {  	_ =	shalt  }
tec
execute0_lowered:
.L_overlay_start_1:
0x0: {  	(tag) =	ssettag $0x1  }
0x1: {  	s0 =	srdreg.scid;
	s1 =	rddreg [dreg:$0x0]  }
0x2: {  	s5 =	stileid.u32;
	s2 =	rddreg [dreg:$0x1]  }
0x3: {  	s8 =	simm.s32 $0x68;
	s9 =	simm.s32 $0x1900;
	s10 =	simm.s32 $0x60  }
0x4: {  	s13 =	simm.s32 $0x7D00;
	s17 =	simm.s32 $0xE100;
	s20 =	simm.s32 $0x258  }
0x5: {  	s21 =	simm.s32 $0x14500;
	s22 =	simm.s32 $0x2C0;
	s23 =	simm.s32 $0x17900  }
0x6: {  	s24 =	simm.s32 $0x1;
	s25 =	simm.s32 $0x2;
	s28 =	simm.s32 $0x4  }
0x7: {  	s29 =	simm.s32 $0x5;
	s30 =	simm.s32 $0x6;
	s0 =	sand.u32 $0x1, s0  }
0x8: {  	s3 =	sshll.u32 s5, $0x6;
	s5 =	smul.u32 $0x32000, s5;
	s4 =	sshll.u32 s0, $0x5  }
0x9: {  	s6 =	ssub.s32 $0x2, s0;
	s0 =	smul.u32 $0x19000, s0;
	s4 =	sor.u32 s4, s3  }
0xa: {  	s31 =	simm.s32 $0x7;
	s3 =	simm.s32 $0x0;
	s4 =	smul.u32 $0x19, s4  }
.Ltmp0:
0xb: {  	s7 =	sshrl.u32 s6, $0x1;
	[smem:$0x7FF] =	sst s3;
	(pc) =	sbr.rel .LBB2_1-.Ltmp0, $4  }
0xc: {  	s26 =	ssub.s32 s6, s7;
	s7 =	simm.s32 $0x9;
	_ =	strace $0x80000047  }
0xd: {  	s4 =	sadd.s32 s4, s1;
	s1 =	sadd.s32 s5, s1;
	s5 =	smax.u32 s26, $0x1  }
0xe: {  	s26 =	simm.s32 $0x3;
	s4 =	sadd.s32 $0x1400, s4;
	s0 =	sadd.s32 s0, s1  }
0xf: {  	s1 =	simm.s32 $0x8;
	s11 =	sadd.s32 $0x7800, s0;
	s0 =	simm.s32 $0x0  }
.LBB2_4:
0x10: {  	_ =	swait.ge [sflag:s29], $0x6400  }
0x11: {  	[sflag:s29] =	ssyncset.done $0x0  }
0x12: {  	[sflag:s29] =	ssyncadd.s32 $0xFFFF9C00  }
0x13: {  	_ =	swait.ge [sflag:s30], $0x6400  }
0x14: {  	[sflag:s30] =	ssyncset.done $0x0  }
0x15: {  	s0 =	sadd.s32 $0x1, s0;
	[sflag:s30] =	ssyncadd.s32 $0xFFFF9C00  }
0x16: {  	p0 =	sne.s32 s0, s5;
	_ =	swait.ge [sflag:s31], $0x6400  }
.Ltmp1:
0x17: {  	[sflag:s31] =	ssyncset.done $0x0;
	(pc) =	sbr.rel @!p0 .LBB2_5-.Ltmp1, $4  }
0x18: {  	[sflag:s31] =	ssyncadd.s32 $0xFFFF9C00  }
0x19: {  	_ =	swait.ge [sflag:s1], $0x6400  }
0x1a: {  	[sflag:s1] =	ssyncset.done $0x0  }
0x1b: {  	[sflag:s1] =	ssyncadd.s32 $0xFFFF9C00  }
.LBB2_1:
0x1c: {  	[tilespmem:s3], [sflag:$0x9] =	stream.linear.gather [hbm4b:s4+s3], $0x1900, $0x38;
	[tilespmem:$0x1A900] =	vst v63  }
0x1d: {  	_ =	swait.ge [sflag:s7], $0x1900  }
0x1e: {  	[sflag:s7] =	ssyncset.done $0x0  }
0x1f: {  	[sflag:s7] =	ssyncadd.s32 $0xFFFFE700  }
0x20: {  	[tilespmem:s9], [sflag:$0x1] =	stream.indirect.gather [hbm4b:s2+s8], $0x80, s3, s8, $0xb8;
	[tilespmem:$0x1A900] =	vst v63  }
0x21: {  	s6 =	simm.s32 $0x4D00  }
0x22: {  	[tilespmem:s6], [sflag:$0x1] =	stream.indirect.gather [hbm4b:s2+s10], $0x80, s8, s10, $0xb8;
	[tilespmem:$0x1A900] =	vst v63  }
0x23: {  	s14 =	simm.s32 $0xC8  }
0x24: {  	[tilespmem:s13], [sflag:$0x2] =	stream.indirect.gather [hbm4b:s2+s8], $0x80, s14, s8, $0xb8;
	[tilespmem:$0x1A900] =	vst v63  }
0x25: {  	s15 =	simm.s32 $0x130;
	s12 =	simm.s32 $0xB100  }
0x26: {  	[tilespmem:s12], [sflag:$0x2] =	stream.indirect.gather [hbm4b:s2+s10], $0x80, s15, s10, $0xb8;
	[tilespmem:$0x1A900] =	vst v63  }
0x27: {  	s16 =	simm.s32 $0x190  }
0x28: {  	[tilespmem:s17], [sflag:$0x3] =	stream.indirect.gather [hbm4b:s2+s8], $0x80, s16, s8, $0xb8;
	[tilespmem:$0x1A900] =	vst v63  }
0x29: {  	s18 =	simm.s32 $0x1F8;
	s19 =	simm.s32 $0x11500  }
0x2a: {  	[tilespmem:s19], [sflag:$0x3] =	stream.indirect.gather [hbm4b:s2+s10], $0x80, s18, s10, $0xb8;
	[tilespmem:$0x1A900] =	vst v63  }
0x2b: {  	_ = 	snop  }
0x2c: {  	[tilespmem:s21], [sflag:$0x4] =	stream.indirect.gather [hbm4b:s2+s8], $0x80, s20, s8, $0xb8;
	[tilespmem:$0x1A900] =	vst v63  }
0x2d: {  	s6 =	smov.u32 s11;
	s12 =	simm.s32 $0x0  }
0x2e: {  	[tilespmem:s23], [sflag:$0x4] =	stream.indirect.gather [hbm4b:s2+s10], $0x80, s22, s10, $0xb8;
	[tilespmem:$0x1A900] =	vst v63  }
.LBB2_2:
0x2f: {  	_ =	swait.ge [sflag:s24], $0x3400  }
0x30: {  	[sflag:s24] =	ssyncset.done $0x0  }
0x31: {  	[sflag:s24] =	ssyncadd.s32 $0xFFFFCC00  }
0x32: {  	_ =	swait.ge [sflag:s24], $0x3000  }
0x33: {  	p0 =	seq.s32 s12, $0x5780;
	[sflag:s24] =	ssyncset.done $0x0  }
0x34: {  	s14 =	simm.s32 @!p0 $0x5;
	[sflag:s24] =	ssyncadd.s32 $0xFFFFD000  }
0x35: {  	[hbm4b:s6+s3] =	stream.linear.scatter [tilespmem:s9], [sflag:$0x5], $0x6400, $0x38;
	[tilespmem:$0x1A900] =	vst v63  }
0x36: {  	_ =	swait.ge @!p0 [sflag:s14], $0x6400  }
0x37: {  	[sflag:s14] =	ssyncset.done @!p0 $0x0  }
0x38: {  	[sflag:s14] =	ssyncadd.s32 @!p0 $0xFFFF9C00;
	s14 =	sshra.s32 @!p0 s12, $0x2  }
0x39: {  	s16 =	simm.s32 @!p0 $0x68;
	s18 =	simm.s32 @!p0 $0x1900;
	s15 =	sadd.s32 @!p0 $0x320, s14  }
0x3a: {  	[tilespmem:s18], [sflag:$0x1] =	stream.indirect.gather @!p0 [hbm4b:s2+s16], $0x80, s15, s16, $0xb8;
	[tilespmem:$0x1A900] =	vst v63  }
0x3b: {  	s19 =	simm.s32 @!p0 $0x4D00;
	s15 =	sadd.s32 @!p0 $0x388, s14;
	s18 =	simm.s32 @!p0 $0x60  }
0x3c: {  	[tilespmem:s19], [sflag:$0x1] =	stream.indirect.gather @!p0 [hbm4b:s2+s18], $0x80, s15, s18, $0xb8;
	[tilespmem:$0x1A900] =	vst v63  }
0x3d: {  	_ =	swait.ge [sflag:s25], $0x3400  }
0x3e: {  	[sflag:s25] =	ssyncset.done $0x0  }
0x3f: {  	[sflag:s25] =	ssyncadd.s32 $0xFFFFCC00  }
0x40: {  	_ =	swait.ge [sflag:s25], $0x3000  }
0x41: {  	[sflag:s25] =	ssyncset.done $0x0  }
0x42: {  	s19 =	sadd.s32 $0xC80, s6;
	s15 =	simm.s32 @!p0 $0x6;
	[sflag:s25] =	ssyncadd.s32 $0xFFFFD000  }
0x43: {  	[hbm4b:s19+s3] =	stream.linear.scatter [tilespmem:s13], [sflag:$0x6], $0x6400, $0x38;
	[tilespmem:$0x1A900] =	vst v63  }
0x44: {  	_ =	swait.ge @!p0 [sflag:s15], $0x6400  }
0x45: {  	[sflag:s15] =	ssyncset.done @!p0 $0x0  }
0x46: {  	s19 =	simm.s32 @!p0 $0x7D00;
	[sflag:s15] =	ssyncadd.s32 @!p0 $0xFFFF9C00;
	s15 =	sadd.s32 @!p0 $0x3E8, s14  }
0x47: {  	[tilespmem:s19], [sflag:$0x2] =	stream.indirect.gather @!p0 [hbm4b:s2+s16], $0x80, s15, s16, $0xb8;
	[tilespmem:$0x1A900] =	vst v63  }
0x48: {  	s15 =	sadd.s32 @!p0 $0x450, s14;
	s19 =	simm.s32 @!p0 $0xB100  }
0x49: {  	[tilespmem:s19], [sflag:$0x2] =	stream.indirect.gather @!p0 [hbm4b:s2+s18], $0x80, s15, s18, $0xb8;
	[tilespmem:$0x1A900] =	vst v63  }
0x4a: {  	_ =	swait.ge [sflag:s26], $0x3400  }
0x4b: {  	[sflag:s26] =	ssyncset.done $0x0  }
0x4c: {  	[sflag:s26] =	ssyncadd.s32 $0xFFFFCC00  }
0x4d: {  	_ =	swait.ge [sflag:s26], $0x3000  }
0x4e: {  	[sflag:s26] =	ssyncset.done $0x0  }
0x4f: {  	s19 =	sadd.s32 $0x1900, s6;
	s15 =	simm.s32 @!p0 $0x7;
	[sflag:s26] =	ssyncadd.s32 $0xFFFFD000  }
0x50: {  	[hbm4b:s19+s3] =	stream.linear.scatter [tilespmem:s17], [sflag:$0x7], $0x6400, $0x38;
	[tilespmem:$0x1A900] =	vst v63  }
0x51: {  	_ =	swait.ge @!p0 [sflag:s15], $0x6400  }
0x52: {  	[sflag:s15] =	ssyncset.done @!p0 $0x0  }
0x53: {  	s19 =	simm.s32 @!p0 $0xE100;
	[sflag:s15] =	ssyncadd.s32 @!p0 $0xFFFF9C00;
	s15 =	sadd.s32 @!p0 $0x4B0, s14  }
0x54: {  	[tilespmem:s19], [sflag:$0x3] =	stream.indirect.gather @!p0 [hbm4b:s2+s16], $0x80, s15, s16, $0xb8;
	[tilespmem:$0x1A900] =	vst v63  }
0x55: {  	s14 =	sadd.s32 @!p0 $0x518, s14;
	s15 =	simm.s32 @!p0 $0x11500  }
0x56: {  	[tilespmem:s15], [sflag:$0x3] =	stream.indirect.gather @!p0 [hbm4b:s2+s18], $0x80, s14, s18, $0xb8;
	[tilespmem:$0x1A900] =	vst v63  }
0x57: {  	_ =	swait.ge [sflag:s28], $0x3400  }
0x58: {  	[sflag:s28] =	ssyncset.done $0x0  }
.Ltmp2:
0x59: {  	[sflag:s28] =	ssyncadd.s32 $0xFFFFCC00;
	(pc) =	sbr.rel @p0 .LBB2_4-.Ltmp2, $4  }
0x5a: {  	_ =	swait.ge [sflag:s28], $0x3000  }
0x5b: {  	[sflag:s28] =	ssyncset.done $0x0  }
0x5c: {  	s19 =	sadd.s32 $0x2580, s6;
	[sflag:s28] =	ssyncadd.s32 $0xFFFFD000  }
0x5d: {  	[hbm4b:s19+s3] =	stream.linear.scatter [tilespmem:s21], [sflag:$0x8], $0x6400, $0x38;
	[tilespmem:$0x1A900] =	vst v63  }
0x5e: {  	_ =	swait.ge [sflag:s1], $0x6400  }
.Ltmp3:
0x5f: {  	s14 =	sshra.s32 s12, $0x2;
	[sflag:s1] =	ssyncset.done $0x0;
	(pc) =	sbr.rel .LBB2_2-.Ltmp3, $4  }
0x60: {  	s15 =	sadd.s32 $0x578, s14;
	[sflag:s1] =	ssyncadd.s32 $0xFFFF9C00  }
0x61: {  	[tilespmem:s21], [sflag:$0x4] =	stream.indirect.gather [hbm4b:s2+s8], $0x80, s15, s8, $0xb8;
	[tilespmem:$0x1A900] =	vst v63  }
0x62: {  	s12 =	sadd.s32 $0xC80, s12;
	s6 =	sadd.s32 $0x3200, s6;
	s14 =	sadd.s32 $0x5E0, s14  }
0x63: {  	[tilespmem:s23], [sflag:$0x4] =	stream.indirect.gather [hbm4b:s2+s10], $0x80, s14, s10, $0xb8;
	[tilespmem:$0x1A900] =	vst v63  }
.LBB2_5:
0x64: {  	_ =	sfence.sel $0x180000  }
0x65: {  	[bflag:$0x0] =	sbarrier.arrive $0xFFFF  }
0x66: {  	_ =	strace $0x90000047  }
0x67: {  	s0 =	stileid.u32;
	[bflag:$0x2] =	sbarrier.arrive $0xFFFF  }
0x68: {  	p0 =	sne.s32 s0, $0x0;
	s0 =	rddreg [dreg:$0x2]  }
0x69: {  	s0 =	sadd.s32 @!p0 $0x100000, s0  }
0x6a: {  	[sflag:s0] =	ssyncadd.tile.s32 @!p0 $0x1;
	_ =	shalt  }
.Lfunc_end2:
_tile_overlayer_lowered:
.L_overlay_start_2:
0x6b: {  	(tag) =	ssettag $0x2  }
0x6c: {  	s0 =	rddreg [dreg:$0x0];
	s2 =	stileid.u32  }
0x6d: {  	s1 =	rddreg [dreg:$0x1];
	p0 =	sne.s32 s2, $0x0  }
0x6e: {  	s3 =	rddreg [dreg:$0x2];
	[bflag:$0x3] =	sbarrier.arrive $0xFFFF;
	s2 =	simm.s32 @!p0 $0x1C09  }
0x6f: {  	[timem:s3], [sflag:s2] =	dma.local @!p0 [hbm:s0], s1  }
0x70: {  	s0 =	simm.s32 @!p0 $0x9  }
0x71: {  	_ =	swait.ge @!p0 [sflag:s0], s1  }
0x72: {  	s1 =	ssub.s32 @!p0 $0x0, s1;
	[sflag:s0] =	ssyncset.done @!p0 $0x0  }
0x73: {  	[sflag:s0] =	ssyncadd.s32 @!p0 s1  }
0x74: {  	[bflag:$0x3] =	sbarrier.arrive $0xFFFF  }
0x75: {  	_ =	shalt  }

// kernel: kernel.13.cloned.1.call-start
scs
__scs_entry_jumppad:
0x0: {  	(pc) =	sbr.rel $0x88, $3  }
0x1: {  	(tag) =	ssettag $0x0;
	lr =	simm.s32 $0x1  }
0x2: {  	[smem:$0x3F9F] =	sst lr;
	_ =	strace $0xD0000000  }
0x3: {  	_ = 	snop  }
0x4: {  	_ = 	snop  }
0x5: {  	_ = 	snop  }
0x6: {  	_ = 	snop  }
0x7: {  	_ = 	snop  }
__scs_overlays_trampoline_lowered:
0x8: {  	[smem:$0x3FAE] =	sst s0  }
0x9: {  	[smem:$0x3FAF] =	sst s1  }
0xa: {  	[smem:$0x3FB0] =	sst s2  }
0xb: {  	[smem:$0x3FB1] =	sst s3  }
0xc: {  	[smem:$0x3FB2] =	sst s4  }
0xd: {  	[smem:$0x3FB3] =	sst s5  }
0xe: {  	[smem:$0x3FB4] =	sst s6  }
0xf: {  	[smem:$0x3FB5] =	sst s7  }
0x10: {  	[smem:$0x3FB6] =	sst s8  }
0x11: {  	[smem:$0x3FB7] =	sst s9;
	s0 =	simm.s32 @!p0 $0x0  }
0x12: {  	s1 =	sld [smem:$0x3F9D];
	s0 =	simm.s32 @p0 $0x1  }
0x13: {  	[smem:$0x3FB8] =	sst s0;
	s0 =	simm.s32 @!p1 $0x0  }
0x14: {  	s2 =	sld [smem:$0x3F9C];
	s0 =	simm.s32 @p1 $0x1  }
0x15: {  	[smem:$0x3FB9] =	sst s0;
	s0 =	simm.s32 @!p2 $0x0  }
0x16: {  	s3 =	sld [smem:$0x3FDB];
	s0 =	simm.s32 @p2 $0x1  }
0x17: {  	s4 =	simm.s32 $0x1BF5;
	[smem:$0x3FBB] =	sst s0  }
0x18: {  	s0 =	sld [smem:$0x3F9E];
	_ =	swait.ge [sflag:s4], $0x0  }
0x19: {  	s7 =	sld [smem:$0x3F9F]  }
0x1a: {  	s8 =	sadd.s32 $0xFFFFE003, lr  }
0x1b: {  	s9 =	sadd.s32 $0xFFFFFEF7, lr;
	s5 =	simm.s32 $0xFFFFFFFF;
	p2 =	slt.u32 s8, $0xFFFFF086  }
0x1c: {  	p1 =	slt.u32 s9, $0xF7A;
	s5 =	simm.s32 @!p2 $0x0  }
0x1d: {  	s5 =	simm.s32 @p1 $0x1;
	p0 =	seq.s32 s7, s2  }
0x1e: {  	s7 =	smul.u32 @!p0 $0xF7A, s2;
	p2 =	seq.s32 @!p0 s5, $0x0  }
0x1f: {  	s9 =	smul.u32 $0xF7A, s1;
	s8 =	simm.s32 @!p0 $0x1BF5;
	p2 =	por !p2, p0  }
0x20: {  	[sflag:s8] =	ssyncset.s32 @!p0 $0xFFFFF086;
	s6 =	sadd.s32 @!p0 s3, s7;
	s7 =	simm.s32 @!p0 $0x108  }
0x21: {  	s3 =	sadd.s32 s3, s9;
	s6 =	sadd.s32 @!p0 $0x88, s6;
	s7 =	simm.s32 @p2 $0x1082  }
0x22: {  	[simem:s7], [sflag:s8] =	dma.local @!p0 [hbm:s6], $0xF7A  }
0x23: {  	s9 =	sor.u32 $0xD0000000, s2;
	s6 =	simm.s32 $0x108;
	_ =	swait.ge @!p0 [sflag:s8], $0x0  }
0x24: {  	s3 =	sadd.s32 $0x88, s3;
	s6 =	simm.s32 @!p1 $0x1082;
	[sflag:s4] =	ssyncset.s32 $0xFFFFF086  }
0x25: {  	[simem:s6], [sflag:s4] =	dma.local [hbm:s3], $0xF7A  }
0x26: {  	[smem:$0x3F9F] =	sst s1;
	(tag) =	ssettag s2;
	_ =	strace s9  }
0x27: {  	s1 =	sld [smem:$0x3FAF]  }
0x28: {  	s2 =	sld [smem:$0x3FB0]  }
0x29: {  	s4 =	sld [smem:$0x3FB2]  }
0x2a: {  	p0 =	seq.s32 s5, $0x0;
	s5 =	sld [smem:$0x3FB3]  }
0x2b: {  	s6 =	sld [smem:$0x3FB4]  }
0x2c: {  	s7 =	sld [smem:$0x3FB5]  }
0x2d: {  	s3 =	simm.s32 $0x108;
	s8 =	sld [smem:$0x3FB6]  }
0x2e: {  	s3 =	simm.s32 @!p0 $0x1082;
	s9 =	sld [smem:$0x3FB7]  }
0x2f: {  	lr =	sadd.s32 s0, s3;
	s0 =	sld [smem:$0x3FAE]  }
0x30: {  	s3 =	sld [smem:$0x3FB1]  }
0x31: {  	[smem:$0x3FBA] =	sst s10  }
0x32: {  	s10 =	sld [smem:$0x3FB8];
	_ =	sdelay $0x3  }
0x33: {  	p0 =	seq.s32 s10, $0x1;
	s10 =	sld [smem:$0x3FBA];
	_ =	sdelay $0x3  }
0x34: {  	[smem:$0x3FBA] =	sst s10  }
0x35: {  	s10 =	sld [smem:$0x3FB9];
	_ =	sdelay $0x3  }
0x36: {  	p1 =	seq.s32 s10, $0x1;
	s10 =	sld [smem:$0x3FBA];
	_ =	sdelay $0x3  }
0x37: {  	[smem:$0x3FBA] =	sst s10  }
0x38: {  	s10 =	sld [smem:$0x3FBB]  }
0x39: {  	_ = 	snop;
	(pc) =	sbr.ind lr, $3  }
0x3a: {  	_ = 	snop  }
0x3b: {  	_ = 	snop  }
0x3c: {  	p2 =	seq.s32 s10, $0x1;
	s10 =	sld [smem:$0x3FBA]  }
0x3d: {  	_ =	shalt  }
0x3e: {  	_ =	shalt  }
0x3f: {  	_ =	shalt  }
0x40: {  	_ =	shalt  }
0x41: {  	_ =	shalt  }
0x42: {  	_ =	shalt  }
0x43: {  	_ =	shalt  }
0x44: {  	_ =	shalt  }
0x45: {  	_ =	shalt  }
0x46: {  	_ =	shalt  }
0x47: {  	_ =	shalt  }
0x48: {  	_ =	shalt  }
0x49: {  	_ =	shalt  }
0x4a: {  	_ =	shalt  }
0x4b: {  	_ =	shalt  }
0x4c: {  	_ =	shalt  }
0x4d: {  	_ =	shalt  }
0x4e: {  	_ =	shalt  }
0x4f: {  	_ =	shalt  }
0x50: {  	_ =	shalt  }
0x51: {  	_ =	shalt  }
0x52: {  	_ =	shalt  }
0x53: {  	_ =	shalt  }
0x54: {  	_ =	shalt  }
0x55: {  	_ =	shalt  }
0x56: {  	_ =	shalt  }
0x57: {  	_ =	shalt  }
0x58: {  	_ =	shalt  }
0x59: {  	_ =	shalt  }
0x5a: {  	_ =	shalt  }
0x5b: {  	_ =	shalt  }
0x5c: {  	_ =	shalt  }
0x5d: {  	_ =	shalt  }
0x5e: {  	_ =	shalt  }
0x5f: {  	_ =	shalt  }
0x60: {  	_ =	shalt  }
0x61: {  	_ =	shalt  }
0x62: {  	_ =	shalt  }
0x63: {  	_ =	shalt  }
0x64: {  	_ =	shalt  }
0x65: {  	_ =	shalt  }
0x66: {  	_ =	shalt  }
0x67: {  	_ =	shalt  }
0x68: {  	_ =	shalt  }
0x69: {  	_ =	shalt  }
0x6a: {  	_ =	shalt  }
0x6b: {  	_ =	shalt  }
0x6c: {  	_ =	shalt  }
0x6d: {  	_ =	shalt  }
0x6e: {  	_ =	shalt  }
0x6f: {  	_ =	shalt  }
0x70: {  	_ =	shalt  }
0x71: {  	_ =	shalt  }
0x72: {  	_ =	shalt  }
0x73: {  	_ =	shalt  }
0x74: {  	_ =	shalt  }
0x75: {  	_ =	shalt  }
0x76: {  	_ =	shalt  }
0x77: {  	_ =	shalt  }
0x78: {  	_ =	shalt  }
0x79: {  	_ =	shalt  }
0x7a: {  	_ =	shalt  }
0x7b: {  	_ =	shalt  }
0x7c: {  	_ =	shalt  }
0x7d: {  	_ =	shalt  }
0x7e: {  	_ =	shalt  }
0x7f: {  	_ =	shalt  }
0x80: {  	_ =	shalt  }
0x81: {  	_ =	shalt  }
0x82: {  	_ =	shalt  }
0x83: {  	_ =	shalt  }
0x84: {  	_ =	shalt  }
0x85: {  	_ =	shalt  }
0x86: {  	_ =	shalt  }
0x87: {  	_ =	shalt  }
.Lfunc_end0:
.L_simem_size_0:
called_computation.1_lowered:
.L_overlay_start_0:
0x88: {  	s2 =	sld [smem:$0x3FD9]  }
0x89: {  	s3 =	sld [smem:$0x3FFE];
	_ =	sdelay $0x1  }
0x8a: {  	s1 =	srdreg.scid  }
0x8b: {  	s0 =	sand.u32 $0x1, s1  }
0x8c: {  	s17 =	sshll.u32 s0, $0xA;
	s2 =	sadd.s32 s3, s2  }
0x8d: {  	s2 =	sadd.s32 s2, s17  }
0x8e: {  	[smem:$0x3FC6] =	sst s2  }
0x8f: {  	_ = 	snop  }
0x90: {  	s18 =	sld [smem:$0x3FC8];
	(tm) =	ssettm $0x1  }
0x91: {  	s19 =	sld [smem:$0x3FFB];
	_ =	sdelay $0x3  }
0x92: {  	_ =	strace s19  }
0x93: {  	s2 =	sld [smem:$0x3FFC];
	_ =	sdelay $0x3  }
0x94: {  	_ =	strace s2  }
0x95: {  	s2 =	sld [smem:$0x3FFD];
	_ =	sdelay $0x3  }
0x96: {  	_ =	strace s2  }
0x97: {  	_ =	strace $0x8FFFFFFF  }
0x98: {  	s20 =	sld [smem:$0x3FDB];
	_ =	sdelay $0x1  }
0x99: {  	s4 =	simm.s32 $_scs_section_size  }
0x9a: {  	s5 =	simm.s32 $_size__tile_overlayer_lowered;
	s6 =	simm.s32 $_tile_overlayer_lowered  }
0x9b: {  	s7 =	simm.s32 $0x1BFF;
	s21 =	sshll.u32 s6, $0x1;
	s4 =	sadd.s32 s4, s20  }
0x9c: {  	s22 =	simm.s32 $0x0;
	s5 =	sshll.u32 s5, $0x1;
	s6 =	sadd.s32 s21, s4  }
0x9d: {  	[timem:s22], [sflag:s7] =	dma.local [hbm:s6], s5  }
0x9e: {  	_ =	swait.ge [sflag:s7], s5  }
0x9f: {  	s5 =	ssub.s32 $0x0, s5;
	[sflag:s7] =	ssyncset.done $0x0  }
0xa0: {  	[sflag:s7] =	ssyncadd.s32 s5;
	_ =	sdelay $0x1  }
0xa1: {  	s23 =	simm.s32 $0x1B8B  }
0xa2: {  	_ =	swait.ge [sflag:s23], $0x1  }
0xa3: {  	[sflag:s23] =	ssyncset.done $0x0  }
0xa4: {  	[sflag:s23] =	ssyncadd.s32 $0xFFFFFFFF  }
0xa5: {  	s5 =	sld [smem:$0x0]  }
0xa6: {  	s6 =	sand.u32 $0xFFFFFFFE, s1  }
0xa7: {  	p0 =	sne.s32 s1, s6  }
0xa8: {  	s6 =	sshll.u32 @p0 s6, $0xE  }
0xa9: {  	s6 =	sadd.s32 @p0 $0x11B8D, s6;
	s7 =	sshll.u32 @p0 s5, $0x11  }
0xaa: {  	s6 =	sor.u32 @p0 s7, s6  }
0xab: {  	[sflag:s6] =	ssyncadd.remote.s32 @p0 $0x1;
	_ =	sdelay $0x1  }
0xac: {  	s6 =	simm.s32 @p0 $0x1B8D  }
0xad: {  	_ =	swait.eq @p0 [sflag:s6], $0x1  }
0xae: {  	[sflag:s6] =	ssyncadd.s32 @p0 $0xFFFFFFFF  }
0xaf: {  	s7 =	sshll.u32 @!p0 s1, $0xE  }
0xb0: {  	s7 =	sor.u32 @!p0 $0x4000, s7;
	s6 =	simm.s32 @!p0 $0x1B8D  }
0xb1: {  	s5 =	sshll.u32 @!p0 s5, $0x11;
	s7 =	sadd.s32 @!p0 $0x11B8D, s7;
	_ =	swait.eq @!p0 [sflag:s6], $0x1  }
0xb2: {  	s5 =	sor.u32 @!p0 s5, s7;
	[sflag:s6] =	ssyncadd.s32 @!p0 $0xFFFFFFFF  }
0xb3: {  	s25 =	simm.s32 $0x1B8E;
	s24 =	sld [smem:$0x3FFE];
	[sflag:s5] =	ssyncadd.remote.s32 @!p0 $0x1  }
0xb4: {  	s26 =	simm.s32 $execute0_lowered;
	[smem:$0x3FD2] =	sst s25  }
0xb5: {  	s6 =	sshll.u32 s26, $0x1;
	_ =	strace $0x80000049;
	[dreg:$0x1] =	wrdreg $0xFFFFFFFF  }
0xb6: {  	s28 =	simm.s32 $_size_execute0_lowered;
	s4 =	sadd.s32 s4, s6;
	[dreg:$0x0] =	wrdreg $0x0  }
0xb7: {  	s6 =	sshll.u32 s28, $0x1;
	[dreg:$0x2] =	wrdreg s4  }
0xb8: {  	[dreg:$0x3] =	wrdreg s6  }
0xb9: {  	[dreg:$0x4] =	wrdreg $0xC0  }
0xba: {  	_ =	task [dreg:s22], $0x5FFFF  }
0xbb: {  	[dreg:$0x1] =	wrdreg $0xFFFFFFFF  }
0xbc: {  	[dreg:$0x0] =	wrdreg $0x60  }
0xbd: {  	[dreg:$0x2] =	wrdreg s24  }
0xbe: {  	[dreg:$0x3] =	wrdreg s18  }
0xbf: {  	[dreg:$0x4] =	wrdreg $0xA  }
0xc0: {  	_ =	task.clear_ibuf [dreg:s22], $0x5FFFF;
	_ =	strace $0x90000049  }
0xc1: {  	s29 =	simm.s32 $0xA;
	_ =	strace $0x8000004B  }
0xc2: {  	_ =	swait.ge [sflag:s29], $0x1  }
0xc3: {  	[sflag:s29] =	ssyncadd.s32 $0xFFFFFFFF  }
0xc4: {  	_ =	strace $0x9000004B  }
0xc5: {  	_ =	sfence  }
0xc6: {  	s30 =	sld [smem:$0x0];
	_ =	sdelay $0x2  }
0xc7: {  	s31 =	sshll.u32 s1, $0xD;
	s1 =	sshrl.u32 s1, $0x2  }
0xc8: {  	s4 =	sand.u32 $0x4000, s31;
	s1 =	sadd.s32 s1, s30  }
0xc9: {  	s0 =	sor.u32 s4, s0;
	s1 =	sshll.u32 s1, $0x11  }
0xca: {  	s0 =	sor.u32 s1, s0  }
0xcb: {  	s0 =	sadd.s32 $0x8F2B, s0  }
0xcc: {  	[sflag:s0] =	ssyncadd.remote.s32 $0x1  }
0xcd: {  	_ =	sfence.sel $0xFFFF  }
0xce: {  	[dreg:$0x0] =	wrdreg $0xFFFFFFFF;
	(pc) =	sbr.abs _section_cstart, $3  }
0xcf: {  	[dreg:$0x1] =	wrdreg $0xFFFFFFFF  }
0xd0: {  	_ =	task.clear_ibuf [dreg:s22], $0x2FFFF;
	_ =	strace $0x9FFFFFFF  }
0xd1: {  	(tm) =	ssettm $0x7FFFFFFF  }
tec
execute0_lowered:
.L_overlay_start_1:
0x0: {  	(tag) =	ssettag $0x1  }
0x1: {  	s0 =	srdreg.scid;
	s1 =	rddreg [dreg:$0x0]  }
0x2: {  	s5 =	stileid.u32;
	s2 =	rddreg [dreg:$0x1]  }
0x3: {  	s8 =	simm.s32 $0x68;
	s9 =	simm.s32 $0x1900;
	s10 =	simm.s32 $0x60  }
0x4: {  	s13 =	simm.s32 $0x7D00;
	s17 =	simm.s32 $0xE100;
	s20 =	simm.s32 $0x258  }
0x5: {  	s21 =	simm.s32 $0x14500;
	s22 =	simm.s32 $0x2C0;
	s23 =	simm.s32 $0x17900  }
0x6: {  	s24 =	simm.s32 $0x1;
	s25 =	simm.s32 $0x2;
	s28 =	simm.s32 $0x4  }
0x7: {  	s29 =	simm.s32 $0x5;
	s30 =	simm.s32 $0x6;
	s0 =	sand.u32 $0x1, s0  }
0x8: {  	s3 =	sshll.u32 s5, $0x6;
	s5 =	smul.u32 $0x32000, s5;
	s4 =	sshll.u32 s0, $0x5  }
0x9: {  	s6 =	ssub.s32 $0x2, s0;
	s0 =	smul.u32 $0x19000, s0;
	s4 =	sor.u32 s4, s3  }
0xa: {  	s31 =	simm.s32 $0x7;
	s3 =	simm.s32 $0x0;
	s4 =	smul.u32 $0x19, s4  }
.Ltmp0:
0xb: {  	s7 =	sshrl.u32 s6, $0x1;
	[smem:$0x7FF] =	sst s3;
	(pc) =	sbr.rel .LBB2_1-.Ltmp0, $4  }
0xc: {  	s26 =	ssub.s32 s6, s7;
	s7 =	simm.s32 $0x9;
	_ =	strace $0x8000004A  }
0xd: {  	s4 =	sadd.s32 s4, s1;
	s1 =	sadd.s32 s5, s1;
	s5 =	smax.u32 s26, $0x1  }
0xe: {  	s26 =	simm.s32 $0x3;
	s4 =	sadd.s32 $0x327800, s4;
	s0 =	sadd.s32 s0, s1  }
0xf: {  	s1 =	simm.s32 $0x8;
	s11 =	sadd.s32 $0x33A400, s0;
	s0 =	simm.s32 $0x0  }
.LBB2_4:
0x10: {  	_ =	swait.ge [sflag:s29], $0x6400  }
0x11: {  	[sflag:s29] =	ssyncset.done $0x0  }
0x12: {  	[sflag:s29] =	ssyncadd.s32 $0xFFFF9C00  }
0x13: {  	_ =	swait.ge [sflag:s30], $0x6400  }
0x14: {  	[sflag:s30] =	ssyncset.done $0x0  }
0x15: {  	s0 =	sadd.s32 $0x1, s0;
	[sflag:s30] =	ssyncadd.s32 $0xFFFF9C00  }
0x16: {  	p0 =	sne.s32 s0, s5;
	_ =	swait.ge [sflag:s31], $0x6400  }
.Ltmp1:
0x17: {  	[sflag:s31] =	ssyncset.done $0x0;
	(pc) =	sbr.rel @!p0 .LBB2_5-.Ltmp1, $4  }
0x18: {  	[sflag:s31] =	ssyncadd.s32 $0xFFFF9C00  }
0x19: {  	_ =	swait.ge [sflag:s1], $0x6400  }
0x1a: {  	[sflag:s1] =	ssyncset.done $0x0  }
0x1b: {  	[sflag:s1] =	ssyncadd.s32 $0xFFFF9C00  }
.LBB2_1:
0x1c: {  	[tilespmem:s3], [sflag:$0x9] =	stream.linear.gather [hbm4b:s4+s3], $0x1900, $0x38;
	[tilespmem:$0x1A900] =	vst v63  }
0x1d: {  	_ =	swait.ge [sflag:s7], $0x1900  }
0x1e: {  	[sflag:s7] =	ssyncset.done $0x0  }
0x1f: {  	[sflag:s7] =	ssyncadd.s32 $0xFFFFE700  }
0x20: {  	[tilespmem:s9], [sflag:$0x1] =	stream.indirect.gather [hbm4b:s2+s8], $0x80, s3, s8, $0xb8;
	[tilespmem:$0x1A900] =	vst v63  }
0x21: {  	s6 =	simm.s32 $0x4D00  }
0x22: {  	[tilespmem:s6], [sflag:$0x1] =	stream.indirect.gather [hbm4b:s2+s10], $0x80, s8, s10, $0xb8;
	[tilespmem:$0x1A900] =	vst v63  }
0x23: {  	s14 =	simm.s32 $0xC8  }
0x24: {  	[tilespmem:s13], [sflag:$0x2] =	stream.indirect.gather [hbm4b:s2+s8], $0x80, s14, s8, $0xb8;
	[tilespmem:$0x1A900] =	vst v63  }
0x25: {  	s15 =	simm.s32 $0x130;
	s12 =	simm.s32 $0xB100  }
0x26: {  	[tilespmem:s12], [sflag:$0x2] =	stream.indirect.gather [hbm4b:s2+s10], $0x80, s15, s10, $0xb8;
	[tilespmem:$0x1A900] =	vst v63  }
0x27: {  	s16 =	simm.s32 $0x190  }
0x28: {  	[tilespmem:s17], [sflag:$0x3] =	stream.indirect.gather [hbm4b:s2+s8], $0x80, s16, s8, $0xb8;
	[tilespmem:$0x1A900] =	vst v63  }
0x29: {  	s18 =	simm.s32 $0x1F8;
	s19 =	simm.s32 $0x11500  }
0x2a: {  	[tilespmem:s19], [sflag:$0x3] =	stream.indirect.gather [hbm4b:s2+s10], $0x80, s18, s10, $0xb8;
	[tilespmem:$0x1A900] =	vst v63  }
0x2b: {  	_ = 	snop  }
0x2c: {  	[tilespmem:s21], [sflag:$0x4] =	stream.indirect.gather [hbm4b:s2+s8], $0x80, s20, s8, $0xb8;
	[tilespmem:$0x1A900] =	vst v63  }
0x2d: {  	s6 =	smov.u32 s11;
	s12 =	simm.s32 $0x0  }
0x2e: {  	[tilespmem:s23], [sflag:$0x4] =	stream.indirect.gather [hbm4b:s2+s10], $0x80, s22, s10, $0xb8;
	[tilespmem:$0x1A900] =	vst v63  }
.LBB2_2:
0x2f: {  	_ =	swait.ge [sflag:s24], $0x3400  }
0x30: {  	[sflag:s24] =	ssyncset.done $0x0  }
0x31: {  	[sflag:s24] =	ssyncadd.s32 $0xFFFFCC00  }
0x32: {  	_ =	swait.ge [sflag:s24], $0x3000  }
0x33: {  	p0 =	seq.s32 s12, $0x5780;
	[sflag:s24] =	ssyncset.done $0x0  }
0x34: {  	s14 =	simm.s32 @!p0 $0x5;
	[sflag:s24] =	ssyncadd.s32 $0xFFFFD000  }
0x35: {  	[hbm4b:s6+s3] =	stream.linear.scatter [tilespmem:s9], [sflag:$0x5], $0x6400, $0x38;
	[tilespmem:$0x1A900] =	vst v63  }
0x36: {  	_ =	swait.ge @!p0 [sflag:s14], $0x6400  }
0x37: {  	[sflag:s14] =	ssyncset.done @!p0 $0x0  }
0x38: {  	[sflag:s14] =	ssyncadd.s32 @!p0 $0xFFFF9C00;
	s14 =	sshra.s32 @!p0 s12, $0x2  }
0x39: {  	s16 =	simm.s32 @!p0 $0x68;
	s18 =	simm.s32 @!p0 $0x1900;
	s15 =	sadd.s32 @!p0 $0x320, s14  }
0x3a: {  	[tilespmem:s18], [sflag:$0x1] =	stream.indirect.gather @!p0 [hbm4b:s2+s16], $0x80, s15, s16, $0xb8;
	[tilespmem:$0x1A900] =	vst v63  }
0x3b: {  	s19 =	simm.s32 @!p0 $0x4D00;
	s15 =	sadd.s32 @!p0 $0x388, s14;
	s18 =	simm.s32 @!p0 $0x60  }
0x3c: {  	[tilespmem:s19], [sflag:$0x1] =	stream.indirect.gather @!p0 [hbm4b:s2+s18], $0x80, s15, s18, $0xb8;
	[tilespmem:$0x1A900] =	vst v63  }
0x3d: {  	_ =	swait.ge [sflag:s25], $0x3400  }
0x3e: {  	[sflag:s25] =	ssyncset.done $0x0  }
0x3f: {  	[sflag:s25] =	ssyncadd.s32 $0xFFFFCC00  }
0x40: {  	_ =	swait.ge [sflag:s25], $0x3000  }
0x41: {  	[sflag:s25] =	ssyncset.done $0x0  }
0x42: {  	s19 =	sadd.s32 $0xC80, s6;
	s15 =	simm.s32 @!p0 $0x6;
	[sflag:s25] =	ssyncadd.s32 $0xFFFFD000  }
0x43: {  	[hbm4b:s19+s3] =	stream.linear.scatter [tilespmem:s13], [sflag:$0x6], $0x6400, $0x38;
	[tilespmem:$0x1A900] =	vst v63  }
0x44: {  	_ =	swait.ge @!p0 [sflag:s15], $0x6400  }
0x45: {  	[sflag:s15] =	ssyncset.done @!p0 $0x0  }
0x46: {  	s19 =	simm.s32 @!p0 $0x7D00;
	[sflag:s15] =	ssyncadd.s32 @!p0 $0xFFFF9C00;
	s15 =	sadd.s32 @!p0 $0x3E8, s14  }
0x47: {  	[tilespmem:s19], [sflag:$0x2] =	stream.indirect.gather @!p0 [hbm4b:s2+s16], $0x80, s15, s16, $0xb8;
	[tilespmem:$0x1A900] =	vst v63  }
0x48: {  	s15 =	sadd.s32 @!p0 $0x450, s14;
	s19 =	simm.s32 @!p0 $0xB100  }
0x49: {  	[tilespmem:s19], [sflag:$0x2] =	stream.indirect.gather @!p0 [hbm4b:s2+s18], $0x80, s15, s18, $0xb8;
	[tilespmem:$0x1A900] =	vst v63  }
0x4a: {  	_ =	swait.ge [sflag:s26], $0x3400  }
0x4b: {  	[sflag:s26] =	ssyncset.done $0x0  }
0x4c: {  	[sflag:s26] =	ssyncadd.s32 $0xFFFFCC00  }
0x4d: {  	_ =	swait.ge [sflag:s26], $0x3000  }
0x4e: {  	[sflag:s26] =	ssyncset.done $0x0  }
0x4f: {  	s19 =	sadd.s32 $0x1900, s6;
	s15 =	simm.s32 @!p0 $0x7;
	[sflag:s26] =	ssyncadd.s32 $0xFFFFD000  }
0x50: {  	[hbm4b:s19+s3] =	stream.linear.scatter [tilespmem:s17], [sflag:$0x7], $0x6400, $0x38;
	[tilespmem:$0x1A900] =	vst v63  }
0x51: {  	_ =	swait.ge @!p0 [sflag:s15], $0x6400  }
0x52: {  	[sflag:s15] =	ssyncset.done @!p0 $0x0  }
0x53: {  	s19 =	simm.s32 @!p0 $0xE100;
	[sflag:s15] =	ssyncadd.s32 @!p0 $0xFFFF9C00;
	s15 =	sadd.s32 @!p0 $0x4B0, s14  }
0x54: {  	[tilespmem:s19], [sflag:$0x3] =	stream.indirect.gather @!p0 [hbm4b:s2+s16], $0x80, s15, s16, $0xb8;
	[tilespmem:$0x1A900] =	vst v63  }
0x55: {  	s14 =	sadd.s32 @!p0 $0x518, s14;
	s15 =	simm.s32 @!p0 $0x11500  }
0x56: {  	[tilespmem:s15], [sflag:$0x3] =	stream.indirect.gather @!p0 [hbm4b:s2+s18], $0x80, s14, s18, $0xb8;
	[tilespmem:$0x1A900] =	vst v63  }
0x57: {  	_ =	swait.ge [sflag:s28], $0x3400  }
0x58: {  	[sflag:s28] =	ssyncset.done $0x0  }
.Ltmp2:
0x59: {  	[sflag:s28] =	ssyncadd.s32 $0xFFFFCC00;
	(pc) =	sbr.rel @p0 .LBB2_4-.Ltmp2, $4  }
0x5a: {  	_ =	swait.ge [sflag:s28], $0x3000  }
0x5b: {  	[sflag:s28] =	ssyncset.done $0x0  }
0x5c: {  	s19 =	sadd.s32 $0x2580, s6;
	[sflag:s28] =	ssyncadd.s32 $0xFFFFD000  }
0x5d: {  	[hbm4b:s19+s3] =	stream.linear.scatter [tilespmem:s21], [sflag:$0x8], $0x6400, $0x38;
	[tilespmem:$0x1A900] =	vst v63  }
0x5e: {  	_ =	swait.ge [sflag:s1], $0x6400  }
.Ltmp3:
0x5f: {  	s14 =	sshra.s32 s12, $0x2;
	[sflag:s1] =	ssyncset.done $0x0;
	(pc) =	sbr.rel .LBB2_2-.Ltmp3, $4  }
0x60: {  	s15 =	sadd.s32 $0x578, s14;
	[sflag:s1] =	ssyncadd.s32 $0xFFFF9C00  }
0x61: {  	[tilespmem:s21], [sflag:$0x4] =	stream.indirect.gather [hbm4b:s2+s8], $0x80, s15, s8, $0xb8;
	[tilespmem:$0x1A900] =	vst v63  }
0x62: {  	s12 =	sadd.s32 $0xC80, s12;
	s6 =	sadd.s32 $0x3200, s6;
	s14 =	sadd.s32 $0x5E0, s14  }
0x63: {  	[tilespmem:s23], [sflag:$0x4] =	stream.indirect.gather [hbm4b:s2+s10], $0x80, s14, s10, $0xb8;
	[tilespmem:$0x1A900] =	vst v63  }
.LBB2_5:
0x64: {  	_ =	sfence.sel $0x180000  }
0x65: {  	[bflag:$0x0] =	sbarrier.arrive $0xFFFF  }
0x66: {  	_ =	strace $0x9000004A  }
0x67: {  	s0 =	stileid.u32;
	[bflag:$0x2] =	sbarrier.arrive $0xFFFF  }
0x68: {  	p0 =	sne.s32 s0, $0x0;
	s0 =	rddreg [dreg:$0x2]  }
0x69: {  	s0 =	sadd.s32 @!p0 $0x100000, s0  }
0x6a: {  	[sflag:s0] =	ssyncadd.tile.s32 @!p0 $0x1;
	_ =	shalt  }
.Lfunc_end2:
_tile_overlayer_lowered:
.L_overlay_start_2:
0x6b: {  	(tag) =	ssettag $0x2  }
0x6c: {  	s0 =	rddreg [dreg:$0x0];
	s2 =	stileid.u32  }
0x6d: {  	s1 =	rddreg [dreg:$0x1];
	p0 =	sne.s32 s2, $0x0  }
0x6e: {  	s3 =	rddreg [dreg:$0x2];
	[bflag:$0x3] =	sbarrier.arrive $0xFFFF;
	s2 =	simm.s32 @!p0 $0x1C09  }
0x6f: {  	[timem:s3], [sflag:s2] =	dma.local @!p0 [hbm:s0], s1  }
0x70: {  	s0 =	simm.s32 @!p0 $0x9  }
0x71: {  	_ =	swait.ge @!p0 [sflag:s0], s1  }
0x72: {  	s1 =	ssub.s32 @!p0 $0x0, s1;
	[sflag:s0] =	ssyncset.done @!p0 $0x0  }
0x73: {  	[sflag:s0] =	ssyncadd.s32 @!p0 s1  }
0x74: {  	[bflag:$0x3] =	sbarrier.arrive $0xFFFF  }
0x75: {  	_ =	shalt  }

// kernel: kernel.16.cloned.1.call-start
scs
__scs_entry_jumppad:
0x0: {  	(pc) =	sbr.rel $0x88, $3  }
0x1: {  	(tag) =	ssettag $0x0;
	lr =	simm.s32 $0x1  }
0x2: {  	[smem:$0x3F9F] =	sst lr;
	_ =	strace $0xD0000000  }
0x3: {  	_ = 	snop  }
0x4: {  	_ = 	snop  }
0x5: {  	_ = 	snop  }
0x6: {  	_ = 	snop  }
0x7: {  	_ = 	snop  }
__scs_overlays_trampoline_lowered:
0x8: {  	[smem:$0x3FAE] =	sst s0  }
0x9: {  	[smem:$0x3FAF] =	sst s1  }
0xa: {  	[smem:$0x3FB0] =	sst s2  }
0xb: {  	[smem:$0x3FB1] =	sst s3  }
0xc: {  	[smem:$0x3FB2] =	sst s4  }
0xd: {  	[smem:$0x3FB3] =	sst s5  }
0xe: {  	[smem:$0x3FB4] =	sst s6  }
0xf: {  	[smem:$0x3FB5] =	sst s7  }
0x10: {  	[smem:$0x3FB6] =	sst s8  }
0x11: {  	[smem:$0x3FB7] =	sst s9;
	s0 =	simm.s32 @!p0 $0x0  }
0x12: {  	s1 =	sld [smem:$0x3F9D];
	s0 =	simm.s32 @p0 $0x1  }
0x13: {  	[smem:$0x3FB8] =	sst s0;
	s0 =	simm.s32 @!p1 $0x0  }
0x14: {  	s2 =	sld [smem:$0x3F9C];
	s0 =	simm.s32 @p1 $0x1  }
0x15: {  	[smem:$0x3FB9] =	sst s0;
	s0 =	simm.s32 @!p2 $0x0  }
0x16: {  	s3 =	sld [smem:$0x3FDB];
	s0 =	simm.s32 @p2 $0x1  }
0x17: {  	s4 =	simm.s32 $0x1BF5;
	[smem:$0x3FBB] =	sst s0  }
0x18: {  	s0 =	sld [smem:$0x3F9E];
	_ =	swait.ge [sflag:s4], $0x0  }
0x19: {  	s7 =	sld [smem:$0x3F9F]  }
0x1a: {  	s8 =	sadd.s32 $0xFFFFE003, lr  }
0x1b: {  	s9 =	sadd.s32 $0xFFFFFEF7, lr;
	s5 =	simm.s32 $0xFFFFFFFF;
	p2 =	slt.u32 s8, $0xFFFFF086  }
0x1c: {  	p1 =	slt.u32 s9, $0xF7A;
	s5 =	simm.s32 @!p2 $0x0  }
0x1d: {  	s5 =	simm.s32 @p1 $0x1;
	p0 =	seq.s32 s7, s2  }
0x1e: {  	s7 =	smul.u32 @!p0 $0xF7A, s2;
	p2 =	seq.s32 @!p0 s5, $0x0  }
0x1f: {  	s9 =	smul.u32 $0xF7A, s1;
	s8 =	simm.s32 @!p0 $0x1BF5;
	p2 =	por !p2, p0  }
0x20: {  	[sflag:s8] =	ssyncset.s32 @!p0 $0xFFFFF086;
	s6 =	sadd.s32 @!p0 s3, s7;
	s7 =	simm.s32 @!p0 $0x108  }
0x21: {  	s3 =	sadd.s32 s3, s9;
	s6 =	sadd.s32 @!p0 $0x88, s6;
	s7 =	simm.s32 @p2 $0x1082  }
0x22: {  	[simem:s7], [sflag:s8] =	dma.local @!p0 [hbm:s6], $0xF7A  }
0x23: {  	s9 =	sor.u32 $0xD0000000, s2;
	s6 =	simm.s32 $0x108;
	_ =	swait.ge @!p0 [sflag:s8], $0x0  }
0x24: {  	s3 =	sadd.s32 $0x88, s3;
	s6 =	simm.s32 @!p1 $0x1082;
	[sflag:s4] =	ssyncset.s32 $0xFFFFF086  }
0x25: {  	[simem:s6], [sflag:s4] =	dma.local [hbm:s3], $0xF7A  }
0x26: {  	[smem:$0x3F9F] =	sst s1;
	(tag) =	ssettag s2;
	_ =	strace s9  }
0x27: {  	s1 =	sld [smem:$0x3FAF]  }
0x28: {  	s2 =	sld [smem:$0x3FB0]  }
0x29: {  	s4 =	sld [smem:$0x3FB2]  }
0x2a: {  	p0 =	seq.s32 s5, $0x0;
	s5 =	sld [smem:$0x3FB3]  }
0x2b: {  	s6 =	sld [smem:$0x3FB4]  }
0x2c: {  	s7 =	sld [smem:$0x3FB5]  }
0x2d: {  	s3 =	simm.s32 $0x108;
	s8 =	sld [smem:$0x3FB6]  }
0x2e: {  	s3 =	simm.s32 @!p0 $0x1082;
	s9 =	sld [smem:$0x3FB7]  }
0x2f: {  	lr =	sadd.s32 s0, s3;
	s0 =	sld [smem:$0x3FAE]  }
0x30: {  	s3 =	sld [smem:$0x3FB1]  }
0x31: {  	[smem:$0x3FBA] =	sst s10  }
0x32: {  	s10 =	sld [smem:$0x3FB8];
	_ =	sdelay $0x3  }
0x33: {  	p0 =	seq.s32 s10, $0x1;
	s10 =	sld [smem:$0x3FBA];
	_ =	sdelay $0x3  }
0x34: {  	[smem:$0x3FBA] =	sst s10  }
0x35: {  	s10 =	sld [smem:$0x3FB9];
	_ =	sdelay $0x3  }
0x36: {  	p1 =	seq.s32 s10, $0x1;
	s10 =	sld [smem:$0x3FBA];
	_ =	sdelay $0x3  }
0x37: {  	[smem:$0x3FBA] =	sst s10  }
0x38: {  	s10 =	sld [smem:$0x3FBB]  }
0x39: {  	_ = 	snop;
	(pc) =	sbr.ind lr, $3  }
0x3a: {  	_ = 	snop  }
0x3b: {  	_ = 	snop  }
0x3c: {  	p2 =	seq.s32 s10, $0x1;
	s10 =	sld [smem:$0x3FBA]  }
0x3d: {  	_ =	shalt  }
0x3e: {  	_ =	shalt  }
0x3f: {  	_ =	shalt  }
0x40: {  	_ =	shalt  }
0x41: {  	_ =	shalt  }
0x42: {  	_ =	shalt  }
0x43: {  	_ =	shalt  }
0x44: {  	_ =	shalt  }
0x45: {  	_ =	shalt  }
0x46: {  	_ =	shalt  }
0x47: {  	_ =	shalt  }
0x48: {  	_ =	shalt  }
0x49: {  	_ =	shalt  }
0x4a: {  	_ =	shalt  }
0x4b: {  	_ =	shalt  }
0x4c: {  	_ =	shalt  }
0x4d: {  	_ =	shalt  }
0x4e: {  	_ =	shalt  }
0x4f: {  	_ =	shalt  }
0x50: {  	_ =	shalt  }
0x51: {  	_ =	shalt  }
0x52: {  	_ =	shalt  }
0x53: {  	_ =	shalt  }
0x54: {  	_ =	shalt  }
0x55: {  	_ =	shalt  }
0x56: {  	_ =	shalt  }
0x57: {  	_ =	shalt  }
0x58: {  	_ =	shalt  }
0x59: {  	_ =	shalt  }
0x5a: {  	_ =	shalt  }
0x5b: {  	_ =	shalt  }
0x5c: {  	_ =	shalt  }
0x5d: {  	_ =	shalt  }
0x5e: {  	_ =	shalt  }
0x5f: {  	_ =	shalt  }
0x60: {  	_ =	shalt  }
0x61: {  	_ =	shalt  }
0x62: {  	_ =	shalt  }
0x63: {  	_ =	shalt  }
0x64: {  	_ =	shalt  }
0x65: {  	_ =	shalt  }
0x66: {  	_ =	shalt  }
0x67: {  	_ =	shalt  }
0x68: {  	_ =	shalt  }
0x69: {  	_ =	shalt  }
0x6a: {  	_ =	shalt  }
0x6b: {  	_ =	shalt  }
0x6c: {  	_ =	shalt  }
0x6d: {  	_ =	shalt  }
0x6e: {  	_ =	shalt  }
0x6f: {  	_ =	shalt  }
0x70: {  	_ =	shalt  }
0x71: {  	_ =	shalt  }
0x72: {  	_ =	shalt  }
0x73: {  	_ =	shalt  }
0x74: {  	_ =	shalt  }
0x75: {  	_ =	shalt  }
0x76: {  	_ =	shalt  }
0x77: {  	_ =	shalt  }
0x78: {  	_ =	shalt  }
0x79: {  	_ =	shalt  }
0x7a: {  	_ =	shalt  }
0x7b: {  	_ =	shalt  }
0x7c: {  	_ =	shalt  }
0x7d: {  	_ =	shalt  }
0x7e: {  	_ =	shalt  }
0x7f: {  	_ =	shalt  }
0x80: {  	_ =	shalt  }
0x81: {  	_ =	shalt  }
0x82: {  	_ =	shalt  }
0x83: {  	_ =	shalt  }
0x84: {  	_ =	shalt  }
0x85: {  	_ =	shalt  }
0x86: {  	_ =	shalt  }
0x87: {  	_ =	shalt  }
.Lfunc_end0:
.L_simem_size_0:
called_computation.2_lowered:
.L_overlay_start_0:
0x88: {  	s2 =	sld [smem:$0x3FD9]  }
0x89: {  	s3 =	sld [smem:$0x3FFE];
	_ =	sdelay $0x1  }
0x8a: {  	s1 =	srdreg.scid  }
0x8b: {  	s0 =	sand.u32 $0x1, s1  }
0x8c: {  	s17 =	sshll.u32 s0, $0xA;
	s2 =	sadd.s32 s3, s2  }
0x8d: {  	s2 =	sadd.s32 s2, s17  }
0x8e: {  	[smem:$0x3FC6] =	sst s2  }
0x8f: {  	_ = 	snop  }
0x90: {  	s18 =	sld [smem:$0x3FC8];
	(tm) =	ssettm $0x1  }
0x91: {  	s19 =	sld [smem:$0x3FFB];
	_ =	sdelay $0x3  }
0x92: {  	_ =	strace s19  }
0x93: {  	s2 =	sld [smem:$0x3FFC];
	_ =	sdelay $0x3  }
0x94: {  	_ =	strace s2  }
0x95: {  	s2 =	sld [smem:$0x3FFD];
	_ =	sdelay $0x3  }
0x96: {  	_ =	strace s2  }
0x97: {  	_ =	strace $0x8FFFFFFF  }
0x98: {  	s20 =	sld [smem:$0x3FDB];
	_ =	sdelay $0x1  }
0x99: {  	s4 =	simm.s32 $_scs_section_size  }
0x9a: {  	s5 =	simm.s32 $_size__tile_overlayer_lowered;
	s6 =	simm.s32 $_tile_overlayer_lowered  }
0x9b: {  	s7 =	simm.s32 $0x1BFF;
	s21 =	sshll.u32 s6, $0x1;
	s4 =	sadd.s32 s4, s20  }
0x9c: {  	s22 =	simm.s32 $0x0;
	s5 =	sshll.u32 s5, $0x1;
	s6 =	sadd.s32 s21, s4  }
0x9d: {  	[timem:s22], [sflag:s7] =	dma.local [hbm:s6], s5  }
0x9e: {  	_ =	swait.ge [sflag:s7], s5  }
0x9f: {  	s5 =	ssub.s32 $0x0, s5;
	[sflag:s7] =	ssyncset.done $0x0  }
0xa0: {  	[sflag:s7] =	ssyncadd.s32 s5;
	_ =	sdelay $0x1  }
0xa1: {  	s23 =	simm.s32 $0x1B8B  }
0xa2: {  	_ =	swait.ge [sflag:s23], $0x1  }
0xa3: {  	[sflag:s23] =	ssyncset.done $0x0  }
0xa4: {  	[sflag:s23] =	ssyncadd.s32 $0xFFFFFFFF  }
0xa5: {  	s5 =	sld [smem:$0x0]  }
0xa6: {  	s6 =	sand.u32 $0xFFFFFFFE, s1  }
0xa7: {  	p0 =	sne.s32 s1, s6  }
0xa8: {  	s6 =	sshll.u32 @p0 s6, $0xE  }
0xa9: {  	s6 =	sadd.s32 @p0 $0x11B8D, s6;
	s7 =	sshll.u32 @p0 s5, $0x11  }
0xaa: {  	s6 =	sor.u32 @p0 s7, s6  }
0xab: {  	[sflag:s6] =	ssyncadd.remote.s32 @p0 $0x1;
	_ =	sdelay $0x1  }
0xac: {  	s6 =	simm.s32 @p0 $0x1B8D  }
0xad: {  	_ =	swait.eq @p0 [sflag:s6], $0x1  }
0xae: {  	[sflag:s6] =	ssyncadd.s32 @p0 $0xFFFFFFFF  }
0xaf: {  	s7 =	sshll.u32 @!p0 s1, $0xE  }
0xb0: {  	s7 =	sor.u32 @!p0 $0x4000, s7;
	s6 =	simm.s32 @!p0 $0x1B8D  }
0xb1: {  	s5 =	sshll.u32 @!p0 s5, $0x11;
	s7 =	sadd.s32 @!p0 $0x11B8D, s7;
	_ =	swait.eq @!p0 [sflag:s6], $0x1  }
0xb2: {  	s5 =	sor.u32 @!p0 s5, s7;
	[sflag:s6] =	ssyncadd.s32 @!p0 $0xFFFFFFFF  }
0xb3: {  	s25 =	simm.s32 $0x1B8E;
	s24 =	sld [smem:$0x3FFE];
	[sflag:s5] =	ssyncadd.remote.s32 @!p0 $0x1  }
0xb4: {  	s26 =	simm.s32 $execute0_lowered;
	[smem:$0x3FD2] =	sst s25  }
0xb5: {  	s6 =	sshll.u32 s26, $0x1;
	_ =	strace $0x8000004C;
	[dreg:$0x1] =	wrdreg $0xFFFFFFFF  }
0xb6: {  	s28 =	simm.s32 $_size_execute0_lowered;
	s4 =	sadd.s32 s4, s6;
	[dreg:$0x0] =	wrdreg $0x0  }
0xb7: {  	s6 =	sshll.u32 s28, $0x1;
	[dreg:$0x2] =	wrdreg s4  }
0xb8: {  	[dreg:$0x3] =	wrdreg s6  }
0xb9: {  	[dreg:$0x4] =	wrdreg $0xC0  }
0xba: {  	_ =	task [dreg:s22], $0x5FFFF  }
0xbb: {  	[dreg:$0x1] =	wrdreg $0xFFFFFFFF  }
0xbc: {  	[dreg:$0x0] =	wrdreg $0x60  }
0xbd: {  	[dreg:$0x2] =	wrdreg s24  }
0xbe: {  	[dreg:$0x3] =	wrdreg s18  }
0xbf: {  	[dreg:$0x4] =	wrdreg $0xB  }
0xc0: {  	_ =	task.clear_ibuf [dreg:s22], $0x5FFFF;
	_ =	strace $0x9000004C  }
0xc1: {  	s29 =	simm.s32 $0xB;
	_ =	strace $0x8000004E  }
0xc2: {  	_ =	swait.ge [sflag:s29], $0x1  }
0xc3: {  	[sflag:s29] =	ssyncadd.s32 $0xFFFFFFFF  }
0xc4: {  	_ =	strace $0x9000004E  }
0xc5: {  	_ =	sfence  }
0xc6: {  	s30 =	sld [smem:$0x0];
	_ =	sdelay $0x2  }
0xc7: {  	s31 =	sshll.u32 s1, $0xD;
	s1 =	sshrl.u32 s1, $0x2  }
0xc8: {  	s4 =	sand.u32 $0x4000, s31;
	s1 =	sadd.s32 s1, s30  }
0xc9: {  	s0 =	sor.u32 s4, s0;
	s1 =	sshll.u32 s1, $0x11  }
0xca: {  	s0 =	sor.u32 s1, s0  }
0xcb: {  	s0 =	sadd.s32 $0x8F2B, s0  }
0xcc: {  	[sflag:s0] =	ssyncadd.remote.s32 $0x1  }
0xcd: {  	_ =	sfence.sel $0xFFFF  }
0xce: {  	[dreg:$0x0] =	wrdreg $0xFFFFFFFF;
	(pc) =	sbr.abs _section_cstart, $3  }
0xcf: {  	[dreg:$0x1] =	wrdreg $0xFFFFFFFF  }
0xd0: {  	_ =	task.clear_ibuf [dreg:s22], $0x2FFFF;
	_ =	strace $0x9FFFFFFF  }
0xd1: {  	(tm) =	ssettm $0x7FFFFFFF  }
tec
execute0_lowered:
.L_overlay_start_1:
0x0: {  	(tag) =	ssettag $0x1  }
0x1: {  	s0 =	srdreg.scid;
	s1 =	rddreg [dreg:$0x0]  }
0x2: {  	s5 =	stileid.u32;
	s2 =	rddreg [dreg:$0x1]  }
0x3: {  	s8 =	simm.s32 $0x68;
	s9 =	simm.s32 $0x1900;
	s10 =	simm.s32 $0x60  }
0x4: {  	s13 =	simm.s32 $0x7D00;
	s17 =	simm.s32 $0xE100;
	s20 =	simm.s32 $0x258  }
0x5: {  	s21 =	simm.s32 $0x14500;
	s22 =	simm.s32 $0x2C0;
	s23 =	simm.s32 $0x17900  }
0x6: {  	s24 =	simm.s32 $0x1;
	s25 =	simm.s32 $0x2;
	s28 =	simm.s32 $0x4  }
0x7: {  	s29 =	simm.s32 $0x5;
	s30 =	simm.s32 $0x6;
	s0 =	sand.u32 $0x1, s0  }
0x8: {  	s3 =	sshll.u32 s5, $0x6;
	s5 =	smul.u32 $0x32000, s5;
	s4 =	sshll.u32 s0, $0x5  }
0x9: {  	s6 =	ssub.s32 $0x2, s0;
	s0 =	smul.u32 $0x19000, s0;
	s4 =	sor.u32 s4, s3  }
0xa: {  	s31 =	simm.s32 $0x7;
	s3 =	simm.s32 $0x0;
	s4 =	smul.u32 $0x19, s4  }
.Ltmp0:
0xb: {  	s7 =	sshrl.u32 s6, $0x1;
	[smem:$0x7FF] =	sst s3;
	(pc) =	sbr.rel .LBB2_1-.Ltmp0, $4  }
0xc: {  	s26 =	ssub.s32 s6, s7;
	s7 =	simm.s32 $0x9;
	_ =	strace $0x8000004D  }
0xd: {  	s4 =	sadd.s32 s4, s1;
	s1 =	sadd.s32 s5, s1;
	s5 =	smax.u32 s26, $0x1  }
0xe: {  	s26 =	simm.s32 $0x3;
	s4 =	sadd.s32 $0x32DC00, s4;
	s0 =	sadd.s32 s0, s1  }
0xf: {  	s1 =	simm.s32 $0x8;
	s11 =	sadd.s32 $0x65A400, s0;
	s0 =	simm.s32 $0x0  }
.LBB2_4:
0x10: {  	_ =	swait.ge [sflag:s29], $0x6400  }
0x11: {  	[sflag:s29] =	ssyncset.done $0x0  }
0x12: {  	[sflag:s29] =	ssyncadd.s32 $0xFFFF9C00  }
0x13: {  	_ =	swait.ge [sflag:s30], $0x6400  }
0x14: {  	[sflag:s30] =	ssyncset.done $0x0  }
0x15: {  	s0 =	sadd.s32 $0x1, s0;
	[sflag:s30] =	ssyncadd.s32 $0xFFFF9C00  }
0x16: {  	p0 =	sne.s32 s0, s5;
	_ =	swait.ge [sflag:s31], $0x6400  }
.Ltmp1:
0x17: {  	[sflag:s31] =	ssyncset.done $0x0;
	(pc) =	sbr.rel @!p0 .LBB2_5-.Ltmp1, $4  }
0x18: {  	[sflag:s31] =	ssyncadd.s32 $0xFFFF9C00  }
0x19: {  	_ =	swait.ge [sflag:s1], $0x6400  }
0x1a: {  	[sflag:s1] =	ssyncset.done $0x0  }
0x1b: {  	[sflag:s1] =	ssyncadd.s32 $0xFFFF9C00  }
.LBB2_1:
0x1c: {  	[tilespmem:s3], [sflag:$0x9] =	stream.linear.gather [hbm4b:s4+s3], $0x1900, $0x38;
	[tilespmem:$0x1A900] =	vst v63  }
0x1d: {  	_ =	swait.ge [sflag:s7], $0x1900  }
0x1e: {  	[sflag:s7] =	ssyncset.done $0x0  }
0x1f: {  	[sflag:s7] =	ssyncadd.s32 $0xFFFFE700  }
0x20: {  	[tilespmem:s9], [sflag:$0x1] =	stream.indirect.gather [hbm4b:s2+s8], $0x80, s3, s8, $0xb8;
	[tilespmem:$0x1A900] =	vst v63  }
0x21: {  	s6 =	simm.s32 $0x4D00  }
0x22: {  	[tilespmem:s6], [sflag:$0x1] =	stream.indirect.gather [hbm4b:s2+s10], $0x80, s8, s10, $0xb8;
	[tilespmem:$0x1A900] =	vst v63  }
0x23: {  	s14 =	simm.s32 $0xC8  }
0x24: {  	[tilespmem:s13], [sflag:$0x2] =	stream.indirect.gather [hbm4b:s2+s8], $0x80, s14, s8, $0xb8;
	[tilespmem:$0x1A900] =	vst v63  }
0x25: {  	s15 =	simm.s32 $0x130;
	s12 =	simm.s32 $0xB100  }
0x26: {  	[tilespmem:s12], [sflag:$0x2] =	stream.indirect.gather [hbm4b:s2+s10], $0x80, s15, s10, $0xb8;
	[tilespmem:$0x1A900] =	vst v63  }
0x27: {  	s16 =	simm.s32 $0x190  }
0x28: {  	[tilespmem:s17], [sflag:$0x3] =	stream.indirect.gather [hbm4b:s2+s8], $0x80, s16, s8, $0xb8;
	[tilespmem:$0x1A900] =	vst v63  }
0x29: {  	s18 =	simm.s32 $0x1F8;
	s19 =	simm.s32 $0x11500  }
0x2a: {  	[tilespmem:s19], [sflag:$0x3] =	stream.indirect.gather [hbm4b:s2+s10], $0x80, s18, s10, $0xb8;
	[tilespmem:$0x1A900] =	vst v63  }
0x2b: {  	_ = 	snop  }
0x2c: {  	[tilespmem:s21], [sflag:$0x4] =	stream.indirect.gather [hbm4b:s2+s8], $0x80, s20, s8, $0xb8;
	[tilespmem:$0x1A900] =	vst v63  }
0x2d: {  	s6 =	smov.u32 s11;
	s12 =	simm.s32 $0x0  }
0x2e: {  	[tilespmem:s23], [sflag:$0x4] =	stream.indirect.gather [hbm4b:s2+s10], $0x80, s22, s10, $0xb8;
	[tilespmem:$0x1A900] =	vst v63  }
.LBB2_2:
0x2f: {  	_ =	swait.ge [sflag:s24], $0x3400  }
0x30: {  	[sflag:s24] =	ssyncset.done $0x0  }
0x31: {  	[sflag:s24] =	ssyncadd.s32 $0xFFFFCC00  }
0x32: {  	_ =	swait.ge [sflag:s24], $0x3000  }
0x33: {  	p0 =	seq.s32 s12, $0x5780;
	[sflag:s24] =	ssyncset.done $0x0  }
0x34: {  	s14 =	simm.s32 @!p0 $0x5;
	[sflag:s24] =	ssyncadd.s32 $0xFFFFD000  }
0x35: {  	[hbm4b:s6+s3] =	stream.linear.scatter [tilespmem:s9], [sflag:$0x5], $0x6400, $0x38;
	[tilespmem:$0x1A900] =	vst v63  }
0x36: {  	_ =	swait.ge @!p0 [sflag:s14], $0x6400  }
0x37: {  	[sflag:s14] =	ssyncset.done @!p0 $0x0  }
0x38: {  	[sflag:s14] =	ssyncadd.s32 @!p0 $0xFFFF9C00;
	s14 =	sshra.s32 @!p0 s12, $0x2  }
0x39: {  	s16 =	simm.s32 @!p0 $0x68;
	s18 =	simm.s32 @!p0 $0x1900;
	s15 =	sadd.s32 @!p0 $0x320, s14  }
0x3a: {  	[tilespmem:s18], [sflag:$0x1] =	stream.indirect.gather @!p0 [hbm4b:s2+s16], $0x80, s15, s16, $0xb8;
	[tilespmem:$0x1A900] =	vst v63  }
0x3b: {  	s19 =	simm.s32 @!p0 $0x4D00;
	s15 =	sadd.s32 @!p0 $0x388, s14;
	s18 =	simm.s32 @!p0 $0x60  }
0x3c: {  	[tilespmem:s19], [sflag:$0x1] =	stream.indirect.gather @!p0 [hbm4b:s2+s18], $0x80, s15, s18, $0xb8;
	[tilespmem:$0x1A900] =	vst v63  }
0x3d: {  	_ =	swait.ge [sflag:s25], $0x3400  }
0x3e: {  	[sflag:s25] =	ssyncset.done $0x0  }
0x3f: {  	[sflag:s25] =	ssyncadd.s32 $0xFFFFCC00  }
0x40: {  	_ =	swait.ge [sflag:s25], $0x3000  }
0x41: {  	[sflag:s25] =	ssyncset.done $0x0  }
0x42: {  	s19 =	sadd.s32 $0xC80, s6;
	s15 =	simm.s32 @!p0 $0x6;
	[sflag:s25] =	ssyncadd.s32 $0xFFFFD000  }
0x43: {  	[hbm4b:s19+s3] =	stream.linear.scatter [tilespmem:s13], [sflag:$0x6], $0x6400, $0x38;
	[tilespmem:$0x1A900] =	vst v63  }
0x44: {  	_ =	swait.ge @!p0 [sflag:s15], $0x6400  }
0x45: {  	[sflag:s15] =	ssyncset.done @!p0 $0x0  }
0x46: {  	s19 =	simm.s32 @!p0 $0x7D00;
	[sflag:s15] =	ssyncadd.s32 @!p0 $0xFFFF9C00;
	s15 =	sadd.s32 @!p0 $0x3E8, s14  }
0x47: {  	[tilespmem:s19], [sflag:$0x2] =	stream.indirect.gather @!p0 [hbm4b:s2+s16], $0x80, s15, s16, $0xb8;
	[tilespmem:$0x1A900] =	vst v63  }
0x48: {  	s15 =	sadd.s32 @!p0 $0x450, s14;
	s19 =	simm.s32 @!p0 $0xB100  }
0x49: {  	[tilespmem:s19], [sflag:$0x2] =	stream.indirect.gather @!p0 [hbm4b:s2+s18], $0x80, s15, s18, $0xb8;
	[tilespmem:$0x1A900] =	vst v63  }
0x4a: {  	_ =	swait.ge [sflag:s26], $0x3400  }
0x4b: {  	[sflag:s26] =	ssyncset.done $0x0  }
0x4c: {  	[sflag:s26] =	ssyncadd.s32 $0xFFFFCC00  }
0x4d: {  	_ =	swait.ge [sflag:s26], $0x3000  }
0x4e: {  	[sflag:s26] =	ssyncset.done $0x0  }
0x4f: {  	s19 =	sadd.s32 $0x1900, s6;
	s15 =	simm.s32 @!p0 $0x7;
	[sflag:s26] =	ssyncadd.s32 $0xFFFFD000  }
0x50: {  	[hbm4b:s19+s3] =	stream.linear.scatter [tilespmem:s17], [sflag:$0x7], $0x6400, $0x38;
	[tilespmem:$0x1A900] =	vst v63  }
0x51: {  	_ =	swait.ge @!p0 [sflag:s15], $0x6400  }
0x52: {  	[sflag:s15] =	ssyncset.done @!p0 $0x0  }
0x53: {  	s19 =	simm.s32 @!p0 $0xE100;
	[sflag:s15] =	ssyncadd.s32 @!p0 $0xFFFF9C00;
	s15 =	sadd.s32 @!p0 $0x4B0, s14  }
0x54: {  	[tilespmem:s19], [sflag:$0x3] =	stream.indirect.gather @!p0 [hbm4b:s2+s16], $0x80, s15, s16, $0xb8;
	[tilespmem:$0x1A900] =	vst v63  }
0x55: {  	s14 =	sadd.s32 @!p0 $0x518, s14;
	s15 =	simm.s32 @!p0 $0x11500  }
0x56: {  	[tilespmem:s15], [sflag:$0x3] =	stream.indirect.gather @!p0 [hbm4b:s2+s18], $0x80, s14, s18, $0xb8;
	[tilespmem:$0x1A900] =	vst v63  }
0x57: {  	_ =	swait.ge [sflag:s28], $0x3400  }
0x58: {  	[sflag:s28] =	ssyncset.done $0x0  }
.Ltmp2:
0x59: {  	[sflag:s28] =	ssyncadd.s32 $0xFFFFCC00;
	(pc) =	sbr.rel @p0 .LBB2_4-.Ltmp2, $4  }
0x5a: {  	_ =	swait.ge [sflag:s28], $0x3000  }
0x5b: {  	[sflag:s28] =	ssyncset.done $0x0  }
0x5c: {  	s19 =	sadd.s32 $0x2580, s6;
	[sflag:s28] =	ssyncadd.s32 $0xFFFFD000  }
0x5d: {  	[hbm4b:s19+s3] =	stream.linear.scatter [tilespmem:s21], [sflag:$0x8], $0x6400, $0x38;
	[tilespmem:$0x1A900] =	vst v63  }
0x5e: {  	_ =	swait.ge [sflag:s1], $0x6400  }
.Ltmp3:
0x5f: {  	s14 =	sshra.s32 s12, $0x2;
	[sflag:s1] =	ssyncset.done $0x0;
	(pc) =	sbr.rel .LBB2_2-.Ltmp3, $4  }
0x60: {  	s15 =	sadd.s32 $0x578, s14;
	[sflag:s1] =	ssyncadd.s32 $0xFFFF9C00  }
0x61: {  	[tilespmem:s21], [sflag:$0x4] =	stream.indirect.gather [hbm4b:s2+s8], $0x80, s15, s8, $0xb8;
	[tilespmem:$0x1A900] =	vst v63  }
0x62: {  	s12 =	sadd.s32 $0xC80, s12;
	s6 =	sadd.s32 $0x3200, s6;
	s14 =	sadd.s32 $0x5E0, s14  }
0x63: {  	[tilespmem:s23], [sflag:$0x4] =	stream.indirect.gather [hbm4b:s2+s10], $0x80, s14, s10, $0xb8;
	[tilespmem:$0x1A900] =	vst v63  }
.LBB2_5:
0x64: {  	_ =	sfence.sel $0x180000  }
0x65: {  	[bflag:$0x0] =	sbarrier.arrive $0xFFFF  }
0x66: {  	_ =	strace $0x9000004D  }
0x67: {  	s0 =	stileid.u32;
	[bflag:$0x2] =	sbarrier.arrive $0xFFFF  }
0x68: {  	p0 =	sne.s32 s0, $0x0;
	s0 =	rddreg [dreg:$0x2]  }
0x69: {  	s0 =	sadd.s32 @!p0 $0x100000, s0  }
0x6a: {  	[sflag:s0] =	ssyncadd.tile.s32 @!p0 $0x1;
	_ =	shalt  }
.Lfunc_end2:
_tile_overlayer_lowered:
.L_overlay_start_2:
0x6b: {  	(tag) =	ssettag $0x2  }
0x6c: {  	s0 =	rddreg [dreg:$0x0];
	s2 =	stileid.u32  }
0x6d: {  	s1 =	rddreg [dreg:$0x1];
	p0 =	sne.s32 s2, $0x0  }
0x6e: {  	s3 =	rddreg [dreg:$0x2];
	[bflag:$0x3] =	sbarrier.arrive $0xFFFF;
	s2 =	simm.s32 @!p0 $0x1C09  }
0x6f: {  	[timem:s3], [sflag:s2] =	dma.local @!p0 [hbm:s0], s1  }
0x70: {  	s0 =	simm.s32 @!p0 $0x9  }
0x71: {  	_ =	swait.ge @!p0 [sflag:s0], s1  }
0x72: {  	s1 =	ssub.s32 @!p0 $0x0, s1;
	[sflag:s0] =	ssyncset.done @!p0 $0x0  }
0x73: {  	[sflag:s0] =	ssyncadd.s32 @!p0 s1  }
0x74: {  	[bflag:$0x3] =	sbarrier.arrive $0xFFFF  }
0x75: {  	_ =	shalt  }

// kernel: kernel.19.cloned.1.call-start
scs
__scs_entry_jumppad:
0x0: {  	(pc) =	sbr.rel $0x88, $3  }
0x1: {  	(tag) =	ssettag $0x0;
	lr =	simm.s32 $0x1  }
0x2: {  	[smem:$0x3F9F] =	sst lr;
	_ =	strace $0xD0000000  }
0x3: {  	_ = 	snop  }
0x4: {  	_ = 	snop  }
0x5: {  	_ = 	snop  }
0x6: {  	_ = 	snop  }
0x7: {  	_ = 	snop  }
__scs_overlays_trampoline_lowered:
0x8: {  	[smem:$0x3FAE] =	sst s0  }
0x9: {  	[smem:$0x3FAF] =	sst s1  }
0xa: {  	[smem:$0x3FB0] =	sst s2  }
0xb: {  	[smem:$0x3FB1] =	sst s3  }
0xc: {  	[smem:$0x3FB2] =	sst s4  }
0xd: {  	[smem:$0x3FB3] =	sst s5  }
0xe: {  	[smem:$0x3FB4] =	sst s6  }
0xf: {  	[smem:$0x3FB5] =	sst s7  }
0x10: {  	[smem:$0x3FB6] =	sst s8  }
0x11: {  	[smem:$0x3FB7] =	sst s9;
	s0 =	simm.s32 @!p0 $0x0  }
0x12: {  	s1 =	sld [smem:$0x3F9D];
	s0 =	simm.s32 @p0 $0x1  }
0x13: {  	[smem:$0x3FB8] =	sst s0;
	s0 =	simm.s32 @!p1 $0x0  }
0x14: {  	s2 =	sld [smem:$0x3F9C];
	s0 =	simm.s32 @p1 $0x1  }
0x15: {  	[smem:$0x3FB9] =	sst s0;
	s0 =	simm.s32 @!p2 $0x0  }
0x16: {  	s3 =	sld [smem:$0x3FDB];
	s0 =	simm.s32 @p2 $0x1  }
0x17: {  	s4 =	simm.s32 $0x1BF5;
	[smem:$0x3FBB] =	sst s0  }
0x18: {  	s0 =	sld [smem:$0x3F9E];
	_ =	swait.ge [sflag:s4], $0x0  }
0x19: {  	s7 =	sld [smem:$0x3F9F]  }
0x1a: {  	s8 =	sadd.s32 $0xFFFFE003, lr  }
0x1b: {  	s9 =	sadd.s32 $0xFFFFFEF7, lr;
	s5 =	simm.s32 $0xFFFFFFFF;
	p2 =	slt.u32 s8, $0xFFFFF086  }
0x1c: {  	p1 =	slt.u32 s9, $0xF7A;
	s5 =	simm.s32 @!p2 $0x0  }
0x1d: {  	s5 =	simm.s32 @p1 $0x1;
	p0 =	seq.s32 s7, s2  }
0x1e: {  	s7 =	smul.u32 @!p0 $0xF7A, s2;
	p2 =	seq.s32 @!p0 s5, $0x0  }
0x1f: {  	s9 =	smul.u32 $0xF7A, s1;
	s8 =	simm.s32 @!p0 $0x1BF5;
	p2 =	por !p2, p0  }
0x20: {  	[sflag:s8] =	ssyncset.s32 @!p0 $0xFFFFF086;
	s6 =	sadd.s32 @!p0 s3, s7;
	s7 =	simm.s32 @!p0 $0x108  }
0x21: {  	s3 =	sadd.s32 s3, s9;
	s6 =	sadd.s32 @!p0 $0x88, s6;
	s7 =	simm.s32 @p2 $0x1082  }
0x22: {  	[simem:s7], [sflag:s8] =	dma.local @!p0 [hbm:s6], $0xF7A  }
0x23: {  	s9 =	sor.u32 $0xD0000000, s2;
	s6 =	simm.s32 $0x108;
	_ =	swait.ge @!p0 [sflag:s8], $0x0  }
0x24: {  	s3 =	sadd.s32 $0x88, s3;
	s6 =	simm.s32 @!p1 $0x1082;
	[sflag:s4] =	ssyncset.s32 $0xFFFFF086  }
0x25: {  	[simem:s6], [sflag:s4] =	dma.local [hbm:s3], $0xF7A  }
0x26: {  	[smem:$0x3F9F] =	sst s1;
	(tag) =	ssettag s2;
	_ =	strace s9  }
0x27: {  	s1 =	sld [smem:$0x3FAF]  }
0x28: {  	s2 =	sld [smem:$0x3FB0]  }
0x29: {  	s4 =	sld [smem:$0x3FB2]  }
0x2a: {  	p0 =	seq.s32 s5, $0x0;
	s5 =	sld [smem:$0x3FB3]  }
0x2b: {  	s6 =	sld [smem:$0x3FB4]  }
0x2c: {  	s7 =	sld [smem:$0x3FB5]  }
0x2d: {  	s3 =	simm.s32 $0x108;
	s8 =	sld [smem:$0x3FB6]  }
0x2e: {  	s3 =	simm.s32 @!p0 $0x1082;
	s9 =	sld [smem:$0x3FB7]  }
0x2f: {  	lr =	sadd.s32 s0, s3;
	s0 =	sld [smem:$0x3FAE]  }
0x30: {  	s3 =	sld [smem:$0x3FB1]  }
0x31: {  	[smem:$0x3FBA] =	sst s10  }
0x32: {  	s10 =	sld [smem:$0x3FB8];
	_ =	sdelay $0x3  }
0x33: {  	p0 =	seq.s32 s10, $0x1;
	s10 =	sld [smem:$0x3FBA];
	_ =	sdelay $0x3  }
0x34: {  	[smem:$0x3FBA] =	sst s10  }
0x35: {  	s10 =	sld [smem:$0x3FB9];
	_ =	sdelay $0x3  }
0x36: {  	p1 =	seq.s32 s10, $0x1;
	s10 =	sld [smem:$0x3FBA];
	_ =	sdelay $0x3  }
0x37: {  	[smem:$0x3FBA] =	sst s10  }
0x38: {  	s10 =	sld [smem:$0x3FBB]  }
0x39: {  	_ = 	snop;
	(pc) =	sbr.ind lr, $3  }
0x3a: {  	_ = 	snop  }
0x3b: {  	_ = 	snop  }
0x3c: {  	p2 =	seq.s32 s10, $0x1;
	s10 =	sld [smem:$0x3FBA]  }
0x3d: {  	_ =	shalt  }
0x3e: {  	_ =	shalt  }
0x3f: {  	_ =	shalt  }
0x40: {  	_ =	shalt  }
0x41: {  	_ =	shalt  }
0x42: {  	_ =	shalt  }
0x43: {  	_ =	shalt  }
0x44: {  	_ =	shalt  }
0x45: {  	_ =	shalt  }
0x46: {  	_ =	shalt  }
0x47: {  	_ =	shalt  }
0x48: {  	_ =	shalt  }
0x49: {  	_ =	shalt  }
0x4a: {  	_ =	shalt  }
0x4b: {  	_ =	shalt  }
0x4c: {  	_ =	shalt  }
0x4d: {  	_ =	shalt  }
0x4e: {  	_ =	shalt  }
0x4f: {  	_ =	shalt  }
0x50: {  	_ =	shalt  }
0x51: {  	_ =	shalt  }
0x52: {  	_ =	shalt  }
0x53: {  	_ =	shalt  }
0x54: {  	_ =	shalt  }
0x55: {  	_ =	shalt  }
0x56: {  	_ =	shalt  }
0x57: {  	_ =	shalt  }
0x58: {  	_ =	shalt  }
0x59: {  	_ =	shalt  }
0x5a: {  	_ =	shalt  }
0x5b: {  	_ =	shalt  }
0x5c: {  	_ =	shalt  }
0x5d: {  	_ =	shalt  }
0x5e: {  	_ =	shalt  }
0x5f: {  	_ =	shalt  }
0x60: {  	_ =	shalt  }
0x61: {  	_ =	shalt  }
0x62: {  	_ =	shalt  }
0x63: {  	_ =	shalt  }
0x64: {  	_ =	shalt  }
0x65: {  	_ =	shalt  }
0x66: {  	_ =	shalt  }
0x67: {  	_ =	shalt  }
0x68: {  	_ =	shalt  }
0x69: {  	_ =	shalt  }
0x6a: {  	_ =	shalt  }
0x6b: {  	_ =	shalt  }
0x6c: {  	_ =	shalt  }
0x6d: {  	_ =	shalt  }
0x6e: {  	_ =	shalt  }
0x6f: {  	_ =	shalt  }
0x70: {  	_ =	shalt  }
0x71: {  	_ =	shalt  }
0x72: {  	_ =	shalt  }
0x73: {  	_ =	shalt  }
0x74: {  	_ =	shalt  }
0x75: {  	_ =	shalt  }
0x76: {  	_ =	shalt  }
0x77: {  	_ =	shalt  }
0x78: {  	_ =	shalt  }
0x79: {  	_ =	shalt  }
0x7a: {  	_ =	shalt  }
0x7b: {  	_ =	shalt  }
0x7c: {  	_ =	shalt  }
0x7d: {  	_ =	shalt  }
0x7e: {  	_ =	shalt  }
0x7f: {  	_ =	shalt  }
0x80: {  	_ =	shalt  }
0x81: {  	_ =	shalt  }
0x82: {  	_ =	shalt  }
0x83: {  	_ =	shalt  }
0x84: {  	_ =	shalt  }
0x85: {  	_ =	shalt  }
0x86: {  	_ =	shalt  }
0x87: {  	_ =	shalt  }
.Lfunc_end0:
.L_simem_size_0:
called_computation.3_lowered:
.L_overlay_start_0:
0x88: {  	s2 =	sld [smem:$0x3FD9]  }
0x89: {  	s3 =	sld [smem:$0x3FFE];
	_ =	sdelay $0x1  }
0x8a: {  	s1 =	srdreg.scid  }
0x8b: {  	s0 =	sand.u32 $0x1, s1  }
0x8c: {  	s17 =	sshll.u32 s0, $0xA;
	s2 =	sadd.s32 s3, s2  }
0x8d: {  	s2 =	sadd.s32 s2, s17  }
0x8e: {  	[smem:$0x3FC6] =	sst s2  }
0x8f: {  	_ = 	snop  }
0x90: {  	s18 =	sld [smem:$0x3FC8]  }
0x91: {  	s4 =	sld [smem:$0x3FD0];
	(tm) =	ssettm $0x1  }
0x92: {  	s19 =	sld [smem:$0x3FFB];
	_ =	sdelay $0x3  }
0x93: {  	_ =	strace s19  }
0x94: {  	s2 =	sld [smem:$0x3FFC];
	_ =	sdelay $0x3  }
0x95: {  	_ =	strace s2  }
0x96: {  	s2 =	sld [smem:$0x3FFD];
	_ =	sdelay $0x3  }
0x97: {  	_ =	strace s2  }
0x98: {  	_ =	strace $0x8FFFFFFF  }
0x99: {  	s20 =	sld [smem:$0x3FDB];
	_ =	sdelay $0x1  }
0x9a: {  	s5 =	simm.s32 $_scs_section_size  }
0x9b: {  	s6 =	simm.s32 $_size__tile_overlayer_lowered;
	s7 =	simm.s32 $_tile_overlayer_lowered  }
0x9c: {  	s8 =	simm.s32 $0x1BFF;
	s21 =	sshll.u32 s7, $0x1;
	s5 =	sadd.s32 s5, s20  }
0x9d: {  	s22 =	simm.s32 $0x0;
	s6 =	sshll.u32 s6, $0x1;
	s7 =	sadd.s32 s21, s5  }
0x9e: {  	[timem:s22], [sflag:s8] =	dma.local [hbm:s7], s6  }
0x9f: {  	_ =	swait.ge [sflag:s8], s6  }
0xa0: {  	s6 =	ssub.s32 $0x0, s6;
	[sflag:s8] =	ssyncset.done $0x0  }
0xa1: {  	[sflag:s8] =	ssyncadd.s32 s6;
	_ =	sdelay $0x1  }
0xa2: {  	s23 =	simm.s32 $0x1B8B  }
0xa3: {  	_ =	swait.ge [sflag:s23], $0x1  }
0xa4: {  	[sflag:s23] =	ssyncset.done $0x0  }
0xa5: {  	[sflag:s23] =	ssyncadd.s32 $0xFFFFFFFF  }
0xa6: {  	s6 =	sld [smem:$0x0]  }
0xa7: {  	s7 =	sand.u32 $0xFFFFFFFE, s1  }
0xa8: {  	p0 =	sne.s32 s1, s7  }
0xa9: {  	s7 =	sshll.u32 @p0 s7, $0xE  }
0xaa: {  	s7 =	sadd.s32 @p0 $0x11B8D, s7;
	s8 =	sshll.u32 @p0 s6, $0x11  }
0xab: {  	s7 =	sor.u32 @p0 s8, s7  }
0xac: {  	[sflag:s7] =	ssyncadd.remote.s32 @p0 $0x1;
	_ =	sdelay $0x1  }
0xad: {  	s7 =	simm.s32 @p0 $0x1B8D  }
0xae: {  	_ =	swait.eq @p0 [sflag:s7], $0x1  }
0xaf: {  	[sflag:s7] =	ssyncadd.s32 @p0 $0xFFFFFFFF  }
0xb0: {  	s8 =	sshll.u32 @!p0 s1, $0xE  }
0xb1: {  	s8 =	sor.u32 @!p0 $0x4000, s8;
	s7 =	simm.s32 @!p0 $0x1B8D  }
0xb2: {  	s6 =	sshll.u32 @!p0 s6, $0x11;
	s8 =	sadd.s32 @!p0 $0x11B8D, s8;
	_ =	swait.eq @!p0 [sflag:s7], $0x1  }
0xb3: {  	s6 =	sor.u32 @!p0 s6, s8;
	[sflag:s7] =	ssyncadd.s32 @!p0 $0xFFFFFFFF  }
0xb4: {  	s25 =	simm.s32 $0x1B8E;
	s24 =	sld [smem:$0x3FFE];
	[sflag:s6] =	ssyncadd.remote.s32 @!p0 $0x1  }
0xb5: {  	s26 =	simm.s32 $execute0_lowered;
	[smem:$0x3FD2] =	sst s25  }
0xb6: {  	s7 =	sshll.u32 s26, $0x1;
	_ =	strace $0x8000004F;
	[dreg:$0x1] =	wrdreg $0xFFFFFFFF  }
0xb7: {  	s28 =	simm.s32 $_size_execute0_lowered;
	s5 =	sadd.s32 s5, s7;
	[dreg:$0x0] =	wrdreg $0x0  }
0xb8: {  	s7 =	sshll.u32 s28, $0x1;
	[dreg:$0x2] =	wrdreg s5  }
0xb9: {  	[dreg:$0x3] =	wrdreg s7  }
0xba: {  	[dreg:$0x4] =	wrdreg $0xC0  }
0xbb: {  	_ =	task [dreg:s22], $0x5FFFF  }
0xbc: {  	[dreg:$0x1] =	wrdreg $0xFFFFFFFF  }
0xbd: {  	[dreg:$0x0] =	wrdreg $0x60  }
0xbe: {  	[dreg:$0x2] =	wrdreg s24  }
0xbf: {  	[dreg:$0x3] =	wrdreg s18  }
0xc0: {  	[dreg:$0x4] =	wrdreg s4  }
0xc1: {  	[dreg:$0x5] =	wrdreg $0xC  }
0xc2: {  	_ =	task.clear_ibuf [dreg:s22], $0x6FFFF;
	_ =	strace $0x9000004F  }
0xc3: {  	s29 =	simm.s32 $0xC;
	_ =	strace $0x80000051  }
0xc4: {  	_ =	swait.ge [sflag:s29], $0x1  }
0xc5: {  	[sflag:s29] =	ssyncadd.s32 $0xFFFFFFFF  }
0xc6: {  	_ =	strace $0x90000051  }
0xc7: {  	_ =	sfence  }
0xc8: {  	s30 =	sld [smem:$0x0];
	_ =	sdelay $0x2  }
0xc9: {  	s31 =	sshll.u32 s1, $0xD;
	s1 =	sshrl.u32 s1, $0x2  }
0xca: {  	s4 =	sand.u32 $0x4000, s31;
	s1 =	sadd.s32 s1, s30  }
0xcb: {  	s0 =	sor.u32 s4, s0;
	s1 =	sshll.u32 s1, $0x11  }
0xcc: {  	s0 =	sor.u32 s1, s0  }
0xcd: {  	s0 =	sadd.s32 $0x8F2B, s0  }
0xce: {  	[sflag:s0] =	ssyncadd.remote.s32 $0x1  }
0xcf: {  	_ =	sfence.sel $0xFFFF  }
0xd0: {  	[dreg:$0x0] =	wrdreg $0xFFFFFFFF;
	(pc) =	sbr.abs _section_cstart, $3  }
0xd1: {  	[dreg:$0x1] =	wrdreg $0xFFFFFFFF  }
0xd2: {  	_ =	task.clear_ibuf [dreg:s22], $0x2FFFF;
	_ =	strace $0x9FFFFFFF  }
0xd3: {  	(tm) =	ssettm $0x7FFFFFFF  }
tec
execute0_lowered:
.L_overlay_start_1:
0x0: {  	(tag) =	ssettag $0x1  }
0x1: {  	s0 =	rddreg [dreg:$0x0];
	s1 =	srdreg.scid  }
0x2: {  	s2 =	rddreg [dreg:$0x1];
	s8 =	stileid.u32  }
0x3: {  	s6 =	rddreg [dreg:$0x2];
	s3 =	simm.s32 $0x0;
	s9 =	simm.s32 $0x1900  }
0x4: {  	s10 =	simm.s32 $0x60;
	s13 =	simm.s32 $0x7D00;
	s17 =	simm.s32 $0xE100  }
0x5: {  	s20 =	simm.s32 $0x258;
	s21 =	simm.s32 $0x14500;
	s22 =	simm.s32 $0x2C0  }
0x6: {  	s23 =	simm.s32 $0x17900;
	s24 =	simm.s32 $0x1;
	s28 =	simm.s32 $0x4  }
0x7: {  	s29 =	simm.s32 $0x5;
	s30 =	simm.s32 $0x6;
	s31 =	simm.s32 $0x7  }
0x8: {  	s1 =	sand.u32 $0x1, s1;
	s4 =	sshll.u32 s8, $0x6;
	[smem:$0x7FF] =	sst s3  }
0x9: {  	s8 =	smul.u32 $0x32000, s8;
	s5 =	sshll.u32 s1, $0x5;
	s25 =	ssub.s32 $0x2, s1  }
0xa: {  	_ =	strace $0x80000050;
	s1 =	smul.u32 $0x19000, s1;
	s4 =	sor.u32 s5, s4  }
.Ltmp0:
0xb: {  	s7 =	sshrl.u32 s25, $0x1;
	s26 =	sadd.s32 s8, s6;
	(pc) =	sbr.rel .LBB2_1-.Ltmp0, $4  }
0xc: {  	s8 =	simm.s32 $0x68;
	s4 =	smul.u32 $0x19, s4;
	s5 =	ssub.s32 s25, s7  }
0xd: {  	s11 =	sadd.s32 s1, s26;
	s7 =	simm.s32 $0x9;
	s25 =	simm.s32 $0x2  }
0xe: {  	s26 =	simm.s32 $0x3;
	s1 =	simm.s32 $0x8;
	s0 =	sadd.s32 s4, s0  }
0xf: {  	s5 =	smax.u32 s5, $0x1;
	s4 =	sadd.s32 $0x334000, s0;
	s0 =	simm.s32 $0x0  }
.LBB2_4:
0x10: {  	_ =	swait.ge [sflag:s29], $0x6400  }
0x11: {  	[sflag:s29] =	ssyncset.done $0x0  }
0x12: {  	[sflag:s29] =	ssyncadd.s32 $0xFFFF9C00  }
0x13: {  	_ =	swait.ge [sflag:s30], $0x6400  }
0x14: {  	[sflag:s30] =	ssyncset.done $0x0  }
0x15: {  	s0 =	sadd.s32 $0x1, s0;
	[sflag:s30] =	ssyncadd.s32 $0xFFFF9C00  }
0x16: {  	p0 =	sne.s32 s0, s5;
	_ =	swait.ge [sflag:s31], $0x6400  }
.Ltmp1:
0x17: {  	[sflag:s31] =	ssyncset.done $0x0;
	(pc) =	sbr.rel @!p0 .LBB2_5-.Ltmp1, $4  }
0x18: {  	[sflag:s31] =	ssyncadd.s32 $0xFFFF9C00  }
0x19: {  	_ =	swait.ge [sflag:s1], $0x6400  }
0x1a: {  	[sflag:s1] =	ssyncset.done $0x0  }
0x1b: {  	[sflag:s1] =	ssyncadd.s32 $0xFFFF9C00  }
.LBB2_1:
0x1c: {  	[tilespmem:s3], [sflag:$0x9] =	stream.linear.gather [hbm4b:s4+s3], $0x1900, $0x38;
	[tilespmem:$0x1A900] =	vst v63  }
0x1d: {  	_ =	swait.ge [sflag:s7], $0x1900  }
0x1e: {  	[sflag:s7] =	ssyncset.done $0x0  }
0x1f: {  	[sflag:s7] =	ssyncadd.s32 $0xFFFFE700  }
0x20: {  	[tilespmem:s9], [sflag:$0x1] =	stream.indirect.gather [hbm4b:s2+s8], $0x80, s3, s8, $0xb8;
	[tilespmem:$0x1A900] =	vst v63  }
0x21: {  	s6 =	simm.s32 $0x4D00  }
0x22: {  	[tilespmem:s6], [sflag:$0x1] =	stream.indirect.gather [hbm4b:s2+s10], $0x80, s8, s10, $0xb8;
	[tilespmem:$0x1A900] =	vst v63  }
0x23: {  	s14 =	simm.s32 $0xC8  }
0x24: {  	[tilespmem:s13], [sflag:$0x2] =	stream.indirect.gather [hbm4b:s2+s8], $0x80, s14, s8, $0xb8;
	[tilespmem:$0x1A900] =	vst v63  }
0x25: {  	s15 =	simm.s32 $0x130;
	s12 =	simm.s32 $0xB100  }
0x26: {  	[tilespmem:s12], [sflag:$0x2] =	stream.indirect.gather [hbm4b:s2+s10], $0x80, s15, s10, $0xb8;
	[tilespmem:$0x1A900] =	vst v63  }
0x27: {  	s16 =	simm.s32 $0x190  }
0x28: {  	[tilespmem:s17], [sflag:$0x3] =	stream.indirect.gather [hbm4b:s2+s8], $0x80, s16, s8, $0xb8;
	[tilespmem:$0x1A900] =	vst v63  }
0x29: {  	s18 =	simm.s32 $0x1F8;
	s19 =	simm.s32 $0x11500  }
0x2a: {  	[tilespmem:s19], [sflag:$0x3] =	stream.indirect.gather [hbm4b:s2+s10], $0x80, s18, s10, $0xb8;
	[tilespmem:$0x1A900] =	vst v63  }
0x2b: {  	_ = 	snop  }
0x2c: {  	[tilespmem:s21], [sflag:$0x4] =	stream.indirect.gather [hbm4b:s2+s8], $0x80, s20, s8, $0xb8;
	[tilespmem:$0x1A900] =	vst v63  }
0x2d: {  	s6 =	smov.u32 s11;
	s12 =	simm.s32 $0x0  }
0x2e: {  	[tilespmem:s23], [sflag:$0x4] =	stream.indirect.gather [hbm4b:s2+s10], $0x80, s22, s10, $0xb8;
	[tilespmem:$0x1A900] =	vst v63  }
.LBB2_2:
0x2f: {  	_ =	swait.ge [sflag:s24], $0x3400  }
0x30: {  	[sflag:s24] =	ssyncset.done $0x0  }
0x31: {  	[sflag:s24] =	ssyncadd.s32 $0xFFFFCC00  }
0x32: {  	_ =	swait.ge [sflag:s24], $0x3000  }
0x33: {  	p0 =	seq.s32 s12, $0x5780;
	[sflag:s24] =	ssyncset.done $0x0  }
0x34: {  	s14 =	simm.s32 @!p0 $0x5;
	[sflag:s24] =	ssyncadd.s32 $0xFFFFD000  }
0x35: {  	[hbm4b:s6+s3] =	stream.linear.scatter [tilespmem:s9], [sflag:$0x5], $0x6400, $0x38;
	[tilespmem:$0x1A900] =	vst v63  }
0x36: {  	_ =	swait.ge @!p0 [sflag:s14], $0x6400  }
0x37: {  	[sflag:s14] =	ssyncset.done @!p0 $0x0  }
0x38: {  	[sflag:s14] =	ssyncadd.s32 @!p0 $0xFFFF9C00;
	s14 =	sshra.s32 @!p0 s12, $0x2  }
0x39: {  	s16 =	simm.s32 @!p0 $0x68;
	s18 =	simm.s32 @!p0 $0x1900;
	s15 =	sadd.s32 @!p0 $0x320, s14  }
0x3a: {  	[tilespmem:s18], [sflag:$0x1] =	stream.indirect.gather @!p0 [hbm4b:s2+s16], $0x80, s15, s16, $0xb8;
	[tilespmem:$0x1A900] =	vst v63  }
0x3b: {  	s19 =	simm.s32 @!p0 $0x4D00;
	s15 =	sadd.s32 @!p0 $0x388, s14;
	s18 =	simm.s32 @!p0 $0x60  }
0x3c: {  	[tilespmem:s19], [sflag:$0x1] =	stream.indirect.gather @!p0 [hbm4b:s2+s18], $0x80, s15, s18, $0xb8;
	[tilespmem:$0x1A900] =	vst v63  }
0x3d: {  	_ =	swait.ge [sflag:s25], $0x3400  }
0x3e: {  	[sflag:s25] =	ssyncset.done $0x0  }
0x3f: {  	[sflag:s25] =	ssyncadd.s32 $0xFFFFCC00  }
0x40: {  	_ =	swait.ge [sflag:s25], $0x3000  }
0x41: {  	[sflag:s25] =	ssyncset.done $0x0  }
0x42: {  	s19 =	sadd.s32 $0xC80, s6;
	s15 =	simm.s32 @!p0 $0x6;
	[sflag:s25] =	ssyncadd.s32 $0xFFFFD000  }
0x43: {  	[hbm4b:s19+s3] =	stream.linear.scatter [tilespmem:s13], [sflag:$0x6], $0x6400, $0x38;
	[tilespmem:$0x1A900] =	vst v63  }
0x44: {  	_ =	swait.ge @!p0 [sflag:s15], $0x6400  }
0x45: {  	[sflag:s15] =	ssyncset.done @!p0 $0x0  }
0x46: {  	s19 =	simm.s32 @!p0 $0x7D00;
	[sflag:s15] =	ssyncadd.s32 @!p0 $0xFFFF9C00;
	s15 =	sadd.s32 @!p0 $0x3E8, s14  }
0x47: {  	[tilespmem:s19], [sflag:$0x2] =	stream.indirect.gather @!p0 [hbm4b:s2+s16], $0x80, s15, s16, $0xb8;
	[tilespmem:$0x1A900] =	vst v63  }
0x48: {  	s15 =	sadd.s32 @!p0 $0x450, s14;
	s19 =	simm.s32 @!p0 $0xB100  }
0x49: {  	[tilespmem:s19], [sflag:$0x2] =	stream.indirect.gather @!p0 [hbm4b:s2+s18], $0x80, s15, s18, $0xb8;
	[tilespmem:$0x1A900] =	vst v63  }
0x4a: {  	_ =	swait.ge [sflag:s26], $0x3400  }
0x4b: {  	[sflag:s26] =	ssyncset.done $0x0  }
0x4c: {  	[sflag:s26] =	ssyncadd.s32 $0xFFFFCC00  }
0x4d: {  	_ =	swait.ge [sflag:s26], $0x3000  }
0x4e: {  	[sflag:s26] =	ssyncset.done $0x0  }
0x4f: {  	s19 =	sadd.s32 $0x1900, s6;
	s15 =	simm.s32 @!p0 $0x7;
	[sflag:s26] =	ssyncadd.s32 $0xFFFFD000  }
0x50: {  	[hbm4b:s19+s3] =	stream.linear.scatter [tilespmem:s17], [sflag:$0x7], $0x6400, $0x38;
	[tilespmem:$0x1A900] =	vst v63  }
0x51: {  	_ =	swait.ge @!p0 [sflag:s15], $0x6400  }
0x52: {  	[sflag:s15] =	ssyncset.done @!p0 $0x0  }
0x53: {  	s19 =	simm.s32 @!p0 $0xE100;
	[sflag:s15] =	ssyncadd.s32 @!p0 $0xFFFF9C00;
	s15 =	sadd.s32 @!p0 $0x4B0, s14  }
0x54: {  	[tilespmem:s19], [sflag:$0x3] =	stream.indirect.gather @!p0 [hbm4b:s2+s16], $0x80, s15, s16, $0xb8;
	[tilespmem:$0x1A900] =	vst v63  }
0x55: {  	s14 =	sadd.s32 @!p0 $0x518, s14;
	s15 =	simm.s32 @!p0 $0x11500  }
0x56: {  	[tilespmem:s15], [sflag:$0x3] =	stream.indirect.gather @!p0 [hbm4b:s2+s18], $0x80, s14, s18, $0xb8;
	[tilespmem:$0x1A900] =	vst v63  }
0x57: {  	_ =	swait.ge [sflag:s28], $0x3400  }
0x58: {  	[sflag:s28] =	ssyncset.done $0x0  }
.Ltmp2:
0x59: {  	[sflag:s28] =	ssyncadd.s32 $0xFFFFCC00;
	(pc) =	sbr.rel @p0 .LBB2_4-.Ltmp2, $4  }
0x5a: {  	_ =	swait.ge [sflag:s28], $0x3000  }
0x5b: {  	[sflag:s28] =	ssyncset.done $0x0  }
0x5c: {  	s19 =	sadd.s32 $0x2580, s6;
	[sflag:s28] =	ssyncadd.s32 $0xFFFFD000  }
0x5d: {  	[hbm4b:s19+s3] =	stream.linear.scatter [tilespmem:s21], [sflag:$0x8], $0x6400, $0x38;
	[tilespmem:$0x1A900] =	vst v63  }
0x5e: {  	_ =	swait.ge [sflag:s1], $0x6400  }
.Ltmp3:
0x5f: {  	s14 =	sshra.s32 s12, $0x2;
	[sflag:s1] =	ssyncset.done $0x0;
	(pc) =	sbr.rel .LBB2_2-.Ltmp3, $4  }
0x60: {  	s15 =	sadd.s32 $0x578, s14;
	[sflag:s1] =	ssyncadd.s32 $0xFFFF9C00  }
0x61: {  	[tilespmem:s21], [sflag:$0x4] =	stream.indirect.gather [hbm4b:s2+s8], $0x80, s15, s8, $0xb8;
	[tilespmem:$0x1A900] =	vst v63  }
0x62: {  	s12 =	sadd.s32 $0xC80, s12;
	s6 =	sadd.s32 $0x3200, s6;
	s14 =	sadd.s32 $0x5E0, s14  }
0x63: {  	[tilespmem:s23], [sflag:$0x4] =	stream.indirect.gather [hbm4b:s2+s10], $0x80, s14, s10, $0xb8;
	[tilespmem:$0x1A900] =	vst v63  }
.LBB2_5:
0x64: {  	_ =	sfence.sel $0x180000  }
0x65: {  	[bflag:$0x0] =	sbarrier.arrive $0xFFFF  }
0x66: {  	_ =	strace $0x90000050  }
0x67: {  	s0 =	stileid.u32;
	[bflag:$0x2] =	sbarrier.arrive $0xFFFF  }
0x68: {  	p0 =	sne.s32 s0, $0x0;
	s0 =	rddreg [dreg:$0x3]  }
0x69: {  	s0 =	sadd.s32 @!p0 $0x100000, s0  }
0x6a: {  	[sflag:s0] =	ssyncadd.tile.s32 @!p0 $0x1;
	_ =	shalt  }
.Lfunc_end2:
_tile_overlayer_lowered:
.L_overlay_start_2:
0x6b: {  	(tag) =	ssettag $0x2  }
0x6c: {  	s0 =	rddreg [dreg:$0x0];
	s2 =	stileid.u32  }
0x6d: {  	s1 =	rddreg [dreg:$0x1];
	p0 =	sne.s32 s2, $0x0  }
0x6e: {  	s3 =	rddreg [dreg:$0x2];
	[bflag:$0x3] =	sbarrier.arrive $0xFFFF;
	s2 =	simm.s32 @!p0 $0x1C09  }
0x6f: {  	[timem:s3], [sflag:s2] =	dma.local @!p0 [hbm:s0], s1  }
0x70: {  	s0 =	simm.s32 @!p0 $0x9  }
0x71: {  	_ =	swait.ge @!p0 [sflag:s0], s1  }
0x72: {  	s1 =	ssub.s32 @!p0 $0x0, s1;
	[sflag:s0] =	ssyncset.done @!p0 $0x0  }
0x73: {  	[sflag:s0] =	ssyncadd.s32 @!p0 s1  }
0x74: {  	[bflag:$0x3] =	sbarrier.arrive $0xFFFF  }
0x75: {  	_ =	shalt  }

</sc_bundles>
